<compile_context>
chip_gen: v7x
topology: tpu7x:2x2x1
jax: 0.10.2.dev20260603
libtpu: 0.0.44.dev20260713+nightly
codegen_flags: <defaults>
</compile_context>

<pallas_src>
import functools

import jax
import jax.numpy as jnp
from jax import lax
from jax.experimental import pallas as pl
from jax.experimental.pallas import tpu as pltpu
from jax.experimental.pallas import tpu_sc as plsc

_NC = 2
_NS = 16
_NW = _NC * _NS
_L = 16
_E = 1024
_C = 8
_NBUF = 4


@functools.partial(jax.jit, static_argnums=(3,))
def _run(seqs2d, idx2d, weight, total_rows):
    rows_per_worker = total_rows // _NW
    nch = rows_per_worker // _C
    mesh = plsc.VectorSubcoreMesh(
        core_axis_name="c", subcore_axis_name="s", num_cores=_NC, num_subcores=_NS
    )

    @functools.partial(
        pl.kernel,
        out_type=jax.ShapeDtypeStruct((total_rows, _E), jnp.float32),
        mesh=mesh,
        scratch_types=[
            pltpu.VMEM((rows_per_worker,), jnp.int32),
            pltpu.VMEM((_NBUF, _C, _E), jnp.float32),
            pltpu.VMEM((_NBUF, _C, _E), jnp.float32),
            [pltpu.SemaphoreType.DMA] * _NBUF,
            [pltpu.SemaphoreType.DMA] * _NBUF,
        ],
    )
    def k(seqs_hbm, idx_hbm, w_hbm, out_hbm, idx_v, sbuf, wbuf, sis, sos):
        wid = lax.axis_index("s") * _NC + lax.axis_index("c")
        base = wid * rows_per_worker

        pltpu.sync_copy(idx_hbm.at[wid], idx_v)

        def bump(i, carry):
            sl = pl.ds(pl.multiple_of(i * _L, _L), _L)
            idx_v[sl] = idx_v[sl] + 1
            return carry

        lax.fori_loop(0, rows_per_worker // _L, bump, 0)

        def issue_in(j, slot):
            row0 = base + j * _C
            off = pl.multiple_of(j * _C, _C)
            pltpu.async_copy(
                w_hbm.at[idx_v.at[pl.ds(off, _C)]], wbuf.at[slot], sis[slot]
            )
            pltpu.async_copy(
                seqs_hbm.at[pl.ds(row0, _C)], sbuf.at[slot], sis[slot]
            )

        def wait_in(j, slot):
            row0 = base + j * _C
            pltpu.make_async_copy(
                seqs_hbm.at[pl.ds(row0, _C)], sbuf.at[slot], sis[slot]
            ).wait()
            pltpu.make_async_copy(
                w_hbm.at[idx_v.at[pl.ds(0, _C)]], wbuf.at[slot], sis[slot]
            ).wait()

        def issue_out(j, slot):
            row0 = base + j * _C
            pltpu.async_copy(
                sbuf.at[slot], out_hbm.at[pl.ds(row0, _C)], sos[slot]
            )

        def wait_out(j, slot):
            row0 = base + j * _C
            pltpu.make_async_copy(
                sbuf.at[slot], out_hbm.at[pl.ds(row0, _C)], sos[slot]
            ).wait()

        issue_in(0, 0)
        issue_in(1, 1)

        def super_step(jo, carry):
            for b in range(_NBUF):
                j = jo * _NBUF + b
                bn = (b + 2) % _NBUF

                @pl.when(j + 2 < nch)
                def _():
                    @pl.when(j + 2 >= _NBUF)
                    def _():
                        wait_out(j - 2, bn)

                    issue_in(j + 2, bn)

                wait_in(j, b)

                def add_row(r, c2):
                    for t in range(_E // _L):
                        sl = pl.ds(t * _L, _L)
                        plsc.addupdate(sbuf.at[b, r, sl], wbuf[b, r, sl])
                    return c2

                lax.fori_loop(0, _C, add_row, 0)
                issue_out(j, b)
            return carry

        lax.fori_loop(0, nch // _NBUF, super_step, 0)

        wait_out(nch - 2, (nch - 2) % _NBUF)
        wait_out(nch - 1, (nch - 1) % _NBUF)

    return k(seqs2d, idx2d, weight)


def kernel(seqs, position_indices, weight):
    b, s, e = seqs.shape
    total_rows = b * s
    seqs2d = seqs.reshape(total_rows, e)
    idx2d = position_indices.reshape(_NW, total_rows // _NW).astype(jnp.int32)
    out = _run(seqs2d, idx2d, weight, total_rows)
    return out.reshape(b, s, e)

# --- scband reference (transcript-rebuilt; emitter-appended) ---
"""Pipeline reference for scband-learned-position-encoder-2628519985899 (READ-ONLY COPY).

The authoritative reference and input builder live on the scoring server;
editing this copy changes nothing except your own understanding.
"""

import jax, jax.numpy as jnp
import numpy as np

ENCODING_DIM = 1024
MAX_SEQ_LEN = 8192
BATCH = 4
SEQ_LEN = 8192


def setup_inputs(seed: int = 0) -> dict:
    key = jax.random.key(seed)
    k1, k2, k3 = jax.random.split(key, 3)
    seqs = jax.random.normal(k1, (BATCH, SEQ_LEN, ENCODING_DIM), dtype=jnp.float32)
    position_indices = jax.random.randint(k2, (BATCH, SEQ_LEN), 0, MAX_SEQ_LEN, dtype=jnp.int64 if jax.config.jax_enable_x64 else jnp.int32)
    # Learned positional embedding table: (max_seq_len + 1, encoding_dim),
    # row 0 is the padding row and is zero-filled at init (reset_parameters).
    weight = jax.random.normal(k3, (MAX_SEQ_LEN + 1, ENCODING_DIM), dtype=jnp.float32)
    weight = weight.at[0].set(0.0)
    return {"seqs": seqs, "position_indices": position_indices, "weight": weight}


def reference(seqs, position_indices, weight):
    # Faithful translation of LearnedPositionEncoder.forward (training mode,
    # state_bag=None): indices = position_indices + 1; embeds = embedding lookup;
    # return seqs + embeds. padding_idx=0 only affects gradients, not forward.
    indices = position_indices + 1
    embeds = jnp.take(weight, indices, axis=0)  # (B, S, E)
    return seqs + embeds

if __name__ == "__main__":
    import jax
    _d = setup_inputs()
    print(jax.jit(kernel)(*tuple(_d.values())))

</pallas_src>

<mosaic_0001>
#map = affine_map<(d0, d1) -> (0, 0)>
module attributes {stable_mosaic.version = 14 : i64} {
  func.func @k(%arg0: i32, %arg1: i32, %arg2: memref<32768x1024xf32, #tpu.memory_space<hbm>>, %arg3: memref<32x1024xi32, #tpu.memory_space<hbm>>, %arg4: memref<8193x1024xf32, #tpu.memory_space<hbm>>, %arg5: memref<32768x1024xf32, #tpu.memory_space<hbm>>, %arg6: memref<1024xi32, #tpu.memory_space<vmem>>, %arg7: memref<4x8x1024xf32, #tpu.memory_space<vmem>>, %arg8: memref<4x8x1024xf32, #tpu.memory_space<vmem>>, %arg9: memref<!tpu.dma_semaphore, #tpu.memory_space<semaphore_mem>>, %arg10: memref<!tpu.dma_semaphore, #tpu.memory_space<semaphore_mem>>, %arg11: memref<!tpu.dma_semaphore, #tpu.memory_space<semaphore_mem>>, %arg12: memref<!tpu.dma_semaphore, #tpu.memory_space<semaphore_mem>>, %arg13: memref<!tpu.dma_semaphore, #tpu.memory_space<semaphore_mem>>, %arg14: memref<!tpu.dma_semaphore, #tpu.memory_space<semaphore_mem>>, %arg15: memref<!tpu.dma_semaphore, #tpu.memory_space<semaphore_mem>>, %arg16: memref<!tpu.dma_semaphore, #tpu.memory_space<semaphore_mem>>) attributes {dimension_semantics = [#tpu.dimension_semantics<core_parallel>, #tpu.dimension_semantics<subcore_parallel>], iteration_bounds = array<i64: 2, 16>, scalar_prefetch = 0 : i64, scratch_operands = 11 : i64, tpu.core_type = #tpu.core_type<sc_vector_subcore>, window_params = [{transform_indices = #map}, {transform_indices = #map}, {transform_indices = #map}, {transform_indices = #map}]} {
    %mul3A = arith.constant 2 : i32
    %mul3A_0 = arith.muli %arg1, %mul3A : i32
    %add3A = arith.addi %mul3A_0, %arg0 : i32
    %mul3A_1 = arith.constant 1024 : i32
    %mul3A_2 = arith.muli %add3A, %mul3A_1 : i32
    "tpu.region"() ({
      %run_scoped3A = tpu.sem_alloc : memref<!tpu.dma_semaphore, #tpu.memory_space<semaphore_mem>>
      %dma_start3A_93 = arith.constant 0 : i32
      %dma_start3A_94 = tpu.memref_slice %arg3[%add3A, %dma_start3A_93] : memref<32x1024xi32, #tpu.memory_space<hbm>> -> memref<1x1024xi32, #tpu.memory_space<hbm>>
      %dma_start3A_95 = tpu.memref_squeeze %dma_start3A_94 : memref<1x1024xi32, #tpu.memory_space<hbm>> -> memref<1024xi32, #tpu.memory_space<hbm>>
      %dma_start3A_96 = arith.constant 0 : i32
      %dma_start3A_97 = tpu.memref_slice %arg3[%add3A, %dma_start3A_96] : memref<32x1024xi32, #tpu.memory_space<hbm>> -> memref<1x1024xi32, #tpu.memory_space<hbm>>
      %dma_start3A_98 = tpu.memref_squeeze %dma_start3A_97 : memref<1x1024xi32, #tpu.memory_space<hbm>> -> memref<1024xi32, #tpu.memory_space<hbm>>
      tpu.enqueue_dma source(%dma_start3A_98 : memref<1024xi32, #tpu.memory_space<hbm>>) target(%arg6 : memref<1024xi32, #tpu.memory_space<vmem>>) target_semaphore(%run_scoped3A : memref<!tpu.dma_semaphore, #tpu.memory_space<semaphore_mem>>)
      %dma_wait3A_99 = arith.constant 0 : i32
      %dma_wait3A_100 = tpu.memref_slice %arg3[%add3A, %dma_wait3A_99] : memref<32x1024xi32, #tpu.memory_space<hbm>> -> memref<1x1024xi32, #tpu.memory_space<hbm>>
      %dma_wait3A_101 = tpu.memref_squeeze %dma_wait3A_100 : memref<1x1024xi32, #tpu.memory_space<hbm>> -> memref<1024xi32, #tpu.memory_space<hbm>>
      %dma_wait3A_102 = arith.constant 0 : i32
      %dma_wait3A_103 = tpu.memref_slice %arg3[%add3A, %dma_wait3A_102] : memref<32x1024xi32, #tpu.memory_space<hbm>> -> memref<1x1024xi32, #tpu.memory_space<hbm>>
      %dma_wait3A_104 = tpu.memref_squeeze %dma_wait3A_103 : memref<1x1024xi32, #tpu.memory_space<hbm>> -> memref<1024xi32, #tpu.memory_space<hbm>>
      tpu.wait_dma2 semaphore(%run_scoped3A : memref<!tpu.dma_semaphore, #tpu.memory_space<semaphore_mem>>) src(%dma_wait3A_104 : memref<1024xi32, #tpu.memory_space<hbm>>) dst(%arg6 : memref<1024xi32, #tpu.memory_space<vmem>>)
      tpu.yield
    }) : () -> ()
    %scan3A = arith.constant 0 : i32
    %scan3A_3 = arith.constant 0 : i32
    %scan3A_4 = arith.constant 64 : i32
    %scan3A_5 = arith.addi %scan3A_3, %scan3A_4 : i32
    %scan3A_6 = arith.constant 1 : i32
    scf.for %scan3A_93 = %scan3A_3 to %scan3A_5 step %scan3A_6  : i32 {
      %mul3A_94 = arith.constant 16 : i32
      %mul3A_95 = arith.muli %scan3A_93, %mul3A_94 : i32
      %multiple_of3A_96 = tpu.assume_multiple %mul3A_95, 16 : i32
      %get3A = arith.index_cast %multiple_of3A_96 : i32 to index
      %get3A_97 = tpu.vector_load %arg6[%get3A] {strides = array<i32>} : memref<1024xi32, #tpu.memory_space<vmem>>, vector<16xi32>,
      %get3A_98 = vector.shape_cast %get3A_97 : vector<16xi32> to vector<16xi32>
      %add3A_99 = arith.constant 1 : i32
      %add3A_100 = vector.broadcast %add3A_99 : i32 to vector<16xi32>
      %add3A_101 = arith.addi %get3A_98, %add3A_100 : vector<16xi32>
      %swap3A = arith.index_cast %multiple_of3A_96 : i32 to index
      %swap3A_102 = tpu.vector_load %arg6[%swap3A] {strides = array<i32>} : memref<1024xi32, #tpu.memory_space<vmem>>, vector<16xi32>,
      %swap3A_103 = vector.shape_cast %swap3A_102 : vector<16xi32> to vector<16xi32>
      %swap3A_104 = vector.shape_cast %add3A_101 : vector<16xi32> to vector<16xi32>
      tpu.vector_store %arg6[%swap3A], %swap3A_104 {strides = array<i32>} : memref<1024xi32, #tpu.memory_space<vmem>>, vector<16xi32>,
    }
    %scan3A_7 = arith.constant 64 : i32
    %add3A_8 = arith.constant 0 : i32
    %add3A_9 = arith.addi %mul3A_2, %add3A_8 : i32
    %multiple_of3A = arith.constant 0 : i32
    %multiple_of3A_10 = tpu.assume_multiple %multiple_of3A, 8 : i32
    %dma_start3A = arith.constant 0 : i32
    %dma_start3A_11 = arith.constant 0 : i32
    %dma_start3A_12 = arith.constant 0 : i32
    %dma_start3A_13 = tpu.memref_slice %arg8[%dma_start3A, %dma_start3A_11, %dma_start3A_12] : memref<4x8x1024xf32, #tpu.memory_space<vmem>> -> memref<1x8x1024xf32, #tpu.memory_space<vmem>>
    %dma_start3A_14 = tpu.memref_squeeze %dma_start3A_13 : memref<1x8x1024xf32, #tpu.memory_space<vmem>> -> memref<8x1024xf32, #tpu.memory_space<vmem>>
    %dma_start3A_15 = tpu.memref_slice %arg6[%multiple_of3A_10] : memref<1024xi32, #tpu.memory_space<vmem>> -> memref<8xi32, #tpu.memory_space<vmem>>
    %dma_start3A_16 = arith.constant 0 : i32
    %dma_start3A_17 = arith.constant 0 : i32
    %dma_start3A_18 = tpu.memref_slice %arg4[%dma_start3A_16, %dma_start3A_17] : memref<8193x1024xf32, #tpu.memory_space<hbm>> -> memref<8193x1024xf32, #tpu.memory_space<hbm>>
    tpu.enqueue_indirect_dma source(%dma_start3A_18 : memref<8193x1024xf32, #tpu.memory_space<hbm>>) target(%dma_start3A_14 : memref<8x1024xf32, #tpu.memory_space<vmem>>) offsets(%dma_start3A_15 : memref<8xi32, #tpu.memory_space<vmem>>) semaphore(%arg9 : memref<!tpu.dma_semaphore, #tpu.memory_space<semaphore_mem>>)
    %dma_start3A_19 = arith.constant 0 : i32
    %dma_start3A_20 = arith.constant 0 : i32
    %dma_start3A_21 = arith.constant 0 : i32
    %dma_start3A_22 = tpu.memref_slice %arg7[%dma_start3A_19, %dma_start3A_20, %dma_start3A_21] : memref<4x8x1024xf32, #tpu.memory_space<vmem>> -> memref<1x8x1024xf32, #tpu.memory_space<vmem>>
    %dma_start3A_23 = tpu.memref_squeeze %dma_start3A_22 : memref<1x8x1024xf32, #tpu.memory_space<vmem>> -> memref<8x1024xf32, #tpu.memory_space<vmem>>
    %dma_start3A_24 = arith.constant 0 : i32
    %dma_start3A_25 = tpu.memref_slice %arg2[%add3A_9, %dma_start3A_24] : memref<32768x1024xf32, #tpu.memory_space<hbm>> -> memref<8x1024xf32, #tpu.memory_space<hbm>>
    %dma_start3A_26 = arith.constant 0 : i32
    %dma_start3A_27 = arith.constant 0 : i32
    %dma_start3A_28 = tpu.memref_slice %arg7[%dma_start3A_19, %dma_start3A_26, %dma_start3A_27] : memref<4x8x1024xf32, #tpu.memory_space<vmem>> -> memref<1x8x1024xf32, #tpu.memory_space<vmem>>
    %dma_start3A_29 = tpu.memref_squeeze %dma_start3A_28 : memref<1x8x1024xf32, #tpu.memory_space<vmem>> -> memref<8x1024xf32, #tpu.memory_space<vmem>>
    %dma_start3A_30 = arith.constant 0 : i32
    %dma_start3A_31 = tpu.memref_slice %arg2[%add3A_9, %dma_start3A_30] : memref<32768x1024xf32, #tpu.memory_space<hbm>> -> memref<8x1024xf32, #tpu.memory_space<hbm>>
    tpu.enqueue_dma source(%dma_start3A_31 : memref<8x1024xf32, #tpu.memory_space<hbm>>) target(%dma_start3A_29 : memref<8x1024xf32, #tpu.memory_space<vmem>>) target_semaphore(%arg9 : memref<!tpu.dma_semaphore, #tpu.memory_space<semaphore_mem>>)
    %add3A_32 = arith.constant 8 : i32
    %add3A_33 = arith.addi %mul3A_2, %add3A_32 : i32
    %multiple_of3A_34 = arith.constant 8 : i32
    %multiple_of3A_35 = tpu.assume_multiple %multiple_of3A_34, 8 : i32
    %dma_start3A_36 = arith.constant 1 : i32
    %dma_start3A_37 = arith.constant 0 : i32
    %dma_start3A_38 = arith.constant 0 : i32
    %dma_start3A_39 = tpu.memref_slice %arg8[%dma_start3A_36, %dma_start3A_37, %dma_start3A_38] : memref<4x8x1024xf32, #tpu.memory_space<vmem>> -> memref<1x8x1024xf32, #tpu.memory_space<vmem>>
    %dma_start3A_40 = tpu.memref_squeeze %dma_start3A_39 : memref<1x8x1024xf32, #tpu.memory_space<vmem>> -> memref<8x1024xf32, #tpu.memory_space<vmem>>
    %dma_start3A_41 = tpu.memref_slice %arg6[%multiple_of3A_35] : memref<1024xi32, #tpu.memory_space<vmem>> -> memref<8xi32, #tpu.memory_space<vmem>>
    %dma_start3A_42 = arith.constant 0 : i32
    %dma_start3A_43 = arith.constant 0 : i32
    %dma_start3A_44 = tpu.memref_slice %arg4[%dma_start3A_42, %dma_start3A_43] : memref<8193x1024xf32, #tpu.memory_space<hbm>> -> memref<8193x1024xf32, #tpu.memory_space<hbm>>
    tpu.enqueue_indirect_dma source(%dma_start3A_44 : memref<8193x1024xf32, #tpu.memory_space<hbm>>) target(%dma_start3A_40 : memref<8x1024xf32, #tpu.memory_space<vmem>>) offsets(%dma_start3A_41 : memref<8xi32, #tpu.memory_space<vmem>>) semaphore(%arg10 : memref<!tpu.dma_semaphore, #tpu.memory_space<semaphore_mem>>)
    %dma_start3A_45 = arith.constant 1 : i32
    %dma_start3A_46 = arith.constant 0 : i32
    %dma_start3A_47 = arith.constant 0 : i32
    %dma_start3A_48 = tpu.memref_slice %arg7[%dma_start3A_45, %dma_start3A_46, %dma_start3A_47] : memref<4x8x1024xf32, #tpu.memory_space<vmem>> -> memref<1x8x1024xf32, #tpu.memory_space<vmem>>
    %dma_start3A_49 = tpu.memref_squeeze %dma_start3A_48 : memref<1x8x1024xf32, #tpu.memory_space<vmem>> -> memref<8x1024xf32, #tpu.memory_space<vmem>>
    %dma_start3A_50 = arith.constant 0 : i32
    %dma_start3A_51 = tpu.memref_slice %arg2[%add3A_33, %dma_start3A_50] : memref<32768x1024xf32, #tpu.memory_space<hbm>> -> memref<8x1024xf32, #tpu.memory_space<hbm>>
    %dma_start3A_52 = arith.constant 0 : i32
    %dma_start3A_53 = arith.constant 0 : i32
    %dma_start3A_54 = tpu.memref_slice %arg7[%dma_start3A_45, %dma_start3A_52, %dma_start3A_53] : memref<4x8x1024xf32, #tpu.memory_space<vmem>> -> memref<1x8x1024xf32, #tpu.memory_space<vmem>>
    %dma_start3A_55 = tpu.memref_squeeze %dma_start3A_54 : memref<1x8x1024xf32, #tpu.memory_space<vmem>> -> memref<8x1024xf32, #tpu.memory_space<vmem>>
    %dma_start3A_56 = arith.constant 0 : i32
    %dma_start3A_57 = tpu.memref_slice %arg2[%add3A_33, %dma_start3A_56] : memref<32768x1024xf32, #tpu.memory_space<hbm>> -> memref<8x1024xf32, #tpu.memory_space<hbm>>
    tpu.enqueue_dma source(%dma_start3A_57 : memref<8x1024xf32, #tpu.memory_space<hbm>>) target(%dma_start3A_55 : memref<8x1024xf32, #tpu.memory_space<vmem>>) target_semaphore(%arg10 : memref<!tpu.dma_semaphore, #tpu.memory_space<semaphore_mem>>)
    %scan3A_58 = arith.constant 0 : i32
    %scan3A_59 = arith.constant 0 : i32
    %scan3A_60 = arith.constant 32 : i32
    %scan3A_61 = arith.addi %scan3A_59, %scan3A_60 : i32
    %scan3A_62 = arith.constant 1 : i32
    scf.for %scan3A_93 = %scan3A_59 to %scan3A_61 step %scan3A_62  : i32 {
      %mul3A_94 = arith.constant 4 : i32
      %mul3A_95 = arith.muli %scan3A_93, %mul3A_94 : i32
      %add3A_96 = arith.constant 0 : i32
      %add3A_97 = arith.addi %mul3A_95, %add3A_96 : i32
      %add3A_98 = arith.constant 2 : i32
      %add3A_99 = arith.addi %add3A_97, %add3A_98 : i32
      %lt3A = arith.constant 128 : i32
      %lt3A_100 = arith.cmpi slt, %add3A_99, %lt3A : i32
      %convert_element_type3A = arith.extui %lt3A_100 : i1 to i32
      %cond3A = arith.constant 0 : i32
      %cond3A_101 = arith.cmpi ne, %convert_element_type3A, %cond3A : i32
      scf.if %cond3A_101 {
        %add3A_327 = arith.constant 2 : i32
        %add3A_328 = arith.addi %add3A_97, %add3A_327 : i32
        %ge3A = arith.constant 4 : i32
        %ge3A_329 = arith.cmpi sge, %add3A_328, %ge3A : i32
        %convert_element_type3A_330 = arith.extui %ge3A_329 : i1 to i32
        %cond3A_331 = arith.constant 0 : i32
        %cond3A_332 = arith.cmpi ne, %convert_element_type3A_330, %cond3A_331 : i32
        scf.if %cond3A_332 {
          %sub3A = arith.constant 2 : i32
          %sub3A_363 = arith.subi %add3A_97, %sub3A : i32
          %mul3A_364 = arith.constant 8 : i32
          %mul3A_365 = arith.muli %sub3A_363, %mul3A_364 : i32
          %add3A_366 = arith.addi %mul3A_2, %mul3A_365 : i32
          %dma_wait3A_367 = arith.constant 2 : i32
          %dma_wait3A_368 = arith.constant 0 : i32
          %dma_wait3A_369 = arith.constant 0 : i32
          %dma_wait3A_370 = tpu.memref_slice %arg7[%dma_wait3A_367, %dma_wait3A_368, %dma_wait3A_369] : memref<4x8x1024xf32, #tpu.memory_space<vmem>> -> memref<1x8x1024xf32, #tpu.memory_space<vmem>>
          %dma_wait3A_371 = tpu.memref_squeeze %dma_wait3A_370 : memref<1x8x1024xf32, #tpu.memory_space<vmem>> -> memref<8x1024xf32, #tpu.memory_space<vmem>>
          %dma_wait3A_372 = arith.constant 0 : i32
          %dma_wait3A_373 = tpu.memref_slice %arg5[%add3A_366, %dma_wait3A_372] : memref<32768x1024xf32, #tpu.memory_space<hbm>> -> memref<8x1024xf32, #tpu.memory_space<hbm>>
          %dma_wait3A_374 = arith.constant 0 : i32
          %dma_wait3A_375 = tpu.memref_slice %arg5[%add3A_366, %dma_wait3A_374] : memref<32768x1024xf32, #tpu.memory_space<hbm>> -> memref<8x1024xf32, #tpu.memory_space<hbm>>
          %dma_wait3A_376 = arith.constant 0 : i32
          %dma_wait3A_377 = arith.constant 0 : i32
          %dma_wait3A_378 = tpu.memref_slice %arg7[%dma_wait3A_367, %dma_wait3A_376, %dma_wait3A_377] : memref<4x8x1024xf32, #tpu.memory_space<vmem>> -> memref<1x8x1024xf32, #tpu.memory_space<vmem>>
          %dma_wait3A_379 = tpu.memref_squeeze %dma_wait3A_378 : memref<1x8x1024xf32, #tpu.memory_space<vmem>> -> memref<8x1024xf32, #tpu.memory_space<vmem>>
          tpu.wait_dma2 semaphore(%arg15 : memref<!tpu.dma_semaphore, #tpu.memory_space<semaphore_mem>>) src(%dma_wait3A_379 : memref<8x1024xf32, #tpu.memory_space<vmem>>) dst(%dma_wait3A_375 : memref<8x1024xf32, #tpu.memory_space<hbm>>)
        } else {
        }
        %add3A_333 = arith.constant 2 : i32
        %add3A_334 = arith.addi %add3A_97, %add3A_333 : i32
        %mul3A_335 = arith.constant 8 : i32
        %mul3A_336 = arith.muli %add3A_334, %mul3A_335 : i32
        %add3A_337 = arith.addi %mul3A_2, %mul3A_336 : i32
        %mul3A_338 = arith.constant 8 : i32
        %mul3A_339 = arith.muli %add3A_334, %mul3A_338 : i32
        %multiple_of3A_340 = tpu.assume_multiple %mul3A_339, 8 : i32
        %dma_start3A_341 = arith.constant 2 : i32
        %dma_start3A_342 = arith.constant 0 : i32
        %dma_start3A_343 = arith.constant 0 : i32
        %dma_start3A_344 = tpu.memref_slice %arg8[%dma_start3A_341, %dma_start3A_342, %dma_start3A_343] : memref<4x8x1024xf32, #tpu.memory_space<vmem>> -> memref<1x8x1024xf32, #tpu.memory_space<vmem>>
        %dma_start3A_345 = tpu.memref_squeeze %dma_start3A_344 : memref<1x8x1024xf32, #tpu.memory_space<vmem>> -> memref<8x1024xf32, #tpu.memory_space<vmem>>
        %dma_start3A_346 = tpu.memref_slice %arg6[%multiple_of3A_340] : memref<1024xi32, #tpu.memory_space<vmem>> -> memref<8xi32, #tpu.memory_space<vmem>>
        %dma_start3A_347 = arith.constant 0 : i32
        %dma_start3A_348 = arith.constant 0 : i32
        %dma_start3A_349 = tpu.memref_slice %arg4[%dma_start3A_347, %dma_start3A_348] : memref<8193x1024xf32, #tpu.memory_space<hbm>> -> memref<8193x1024xf32, #tpu.memory_space<hbm>>
        tpu.enqueue_indirect_dma source(%dma_start3A_349 : memref<8193x1024xf32, #tpu.memory_space<hbm>>) target(%dma_start3A_345 : memref<8x1024xf32, #tpu.memory_space<vmem>>) offsets(%dma_start3A_346 : memref<8xi32, #tpu.memory_space<vmem>>) semaphore(%arg11 : memref<!tpu.dma_semaphore, #tpu.memory_space<semaphore_mem>>)
        %dma_start3A_350 = arith.constant 2 : i32
        %dma_start3A_351 = arith.constant 0 : i32
        %dma_start3A_352 = arith.constant 0 : i32
        %dma_start3A_353 = tpu.memref_slice %arg7[%dma_start3A_350, %dma_start3A_351, %dma_start3A_352] : memref<4x8x1024xf32, #tpu.memory_space<vmem>> -> memref<1x8x1024xf32, #tpu.memory_space<vmem>>
        %dma_start3A_354 = tpu.memref_squeeze %dma_start3A_353 : memref<1x8x1024xf32, #tpu.memory_space<vmem>> -> memref<8x1024xf32, #tpu.memory_space<vmem>>
        %dma_start3A_355 = arith.constant 0 : i32
        %dma_start3A_356 = tpu.memref_slice %arg2[%add3A_337, %dma_start3A_355] : memref<32768x1024xf32, #tpu.memory_space<hbm>> -> memref<8x1024xf32, #tpu.memory_space<hbm>>
        %dma_start3A_357 = arith.constant 0 : i32
        %dma_start3A_358 = arith.constant 0 : i32
        %dma_start3A_359 = tpu.memref_slice %arg7[%dma_start3A_350, %dma_start3A_357, %dma_start3A_358] : memref<4x8x1024xf32, #tpu.memory_space<vmem>> -> memref<1x8x1024xf32, #tpu.memory_space<vmem>>
        %dma_start3A_360 = tpu.memref_squeeze %dma_start3A_359 : memref<1x8x1024xf32, #tpu.memory_space<vmem>> -> memref<8x1024xf32, #tpu.memory_space<vmem>>
        %dma_start3A_361 = arith.constant 0 : i32
        %dma_start3A_362 = tpu.memref_slice %arg2[%add3A_337, %dma_start3A_361] : memref<32768x1024xf32, #tpu.memory_space<hbm>> -> memref<8x1024xf32, #tpu.memory_space<hbm>>
        tpu.enqueue_dma source(%dma_start3A_362 : memref<8x1024xf32, #tpu.memory_space<hbm>>) target(%dma_start3A_360 : memref<8x1024xf32, #tpu.memory_space<vmem>>) target_semaphore(%arg11 : memref<!tpu.dma_semaphore, #tpu.memory_space<semaphore_mem>>)
      } else {
      }
      %mul3A_102 = arith.constant 8 : i32
      %mul3A_103 = arith.muli %add3A_97, %mul3A_102 : i32
      %add3A_104 = arith.addi %mul3A_2, %mul3A_103 : i32
      %dma_wait3A_105 = arith.constant 0 : i32
      %dma_wait3A_106 = arith.constant 0 : i32
      %dma_wait3A_107 = arith.constant 0 : i32
      %dma_wait3A_108 = tpu.memref_slice %arg7[%dma_wait3A_105, %dma_wait3A_106, %dma_wait3A_107] : memref<4x8x1024xf32, #tpu.memory_space<vmem>> -> memref<1x8x1024xf32, #tpu.memory_space<vmem>>
      %dma_wait3A_109 = tpu.memref_squeeze %dma_wait3A_108 : memref<1x8x1024xf32, #tpu.memory_space<vmem>> -> memref<8x1024xf32, #tpu.memory_space<vmem>>
      %dma_wait3A_110 = arith.constant 0 : i32
      %dma_wait3A_111 = tpu.memref_slice %arg2[%add3A_104, %dma_wait3A_110] : memref<32768x1024xf32, #tpu.memory_space<hbm>> -> memref<8x1024xf32, #tpu.memory_space<hbm>>
      %dma_wait3A_112 = arith.constant 0 : i32
      %dma_wait3A_113 = arith.constant 0 : i32
      %dma_wait3A_114 = tpu.memref_slice %arg7[%dma_wait3A_105, %dma_wait3A_112, %dma_wait3A_113] : memref<4x8x1024xf32, #tpu.memory_space<vmem>> -> memref<1x8x1024xf32, #tpu.memory_space<vmem>>
      %dma_wait3A_115 = tpu.memref_squeeze %dma_wait3A_114 : memref<1x8x1024xf32, #tpu.memory_space<vmem>> -> memref<8x1024xf32, #tpu.memory_space<vmem>>
      %dma_wait3A_116 = arith.constant 0 : i32
      %dma_wait3A_117 = tpu.memref_slice %arg2[%add3A_104, %dma_wait3A_116] : memref<32768x1024xf32, #tpu.memory_space<hbm>> -> memref<8x1024xf32, #tpu.memory_space<hbm>>
      tpu.wait_dma2 semaphore(%arg9 : memref<!tpu.dma_semaphore, #tpu.memory_space<semaphore_mem>>) src(%dma_wait3A_117 : memref<8x1024xf32, #tpu.memory_space<hbm>>) dst(%dma_wait3A_115 : memref<8x1024xf32, #tpu.memory_space<vmem>>)
      %dma_wait3A_118 = arith.constant 0 : i32
      %dma_wait3A_119 = arith.constant 0 : i32
      %dma_wait3A_120 = arith.constant 0 : i32
      %dma_wait3A_121 = tpu.memref_slice %arg8[%dma_wait3A_118, %dma_wait3A_119, %dma_wait3A_120] : memref<4x8x1024xf32, #tpu.memory_space<vmem>> -> memref<1x8x1024xf32, #tpu.memory_space<vmem>>
      %dma_wait3A_122 = tpu.memref_squeeze %dma_wait3A_121 : memref<1x8x1024xf32, #tpu.memory_space<vmem>> -> memref<8x1024xf32, #tpu.memory_space<vmem>>
      %dma_wait3A_123 = arith.constant 0 : i32
      %dma_wait3A_124 = tpu.memref_slice %arg6[%dma_wait3A_123] : memref<1024xi32, #tpu.memory_space<vmem>> -> memref<8xi32, #tpu.memory_space<vmem>>
      %dma_wait3A_125 = arith.constant 0 : i32
      %dma_wait3A_126 = arith.constant 0 : i32
      %dma_wait3A_127 = tpu.memref_slice %arg4[%dma_wait3A_125, %dma_wait3A_126] : memref<8193x1024xf32, #tpu.memory_space<hbm>> -> memref<8193x1024xf32, #tpu.memory_space<hbm>>
      tpu.wait_indirect_dma semaphore(%arg9 : memref<!tpu.dma_semaphore, #tpu.memory_space<semaphore_mem>>) src(%dma_wait3A_127 : memref<8193x1024xf32, #tpu.memory_space<hbm>>) dst(%dma_wait3A_122 : memref<8x1024xf32, #tpu.memory_space<vmem>>)
      %scan3A_128 = arith.constant 0 : i32
      %scan3A_129 = arith.constant 0 : i32
      %scan3A_130 = arith.constant 8 : i32
      %scan3A_131 = arith.addi %scan3A_129, %scan3A_130 : i32
      %scan3A_132 = arith.constant 1 : i32
      scf.for %scan3A_327 = %scan3A_129 to %scan3A_131 step %scan3A_132  : i32 {
        %get3A = arith.constant 0 : i32
        %get3A_328 = arith.index_cast %get3A : i32 to index
        %get3A_329 = arith.index_cast %scan3A_327 : i32 to index
        %get3A_330 = arith.constant 0 : index
        %get3A_331 = tpu.vector_load %arg8[%get3A_328, %get3A_329, %get3A_330] {strides = array<i32>} : memref<4x8x1024xf32, #tpu.memory_space<vmem>>, vector<1x1x16xf32>,
        %get3A_332 = vector.shape_cast %get3A_331 : vector<1x1x16xf32> to vector<16xf32>
        %swap3A = arith.constant 0 : i32
        %swap3A_333 = arith.index_cast %swap3A : i32 to index
        %swap3A_334 = arith.index_cast %scan3A_327 : i32 to index
        %swap3A_335 = arith.constant 0 : index
        %swap3A_336 = tpu.vector_load %arg7[%swap3A_333, %swap3A_334, %swap3A_335] {strides = array<i32>} : memref<4x8x1024xf32, #tpu.memory_space<vmem>>, vector<1x1x16xf32>,
        %swap3A_337 = vector.shape_cast %swap3A_336 : vector<1x1x16xf32> to vector<16xf32>
        %swap3A_338 = vector.shape_cast %get3A_332 : vector<16xf32> to vector<1x1x16xf32>
        tpu.vector_store %arg7[%swap3A_333, %swap3A_334, %swap3A_335], %swap3A_338 {add = true, strides = array<i32>} : memref<4x8x1024xf32, #tpu.memory_space<vmem>>, vector<1x1x16xf32>,
        %get3A_339 = arith.constant 0 : i32
        %get3A_340 = arith.index_cast %get3A_339 : i32 to index
        %get3A_341 = arith.index_cast %scan3A_327 : i32 to index
        %get3A_342 = arith.constant 16 : index
        %get3A_343 = tpu.vector_load %arg8[%get3A_340, %get3A_341, %get3A_342] {strides = array<i32>} : memref<4x8x1024xf32, #tpu.memory_space<vmem>>, vector<1x1x16xf32>,
        %get3A_344 = vector.shape_cast %get3A_343 : vector<1x1x16xf32> to vector<16xf32>
        %swap3A_345 = arith.constant 0 : i32
        %swap3A_346 = arith.index_cast %swap3A_345 : i32 to index
        %swap3A_347 = arith.index_cast %scan3A_327 : i32 to index
        %swap3A_348 = arith.constant 16 : index
        %swap3A_349 = tpu.vector_load %arg7[%swap3A_346, %swap3A_347, %swap3A_348] {strides = array<i32>} : memref<4x8x1024xf32, #tpu.memory_space<vmem>>, vector<1x1x16xf32>,
        %swap3A_350 = vector.shape_cast %swap3A_349 : vector<1x1x16xf32> to vector<16xf32>
        %swap3A_351 = vector.shape_cast %get3A_344 : vector<16xf32> to vector<1x1x16xf32>
        tpu.vector_store %arg7[%swap3A_346, %swap3A_347, %swap3A_348], %swap3A_351 {add = true, strides = array<i32>} : memref<4x8x1024xf32, #tpu.memory_space<vmem>>, vector<1x1x16xf32>,
        %get3A_352 = arith.constant 0 : i32
        %get3A_353 = arith.index_cast %get3A_352 : i32 to index
        %get3A_354 = arith.index_cast %scan3A_327 : i32 to index
        %get3A_355 = arith.constant 32 : index
        %get3A_356 = tpu.vector_load %arg8[%get3A_353, %get3A_354, %get3A_355] {strides = array<i32>} : memref<4x8x1024xf32, #tpu.memory_space<vmem>>, vector<1x1x16xf32>,
        %get3A_357 = vector.shape_cast %get3A_356 : vector<1x1x16xf32> to vector<16xf32>
        %swap3A_358 = arith.constant 0 : i32
        %swap3A_359 = arith.index_cast %swap3A_358 : i32 to index
        %swap3A_360 = arith.index_cast %scan3A_327 : i32 to index
        %swap3A_361 = arith.constant 32 : index
        %swap3A_362 = tpu.vector_load %arg7[%swap3A_359, %swap3A_360, %swap3A_361] {strides = array<i32>} : memref<4x8x1024xf32, #tpu.memory_space<vmem>>, vector<1x1x16xf32>,
        %swap3A_363 = vector.shape_cast %swap3A_362 : vector<1x1x16xf32> to vector<16xf32>
        %swap3A_364 = vector.shape_cast %get3A_357 : vector<16xf32> to vector<1x1x16xf32>
        tpu.vector_store %arg7[%swap3A_359, %swap3A_360, %swap3A_361], %swap3A_364 {add = true, strides = array<i32>} : memref<4x8x1024xf32, #tpu.memory_space<vmem>>, vector<1x1x16xf32>,
        %get3A_365 = arith.constant 0 : i32
        %get3A_366 = arith.index_cast %get3A_365 : i32 to index
        %get3A_367 = arith.index_cast %scan3A_327 : i32 to index
        %get3A_368 = arith.constant 48 : index
        %get3A_369 = tpu.vector_load %arg8[%get3A_366, %get3A_367, %get3A_368] {strides = array<i32>} : memref<4x8x1024xf32, #tpu.memory_space<vmem>>, vector<1x1x16xf32>,
        %get3A_370 = vector.shape_cast %get3A_369 : vector<1x1x16xf32> to vector<16xf32>
        %swap3A_371 = arith.constant 0 : i32
        %swap3A_372 = arith.index_cast %swap3A_371 : i32 to index
        %swap3A_373 = arith.index_cast %scan3A_327 : i32 to index
        %swap3A_374 = arith.constant 48 : index
        %swap3A_375 = tpu.vector_load %arg7[%swap3A_372, %swap3A_373, %swap3A_374] {strides = array<i32>} : memref<4x8x1024xf32, #tpu.memory_space<vmem>>, vector<1x1x16xf32>,
        %swap3A_376 = vector.shape_cast %swap3A_375 : vector<1x1x16xf32> to vector<16xf32>
        %swap3A_377 = vector.shape_cast %get3A_370 : vector<16xf32> to vector<1x1x16xf32>
        tpu.vector_store %arg7[%swap3A_372, %swap3A_373, %swap3A_374], %swap3A_377 {add = true, strides = array<i32>} : memref<4x8x1024xf32, #tpu.memory_space<vmem>>, vector<1x1x16xf32>,
        %get3A_378 = arith.constant 0 : i32
        %get3A_379 = arith.index_cast %get3A_378 : i32 to index
        %get3A_380 = arith.index_cast %scan3A_327 : i32 to index
        %get3A_381 = arith.constant 64 : index
        %get3A_382 = tpu.vector_load %arg8[%get3A_379, %get3A_380, %get3A_381] {strides = array<i32>} : memref<4x8x1024xf32, #tpu.memory_space<vmem>>, vector<1x1x16xf32>,
        %get3A_383 = vector.shape_cast %get3A_382 : vector<1x1x16xf32> to vector<16xf32>
        %swap3A_384 = arith.constant 0 : i32
        %swap3A_385 = arith.index_cast %swap3A_384 : i32 to index
        %swap3A_386 = arith.index_cast %scan3A_327 : i32 to index
        %swap3A_387 = arith.constant 64 : index
        %swap3A_388 = tpu.vector_load %arg7[%swap3A_385, %swap3A_386, %swap3A_387] {strides = array<i32>} : memref<4x8x1024xf32, #tpu.memory_space<vmem>>, vector<1x1x16xf32>,
        %swap3A_389 = vector.shape_cast %swap3A_388 : vector<1x1x16xf32> to vector<16xf32>
        %swap3A_390 = vector.shape_cast %get3A_383 : vector<16xf32> to vector<1x1x16xf32>
        tpu.vector_store %arg7[%swap3A_385, %swap3A_386, %swap3A_387], %swap3A_390 {add = true, strides = array<i32>} : memref<4x8x1024xf32, #tpu.memory_space<vmem>>, vector<1x1x16xf32>,
        %get3A_391 = arith.constant 0 : i32
        %get3A_392 = arith.index_cast %get3A_391 : i32 to index
        %get3A_393 = arith.index_cast %scan3A_327 : i32 to index
        %get3A_394 = arith.constant 80 : index
        %get3A_395 = tpu.vector_load %arg8[%get3A_392, %get3A_393, %get3A_394] {strides = array<i32>} : memref<4x8x1024xf32, #tpu.memory_space<vmem>>, vector<1x1x16xf32>,
        %get3A_396 = vector.shape_cast %get3A_395 : vector<1x1x16xf32> to vector<16xf32>
        %swap3A_397 = arith.constant 0 : i32
        %swap3A_398 = arith.index_cast %swap3A_397 : i32 to index
        %swap3A_399 = arith.index_cast %scan3A_327 : i32 to index
        %swap3A_400 = arith.constant 80 : index
        %swap3A_401 = tpu.vector_load %arg7[%swap3A_398, %swap3A_399, %swap3A_400] {strides = array<i32>} : memref<4x8x1024xf32, #tpu.memory_space<vmem>>, vector<1x1x16xf32>,
        %swap3A_402 = vector.shape_cast %swap3A_401 : vector<1x1x16xf32> to vector<16xf32>
        %swap3A_403 = vector.shape_cast %get3A_396 : vector<16xf32> to vector<1x1x16xf32>
        tpu.vector_store %arg7[%swap3A_398, %swap3A_399, %swap3A_400], %swap3A_403 {add = true, strides = array<i32>} : memref<4x8x1024xf32, #tpu.memory_space<vmem>>, vector<1x1x16xf32>,
        %get3A_404 = arith.constant 0 : i32
        %get3A_405 = arith.index_cast %get3A_404 : i32 to index
        %get3A_406 = arith.index_cast %scan3A_327 : i32 to index
        %get3A_407 = arith.constant 96 : index
        %get3A_408 = tpu.vector_load %arg8[%get3A_405, %get3A_406, %get3A_407] {strides = array<i32>} : memref<4x8x1024xf32, #tpu.memory_space<vmem>>, vector<1x1x16xf32>,
        %get3A_409 = vector.shape_cast %get3A_408 : vector<1x1x16xf32> to vector<16xf32>
        %swap3A_410 = arith.constant 0 : i32
        %swap3A_411 = arith.index_cast %swap3A_410 : i32 to index
        %swap3A_412 = arith.index_cast %scan3A_327 : i32 to index
        %swap3A_413 = arith.constant 96 : index
        %swap3A_414 = tpu.vector_load %arg7[%swap3A_411, %swap3A_412, %swap3A_413] {strides = array<i32>} : memref<4x8x1024xf32, #tpu.memory_space<vmem>>, vector<1x1x16xf32>,
        %swap3A_415 = vector.shape_cast %swap3A_414 : vector<1x1x16xf32> to vector<16xf32>
        %swap3A_416 = vector.shape_cast %get3A_409 : vector<16xf32> to vector<1x1x16xf32>
        tpu.vector_store %arg7[%swap3A_411, %swap3A_412, %swap3A_413], %swap3A_416 {add = true, strides = array<i32>} : memref<4x8x1024xf32, #tpu.memory_space<vmem>>, vector<1x1x16xf32>,
        %get3A_417 = arith.constant 0 : i32
        %get3A_418 = arith.index_cast %get3A_417 : i32 to index
        %get3A_419 = arith.index_cast %scan3A_327 : i32 to index
        %get3A_420 = arith.constant 112 : index
        %get3A_421 = tpu.vector_load %arg8[%get3A_418, %get3A_419, %get3A_420] {strides = array<i32>} : memref<4x8x1024xf32, #tpu.memory_space<vmem>>, vector<1x1x16xf32>,
        %get3A_422 = vector.shape_cast %get3A_421 : vector<1x1x16xf32> to vector<16xf32>
        %swap3A_423 = arith.constant 0 : i32
        %swap3A_424 = arith.index_cast %swap3A_423 : i32 to index
        %swap3A_425 = arith.index_cast %scan3A_327 : i32 to index
        %swap3A_426 = arith.constant 112 : index
        %swap3A_427 = tpu.vector_load %arg7[%swap3A_424, %swap3A_425, %swap3A_426] {strides = array<i32>} : memref<4x8x1024xf32, #tpu.memory_space<vmem>>, vector<1x1x16xf32>,
        %swap3A_428 = vector.shape_cast %swap3A_427 : vector<1x1x16xf32> to vector<16xf32>
        %swap3A_429 = vector.shape_cast %get3A_422 : vector<16xf32> to vector<1x1x16xf32>
        tpu.vector_store %arg7[%swap3A_424, %swap3A_425, %swap3A_426], %swap3A_429 {add = true, strides = array<i32>} : memref<4x8x1024xf32, #tpu.memory_space<vmem>>, vector<1x1x16xf32>,
        %get3A_430 = arith.constant 0 : i32
        %get3A_431 = arith.index_cast %get3A_430 : i32 to index
        %get3A_432 = arith.index_cast %scan3A_327 : i32 to index
        %get3A_433 = arith.constant 128 : index
        %get3A_434 = tpu.vector_load %arg8[%get3A_431, %get3A_432, %get3A_433] {strides = array<i32>} : memref<4x8x1024xf32, #tpu.memory_space<vmem>>, vector<1x1x16xf32>,
        %get3A_435 = vector.shape_cast %get3A_434 : vector<1x1x16xf32> to vector<16xf32>
        %swap3A_436 = arith.constant 0 : i32
        %swap3A_437 = arith.index_cast %swap3A_436 : i32 to index
        %swap3A_438 = arith.index_cast %scan3A_327 : i32 to index
        %swap3A_439 = arith.constant 128 : index
        %swap3A_440 = tpu.vector_load %arg7[%swap3A_437, %swap3A_438, %swap3A_439] {strides = array<i32>} : memref<4x8x1024xf32, #tpu.memory_space<vmem>>, vector<1x1x16xf32>,
        %swap3A_441 = vector.shape_cast %swap3A_440 : vector<1x1x16xf32> to vector<16xf32>
        %swap3A_442 = vector.shape_cast %get3A_435 : vector<16xf32> to vector<1x1x16xf32>
        tpu.vector_store %arg7[%swap3A_437, %swap3A_438, %swap3A_439], %swap3A_442 {add = true, strides = array<i32>} : memref<4x8x1024xf32, #tpu.memory_space<vmem>>, vector<1x1x16xf32>,
        %get3A_443 = arith.constant 0 : i32
        %get3A_444 = arith.index_cast %get3A_443 : i32 to index
        %get3A_445 = arith.index_cast %scan3A_327 : i32 to index
        %get3A_446 = arith.constant 144 : index
        %get3A_447 = tpu.vector_load %arg8[%get3A_444, %get3A_445, %get3A_446] {strides = array<i32>} : memref<4x8x1024xf32, #tpu.memory_space<vmem>>, vector<1x1x16xf32>,
        %get3A_448 = vector.shape_cast %get3A_447 : vector<1x1x16xf32> to vector<16xf32>
        %swap3A_449 = arith.constant 0 : i32
        %swap3A_450 = arith.index_cast %swap3A_449 : i32 to index
        %swap3A_451 = arith.index_cast %scan3A_327 : i32 to index
        %swap3A_452 = arith.constant 144 : index
        %swap3A_453 = tpu.vector_load %arg7[%swap3A_450, %swap3A_451, %swap3A_452] {strides = array<i32>} : memref<4x8x1024xf32, #tpu.memory_space<vmem>>, vector<1x1x16xf32>,
        %swap3A_454 = vector.shape_cast %swap3A_453 : vector<1x1x16xf32> to vector<16xf32>
        %swap3A_455 = vector.shape_cast %get3A_448 : vector<16xf32> to vector<1x1x16xf32>
        tpu.vector_store %arg7[%swap3A_450, %swap3A_451, %swap3A_452], %swap3A_455 {add = true, strides = array<i32>} : memref<4x8x1024xf32, #tpu.memory_space<vmem>>, vector<1x1x16xf32>,
        %get3A_456 = arith.constant 0 : i32
        %get3A_457 = arith.index_cast %get3A_456 : i32 to index
        %get3A_458 = arith.index_cast %scan3A_327 : i32 to index
        %get3A_459 = arith.constant 160 : index
        %get3A_460 = tpu.vector_load %arg8[%get3A_457, %get3A_458, %get3A_459] {strides = array<i32>} : memref<4x8x1024xf32, #tpu.memory_space<vmem>>, vector<1x1x16xf32>,
        %get3A_461 = vector.shape_cast %get3A_460 : vector<1x1x16xf32> to vector<16xf32>
        %swap3A_462 = arith.constant 0 : i32
        %swap3A_463 = arith.index_cast %swap3A_462 : i32 to index
        %swap3A_464 = arith.index_cast %scan3A_327 : i32 to index
        %swap3A_465 = arith.constant 160 : index
        %swap3A_466 = tpu.vector_load %arg7[%swap3A_463, %swap3A_464, %swap3A_465] {strides = array<i32>} : memref<4x8x1024xf32, #tpu.memory_space<vmem>>, vector<1x1x16xf32>,
        %swap3A_467 = vector.shape_cast %swap3A_466 : vector<1x1x16xf32> to vector<16xf32>
        %swap3A_468 = vector.shape_cast %get3A_461 : vector<16xf32> to vector<1x1x16xf32>
        tpu.vector_store %arg7[%swap3A_463, %swap3A_464, %swap3A_465], %swap3A_468 {add = true, strides = array<i32>} : memref<4x8x1024xf32, #tpu.memory_space<vmem>>, vector<1x1x16xf32>,
        %get3A_469 = arith.constant 0 : i32
        %get3A_470 = arith.index_cast %get3A_469 : i32 to index
        %get3A_471 = arith.index_cast %scan3A_327 : i32 to index
        %get3A_472 = arith.constant 176 : index
        %get3A_473 = tpu.vector_load %arg8[%get3A_470, %get3A_471, %get3A_472] {strides = array<i32>} : memref<4x8x1024xf32, #tpu.memory_space<vmem>>, vector<1x1x16xf32>,
        %get3A_474 = vector.shape_cast %get3A_473 : vector<1x1x16xf32> to vector<16xf32>
        %swap3A_475 = arith.constant 0 : i32
        %swap3A_476 = arith.index_cast %swap3A_475 : i32 to index
        %swap3A_477 = arith.index_cast %scan3A_327 : i32 to index
        %swap3A_478 = arith.constant 176 : index
        %swap3A_479 = tpu.vector_load %arg7[%swap3A_476, %swap3A_477, %swap3A_478] {strides = array<i32>} : memref<4x8x1024xf32, #tpu.memory_space<vmem>>, vector<1x1x16xf32>,
        %swap3A_480 = vector.shape_cast %swap3A_479 : vector<1x1x16xf32> to vector<16xf32>
        %swap3A_481 = vector.shape_cast %get3A_474 : vector<16xf32> to vector<1x1x16xf32>
        tpu.vector_store %arg7[%swap3A_476, %swap3A_477, %swap3A_478], %swap3A_481 {add = true, strides = array<i32>} : memref<4x8x1024xf32, #tpu.memory_space<vmem>>, vector<1x1x16xf32>,
        %get3A_482 = arith.constant 0 : i32
        %get3A_483 = arith.index_cast %get3A_482 : i32 to index
        %get3A_484 = arith.index_cast %scan3A_327 : i32 to index
        %get3A_485 = arith.constant 192 : index
        %get3A_486 = tpu.vector_load %arg8[%get3A_483, %get3A_484, %get3A_485] {strides = array<i32>} : memref<4x8x1024xf32, #tpu.memory_space<vmem>>, vector<1x1x16xf32>,
        %get3A_487 = vector.shape_cast %get3A_486 : vector<1x1x16xf32> to vector<16xf32>
        %swap3A_488 = arith.constant 0 : i32
        %swap3A_489 = arith.index_cast %swap3A_488 : i32 to index
        %swap3A_490 = arith.index_cast %scan3A_327 : i32 to index
        %swap3A_491 = arith.constant 192 : index
        %swap3A_492 = tpu.vector_load %arg7[%swap3A_489, %swap3A_490, %swap3A_491] {strides = array<i32>} : memref<4x8x1024xf32, #tpu.memory_space<vmem>>, vector<1x1x16xf32>,
        %swap3A_493 = vector.shape_cast %swap3A_492 : vector<1x1x16xf32> to vector<16xf32>
        %swap3A_494 = vector.shape_cast %get3A_487 : vector<16xf32> to vector<1x1x16xf32>
        tpu.vector_store %arg7[%swap3A_489, %swap3A_490, %swap3A_491], %swap3A_494 {add = true, strides = array<i32>} : memref<4x8x1024xf32, #tpu.memory_space<vmem>>, vector<1x1x16xf32>,
        %get3A_495 = arith.constant 0 : i32
        %get3A_496 = arith.index_cast %get3A_495 : i32 to index
        %get3A_497 = arith.index_cast %scan3A_327 : i32 to index
        %get3A_498 = arith.constant 208 : index
        %get3A_499 = tpu.vector_load %arg8[%get3A_496, %get3A_497, %get3A_498] {strides = array<i32>} : memref<4x8x1024xf32, #tpu.memory_space<vmem>>, vector<1x1x16xf32>,
        %get3A_500 = vector.shape_cast %get3A_499 : vector<1x1x16xf32> to vector<16xf32>
        %swap3A_501 = arith.constant 0 : i32
        %swap3A_502 = arith.index_cast %swap3A_501 : i32 to index
        %swap3A_503 = arith.index_cast %scan3A_327 : i32 to index
        %swap3A_504 = arith.constant 208 : index
        %swap3A_505 = tpu.vector_load %arg7[%swap3A_502, %swap3A_503, %swap3A_504] {strides = array<i32>} : memref<4x8x1024xf32, #tpu.memory_space<vmem>>, vector<1x1x16xf32>,
        %swap3A_506 = vector.shape_cast %swap3A_505 : vector<1x1x16xf32> to vector<16xf32>
        %swap3A_507 = vector.shape_cast %get3A_500 : vector<16xf32> to vector<1x1x16xf32>
        tpu.vector_store %arg7[%swap3A_502, %swap3A_503, %swap3A_504], %swap3A_507 {add = true, strides = array<i32>} : memref<4x8x1024xf32, #tpu.memory_space<vmem>>, vector<1x1x16xf32>,
        %get3A_508 = arith.constant 0 : i32
        %get3A_509 = arith.index_cast %get3A_508 : i32 to index
        %get3A_510 = arith.index_cast %scan3A_327 : i32 to index
        %get3A_511 = arith.constant 224 : index
        %get3A_512 = tpu.vector_load %arg8[%get3A_509, %get3A_510, %get3A_511] {strides = array<i32>} : memref<4x8x1024xf32, #tpu.memory_space<vmem>>, vector<1x1x16xf32>,
        %get3A_513 = vector.shape_cast %get3A_512 : vector<1x1x16xf32> to vector<16xf32>
        %swap3A_514 = arith.constant 0 : i32
        %swap3A_515 = arith.index_cast %swap3A_514 : i32 to index
        %swap3A_516 = arith.index_cast %scan3A_327 : i32 to index
        %swap3A_517 = arith.constant 224 : index
        %swap3A_518 = tpu.vector_load %arg7[%swap3A_515, %swap3A_516, %swap3A_517] {strides = array<i32>} : memref<4x8x1024xf32, #tpu.memory_space<vmem>>, vector<1x1x16xf32>,
        %swap3A_519 = vector.shape_cast %swap3A_518 : vector<1x1x16xf32> to vector<16xf32>
        %swap3A_520 = vector.shape_cast %get3A_513 : vector<16xf32> to vector<1x1x16xf32>
        tpu.vector_store %arg7[%swap3A_515, %swap3A_516, %swap3A_517], %swap3A_520 {add = true, strides = array<i32>} : memref<4x8x1024xf32, #tpu.memory_space<vmem>>, vector<1x1x16xf32>,
        %get3A_521 = arith.constant 0 : i32
        %get3A_522 = arith.index_cast %get3A_521 : i32 to index
        %get3A_523 = arith.index_cast %scan3A_327 : i32 to index
        %get3A_524 = arith.constant 240 : index
        %get3A_525 = tpu.vector_load %arg8[%get3A_522, %get3A_523, %get3A_524] {strides = array<i32>} : memref<4x8x1024xf32, #tpu.memory_space<vmem>>, vector<1x1x16xf32>,
        %get3A_526 = vector.shape_cast %get3A_525 : vector<1x1x16xf32> to vector<16xf32>
        %swap3A_527 = arith.constant 0 : i32
        %swap3A_528 = arith.index_cast %swap3A_527 : i32 to index
        %swap3A_529 = arith.index_cast %scan3A_327 : i32 to index
        %swap3A_530 = arith.constant 240 : index
        %swap3A_531 = tpu.vector_load %arg7[%swap3A_528, %swap3A_529, %swap3A_530] {strides = array<i32>} : memref<4x8x1024xf32, #tpu.memory_space<vmem>>, vector<1x1x16xf32>,
        %swap3A_532 = vector.shape_cast %swap3A_531 : vector<1x1x16xf32> to vector<16xf32>
        %swap3A_533 = vector.shape_cast %get3A_526 : vector<16xf32> to vector<1x1x16xf32>
        tpu.vector_store %arg7[%swap3A_528, %swap3A_529, %swap3A_530], %swap3A_533 {add = true, strides = array<i32>} : memref<4x8x1024xf32, #tpu.memory_space<vmem>>, vector<1x1x16xf32>,
        %get3A_534 = arith.constant 0 : i32
        %get3A_535 = arith.index_cast %get3A_534 : i32 to index
        %get3A_536 = arith.index_cast %scan3A_327 : i32 to index
        %get3A_537 = arith.constant 256 : index
        %get3A_538 = tpu.vector_load %arg8[%get3A_535, %get3A_536, %get3A_537] {strides = array<i32>} : memref<4x8x1024xf32, #tpu.memory_space<vmem>>, vector<1x1x16xf32>,
        %get3A_539 = vector.shape_cast %get3A_538 : vector<1x1x16xf32> to vector<16xf32>
        %swap3A_540 = arith.constant 0 : i32
        %swap3A_541 = arith.index_cast %swap3A_540 : i32 to index
        %swap3A_542 = arith.index_cast %scan3A_327 : i32 to index
        %swap3A_543 = arith.constant 256 : index
        %swap3A_544 = tpu.vector_load %arg7[%swap3A_541, %swap3A_542, %swap3A_543] {strides = array<i32>} : memref<4x8x1024xf32, #tpu.memory_space<vmem>>, vector<1x1x16xf32>,
        %swap3A_545 = vector.shape_cast %swap3A_544 : vector<1x1x16xf32> to vector<16xf32>
        %swap3A_546 = vector.shape_cast %get3A_539 : vector<16xf32> to vector<1x1x16xf32>
        tpu.vector_store %arg7[%swap3A_541, %swap3A_542, %swap3A_543], %swap3A_546 {add = true, strides = array<i32>} : memref<4x8x1024xf32, #tpu.memory_space<vmem>>, vector<1x1x16xf32>,
        %get3A_547 = arith.constant 0 : i32
        %get3A_548 = arith.index_cast %get3A_547 : i32 to index
        %get3A_549 = arith.index_cast %scan3A_327 : i32 to index
        %get3A_550 = arith.constant 272 : index
        %get3A_551 = tpu.vector_load %arg8[%get3A_548, %get3A_549, %get3A_550] {strides = array<i32>} : memref<4x8x1024xf32, #tpu.memory_space<vmem>>, vector<1x1x16xf32>,
        %get3A_552 = vector.shape_cast %get3A_551 : vector<1x1x16xf32> to vector<16xf32>
        %swap3A_553 = arith.constant 0 : i32
        %swap3A_554 = arith.index_cast %swap3A_553 : i32 to index
        %swap3A_555 = arith.index_cast %scan3A_327 : i32 to index
        %swap3A_556 = arith.constant 272 : index
        %swap3A_557 = tpu.vector_load %arg7[%swap3A_554, %swap3A_555, %swap3A_556] {strides = array<i32>} : memref<4x8x1024xf32, #tpu.memory_space<vmem>>, vector<1x1x16xf32>,
        %swap3A_558 = vector.shape_cast %swap3A_557 : vector<1x1x16xf32> to vector<16xf32>
        %swap3A_559 = vector.shape_cast %get3A_552 : vector<16xf32> to vector<1x1x16xf32>
        tpu.vector_store %arg7[%swap3A_554, %swap3A_555, %swap3A_556], %swap3A_559 {add = true, strides = array<i32>} : memref<4x8x1024xf32, #tpu.memory_space<vmem>>, vector<1x1x16xf32>,
        %get3A_560 = arith.constant 0 : i32
        %get3A_561 = arith.index_cast %get3A_560 : i32 to index
        %get3A_562 = arith.index_cast %scan3A_327 : i32 to index
        %get3A_563 = arith.constant 288 : index
        %get3A_564 = tpu.vector_load %arg8[%get3A_561, %get3A_562, %get3A_563] {strides = array<i32>} : memref<4x8x1024xf32, #tpu.memory_space<vmem>>, vector<1x1x16xf32>,
        %get3A_565 = vector.shape_cast %get3A_564 : vector<1x1x16xf32> to vector<16xf32>
        %swap3A_566 = arith.constant 0 : i32
        %swap3A_567 = arith.index_cast %swap3A_566 : i32 to index
        %swap3A_568 = arith.index_cast %scan3A_327 : i32 to index
        %swap3A_569 = arith.constant 288 : index
        %swap3A_570 = tpu.vector_load %arg7[%swap3A_567, %swap3A_568, %swap3A_569] {strides = array<i32>} : memref<4x8x1024xf32, #tpu.memory_space<vmem>>, vector<1x1x16xf32>,
        %swap3A_571 = vector.shape_cast %swap3A_570 : vector<1x1x16xf32> to vector<16xf32>
        %swap3A_572 = vector.shape_cast %get3A_565 : vector<16xf32> to vector<1x1x16xf32>
        tpu.vector_store %arg7[%swap3A_567, %swap3A_568, %swap3A_569], %swap3A_572 {add = true, strides = array<i32>} : memref<4x8x1024xf32, #tpu.memory_space<vmem>>, vector<1x1x16xf32>,
        %get3A_573 = arith.constant 0 : i32
        %get3A_574 = arith.index_cast %get3A_573 : i32 to index
        %get3A_575 = arith.index_cast %scan3A_327 : i32 to index
        %get3A_576 = arith.constant 304 : index
        %get3A_577 = tpu.vector_load %arg8[%get3A_574, %get3A_575, %get3A_576] {strides = array<i32>} : memref<4x8x1024xf32, #tpu.memory_space<vmem>>, vector<1x1x16xf32>,
        %get3A_578 = vector.shape_cast %get3A_577 : vector<1x1x16xf32> to vector<16xf32>
        %swap3A_579 = arith.constant 0 : i32
        %swap3A_580 = arith.index_cast %swap3A_579 : i32 to index
        %swap3A_581 = arith.index_cast %scan3A_327 : i32 to index
        %swap3A_582 = arith.constant 304 : index
        %swap3A_583 = tpu.vector_load %arg7[%swap3A_580, %swap3A_581, %swap3A_582] {strides = array<i32>} : memref<4x8x1024xf32, #tpu.memory_space<vmem>>, vector<1x1x16xf32>,
        %swap3A_584 = vector.shape_cast %swap3A_583 : vector<1x1x16xf32> to vector<16xf32>
        %swap3A_585 = vector.shape_cast %get3A_578 : vector<16xf32> to vector<1x1x16xf32>
        tpu.vector_store %arg7[%swap3A_580, %swap3A_581, %swap3A_582], %swap3A_585 {add = true, strides = array<i32>} : memref<4x8x1024xf32, #tpu.memory_space<vmem>>, vector<1x1x16xf32>,
        %get3A_586 = arith.constant 0 : i32
        %get3A_587 = arith.index_cast %get3A_586 : i32 to index
        %get3A_588 = arith.index_cast %scan3A_327 : i32 to index
        %get3A_589 = arith.constant 320 : index
        %get3A_590 = tpu.vector_load %arg8[%get3A_587, %get3A_588, %get3A_589] {strides = array<i32>} : memref<4x8x1024xf32, #tpu.memory_space<vmem>>, vector<1x1x16xf32>,
        %get3A_591 = vector.shape_cast %get3A_590 : vector<1x1x16xf32> to vector<16xf32>
        %swap3A_592 = arith.constant 0 : i32
        %swap3A_593 = arith.index_cast %swap3A_592 : i32 to index
        %swap3A_594 = arith.index_cast %scan3A_327 : i32 to index
        %swap3A_595 = arith.constant 320 : index
        %swap3A_596 = tpu.vector_load %arg7[%swap3A_593, %swap3A_594, %swap3A_595] {strides = array<i32>} : memref<4x8x1024xf32, #tpu.memory_space<vmem>>, vector<1x1x16xf32>,
        %swap3A_597 = vector.shape_cast %swap3A_596 : vector<1x1x16xf32> to vector<16xf32>
        %swap3A_598 = vector.shape_cast %get3A_591 : vector<16xf32> to vector<1x1x16xf32>
        tpu.vector_store %arg7[%swap3A_593, %swap3A_594, %swap3A_595], %swap3A_598 {add = true, strides = array<i32>} : memref<4x8x1024xf32, #tpu.memory_space<vmem>>, vector<1x1x16xf32>,
        %get3A_599 = arith.constant 0 : i32
        %get3A_600 = arith.index_cast %get3A_599 : i32 to index
        %get3A_601 = arith.index_cast %scan3A_327 : i32 to index
        %get3A_602 = arith.constant 336 : index
        %get3A_603 = tpu.vector_load %arg8[%get3A_600, %get3A_601, %get3A_602] {strides = array<i32>} : memref<4x8x1024xf32, #tpu.memory_space<vmem>>, vector<1x1x16xf32>,
        %get3A_604 = vector.shape_cast %get3A_603 : vector<1x1x16xf32> to vector<16xf32>
        %swap3A_605 = arith.constant 0 : i32
        %swap3A_606 = arith.index_cast %swap3A_605 : i32 to index
        %swap3A_607 = arith.index_cast %scan3A_327 : i32 to index
        %swap3A_608 = arith.constant 336 : index
        %swap3A_609 = tpu.vector_load %arg7[%swap3A_606, %swap3A_607, %swap3A_608] {strides = array<i32>} : memref<4x8x1024xf32, #tpu.memory_space<vmem>>, vector<1x1x16xf32>,
        %swap3A_610 = vector.shape_cast %swap3A_609 : vector<1x1x16xf32> to vector<16xf32>
        %swap3A_611 = vector.shape_cast %get3A_604 : vector<16xf32> to vector<1x1x16xf32>
        tpu.vector_store %arg7[%swap3A_606, %swap3A_607, %swap3A_608], %swap3A_611 {add = true, strides = array<i32>} : memref<4x8x1024xf32, #tpu.memory_space<vmem>>, vector<1x1x16xf32>,
        %get3A_612 = arith.constant 0 : i32
        %get3A_613 = arith.index_cast %get3A_612 : i32 to index
        %get3A_614 = arith.index_cast %scan3A_327 : i32 to index
        %get3A_615 = arith.constant 352 : index
        %get3A_616 = tpu.vector_load %arg8[%get3A_613, %get3A_614, %get3A_615] {strides = array<i32>} : memref<4x8x1024xf32, #tpu.memory_space<vmem>>, vector<1x1x16xf32>,
        %get3A_617 = vector.shape_cast %get3A_616 : vector<1x1x16xf32> to vector<16xf32>
        %swap3A_618 = arith.constant 0 : i32
        %swap3A_619 = arith.index_cast %swap3A_618 : i32 to index
        %swap3A_620 = arith.index_cast %scan3A_327 : i32 to index
        %swap3A_621 = arith.constant 352 : index
        %swap3A_622 = tpu.vector_load %arg7[%swap3A_619, %swap3A_620, %swap3A_621] {strides = array<i32>} : memref<4x8x1024xf32, #tpu.memory_space<vmem>>, vector<1x1x16xf32>,
        %swap3A_623 = vector.shape_cast %swap3A_622 : vector<1x1x16xf32> to vector<16xf32>
        %swap3A_624 = vector.shape_cast %get3A_617 : vector<16xf32> to vector<1x1x16xf32>
        tpu.vector_store %arg7[%swap3A_619, %swap3A_620, %swap3A_621], %swap3A_624 {add = true, strides = array<i32>} : memref<4x8x1024xf32, #tpu.memory_space<vmem>>, vector<1x1x16xf32>,
        %get3A_625 = arith.constant 0 : i32
        %get3A_626 = arith.index_cast %get3A_625 : i32 to index
        %get3A_627 = arith.index_cast %scan3A_327 : i32 to index
        %get3A_628 = arith.constant 368 : index
        %get3A_629 = tpu.vector_load %arg8[%get3A_626, %get3A_627, %get3A_628] {strides = array<i32>} : memref<4x8x1024xf32, #tpu.memory_space<vmem>>, vector<1x1x16xf32>,
        %get3A_630 = vector.shape_cast %get3A_629 : vector<1x1x16xf32> to vector<16xf32>
        %swap3A_631 = arith.constant 0 : i32
        %swap3A_632 = arith.index_cast %swap3A_631 : i32 to index
        %swap3A_633 = arith.index_cast %scan3A_327 : i32 to index
        %swap3A_634 = arith.constant 368 : index
        %swap3A_635 = tpu.vector_load %arg7[%swap3A_632, %swap3A_633, %swap3A_634] {strides = array<i32>} : memref<4x8x1024xf32, #tpu.memory_space<vmem>>, vector<1x1x16xf32>,
        %swap3A_636 = vector.shape_cast %swap3A_635 : vector<1x1x16xf32> to vector<16xf32>
        %swap3A_637 = vector.shape_cast %get3A_630 : vector<16xf32> to vector<1x1x16xf32>
        tpu.vector_store %arg7[%swap3A_632, %swap3A_633, %swap3A_634], %swap3A_637 {add = true, strides = array<i32>} : memref<4x8x1024xf32, #tpu.memory_space<vmem>>, vector<1x1x16xf32>,
        %get3A_638 = arith.constant 0 : i32
        %get3A_639 = arith.index_cast %get3A_638 : i32 to index
        %get3A_640 = arith.index_cast %scan3A_327 : i32 to index
        %get3A_641 = arith.constant 384 : index
        %get3A_642 = tpu.vector_load %arg8[%get3A_639, %get3A_640, %get3A_641] {strides = array<i32>} : memref<4x8x1024xf32, #tpu.memory_space<vmem>>, vector<1x1x16xf32>,
        %get3A_643 = vector.shape_cast %get3A_642 : vector<1x1x16xf32> to vector<16xf32>
        %swap3A_644 = arith.constant 0 : i32
        %swap3A_645 = arith.index_cast %swap3A_644 : i32 to index
        %swap3A_646 = arith.index_cast %scan3A_327 : i32 to index
        %swap3A_647 = arith.constant 384 : index
        %swap3A_648 = tpu.vector_load %arg7[%swap3A_645, %swap3A_646, %swap3A_647] {strides = array<i32>} : memref<4x8x1024xf32, #tpu.memory_space<vmem>>, vector<1x1x16xf32>,
        %swap3A_649 = vector.shape_cast %swap3A_648 : vector<1x1x16xf32> to vector<16xf32>
        %swap3A_650 = vector.shape_cast %get3A_643 : vector<16xf32> to vector<1x1x16xf32>
        tpu.vector_store %arg7[%swap3A_645, %swap3A_646, %swap3A_647], %swap3A_650 {add = true, strides = array<i32>} : memref<4x8x1024xf32, #tpu.memory_space<vmem>>, vector<1x1x16xf32>,
        %get3A_651 = arith.constant 0 : i32
        %get3A_652 = arith.index_cast %get3A_651 : i32 to index
        %get3A_653 = arith.index_cast %scan3A_327 : i32 to index
        %get3A_654 = arith.constant 400 : index
        %get3A_655 = tpu.vector_load %arg8[%get3A_652, %get3A_653, %get3A_654] {strides = array<i32>} : memref<4x8x1024xf32, #tpu.memory_space<vmem>>, vector<1x1x16xf32>,
        %get3A_656 = vector.shape_cast %get3A_655 : vector<1x1x16xf32> to vector<16xf32>
        %swap3A_657 = arith.constant 0 : i32
        %swap3A_658 = arith.index_cast %swap3A_657 : i32 to index
        %swap3A_659 = arith.index_cast %scan3A_327 : i32 to index
        %swap3A_660 = arith.constant 400 : index
        %swap3A_661 = tpu.vector_load %arg7[%swap3A_658, %swap3A_659, %swap3A_660] {strides = array<i32>} : memref<4x8x1024xf32, #tpu.memory_space<vmem>>, vector<1x1x16xf32>,
        %swap3A_662 = vector.shape_cast %swap3A_661 : vector<1x1x16xf32> to vector<16xf32>
        %swap3A_663 = vector.shape_cast %get3A_656 : vector<16xf32> to vector<1x1x16xf32>
        tpu.vector_store %arg7[%swap3A_658, %swap3A_659, %swap3A_660], %swap3A_663 {add = true, strides = array<i32>} : memref<4x8x1024xf32, #tpu.memory_space<vmem>>, vector<1x1x16xf32>,
        %get3A_664 = arith.constant 0 : i32
        %get3A_665 = arith.index_cast %get3A_664 : i32 to index
        %get3A_666 = arith.index_cast %scan3A_327 : i32 to index
        %get3A_667 = arith.constant 416 : index
        %get3A_668 = tpu.vector_load %arg8[%get3A_665, %get3A_666, %get3A_667] {strides = array<i32>} : memref<4x8x1024xf32, #tpu.memory_space<vmem>>, vector<1x1x16xf32>,
        %get3A_669 = vector.shape_cast %get3A_668 : vector<1x1x16xf32> to vector<16xf32>
        %swap3A_670 = arith.constant 0 : i32
        %swap3A_671 = arith.index_cast %swap3A_670 : i32 to index
        %swap3A_672 = arith.index_cast %scan3A_327 : i32 to index
        %swap3A_673 = arith.constant 416 : index
        %swap3A_674 = tpu.vector_load %arg7[%swap3A_671, %swap3A_672, %swap3A_673] {strides = array<i32>} : memref<4x8x1024xf32, #tpu.memory_space<vmem>>, vector<1x1x16xf32>,
        %swap3A_675 = vector.shape_cast %swap3A_674 : vector<1x1x16xf32> to vector<16xf32>
        %swap3A_676 = vector.shape_cast %get3A_669 : vector<16xf32> to vector<1x1x16xf32>
        tpu.vector_store %arg7[%swap3A_671, %swap3A_672, %swap3A_673], %swap3A_676 {add = true, strides = array<i32>} : memref<4x8x1024xf32, #tpu.memory_space<vmem>>, vector<1x1x16xf32>,
        %get3A_677 = arith.constant 0 : i32
        %get3A_678 = arith.index_cast %get3A_677 : i32 to index
        %get3A_679 = arith.index_cast %scan3A_327 : i32 to index
        %get3A_680 = arith.constant 432 : index
        %get3A_681 = tpu.vector_load %arg8[%get3A_678, %get3A_679, %get3A_680] {strides = array<i32>} : memref<4x8x1024xf32, #tpu.memory_space<vmem>>, vector<1x1x16xf32>,
        %get3A_682 = vector.shape_cast %get3A_681 : vector<1x1x16xf32> to vector<16xf32>
        %swap3A_683 = arith.constant 0 : i32
        %swap3A_684 = arith.index_cast %swap3A_683 : i32 to index
        %swap3A_685 = arith.index_cast %scan3A_327 : i32 to index
        %swap3A_686 = arith.constant 432 : index
        %swap3A_687 = tpu.vector_load %arg7[%swap3A_684, %swap3A_685, %swap3A_686] {strides = array<i32>} : memref<4x8x1024xf32, #tpu.memory_space<vmem>>, vector<1x1x16xf32>,
        %swap3A_688 = vector.shape_cast %swap3A_687 : vector<1x1x16xf32> to vector<16xf32>
        %swap3A_689 = vector.shape_cast %get3A_682 : vector<16xf32> to vector<1x1x16xf32>
        tpu.vector_store %arg7[%swap3A_684, %swap3A_685, %swap3A_686], %swap3A_689 {add = true, strides = array<i32>} : memref<4x8x1024xf32, #tpu.memory_space<vmem>>, vector<1x1x16xf32>,
        %get3A_690 = arith.constant 0 : i32
        %get3A_691 = arith.index_cast %get3A_690 : i32 to index
        %get3A_692 = arith.index_cast %scan3A_327 : i32 to index
        %get3A_693 = arith.constant 448 : index
        %get3A_694 = tpu.vector_load %arg8[%get3A_691, %get3A_692, %get3A_693] {strides = array<i32>} : memref<4x8x1024xf32, #tpu.memory_space<vmem>>, vector<1x1x16xf32>,
        %get3A_695 = vector.shape_cast %get3A_694 : vector<1x1x16xf32> to vector<16xf32>
        %swap3A_696 = arith.constant 0 : i32
        %swap3A_697 = arith.index_cast %swap3A_696 : i32 to index
        %swap3A_698 = arith.index_cast %scan3A_327 : i32 to index
        %swap3A_699 = arith.constant 448 : index
        %swap3A_700 = tpu.vector_load %arg7[%swap3A_697, %swap3A_698, %swap3A_699] {strides = array<i32>} : memref<4x8x1024xf32, #tpu.memory_space<vmem>>, vector<1x1x16xf32>,
        %swap3A_701 = vector.shape_cast %swap3A_700 : vector<1x1x16xf32> to vector<16xf32>
        %swap3A_702 = vector.shape_cast %get3A_695 : vector<16xf32> to vector<1x1x16xf32>
        tpu.vector_store %arg7[%swap3A_697, %swap3A_698, %swap3A_699], %swap3A_702 {add = true, strides = array<i32>} : memref<4x8x1024xf32, #tpu.memory_space<vmem>>, vector<1x1x16xf32>,
        %get3A_703 = arith.constant 0 : i32
        %get3A_704 = arith.index_cast %get3A_703 : i32 to index
        %get3A_705 = arith.index_cast %scan3A_327 : i32 to index
        %get3A_706 = arith.constant 464 : index
        %get3A_707 = tpu.vector_load %arg8[%get3A_704, %get3A_705, %get3A_706] {strides = array<i32>} : memref<4x8x1024xf32, #tpu.memory_space<vmem>>, vector<1x1x16xf32>,
        %get3A_708 = vector.shape_cast %get3A_707 : vector<1x1x16xf32> to vector<16xf32>
        %swap3A_709 = arith.constant 0 : i32
        %swap3A_710 = arith.index_cast %swap3A_709 : i32 to index
        %swap3A_711 = arith.index_cast %scan3A_327 : i32 to index
        %swap3A_712 = arith.constant 464 : index
        %swap3A_713 = tpu.vector_load %arg7[%swap3A_710, %swap3A_711, %swap3A_712] {strides = array<i32>} : memref<4x8x1024xf32, #tpu.memory_space<vmem>>, vector<1x1x16xf32>,
        %swap3A_714 = vector.shape_cast %swap3A_713 : vector<1x1x16xf32> to vector<16xf32>
        %swap3A_715 = vector.shape_cast %get3A_708 : vector<16xf32> to vector<1x1x16xf32>
        tpu.vector_store %arg7[%swap3A_710, %swap3A_711, %swap3A_712], %swap3A_715 {add = true, strides = array<i32>} : memref<4x8x1024xf32, #tpu.memory_space<vmem>>, vector<1x1x16xf32>,
        %get3A_716 = arith.constant 0 : i32
        %get3A_717 = arith.index_cast %get3A_716 : i32 to index
        %get3A_718 = arith.index_cast %scan3A_327 : i32 to index
        %get3A_719 = arith.constant 480 : index
        %get3A_720 = tpu.vector_load %arg8[%get3A_717, %get3A_718, %get3A_719] {strides = array<i32>} : memref<4x8x1024xf32, #tpu.memory_space<vmem>>, vector<1x1x16xf32>,
        %get3A_721 = vector.shape_cast %get3A_720 : vector<1x1x16xf32> to vector<16xf32>
        %swap3A_722 = arith.constant 0 : i32
        %swap3A_723 = arith.index_cast %swap3A_722 : i32 to index
        %swap3A_724 = arith.index_cast %scan3A_327 : i32 to index
        %swap3A_725 = arith.constant 480 : index
        %swap3A_726 = tpu.vector_load %arg7[%swap3A_723, %swap3A_724, %swap3A_725] {strides = array<i32>} : memref<4x8x1024xf32, #tpu.memory_space<vmem>>, vector<1x1x16xf32>,
        %swap3A_727 = vector.shape_cast %swap3A_726 : vector<1x1x16xf32> to vector<16xf32>
        %swap3A_728 = vector.shape_cast %get3A_721 : vector<16xf32> to vector<1x1x16xf32>
        tpu.vector_store %arg7[%swap3A_723, %swap3A_724, %swap3A_725], %swap3A_728 {add = true, strides = array<i32>} : memref<4x8x1024xf32, #tpu.memory_space<vmem>>, vector<1x1x16xf32>,
        %get3A_729 = arith.constant 0 : i32
        %get3A_730 = arith.index_cast %get3A_729 : i32 to index
        %get3A_731 = arith.index_cast %scan3A_327 : i32 to index
        %get3A_732 = arith.constant 496 : index
        %get3A_733 = tpu.vector_load %arg8[%get3A_730, %get3A_731, %get3A_732] {strides = array<i32>} : memref<4x8x1024xf32, #tpu.memory_space<vmem>>, vector<1x1x16xf32>,
        %get3A_734 = vector.shape_cast %get3A_733 : vector<1x1x16xf32> to vector<16xf32>
        %swap3A_735 = arith.constant 0 : i32
        %swap3A_736 = arith.index_cast %swap3A_735 : i32 to index
        %swap3A_737 = arith.index_cast %scan3A_327 : i32 to index
        %swap3A_738 = arith.constant 496 : index
        %swap3A_739 = tpu.vector_load %arg7[%swap3A_736, %swap3A_737, %swap3A_738] {strides = array<i32>} : memref<4x8x1024xf32, #tpu.memory_space<vmem>>, vector<1x1x16xf32>,
        %swap3A_740 = vector.shape_cast %swap3A_739 : vector<1x1x16xf32> to vector<16xf32>
        %swap3A_741 = vector.shape_cast %get3A_734 : vector<16xf32> to vector<1x1x16xf32>
        tpu.vector_store %arg7[%swap3A_736, %swap3A_737, %swap3A_738], %swap3A_741 {add = true, strides = array<i32>} : memref<4x8x1024xf32, #tpu.memory_space<vmem>>, vector<1x1x16xf32>,
        %get3A_742 = arith.constant 0 : i32
        %get3A_743 = arith.index_cast %get3A_742 : i32 to index
        %get3A_744 = arith.index_cast %scan3A_327 : i32 to index
        %get3A_745 = arith.constant 512 : index
        %get3A_746 = tpu.vector_load %arg8[%get3A_743, %get3A_744, %get3A_745] {strides = array<i32>} : memref<4x8x1024xf32, #tpu.memory_space<vmem>>, vector<1x1x16xf32>,
        %get3A_747 = vector.shape_cast %get3A_746 : vector<1x1x16xf32> to vector<16xf32>
        %swap3A_748 = arith.constant 0 : i32
        %swap3A_749 = arith.index_cast %swap3A_748 : i32 to index
        %swap3A_750 = arith.index_cast %scan3A_327 : i32 to index
        %swap3A_751 = arith.constant 512 : index
        %swap3A_752 = tpu.vector_load %arg7[%swap3A_749, %swap3A_750, %swap3A_751] {strides = array<i32>} : memref<4x8x1024xf32, #tpu.memory_space<vmem>>, vector<1x1x16xf32>,
        %swap3A_753 = vector.shape_cast %swap3A_752 : vector<1x1x16xf32> to vector<16xf32>
        %swap3A_754 = vector.shape_cast %get3A_747 : vector<16xf32> to vector<1x1x16xf32>
        tpu.vector_store %arg7[%swap3A_749, %swap3A_750, %swap3A_751], %swap3A_754 {add = true, strides = array<i32>} : memref<4x8x1024xf32, #tpu.memory_space<vmem>>, vector<1x1x16xf32>,
        %get3A_755 = arith.constant 0 : i32
        %get3A_756 = arith.index_cast %get3A_755 : i32 to index
        %get3A_757 = arith.index_cast %scan3A_327 : i32 to index
        %get3A_758 = arith.constant 528 : index
        %get3A_759 = tpu.vector_load %arg8[%get3A_756, %get3A_757, %get3A_758] {strides = array<i32>} : memref<4x8x1024xf32, #tpu.memory_space<vmem>>, vector<1x1x16xf32>,
        %get3A_760 = vector.shape_cast %get3A_759 : vector<1x1x16xf32> to vector<16xf32>
        %swap3A_761 = arith.constant 0 : i32
        %swap3A_762 = arith.index_cast %swap3A_761 : i32 to index
        %swap3A_763 = arith.index_cast %scan3A_327 : i32 to index
        %swap3A_764 = arith.constant 528 : index
        %swap3A_765 = tpu.vector_load %arg7[%swap3A_762, %swap3A_763, %swap3A_764] {strides = array<i32>} : memref<4x8x1024xf32, #tpu.memory_space<vmem>>, vector<1x1x16xf32>,
        %swap3A_766 = vector.shape_cast %swap3A_765 : vector<1x1x16xf32> to vector<16xf32>
        %swap3A_767 = vector.shape_cast %get3A_760 : vector<16xf32> to vector<1x1x16xf32>
        tpu.vector_store %arg7[%swap3A_762, %swap3A_763, %swap3A_764], %swap3A_767 {add = true, strides = array<i32>} : memref<4x8x1024xf32, #tpu.memory_space<vmem>>, vector<1x1x16xf32>,
        %get3A_768 = arith.constant 0 : i32
        %get3A_769 = arith.index_cast %get3A_768 : i32 to index
        %get3A_770 = arith.index_cast %scan3A_327 : i32 to index
        %get3A_771 = arith.constant 544 : index
        %get3A_772 = tpu.vector_load %arg8[%get3A_769, %get3A_770, %get3A_771] {strides = array<i32>} : memref<4x8x1024xf32, #tpu.memory_space<vmem>>, vector<1x1x16xf32>,
        %get3A_773 = vector.shape_cast %get3A_772 : vector<1x1x16xf32> to vector<16xf32>
        %swap3A_774 = arith.constant 0 : i32
        %swap3A_775 = arith.index_cast %swap3A_774 : i32 to index
        %swap3A_776 = arith.index_cast %scan3A_327 : i32 to index
        %swap3A_777 = arith.constant 544 : index
        %swap3A_778 = tpu.vector_load %arg7[%swap3A_775, %swap3A_776, %swap3A_777] {strides = array<i32>} : memref<4x8x1024xf32, #tpu.memory_space<vmem>>, vector<1x1x16xf32>,
        %swap3A_779 = vector.shape_cast %swap3A_778 : vector<1x1x16xf32> to vector<16xf32>
        %swap3A_780 = vector.shape_cast %get3A_773 : vector<16xf32> to vector<1x1x16xf32>
        tpu.vector_store %arg7[%swap3A_775, %swap3A_776, %swap3A_777], %swap3A_780 {add = true, strides = array<i32>} : memref<4x8x1024xf32, #tpu.memory_space<vmem>>, vector<1x1x16xf32>,
        %get3A_781 = arith.constant 0 : i32
        %get3A_782 = arith.index_cast %get3A_781 : i32 to index
        %get3A_783 = arith.index_cast %scan3A_327 : i32 to index
        %get3A_784 = arith.constant 560 : index
        %get3A_785 = tpu.vector_load %arg8[%get3A_782, %get3A_783, %get3A_784] {strides = array<i32>} : memref<4x8x1024xf32, #tpu.memory_space<vmem>>, vector<1x1x16xf32>,
        %get3A_786 = vector.shape_cast %get3A_785 : vector<1x1x16xf32> to vector<16xf32>
        %swap3A_787 = arith.constant 0 : i32
        %swap3A_788 = arith.index_cast %swap3A_787 : i32 to index
        %swap3A_789 = arith.index_cast %scan3A_327 : i32 to index
        %swap3A_790 = arith.constant 560 : index
        %swap3A_791 = tpu.vector_load %arg7[%swap3A_788, %swap3A_789, %swap3A_790] {strides = array<i32>} : memref<4x8x1024xf32, #tpu.memory_space<vmem>>, vector<1x1x16xf32>,
        %swap3A_792 = vector.shape_cast %swap3A_791 : vector<1x1x16xf32> to vector<16xf32>
        %swap3A_793 = vector.shape_cast %get3A_786 : vector<16xf32> to vector<1x1x16xf32>
        tpu.vector_store %arg7[%swap3A_788, %swap3A_789, %swap3A_790], %swap3A_793 {add = true, strides = array<i32>} : memref<4x8x1024xf32, #tpu.memory_space<vmem>>, vector<1x1x16xf32>,
        %get3A_794 = arith.constant 0 : i32
        %get3A_795 = arith.index_cast %get3A_794 : i32 to index
        %get3A_796 = arith.index_cast %scan3A_327 : i32 to index
        %get3A_797 = arith.constant 576 : index
        %get3A_798 = tpu.vector_load %arg8[%get3A_795, %get3A_796, %get3A_797] {strides = array<i32>} : memref<4x8x1024xf32, #tpu.memory_space<vmem>>, vector<1x1x16xf32>,
        %get3A_799 = vector.shape_cast %get3A_798 : vector<1x1x16xf32> to vector<16xf32>
        %swap3A_800 = arith.constant 0 : i32
        %swap3A_801 = arith.index_cast %swap3A_800 : i32 to index
        %swap3A_802 = arith.index_cast %scan3A_327 : i32 to index
        %swap3A_803 = arith.constant 576 : index
        %swap3A_804 = tpu.vector_load %arg7[%swap3A_801, %swap3A_802, %swap3A_803] {strides = array<i32>} : memref<4x8x1024xf32, #tpu.memory_space<vmem>>, vector<1x1x16xf32>,
        %swap3A_805 = vector.shape_cast %swap3A_804 : vector<1x1x16xf32> to vector<16xf32>
        %swap3A_806 = vector.shape_cast %get3A_799 : vector<16xf32> to vector<1x1x16xf32>
        tpu.vector_store %arg7[%swap3A_801, %swap3A_802, %swap3A_803], %swap3A_806 {add = true, strides = array<i32>} : memref<4x8x1024xf32, #tpu.memory_space<vmem>>, vector<1x1x16xf32>,
        %get3A_807 = arith.constant 0 : i32
        %get3A_808 = arith.index_cast %get3A_807 : i32 to index
        %get3A_809 = arith.index_cast %scan3A_327 : i32 to index
        %get3A_810 = arith.constant 592 : index
        %get3A_811 = tpu.vector_load %arg8[%get3A_808, %get3A_809, %get3A_810] {strides = array<i32>} : memref<4x8x1024xf32, #tpu.memory_space<vmem>>, vector<1x1x16xf32>,
        %get3A_812 = vector.shape_cast %get3A_811 : vector<1x1x16xf32> to vector<16xf32>
        %swap3A_813 = arith.constant 0 : i32
        %swap3A_814 = arith.index_cast %swap3A_813 : i32 to index
        %swap3A_815 = arith.index_cast %scan3A_327 : i32 to index
        %swap3A_816 = arith.constant 592 : index
        %swap3A_817 = tpu.vector_load %arg7[%swap3A_814, %swap3A_815, %swap3A_816] {strides = array<i32>} : memref<4x8x1024xf32, #tpu.memory_space<vmem>>, vector<1x1x16xf32>,
        %swap3A_818 = vector.shape_cast %swap3A_817 : vector<1x1x16xf32> to vector<16xf32>
        %swap3A_819 = vector.shape_cast %get3A_812 : vector<16xf32> to vector<1x1x16xf32>
        tpu.vector_store %arg7[%swap3A_814, %swap3A_815, %swap3A_816], %swap3A_819 {add = true, strides = array<i32>} : memref<4x8x1024xf32, #tpu.memory_space<vmem>>, vector<1x1x16xf32>,
        %get3A_820 = arith.constant 0 : i32
        %get3A_821 = arith.index_cast %get3A_820 : i32 to index
        %get3A_822 = arith.index_cast %scan3A_327 : i32 to index
        %get3A_823 = arith.constant 608 : index
        %get3A_824 = tpu.vector_load %arg8[%get3A_821, %get3A_822, %get3A_823] {strides = array<i32>} : memref<4x8x1024xf32, #tpu.memory_space<vmem>>, vector<1x1x16xf32>,
        %get3A_825 = vector.shape_cast %get3A_824 : vector<1x1x16xf32> to vector<16xf32>
        %swap3A_826 = arith.constant 0 : i32
        %swap3A_827 = arith.index_cast %swap3A_826 : i32 to index
        %swap3A_828 = arith.index_cast %scan3A_327 : i32 to index
        %swap3A_829 = arith.constant 608 : index
        %swap3A_830 = tpu.vector_load %arg7[%swap3A_827, %swap3A_828, %swap3A_829] {strides = array<i32>} : memref<4x8x1024xf32, #tpu.memory_space<vmem>>, vector<1x1x16xf32>,
        %swap3A_831 = vector.shape_cast %swap3A_830 : vector<1x1x16xf32> to vector<16xf32>
        %swap3A_832 = vector.shape_cast %get3A_825 : vector<16xf32> to vector<1x1x16xf32>
        tpu.vector_store %arg7[%swap3A_827, %swap3A_828, %swap3A_829], %swap3A_832 {add = true, strides = array<i32>} : memref<4x8x1024xf32, #tpu.memory_space<vmem>>, vector<1x1x16xf32>,
        %get3A_833 = arith.constant 0 : i32
        %get3A_834 = arith.index_cast %get3A_833 : i32 to index
        %get3A_835 = arith.index_cast %scan3A_327 : i32 to index
        %get3A_836 = arith.constant 624 : index
        %get3A_837 = tpu.vector_load %arg8[%get3A_834, %get3A_835, %get3A_836] {strides = array<i32>} : memref<4x8x1024xf32, #tpu.memory_space<vmem>>, vector<1x1x16xf32>,
        %get3A_838 = vector.shape_cast %get3A_837 : vector<1x1x16xf32> to vector<16xf32>
        %swap3A_839 = arith.constant 0 : i32
        %swap3A_840 = arith.index_cast %swap3A_839 : i32 to index
        %swap3A_841 = arith.index_cast %scan3A_327 : i32 to index
        %swap3A_842 = arith.constant 624 : index
        %swap3A_843 = tpu.vector_load %arg7[%swap3A_840, %swap3A_841, %swap3A_842] {strides = array<i32>} : memref<4x8x1024xf32, #tpu.memory_space<vmem>>, vector<1x1x16xf32>,
        %swap3A_844 = vector.shape_cast %swap3A_843 : vector<1x1x16xf32> to vector<16xf32>
        %swap3A_845 = vector.shape_cast %get3A_838 : vector<16xf32> to vector<1x1x16xf32>
        tpu.vector_store %arg7[%swap3A_840, %swap3A_841, %swap3A_842], %swap3A_845 {add = true, strides = array<i32>} : memref<4x8x1024xf32, #tpu.memory_space<vmem>>, vector<1x1x16xf32>,
        %get3A_846 = arith.constant 0 : i32
        %get3A_847 = arith.index_cast %get3A_846 : i32 to index
        %get3A_848 = arith.index_cast %scan3A_327 : i32 to index
        %get3A_849 = arith.constant 640 : index
        %get3A_850 = tpu.vector_load %arg8[%get3A_847, %get3A_848, %get3A_849] {strides = array<i32>} : memref<4x8x1024xf32, #tpu.memory_space<vmem>>, vector<1x1x16xf32>,
        %get3A_851 = vector.shape_cast %get3A_850 : vector<1x1x16xf32> to vector<16xf32>
        %swap3A_852 = arith.constant 0 : i32
        %swap3A_853 = arith.index_cast %swap3A_852 : i32 to index
        %swap3A_854 = arith.index_cast %scan3A_327 : i32 to index
        %swap3A_855 = arith.constant 640 : index
        %swap3A_856 = tpu.vector_load %arg7[%swap3A_853, %swap3A_854, %swap3A_855] {strides = array<i32>} : memref<4x8x1024xf32, #tpu.memory_space<vmem>>, vector<1x1x16xf32>,
        %swap3A_857 = vector.shape_cast %swap3A_856 : vector<1x1x16xf32> to vector<16xf32>
        %swap3A_858 = vector.shape_cast %get3A_851 : vector<16xf32> to vector<1x1x16xf32>
        tpu.vector_store %arg7[%swap3A_853, %swap3A_854, %swap3A_855], %swap3A_858 {add = true, strides = array<i32>} : memref<4x8x1024xf32, #tpu.memory_space<vmem>>, vector<1x1x16xf32>,
        %get3A_859 = arith.constant 0 : i32
        %get3A_860 = arith.index_cast %get3A_859 : i32 to index
        %get3A_861 = arith.index_cast %scan3A_327 : i32 to index
        %get3A_862 = arith.constant 656 : index
        %get3A_863 = tpu.vector_load %arg8[%get3A_860, %get3A_861, %get3A_862] {strides = array<i32>} : memref<4x8x1024xf32, #tpu.memory_space<vmem>>, vector<1x1x16xf32>,
        %get3A_864 = vector.shape_cast %get3A_863 : vector<1x1x16xf32> to vector<16xf32>
        %swap3A_865 = arith.constant 0 : i32
        %swap3A_866 = arith.index_cast %swap3A_865 : i32 to index
        %swap3A_867 = arith.index_cast %scan3A_327 : i32 to index
        %swap3A_868 = arith.constant 656 : index
        %swap3A_869 = tpu.vector_load %arg7[%swap3A_866, %swap3A_867, %swap3A_868] {strides = array<i32>} : memref<4x8x1024xf32, #tpu.memory_space<vmem>>, vector<1x1x16xf32>,
        %swap3A_870 = vector.shape_cast %swap3A_869 : vector<1x1x16xf32> to vector<16xf32>
        %swap3A_871 = vector.shape_cast %get3A_864 : vector<16xf32> to vector<1x1x16xf32>
        tpu.vector_store %arg7[%swap3A_866, %swap3A_867, %swap3A_868], %swap3A_871 {add = true, strides = array<i32>} : memref<4x8x1024xf32, #tpu.memory_space<vmem>>, vector<1x1x16xf32>,
        %get3A_872 = arith.constant 0 : i32
        %get3A_873 = arith.index_cast %get3A_872 : i32 to index
        %get3A_874 = arith.index_cast %scan3A_327 : i32 to index
        %get3A_875 = arith.constant 672 : index
        %get3A_876 = tpu.vector_load %arg8[%get3A_873, %get3A_874, %get3A_875] {strides = array<i32>} : memref<4x8x1024xf32, #tpu.memory_space<vmem>>, vector<1x1x16xf32>,
        %get3A_877 = vector.shape_cast %get3A_876 : vector<1x1x16xf32> to vector<16xf32>
        %swap3A_878 = arith.constant 0 : i32
        %swap3A_879 = arith.index_cast %swap3A_878 : i32 to index
        %swap3A_880 = arith.index_cast %scan3A_327 : i32 to index
        %swap3A_881 = arith.constant 672 : index
        %swap3A_882 = tpu.vector_load %arg7[%swap3A_879, %swap3A_880, %swap3A_881] {strides = array<i32>} : memref<4x8x1024xf32, #tpu.memory_space<vmem>>, vector<1x1x16xf32>,
        %swap3A_883 = vector.shape_cast %swap3A_882 : vector<1x1x16xf32> to vector<16xf32>
        %swap3A_884 = vector.shape_cast %get3A_877 : vector<16xf32> to vector<1x1x16xf32>
        tpu.vector_store %arg7[%swap3A_879, %swap3A_880, %swap3A_881], %swap3A_884 {add = true, strides = array<i32>} : memref<4x8x1024xf32, #tpu.memory_space<vmem>>, vector<1x1x16xf32>,
        %get3A_885 = arith.constant 0 : i32
        %get3A_886 = arith.index_cast %get3A_885 : i32 to index
        %get3A_887 = arith.index_cast %scan3A_327 : i32 to index
        %get3A_888 = arith.constant 688 : index
        %get3A_889 = tpu.vector_load %arg8[%get3A_886, %get3A_887, %get3A_888] {strides = array<i32>} : memref<4x8x1024xf32, #tpu.memory_space<vmem>>, vector<1x1x16xf32>,
        %get3A_890 = vector.shape_cast %get3A_889 : vector<1x1x16xf32> to vector<16xf32>
        %swap3A_891 = arith.constant 0 : i32
        %swap3A_892 = arith.index_cast %swap3A_891 : i32 to index
        %swap3A_893 = arith.index_cast %scan3A_327 : i32 to index
        %swap3A_894 = arith.constant 688 : index
        %swap3A_895 = tpu.vector_load %arg7[%swap3A_892, %swap3A_893, %swap3A_894] {strides = array<i32>} : memref<4x8x1024xf32, #tpu.memory_space<vmem>>, vector<1x1x16xf32>,
        %swap3A_896 = vector.shape_cast %swap3A_895 : vector<1x1x16xf32> to vector<16xf32>
        %swap3A_897 = vector.shape_cast %get3A_890 : vector<16xf32> to vector<1x1x16xf32>
        tpu.vector_store %arg7[%swap3A_892, %swap3A_893, %swap3A_894], %swap3A_897 {add = true, strides = array<i32>} : memref<4x8x1024xf32, #tpu.memory_space<vmem>>, vector<1x1x16xf32>,
        %get3A_898 = arith.constant 0 : i32
        %get3A_899 = arith.index_cast %get3A_898 : i32 to index
        %get3A_900 = arith.index_cast %scan3A_327 : i32 to index
        %get3A_901 = arith.constant 704 : index
        %get3A_902 = tpu.vector_load %arg8[%get3A_899, %get3A_900, %get3A_901] {strides = array<i32>} : memref<4x8x1024xf32, #tpu.memory_space<vmem>>, vector<1x1x16xf32>,
        %get3A_903 = vector.shape_cast %get3A_902 : vector<1x1x16xf32> to vector<16xf32>
        %swap3A_904 = arith.constant 0 : i32
        %swap3A_905 = arith.index_cast %swap3A_904 : i32 to index
        %swap3A_906 = arith.index_cast %scan3A_327 : i32 to index
        %swap3A_907 = arith.constant 704 : index
        %swap3A_908 = tpu.vector_load %arg7[%swap3A_905, %swap3A_906, %swap3A_907] {strides = array<i32>} : memref<4x8x1024xf32, #tpu.memory_space<vmem>>, vector<1x1x16xf32>,
        %swap3A_909 = vector.shape_cast %swap3A_908 : vector<1x1x16xf32> to vector<16xf32>
        %swap3A_910 = vector.shape_cast %get3A_903 : vector<16xf32> to vector<1x1x16xf32>
        tpu.vector_store %arg7[%swap3A_905, %swap3A_906, %swap3A_907], %swap3A_910 {add = true, strides = array<i32>} : memref<4x8x1024xf32, #tpu.memory_space<vmem>>, vector<1x1x16xf32>,
        %get3A_911 = arith.constant 0 : i32
        %get3A_912 = arith.index_cast %get3A_911 : i32 to index
        %get3A_913 = arith.index_cast %scan3A_327 : i32 to index
        %get3A_914 = arith.constant 720 : index
        %get3A_915 = tpu.vector_load %arg8[%get3A_912, %get3A_913, %get3A_914] {strides = array<i32>} : memref<4x8x1024xf32, #tpu.memory_space<vmem>>, vector<1x1x16xf32>,
        %get3A_916 = vector.shape_cast %get3A_915 : vector<1x1x16xf32> to vector<16xf32>
        %swap3A_917 = arith.constant 0 : i32
        %swap3A_918 = arith.index_cast %swap3A_917 : i32 to index
        %swap3A_919 = arith.index_cast %scan3A_327 : i32 to index
        %swap3A_920 = arith.constant 720 : index
        %swap3A_921 = tpu.vector_load %arg7[%swap3A_918, %swap3A_919, %swap3A_920] {strides = array<i32>} : memref<4x8x1024xf32, #tpu.memory_space<vmem>>, vector<1x1x16xf32>,
        %swap3A_922 = vector.shape_cast %swap3A_921 : vector<1x1x16xf32> to vector<16xf32>
        %swap3A_923 = vector.shape_cast %get3A_916 : vector<16xf32> to vector<1x1x16xf32>
        tpu.vector_store %arg7[%swap3A_918, %swap3A_919, %swap3A_920], %swap3A_923 {add = true, strides = array<i32>} : memref<4x8x1024xf32, #tpu.memory_space<vmem>>, vector<1x1x16xf32>,
        %get3A_924 = arith.constant 0 : i32
        %get3A_925 = arith.index_cast %get3A_924 : i32 to index
        %get3A_926 = arith.index_cast %scan3A_327 : i32 to index
        %get3A_927 = arith.constant 736 : index
        %get3A_928 = tpu.vector_load %arg8[%get3A_925, %get3A_926, %get3A_927] {strides = array<i32>} : memref<4x8x1024xf32, #tpu.memory_space<vmem>>, vector<1x1x16xf32>,
        %get3A_929 = vector.shape_cast %get3A_928 : vector<1x1x16xf32> to vector<16xf32>
        %swap3A_930 = arith.constant 0 : i32
        %swap3A_931 = arith.index_cast %swap3A_930 : i32 to index
        %swap3A_932 = arith.index_cast %scan3A_327 : i32 to index
        %swap3A_933 = arith.constant 736 : index
        %swap3A_934 = tpu.vector_load %arg7[%swap3A_931, %swap3A_932, %swap3A_933] {strides = array<i32>} : memref<4x8x1024xf32, #tpu.memory_space<vmem>>, vector<1x1x16xf32>,
        %swap3A_935 = vector.shape_cast %swap3A_934 : vector<1x1x16xf32> to vector<16xf32>
        %swap3A_936 = vector.shape_cast %get3A_929 : vector<16xf32> to vector<1x1x16xf32>
        tpu.vector_store %arg7[%swap3A_931, %swap3A_932, %swap3A_933], %swap3A_936 {add = true, strides = array<i32>} : memref<4x8x1024xf32, #tpu.memory_space<vmem>>, vector<1x1x16xf32>,
        %get3A_937 = arith.constant 0 : i32
        %get3A_938 = arith.index_cast %get3A_937 : i32 to index
        %get3A_939 = arith.index_cast %scan3A_327 : i32 to index
        %get3A_940 = arith.constant 752 : index
        %get3A_941 = tpu.vector_load %arg8[%get3A_938, %get3A_939, %get3A_940] {strides = array<i32>} : memref<4x8x1024xf32, #tpu.memory_space<vmem>>, vector<1x1x16xf32>,
        %get3A_942 = vector.shape_cast %get3A_941 : vector<1x1x16xf32> to vector<16xf32>
        %swap3A_943 = arith.constant 0 : i32
        %swap3A_944 = arith.index_cast %swap3A_943 : i32 to index
        %swap3A_945 = arith.index_cast %scan3A_327 : i32 to index
        %swap3A_946 = arith.constant 752 : index
        %swap3A_947 = tpu.vector_load %arg7[%swap3A_944, %swap3A_945, %swap3A_946] {strides = array<i32>} : memref<4x8x1024xf32, #tpu.memory_space<vmem>>, vector<1x1x16xf32>,
        %swap3A_948 = vector.shape_cast %swap3A_947 : vector<1x1x16xf32> to vector<16xf32>
        %swap3A_949 = vector.shape_cast %get3A_942 : vector<16xf32> to vector<1x1x16xf32>
        tpu.vector_store %arg7[%swap3A_944, %swap3A_945, %swap3A_946], %swap3A_949 {add = true, strides = array<i32>} : memref<4x8x1024xf32, #tpu.memory_space<vmem>>, vector<1x1x16xf32>,
        %get3A_950 = arith.constant 0 : i32
        %get3A_951 = arith.index_cast %get3A_950 : i32 to index
        %get3A_952 = arith.index_cast %scan3A_327 : i32 to index
        %get3A_953 = arith.constant 768 : index
        %get3A_954 = tpu.vector_load %arg8[%get3A_951, %get3A_952, %get3A_953] {strides = array<i32>} : memref<4x8x1024xf32, #tpu.memory_space<vmem>>, vector<1x1x16xf32>,
        %get3A_955 = vector.shape_cast %get3A_954 : vector<1x1x16xf32> to vector<16xf32>
        %swap3A_956 = arith.constant 0 : i32
        %swap3A_957 = arith.index_cast %swap3A_956 : i32 to index
        %swap3A_958 = arith.index_cast %scan3A_327 : i32 to index
        %swap3A_959 = arith.constant 768 : index
        %swap3A_960 = tpu.vector_load %arg7[%swap3A_957, %swap3A_958, %swap3A_959] {strides = array<i32>} : memref<4x8x1024xf32, #tpu.memory_space<vmem>>, vector<1x1x16xf32>,
        %swap3A_961 = vector.shape_cast %swap3A_960 : vector<1x1x16xf32> to vector<16xf32>
        %swap3A_962 = vector.shape_cast %get3A_955 : vector<16xf32> to vector<1x1x16xf32>
        tpu.vector_store %arg7[%swap3A_957, %swap3A_958, %swap3A_959], %swap3A_962 {add = true, strides = array<i32>} : memref<4x8x1024xf32, #tpu.memory_space<vmem>>, vector<1x1x16xf32>,
        %get3A_963 = arith.constant 0 : i32
        %get3A_964 = arith.index_cast %get3A_963 : i32 to index
        %get3A_965 = arith.index_cast %scan3A_327 : i32 to index
        %get3A_966 = arith.constant 784 : index
        %get3A_967 = tpu.vector_load %arg8[%get3A_964, %get3A_965, %get3A_966] {strides = array<i32>} : memref<4x8x1024xf32, #tpu.memory_space<vmem>>, vector<1x1x16xf32>,
        %get3A_968 = vector.shape_cast %get3A_967 : vector<1x1x16xf32> to vector<16xf32>
        %swap3A_969 = arith.constant 0 : i32
        %swap3A_970 = arith.index_cast %swap3A_969 : i32 to index
        %swap3A_971 = arith.index_cast %scan3A_327 : i32 to index
        %swap3A_972 = arith.constant 784 : index
        %swap3A_973 = tpu.vector_load %arg7[%swap3A_970, %swap3A_971, %swap3A_972] {strides = array<i32>} : memref<4x8x1024xf32, #tpu.memory_space<vmem>>, vector<1x1x16xf32>,
        %swap3A_974 = vector.shape_cast %swap3A_973 : vector<1x1x16xf32> to vector<16xf32>
        %swap3A_975 = vector.shape_cast %get3A_968 : vector<16xf32> to vector<1x1x16xf32>
        tpu.vector_store %arg7[%swap3A_970, %swap3A_971, %swap3A_972], %swap3A_975 {add = true, strides = array<i32>} : memref<4x8x1024xf32, #tpu.memory_space<vmem>>, vector<1x1x16xf32>,
        %get3A_976 = arith.constant 0 : i32
        %get3A_977 = arith.index_cast %get3A_976 : i32 to index
        %get3A_978 = arith.index_cast %scan3A_327 : i32 to index
        %get3A_979 = arith.constant 800 : index
        %get3A_980 = tpu.vector_load %arg8[%get3A_977, %get3A_978, %get3A_979] {strides = array<i32>} : memref<4x8x1024xf32, #tpu.memory_space<vmem>>, vector<1x1x16xf32>,
        %get3A_981 = vector.shape_cast %get3A_980 : vector<1x1x16xf32> to vector<16xf32>
        %swap3A_982 = arith.constant 0 : i32
        %swap3A_983 = arith.index_cast %swap3A_982 : i32 to index
        %swap3A_984 = arith.index_cast %scan3A_327 : i32 to index
        %swap3A_985 = arith.constant 800 : index
        %swap3A_986 = tpu.vector_load %arg7[%swap3A_983, %swap3A_984, %swap3A_985] {strides = array<i32>} : memref<4x8x1024xf32, #tpu.memory_space<vmem>>, vector<1x1x16xf32>,
        %swap3A_987 = vector.shape_cast %swap3A_986 : vector<1x1x16xf32> to vector<16xf32>
        %swap3A_988 = vector.shape_cast %get3A_981 : vector<16xf32> to vector<1x1x16xf32>
        tpu.vector_store %arg7[%swap3A_983, %swap3A_984, %swap3A_985], %swap3A_988 {add = true, strides = array<i32>} : memref<4x8x1024xf32, #tpu.memory_space<vmem>>, vector<1x1x16xf32>,
        %get3A_989 = arith.constant 0 : i32
        %get3A_990 = arith.index_cast %get3A_989 : i32 to index
        %get3A_991 = arith.index_cast %scan3A_327 : i32 to index
        %get3A_992 = arith.constant 816 : index
        %get3A_993 = tpu.vector_load %arg8[%get3A_990, %get3A_991, %get3A_992] {strides = array<i32>} : memref<4x8x1024xf32, #tpu.memory_space<vmem>>, vector<1x1x16xf32>,
        %get3A_994 = vector.shape_cast %get3A_993 : vector<1x1x16xf32> to vector<16xf32>
        %swap3A_995 = arith.constant 0 : i32
        %swap3A_996 = arith.index_cast %swap3A_995 : i32 to index
        %swap3A_997 = arith.index_cast %scan3A_327 : i32 to index
        %swap3A_998 = arith.constant 816 : index
        %swap3A_999 = tpu.vector_load %arg7[%swap3A_996, %swap3A_997, %swap3A_998] {strides = array<i32>} : memref<4x8x1024xf32, #tpu.memory_space<vmem>>, vector<1x1x16xf32>,
        %swap3A_1000 = vector.shape_cast %swap3A_999 : vector<1x1x16xf32> to vector<16xf32>
        %swap3A_1001 = vector.shape_cast %get3A_994 : vector<16xf32> to vector<1x1x16xf32>
        tpu.vector_store %arg7[%swap3A_996, %swap3A_997, %swap3A_998], %swap3A_1001 {add = true, strides = array<i32>} : memref<4x8x1024xf32, #tpu.memory_space<vmem>>, vector<1x1x16xf32>,
        %get3A_1002 = arith.constant 0 : i32
        %get3A_1003 = arith.index_cast %get3A_1002 : i32 to index
        %get3A_1004 = arith.index_cast %scan3A_327 : i32 to index
        %get3A_1005 = arith.constant 832 : index
        %get3A_1006 = tpu.vector_load %arg8[%get3A_1003, %get3A_1004, %get3A_1005] {strides = array<i32>} : memref<4x8x1024xf32, #tpu.memory_space<vmem>>, vector<1x1x16xf32>,
        %get3A_1007 = vector.shape_cast %get3A_1006 : vector<1x1x16xf32> to vector<16xf32>
        %swap3A_1008 = arith.constant 0 : i32
        %swap3A_1009 = arith.index_cast %swap3A_1008 : i32 to index
        %swap3A_1010 = arith.index_cast %scan3A_327 : i32 to index
        %swap3A_1011 = arith.constant 832 : index
        %swap3A_1012 = tpu.vector_load %arg7[%swap3A_1009, %swap3A_1010, %swap3A_1011] {strides = array<i32>} : memref<4x8x1024xf32, #tpu.memory_space<vmem>>, vector<1x1x16xf32>,
        %swap3A_1013 = vector.shape_cast %swap3A_1012 : vector<1x1x16xf32> to vector<16xf32>
        %swap3A_1014 = vector.shape_cast %get3A_1007 : vector<16xf32> to vector<1x1x16xf32>
        tpu.vector_store %arg7[%swap3A_1009, %swap3A_1010, %swap3A_1011], %swap3A_1014 {add = true, strides = array<i32>} : memref<4x8x1024xf32, #tpu.memory_space<vmem>>, vector<1x1x16xf32>,
        %get3A_1015 = arith.constant 0 : i32
        %get3A_1016 = arith.index_cast %get3A_1015 : i32 to index
        %get3A_1017 = arith.index_cast %scan3A_327 : i32 to index
        %get3A_1018 = arith.constant 848 : index
        %get3A_1019 = tpu.vector_load %arg8[%get3A_1016, %get3A_1017, %get3A_1018] {strides = array<i32>} : memref<4x8x1024xf32, #tpu.memory_space<vmem>>, vector<1x1x16xf32>,
        %get3A_1020 = vector.shape_cast %get3A_1019 : vector<1x1x16xf32> to vector<16xf32>
        %swap3A_1021 = arith.constant 0 : i32
        %swap3A_1022 = arith.index_cast %swap3A_1021 : i32 to index
        %swap3A_1023 = arith.index_cast %scan3A_327 : i32 to index
        %swap3A_1024 = arith.constant 848 : index
        %swap3A_1025 = tpu.vector_load %arg7[%swap3A_1022, %swap3A_1023, %swap3A_1024] {strides = array<i32>} : memref<4x8x1024xf32, #tpu.memory_space<vmem>>, vector<1x1x16xf32>,
        %swap3A_1026 = vector.shape_cast %swap3A_1025 : vector<1x1x16xf32> to vector<16xf32>
        %swap3A_1027 = vector.shape_cast %get3A_1020 : vector<16xf32> to vector<1x1x16xf32>
        tpu.vector_store %arg7[%swap3A_1022, %swap3A_1023, %swap3A_1024], %swap3A_1027 {add = true, strides = array<i32>} : memref<4x8x1024xf32, #tpu.memory_space<vmem>>, vector<1x1x16xf32>,
        %get3A_1028 = arith.constant 0 : i32
        %get3A_1029 = arith.index_cast %get3A_1028 : i32 to index
        %get3A_1030 = arith.index_cast %scan3A_327 : i32 to index
        %get3A_1031 = arith.constant 864 : index
        %get3A_1032 = tpu.vector_load %arg8[%get3A_1029, %get3A_1030, %get3A_1031] {strides = array<i32>} : memref<4x8x1024xf32, #tpu.memory_space<vmem>>, vector<1x1x16xf32>,
        %get3A_1033 = vector.shape_cast %get3A_1032 : vector<1x1x16xf32> to vector<16xf32>
        %swap3A_1034 = arith.constant 0 : i32
        %swap3A_1035 = arith.index_cast %swap3A_1034 : i32 to index
        %swap3A_1036 = arith.index_cast %scan3A_327 : i32 to index
        %swap3A_1037 = arith.constant 864 : index
        %swap3A_1038 = tpu.vector_load %arg7[%swap3A_1035, %swap3A_1036, %swap3A_1037] {strides = array<i32>} : memref<4x8x1024xf32, #tpu.memory_space<vmem>>, vector<1x1x16xf32>,
        %swap3A_1039 = vector.shape_cast %swap3A_1038 : vector<1x1x16xf32> to vector<16xf32>
        %swap3A_1040 = vector.shape_cast %get3A_1033 : vector<16xf32> to vector<1x1x16xf32>
        tpu.vector_store %arg7[%swap3A_1035, %swap3A_1036, %swap3A_1037], %swap3A_1040 {add = true, strides = array<i32>} : memref<4x8x1024xf32, #tpu.memory_space<vmem>>, vector<1x1x16xf32>,
        %get3A_1041 = arith.constant 0 : i32
        %get3A_1042 = arith.index_cast %get3A_1041 : i32 to index
        %get3A_1043 = arith.index_cast %scan3A_327 : i32 to index
        %get3A_1044 = arith.constant 880 : index
        %get3A_1045 = tpu.vector_load %arg8[%get3A_1042, %get3A_1043, %get3A_1044] {strides = array<i32>} : memref<4x8x1024xf32, #tpu.memory_space<vmem>>, vector<1x1x16xf32>,
        %get3A_1046 = vector.shape_cast %get3A_1045 : vector<1x1x16xf32> to vector<16xf32>
        %swap3A_1047 = arith.constant 0 : i32
        %swap3A_1048 = arith.index_cast %swap3A_1047 : i32 to index
        %swap3A_1049 = arith.index_cast %scan3A_327 : i32 to index
        %swap3A_1050 = arith.constant 880 : index
        %swap3A_1051 = tpu.vector_load %arg7[%swap3A_1048, %swap3A_1049, %swap3A_1050] {strides = array<i32>} : memref<4x8x1024xf32, #tpu.memory_space<vmem>>, vector<1x1x16xf32>,
        %swap3A_1052 = vector.shape_cast %swap3A_1051 : vector<1x1x16xf32> to vector<16xf32>
        %swap3A_1053 = vector.shape_cast %get3A_1046 : vector<16xf32> to vector<1x1x16xf32>
        tpu.vector_store %arg7[%swap3A_1048, %swap3A_1049, %swap3A_1050], %swap3A_1053 {add = true, strides = array<i32>} : memref<4x8x1024xf32, #tpu.memory_space<vmem>>, vector<1x1x16xf32>,
        %get3A_1054 = arith.constant 0 : i32
        %get3A_1055 = arith.index_cast %get3A_1054 : i32 to index
        %get3A_1056 = arith.index_cast %scan3A_327 : i32 to index
        %get3A_1057 = arith.constant 896 : index
        %get3A_1058 = tpu.vector_load %arg8[%get3A_1055, %get3A_1056, %get3A_1057] {strides = array<i32>} : memref<4x8x1024xf32, #tpu.memory_space<vmem>>, vector<1x1x16xf32>,
        %get3A_1059 = vector.shape_cast %get3A_1058 : vector<1x1x16xf32> to vector<16xf32>
        %swap3A_1060 = arith.constant 0 : i32
        %swap3A_1061 = arith.index_cast %swap3A_1060 : i32 to index
        %swap3A_1062 = arith.index_cast %scan3A_327 : i32 to index
        %swap3A_1063 = arith.constant 896 : index
        %swap3A_1064 = tpu.vector_load %arg7[%swap3A_1061, %swap3A_1062, %swap3A_1063] {strides = array<i32>} : memref<4x8x1024xf32, #tpu.memory_space<vmem>>, vector<1x1x16xf32>,
        %swap3A_1065 = vector.shape_cast %swap3A_1064 : vector<1x1x16xf32> to vector<16xf32>
        %swap3A_1066 = vector.shape_cast %get3A_1059 : vector<16xf32> to vector<1x1x16xf32>
        tpu.vector_store %arg7[%swap3A_1061, %swap3A_1062, %swap3A_1063], %swap3A_1066 {add = true, strides = array<i32>} : memref<4x8x1024xf32, #tpu.memory_space<vmem>>, vector<1x1x16xf32>,
        %get3A_1067 = arith.constant 0 : i32
        %get3A_1068 = arith.index_cast %get3A_1067 : i32 to index
        %get3A_1069 = arith.index_cast %scan3A_327 : i32 to index
        %get3A_1070 = arith.constant 912 : index
        %get3A_1071 = tpu.vector_load %arg8[%get3A_1068, %get3A_1069, %get3A_1070] {strides = array<i32>} : memref<4x8x1024xf32, #tpu.memory_space<vmem>>, vector<1x1x16xf32>,
        %get3A_1072 = vector.shape_cast %get3A_1071 : vector<1x1x16xf32> to vector<16xf32>
        %swap3A_1073 = arith.constant 0 : i32
        %swap3A_1074 = arith.index_cast %swap3A_1073 : i32 to index
        %swap3A_1075 = arith.index_cast %scan3A_327 : i32 to index
        %swap3A_1076 = arith.constant 912 : index
        %swap3A_1077 = tpu.vector_load %arg7[%swap3A_1074, %swap3A_1075, %swap3A_1076] {strides = array<i32>} : memref<4x8x1024xf32, #tpu.memory_space<vmem>>, vector<1x1x16xf32>,
        %swap3A_1078 = vector.shape_cast %swap3A_1077 : vector<1x1x16xf32> to vector<16xf32>
        %swap3A_1079 = vector.shape_cast %get3A_1072 : vector<16xf32> to vector<1x1x16xf32>
        tpu.vector_store %arg7[%swap3A_1074, %swap3A_1075, %swap3A_1076], %swap3A_1079 {add = true, strides = array<i32>} : memref<4x8x1024xf32, #tpu.memory_space<vmem>>, vector<1x1x16xf32>,
        %get3A_1080 = arith.constant 0 : i32
        %get3A_1081 = arith.index_cast %get3A_1080 : i32 to index
        %get3A_1082 = arith.index_cast %scan3A_327 : i32 to index
        %get3A_1083 = arith.constant 928 : index
        %get3A_1084 = tpu.vector_load %arg8[%get3A_1081, %get3A_1082, %get3A_1083] {strides = array<i32>} : memref<4x8x1024xf32, #tpu.memory_space<vmem>>, vector<1x1x16xf32>,
        %get3A_1085 = vector.shape_cast %get3A_1084 : vector<1x1x16xf32> to vector<16xf32>
        %swap3A_1086 = arith.constant 0 : i32
        %swap3A_1087 = arith.index_cast %swap3A_1086 : i32 to index
        %swap3A_1088 = arith.index_cast %scan3A_327 : i32 to index
        %swap3A_1089 = arith.constant 928 : index
        %swap3A_1090 = tpu.vector_load %arg7[%swap3A_1087, %swap3A_1088, %swap3A_1089] {strides = array<i32>} : memref<4x8x1024xf32, #tpu.memory_space<vmem>>, vector<1x1x16xf32>,
        %swap3A_1091 = vector.shape_cast %swap3A_1090 : vector<1x1x16xf32> to vector<16xf32>
        %swap3A_1092 = vector.shape_cast %get3A_1085 : vector<16xf32> to vector<1x1x16xf32>
        tpu.vector_store %arg7[%swap3A_1087, %swap3A_1088, %swap3A_1089], %swap3A_1092 {add = true, strides = array<i32>} : memref<4x8x1024xf32, #tpu.memory_space<vmem>>, vector<1x1x16xf32>,
        %get3A_1093 = arith.constant 0 : i32
        %get3A_1094 = arith.index_cast %get3A_1093 : i32 to index
        %get3A_1095 = arith.index_cast %scan3A_327 : i32 to index
        %get3A_1096 = arith.constant 944 : index
        %get3A_1097 = tpu.vector_load %arg8[%get3A_1094, %get3A_1095, %get3A_1096] {strides = array<i32>} : memref<4x8x1024xf32, #tpu.memory_space<vmem>>, vector<1x1x16xf32>,
        %get3A_1098 = vector.shape_cast %get3A_1097 : vector<1x1x16xf32> to vector<16xf32>
        %swap3A_1099 = arith.constant 0 : i32
        %swap3A_1100 = arith.index_cast %swap3A_1099 : i32 to index
        %swap3A_1101 = arith.index_cast %scan3A_327 : i32 to index
        %swap3A_1102 = arith.constant 944 : index
        %swap3A_1103 = tpu.vector_load %arg7[%swap3A_1100, %swap3A_1101, %swap3A_1102] {strides = array<i32>} : memref<4x8x1024xf32, #tpu.memory_space<vmem>>, vector<1x1x16xf32>,
        %swap3A_1104 = vector.shape_cast %swap3A_1103 : vector<1x1x16xf32> to vector<16xf32>
        %swap3A_1105 = vector.shape_cast %get3A_1098 : vector<16xf32> to vector<1x1x16xf32>
        tpu.vector_store %arg7[%swap3A_1100, %swap3A_1101, %swap3A_1102], %swap3A_1105 {add = true, strides = array<i32>} : memref<4x8x1024xf32, #tpu.memory_space<vmem>>, vector<1x1x16xf32>,
        %get3A_1106 = arith.constant 0 : i32
        %get3A_1107 = arith.index_cast %get3A_1106 : i32 to index
        %get3A_1108 = arith.index_cast %scan3A_327 : i32 to index
        %get3A_1109 = arith.constant 960 : index
        %get3A_1110 = tpu.vector_load %arg8[%get3A_1107, %get3A_1108, %get3A_1109] {strides = array<i32>} : memref<4x8x1024xf32, #tpu.memory_space<vmem>>, vector<1x1x16xf32>,
        %get3A_1111 = vector.shape_cast %get3A_1110 : vector<1x1x16xf32> to vector<16xf32>
        %swap3A_1112 = arith.constant 0 : i32
        %swap3A_1113 = arith.index_cast %swap3A_1112 : i32 to index
        %swap3A_1114 = arith.index_cast %scan3A_327 : i32 to index
        %swap3A_1115 = arith.constant 960 : index
        %swap3A_1116 = tpu.vector_load %arg7[%swap3A_1113, %swap3A_1114, %swap3A_1115] {strides = array<i32>} : memref<4x8x1024xf32, #tpu.memory_space<vmem>>, vector<1x1x16xf32>,
        %swap3A_1117 = vector.shape_cast %swap3A_1116 : vector<1x1x16xf32> to vector<16xf32>
        %swap3A_1118 = vector.shape_cast %get3A_1111 : vector<16xf32> to vector<1x1x16xf32>
        tpu.vector_store %arg7[%swap3A_1113, %swap3A_1114, %swap3A_1115], %swap3A_1118 {add = true, strides = array<i32>} : memref<4x8x1024xf32, #tpu.memory_space<vmem>>, vector<1x1x16xf32>,
        %get3A_1119 = arith.constant 0 : i32
        %get3A_1120 = arith.index_cast %get3A_1119 : i32 to index
        %get3A_1121 = arith.index_cast %scan3A_327 : i32 to index
        %get3A_1122 = arith.constant 976 : index
        %get3A_1123 = tpu.vector_load %arg8[%get3A_1120, %get3A_1121, %get3A_1122] {strides = array<i32>} : memref<4x8x1024xf32, #tpu.memory_space<vmem>>, vector<1x1x16xf32>,
        %get3A_1124 = vector.shape_cast %get3A_1123 : vector<1x1x16xf32> to vector<16xf32>
        %swap3A_1125 = arith.constant 0 : i32
        %swap3A_1126 = arith.index_cast %swap3A_1125 : i32 to index
        %swap3A_1127 = arith.index_cast %scan3A_327 : i32 to index
        %swap3A_1128 = arith.constant 976 : index
        %swap3A_1129 = tpu.vector_load %arg7[%swap3A_1126, %swap3A_1127, %swap3A_1128] {strides = array<i32>} : memref<4x8x1024xf32, #tpu.memory_space<vmem>>, vector<1x1x16xf32>,
        %swap3A_1130 = vector.shape_cast %swap3A_1129 : vector<1x1x16xf32> to vector<16xf32>
        %swap3A_1131 = vector.shape_cast %get3A_1124 : vector<16xf32> to vector<1x1x16xf32>
        tpu.vector_store %arg7[%swap3A_1126, %swap3A_1127, %swap3A_1128], %swap3A_1131 {add = true, strides = array<i32>} : memref<4x8x1024xf32, #tpu.memory_space<vmem>>, vector<1x1x16xf32>,
        %get3A_1132 = arith.constant 0 : i32
        %get3A_1133 = arith.index_cast %get3A_1132 : i32 to index
        %get3A_1134 = arith.index_cast %scan3A_327 : i32 to index
        %get3A_1135 = arith.constant 992 : index
        %get3A_1136 = tpu.vector_load %arg8[%get3A_1133, %get3A_1134, %get3A_1135] {strides = array<i32>} : memref<4x8x1024xf32, #tpu.memory_space<vmem>>, vector<1x1x16xf32>,
        %get3A_1137 = vector.shape_cast %get3A_1136 : vector<1x1x16xf32> to vector<16xf32>
        %swap3A_1138 = arith.constant 0 : i32
        %swap3A_1139 = arith.index_cast %swap3A_1138 : i32 to index
        %swap3A_1140 = arith.index_cast %scan3A_327 : i32 to index
        %swap3A_1141 = arith.constant 992 : index
        %swap3A_1142 = tpu.vector_load %arg7[%swap3A_1139, %swap3A_1140, %swap3A_1141] {strides = array<i32>} : memref<4x8x1024xf32, #tpu.memory_space<vmem>>, vector<1x1x16xf32>,
        %swap3A_1143 = vector.shape_cast %swap3A_1142 : vector<1x1x16xf32> to vector<16xf32>
        %swap3A_1144 = vector.shape_cast %get3A_1137 : vector<16xf32> to vector<1x1x16xf32>
        tpu.vector_store %arg7[%swap3A_1139, %swap3A_1140, %swap3A_1141], %swap3A_1144 {add = true, strides = array<i32>} : memref<4x8x1024xf32, #tpu.memory_space<vmem>>, vector<1x1x16xf32>,
        %get3A_1145 = arith.constant 0 : i32
        %get3A_1146 = arith.index_cast %get3A_1145 : i32 to index
        %get3A_1147 = arith.index_cast %scan3A_327 : i32 to index
        %get3A_1148 = arith.constant 1008 : index
        %get3A_1149 = tpu.vector_load %arg8[%get3A_1146, %get3A_1147, %get3A_1148] {strides = array<i32>} : memref<4x8x1024xf32, #tpu.memory_space<vmem>>, vector<1x1x16xf32>,
        %get3A_1150 = vector.shape_cast %get3A_1149 : vector<1x1x16xf32> to vector<16xf32>
        %swap3A_1151 = arith.constant 0 : i32
        %swap3A_1152 = arith.index_cast %swap3A_1151 : i32 to index
        %swap3A_1153 = arith.index_cast %scan3A_327 : i32 to index
        %swap3A_1154 = arith.constant 1008 : index
        %swap3A_1155 = tpu.vector_load %arg7[%swap3A_1152, %swap3A_1153, %swap3A_1154] {strides = array<i32>} : memref<4x8x1024xf32, #tpu.memory_space<vmem>>, vector<1x1x16xf32>,
        %swap3A_1156 = vector.shape_cast %swap3A_1155 : vector<1x1x16xf32> to vector<16xf32>
        %swap3A_1157 = vector.shape_cast %get3A_1150 : vector<16xf32> to vector<1x1x16xf32>
        tpu.vector_store %arg7[%swap3A_1152, %swap3A_1153, %swap3A_1154], %swap3A_1157 {add = true, strides = array<i32>} : memref<4x8x1024xf32, #tpu.memory_space<vmem>>, vector<1x1x16xf32>,
      }
      %scan3A_133 = arith.constant 8 : i32
      %mul3A_134 = arith.constant 8 : i32
      %mul3A_135 = arith.muli %add3A_97, %mul3A_134 : i32
      %add3A_136 = arith.addi %mul3A_2, %mul3A_135 : i32
      %dma_start3A_137 = arith.constant 0 : i32
      %dma_start3A_138 = arith.constant 0 : i32
      %dma_start3A_139 = arith.constant 0 : i32
      %dma_start3A_140 = tpu.memref_slice %arg7[%dma_start3A_137, %dma_start3A_138, %dma_start3A_139] : memref<4x8x1024xf32, #tpu.memory_space<vmem>> -> memref<1x8x1024xf32, #tpu.memory_space<vmem>>
      %dma_start3A_141 = tpu.memref_squeeze %dma_start3A_140 : memref<1x8x1024xf32, #tpu.memory_space<vmem>> -> memref<8x1024xf32, #tpu.memory_space<vmem>>
      %dma_start3A_142 = arith.constant 0 : i32
      %dma_start3A_143 = tpu.memref_slice %arg5[%add3A_136, %dma_start3A_142] : memref<32768x1024xf32, #tpu.memory_space<hbm>> -> memref<8x1024xf32, #tpu.memory_space<hbm>>
      %dma_start3A_144 = arith.constant 0 : i32
      %dma_start3A_145 = tpu.memref_slice %arg5[%add3A_136, %dma_start3A_144] : memref<32768x1024xf32, #tpu.memory_space<hbm>> -> memref<8x1024xf32, #tpu.memory_space<hbm>>
      %dma_start3A_146 = arith.constant 0 : i32
      %dma_start3A_147 = arith.constant 0 : i32
      %dma_start3A_148 = tpu.memref_slice %arg7[%dma_start3A_137, %dma_start3A_146, %dma_start3A_147] : memref<4x8x1024xf32, #tpu.memory_space<vmem>> -> memref<1x8x1024xf32, #tpu.memory_space<vmem>>
      %dma_start3A_149 = tpu.memref_squeeze %dma_start3A_148 : memref<1x8x1024xf32, #tpu.memory_space<vmem>> -> memref<8x1024xf32, #tpu.memory_space<vmem>>
      tpu.enqueue_dma source(%dma_start3A_149 : memref<8x1024xf32, #tpu.memory_space<vmem>>) target(%dma_start3A_145 : memref<8x1024xf32, #tpu.memory_space<hbm>>) target_semaphore(%arg13 : memref<!tpu.dma_semaphore, #tpu.memory_space<semaphore_mem>>)
      %mul3A_150 = arith.constant 4 : i32
      %mul3A_151 = arith.muli %scan3A_93, %mul3A_150 : i32
      %add3A_152 = arith.constant 1 : i32
      %add3A_153 = arith.addi %mul3A_151, %add3A_152 : i32
      %add3A_154 = arith.constant 2 : i32
      %add3A_155 = arith.addi %add3A_153, %add3A_154 : i32
      %lt3A_156 = arith.constant 128 : i32
      %lt3A_157 = arith.cmpi slt, %add3A_155, %lt3A_156 : i32
      %convert_element_type3A_158 = arith.extui %lt3A_157 : i1 to i32
      %cond3A_159 = arith.constant 0 : i32
      %cond3A_160 = arith.cmpi ne, %convert_element_type3A_158, %cond3A_159 : i32
      scf.if %cond3A_160 {
        %add3A_327 = arith.constant 2 : i32
        %add3A_328 = arith.addi %add3A_153, %add3A_327 : i32
        %ge3A = arith.constant 4 : i32
        %ge3A_329 = arith.cmpi sge, %add3A_328, %ge3A : i32
        %convert_element_type3A_330 = arith.extui %ge3A_329 : i1 to i32
        %cond3A_331 = arith.constant 0 : i32
        %cond3A_332 = arith.cmpi ne, %convert_element_type3A_330, %cond3A_331 : i32
        scf.if %cond3A_332 {
          %sub3A = arith.constant 2 : i32
          %sub3A_363 = arith.subi %add3A_153, %sub3A : i32
          %mul3A_364 = arith.constant 8 : i32
          %mul3A_365 = arith.muli %sub3A_363, %mul3A_364 : i32
          %add3A_366 = arith.addi %mul3A_2, %mul3A_365 : i32
          %dma_wait3A_367 = arith.constant 3 : i32
          %dma_wait3A_368 = arith.constant 0 : i32
          %dma_wait3A_369 = arith.constant 0 : i32
          %dma_wait3A_370 = tpu.memref_slice %arg7[%dma_wait3A_367, %dma_wait3A_368, %dma_wait3A_369] : memref<4x8x1024xf32, #tpu.memory_space<vmem>> -> memref<1x8x1024xf32, #tpu.memory_space<vmem>>
          %dma_wait3A_371 = tpu.memref_squeeze %dma_wait3A_370 : memref<1x8x1024xf32, #tpu.memory_space<vmem>> -> memref<8x1024xf32, #tpu.memory_space<vmem>>
          %dma_wait3A_372 = arith.constant 0 : i32
          %dma_wait3A_373 = tpu.memref_slice %arg5[%add3A_366, %dma_wait3A_372] : memref<32768x1024xf32, #tpu.memory_space<hbm>> -> memref<8x1024xf32, #tpu.memory_space<hbm>>
          %dma_wait3A_374 = arith.constant 0 : i32
          %dma_wait3A_375 = tpu.memref_slice %arg5[%add3A_366, %dma_wait3A_374] : memref<32768x1024xf32, #tpu.memory_space<hbm>> -> memref<8x1024xf32, #tpu.memory_space<hbm>>
          %dma_wait3A_376 = arith.constant 0 : i32
          %dma_wait3A_377 = arith.constant 0 : i32
          %dma_wait3A_378 = tpu.memref_slice %arg7[%dma_wait3A_367, %dma_wait3A_376, %dma_wait3A_377] : memref<4x8x1024xf32, #tpu.memory_space<vmem>> -> memref<1x8x1024xf32, #tpu.memory_space<vmem>>
          %dma_wait3A_379 = tpu.memref_squeeze %dma_wait3A_378 : memref<1x8x1024xf32, #tpu.memory_space<vmem>> -> memref<8x1024xf32, #tpu.memory_space<vmem>>
          tpu.wait_dma2 semaphore(%arg16 : memref<!tpu.dma_semaphore, #tpu.memory_space<semaphore_mem>>) src(%dma_wait3A_379 : memref<8x1024xf32, #tpu.memory_space<vmem>>) dst(%dma_wait3A_375 : memref<8x1024xf32, #tpu.memory_space<hbm>>)
        } else {
        }
        %add3A_333 = arith.constant 2 : i32
        %add3A_334 = arith.addi %add3A_153, %add3A_333 : i32
        %mul3A_335 = arith.constant 8 : i32
        %mul3A_336 = arith.muli %add3A_334, %mul3A_335 : i32
        %add3A_337 = arith.addi %mul3A_2, %mul3A_336 : i32
        %mul3A_338 = arith.constant 8 : i32
        %mul3A_339 = arith.muli %add3A_334, %mul3A_338 : i32
        %multiple_of3A_340 = tpu.assume_multiple %mul3A_339, 8 : i32
        %dma_start3A_341 = arith.constant 3 : i32
        %dma_start3A_342 = arith.constant 0 : i32
        %dma_start3A_343 = arith.constant 0 : i32
        %dma_start3A_344 = tpu.memref_slice %arg8[%dma_start3A_341, %dma_start3A_342, %dma_start3A_343] : memref<4x8x1024xf32, #tpu.memory_space<vmem>> -> memref<1x8x1024xf32, #tpu.memory_space<vmem>>
        %dma_start3A_345 = tpu.memref_squeeze %dma_start3A_344 : memref<1x8x1024xf32, #tpu.memory_space<vmem>> -> memref<8x1024xf32, #tpu.memory_space<vmem>>
        %dma_start3A_346 = tpu.memref_slice %arg6[%multiple_of3A_340] : memref<1024xi32, #tpu.memory_space<vmem>> -> memref<8xi32, #tpu.memory_space<vmem>>
        %dma_start3A_347 = arith.constant 0 : i32
        %dma_start3A_348 = arith.constant 0 : i32
        %dma_start3A_349 = tpu.memref_slice %arg4[%dma_start3A_347, %dma_start3A_348] : memref<8193x1024xf32, #tpu.memory_space<hbm>> -> memref<8193x1024xf32, #tpu.memory_space<hbm>>
        tpu.enqueue_indirect_dma source(%dma_start3A_349 : memref<8193x1024xf32, #tpu.memory_space<hbm>>) target(%dma_start3A_345 : memref<8x1024xf32, #tpu.memory_space<vmem>>) offsets(%dma_start3A_346 : memref<8xi32, #tpu.memory_space<vmem>>) semaphore(%arg12 : memref<!tpu.dma_semaphore, #tpu.memory_space<semaphore_mem>>)
        %dma_start3A_350 = arith.constant 3 : i32
        %dma_start3A_351 = arith.constant 0 : i32
        %dma_start3A_352 = arith.constant 0 : i32
        %dma_start3A_353 = tpu.memref_slice %arg7[%dma_start3A_350, %dma_start3A_351, %dma_start3A_352] : memref<4x8x1024xf32, #tpu.memory_space<vmem>> -> memref<1x8x1024xf32, #tpu.memory_space<vmem>>
        %dma_start3A_354 = tpu.memref_squeeze %dma_start3A_353 : memref<1x8x1024xf32, #tpu.memory_space<vmem>> -> memref<8x1024xf32, #tpu.memory_space<vmem>>
        %dma_start3A_355 = arith.constant 0 : i32
        %dma_start3A_356 = tpu.memref_slice %arg2[%add3A_337, %dma_start3A_355] : memref<32768x1024xf32, #tpu.memory_space<hbm>> -> memref<8x1024xf32, #tpu.memory_space<hbm>>
        %dma_start3A_357 = arith.constant 0 : i32
        %dma_start3A_358 = arith.constant 0 : i32
        %dma_start3A_359 = tpu.memref_slice %arg7[%dma_start3A_350, %dma_start3A_357, %dma_start3A_358] : memref<4x8x1024xf32, #tpu.memory_space<vmem>> -> memref<1x8x1024xf32, #tpu.memory_space<vmem>>
        %dma_start3A_360 = tpu.memref_squeeze %dma_start3A_359 : memref<1x8x1024xf32, #tpu.memory_space<vmem>> -> memref<8x1024xf32, #tpu.memory_space<vmem>>
        %dma_start3A_361 = arith.constant 0 : i32
        %dma_start3A_362 = tpu.memref_slice %arg2[%add3A_337, %dma_start3A_361] : memref<32768x1024xf32, #tpu.memory_space<hbm>> -> memref<8x1024xf32, #tpu.memory_space<hbm>>
        tpu.enqueue_dma source(%dma_start3A_362 : memref<8x1024xf32, #tpu.memory_space<hbm>>) target(%dma_start3A_360 : memref<8x1024xf32, #tpu.memory_space<vmem>>) target_semaphore(%arg12 : memref<!tpu.dma_semaphore, #tpu.memory_space<semaphore_mem>>)
      } else {
      }
      %mul3A_161 = arith.constant 8 : i32
      %mul3A_162 = arith.muli %add3A_153, %mul3A_161 : i32
      %add3A_163 = arith.addi %mul3A_2, %mul3A_162 : i32
      %dma_wait3A_164 = arith.constant 1 : i32
      %dma_wait3A_165 = arith.constant 0 : i32
      %dma_wait3A_166 = arith.constant 0 : i32
      %dma_wait3A_167 = tpu.memref_slice %arg7[%dma_wait3A_164, %dma_wait3A_165, %dma_wait3A_166] : memref<4x8x1024xf32, #tpu.memory_space<vmem>> -> memref<1x8x1024xf32, #tpu.memory_space<vmem>>
      %dma_wait3A_168 = tpu.memref_squeeze %dma_wait3A_167 : memref<1x8x1024xf32, #tpu.memory_space<vmem>> -> memref<8x1024xf32, #tpu.memory_space<vmem>>
      %dma_wait3A_169 = arith.constant 0 : i32
      %dma_wait3A_170 = tpu.memref_slice %arg2[%add3A_163, %dma_wait3A_169] : memref<32768x1024xf32, #tpu.memory_space<hbm>> -> memref<8x1024xf32, #tpu.memory_space<hbm>>
      %dma_wait3A_171 = arith.constant 0 : i32
      %dma_wait3A_172 = arith.constant 0 : i32
      %dma_wait3A_173 = tpu.memref_slice %arg7[%dma_wait3A_164, %dma_wait3A_171, %dma_wait3A_172] : memref<4x8x1024xf32, #tpu.memory_space<vmem>> -> memref<1x8x1024xf32, #tpu.memory_space<vmem>>
      %dma_wait3A_174 = tpu.memref_squeeze %dma_wait3A_173 : memref<1x8x1024xf32, #tpu.memory_space<vmem>> -> memref<8x1024xf32, #tpu.memory_space<vmem>>
      %dma_wait3A_175 = arith.constant 0 : i32
      %dma_wait3A_176 = tpu.memref_slice %arg2[%add3A_163, %dma_wait3A_175] : memref<32768x1024xf32, #tpu.memory_space<hbm>> -> memref<8x1024xf32, #tpu.memory_space<hbm>>
      tpu.wait_dma2 semaphore(%arg10 : memref<!tpu.dma_semaphore, #tpu.memory_space<semaphore_mem>>) src(%dma_wait3A_176 : memref<8x1024xf32, #tpu.memory_space<hbm>>) dst(%dma_wait3A_174 : memref<8x1024xf32, #tpu.memory_space<vmem>>)
      %dma_wait3A_177 = arith.constant 1 : i32
      %dma_wait3A_178 = arith.constant 0 : i32
      %dma_wait3A_179 = arith.constant 0 : i32
      %dma_wait3A_180 = tpu.memref_slice %arg8[%dma_wait3A_177, %dma_wait3A_178, %dma_wait3A_179] : memref<4x8x1024xf32, #tpu.memory_space<vmem>> -> memref<1x8x1024xf32, #tpu.memory_space<vmem>>
      %dma_wait3A_181 = tpu.memref_squeeze %dma_wait3A_180 : memref<1x8x1024xf32, #tpu.memory_space<vmem>> -> memref<8x1024xf32, #tpu.memory_space<vmem>>
      %dma_wait3A_182 = arith.constant 0 : i32
      %dma_wait3A_183 = tpu.memref_slice %arg6[%dma_wait3A_182] : memref<1024xi32, #tpu.memory_space<vmem>> -> memref<8xi32, #tpu.memory_space<vmem>>
      %dma_wait3A_184 = arith.constant 0 : i32
      %dma_wait3A_185 = arith.constant 0 : i32
      %dma_wait3A_186 = tpu.memref_slice %arg4[%dma_wait3A_184, %dma_wait3A_185] : memref<8193x1024xf32, #tpu.memory_space<hbm>> -> memref<8193x1024xf32, #tpu.memory_space<hbm>>
      tpu.wait_indirect_dma semaphore(%arg10 : memref<!tpu.dma_semaphore, #tpu.memory_space<semaphore_mem>>) src(%dma_wait3A_186 : memref<8193x1024xf32, #tpu.memory_space<hbm>>) dst(%dma_wait3A_181 : memref<8x1024xf32, #tpu.memory_space<vmem>>)
      %scan3A_187 = arith.constant 0 : i32
      %scan3A_188 = arith.constant 0 : i32
      %scan3A_189 = arith.constant 8 : i32
      %scan3A_190 = arith.addi %scan3A_188, %scan3A_189 : i32
      %scan3A_191 = arith.constant 1 : i32
      scf.for %scan3A_327 = %scan3A_188 to %scan3A_190 step %scan3A_191  : i32 {
        %get3A = arith.constant 1 : i32
        %get3A_328 = arith.index_cast %get3A : i32 to index
        %get3A_329 = arith.index_cast %scan3A_327 : i32 to index
        %get3A_330 = arith.constant 0 : index
        %get3A_331 = tpu.vector_load %arg8[%get3A_328, %get3A_329, %get3A_330] {strides = array<i32>} : memref<4x8x1024xf32, #tpu.memory_space<vmem>>, vector<1x1x16xf32>,
        %get3A_332 = vector.shape_cast %get3A_331 : vector<1x1x16xf32> to vector<16xf32>
        %swap3A = arith.constant 1 : i32
        %swap3A_333 = arith.index_cast %swap3A : i32 to index
        %swap3A_334 = arith.index_cast %scan3A_327 : i32 to index
        %swap3A_335 = arith.constant 0 : index
        %swap3A_336 = tpu.vector_load %arg7[%swap3A_333, %swap3A_334, %swap3A_335] {strides = array<i32>} : memref<4x8x1024xf32, #tpu.memory_space<vmem>>, vector<1x1x16xf32>,
        %swap3A_337 = vector.shape_cast %swap3A_336 : vector<1x1x16xf32> to vector<16xf32>
        %swap3A_338 = vector.shape_cast %get3A_332 : vector<16xf32> to vector<1x1x16xf32>
        tpu.vector_store %arg7[%swap3A_333, %swap3A_334, %swap3A_335], %swap3A_338 {add = true, strides = array<i32>} : memref<4x8x1024xf32, #tpu.memory_space<vmem>>, vector<1x1x16xf32>,
        %get3A_339 = arith.constant 1 : i32
        %get3A_340 = arith.index_cast %get3A_339 : i32 to index
        %get3A_341 = arith.index_cast %scan3A_327 : i32 to index
        %get3A_342 = arith.constant 16 : index
        %get3A_343 = tpu.vector_load %arg8[%get3A_340, %get3A_341, %get3A_342] {strides = array<i32>} : memref<4x8x1024xf32, #tpu.memory_space<vmem>>, vector<1x1x16xf32>,
        %get3A_344 = vector.shape_cast %get3A_343 : vector<1x1x16xf32> to vector<16xf32>
        %swap3A_345 = arith.constant 1 : i32
        %swap3A_346 = arith.index_cast %swap3A_345 : i32 to index
        %swap3A_347 = arith.index_cast %scan3A_327 : i32 to index
        %swap3A_348 = arith.constant 16 : index
        %swap3A_349 = tpu.vector_load %arg7[%swap3A_346, %swap3A_347, %swap3A_348] {strides = array<i32>} : memref<4x8x1024xf32, #tpu.memory_space<vmem>>, vector<1x1x16xf32>,
        %swap3A_350 = vector.shape_cast %swap3A_349 : vector<1x1x16xf32> to vector<16xf32>
        %swap3A_351 = vector.shape_cast %get3A_344 : vector<16xf32> to vector<1x1x16xf32>
        tpu.vector_store %arg7[%swap3A_346, %swap3A_347, %swap3A_348], %swap3A_351 {add = true, strides = array<i32>} : memref<4x8x1024xf32, #tpu.memory_space<vmem>>, vector<1x1x16xf32>,
        %get3A_352 = arith.constant 1 : i32
        %get3A_353 = arith.index_cast %get3A_352 : i32 to index
        %get3A_354 = arith.index_cast %scan3A_327 : i32 to index
        %get3A_355 = arith.constant 32 : index
        %get3A_356 = tpu.vector_load %arg8[%get3A_353, %get3A_354, %get3A_355] {strides = array<i32>} : memref<4x8x1024xf32, #tpu.memory_space<vmem>>, vector<1x1x16xf32>,
        %get3A_357 = vector.shape_cast %get3A_356 : vector<1x1x16xf32> to vector<16xf32>
        %swap3A_358 = arith.constant 1 : i32
        %swap3A_359 = arith.index_cast %swap3A_358 : i32 to index
        %swap3A_360 = arith.index_cast %scan3A_327 : i32 to index
        %swap3A_361 = arith.constant 32 : index
        %swap3A_362 = tpu.vector_load %arg7[%swap3A_359, %swap3A_360, %swap3A_361] {strides = array<i32>} : memref<4x8x1024xf32, #tpu.memory_space<vmem>>, vector<1x1x16xf32>,
        %swap3A_363 = vector.shape_cast %swap3A_362 : vector<1x1x16xf32> to vector<16xf32>
        %swap3A_364 = vector.shape_cast %get3A_357 : vector<16xf32> to vector<1x1x16xf32>
        tpu.vector_store %arg7[%swap3A_359, %swap3A_360, %swap3A_361], %swap3A_364 {add = true, strides = array<i32>} : memref<4x8x1024xf32, #tpu.memory_space<vmem>>, vector<1x1x16xf32>,
        %get3A_365 = arith.constant 1 : i32
        %get3A_366 = arith.index_cast %get3A_365 : i32 to index
        %get3A_367 = arith.index_cast %scan3A_327 : i32 to index
        %get3A_368 = arith.constant 48 : index
        %get3A_369 = tpu.vector_load %arg8[%get3A_366, %get3A_367, %get3A_368] {strides = array<i32>} : memref<4x8x1024xf32, #tpu.memory_space<vmem>>, vector<1x1x16xf32>,
        %get3A_370 = vector.shape_cast %get3A_369 : vector<1x1x16xf32> to vector<16xf32>
        %swap3A_371 = arith.constant 1 : i32
        %swap3A_372 = arith.index_cast %swap3A_371 : i32 to index
        %swap3A_373 = arith.index_cast %scan3A_327 : i32 to index
        %swap3A_374 = arith.constant 48 : index
        %swap3A_375 = tpu.vector_load %arg7[%swap3A_372, %swap3A_373, %swap3A_374] {strides = array<i32>} : memref<4x8x1024xf32, #tpu.memory_space<vmem>>, vector<1x1x16xf32>,
        %swap3A_376 = vector.shape_cast %swap3A_375 : vector<1x1x16xf32> to vector<16xf32>
        %swap3A_377 = vector.shape_cast %get3A_370 : vector<16xf32> to vector<1x1x16xf32>
        tpu.vector_store %arg7[%swap3A_372, %swap3A_373, %swap3A_374], %swap3A_377 {add = true, strides = array<i32>} : memref<4x8x1024xf32, #tpu.memory_space<vmem>>, vector<1x1x16xf32>,
        %get3A_378 = arith.constant 1 : i32
        %get3A_379 = arith.index_cast %get3A_378 : i32 to index
        %get3A_380 = arith.index_cast %scan3A_327 : i32 to index
        %get3A_381 = arith.constant 64 : index
        %get3A_382 = tpu.vector_load %arg8[%get3A_379, %get3A_380, %get3A_381] {strides = array<i32>} : memref<4x8x1024xf32, #tpu.memory_space<vmem>>, vector<1x1x16xf32>,
        %get3A_383 = vector.shape_cast %get3A_382 : vector<1x1x16xf32> to vector<16xf32>
        %swap3A_384 = arith.constant 1 : i32
        %swap3A_385 = arith.index_cast %swap3A_384 : i32 to index
        %swap3A_386 = arith.index_cast %scan3A_327 : i32 to index
        %swap3A_387 = arith.constant 64 : index
        %swap3A_388 = tpu.vector_load %arg7[%swap3A_385, %swap3A_386, %swap3A_387] {strides = array<i32>} : memref<4x8x1024xf32, #tpu.memory_space<vmem>>, vector<1x1x16xf32>,
        %swap3A_389 = vector.shape_cast %swap3A_388 : vector<1x1x16xf32> to vector<16xf32>
        %swap3A_390 = vector.shape_cast %get3A_383 : vector<16xf32> to vector<1x1x16xf32>
        tpu.vector_store %arg7[%swap3A_385, %swap3A_386, %swap3A_387], %swap3A_390 {add = true, strides = array<i32>} : memref<4x8x1024xf32, #tpu.memory_space<vmem>>, vector<1x1x16xf32>,
        %get3A_391 = arith.constant 1 : i32
        %get3A_392 = arith.index_cast %get3A_391 : i32 to index
        %get3A_393 = arith.index_cast %scan3A_327 : i32 to index
        %get3A_394 = arith.constant 80 : index
        %get3A_395 = tpu.vector_load %arg8[%get3A_392, %get3A_393, %get3A_394] {strides = array<i32>} : memref<4x8x1024xf32, #tpu.memory_space<vmem>>, vector<1x1x16xf32>,
        %get3A_396 = vector.shape_cast %get3A_395 : vector<1x1x16xf32> to vector<16xf32>
        %swap3A_397 = arith.constant 1 : i32
        %swap3A_398 = arith.index_cast %swap3A_397 : i32 to index
        %swap3A_399 = arith.index_cast %scan3A_327 : i32 to index
        %swap3A_400 = arith.constant 80 : index
        %swap3A_401 = tpu.vector_load %arg7[%swap3A_398, %swap3A_399, %swap3A_400] {strides = array<i32>} : memref<4x8x1024xf32, #tpu.memory_space<vmem>>, vector<1x1x16xf32>,
        %swap3A_402 = vector.shape_cast %swap3A_401 : vector<1x1x16xf32> to vector<16xf32>
        %swap3A_403 = vector.shape_cast %get3A_396 : vector<16xf32> to vector<1x1x16xf32>
        tpu.vector_store %arg7[%swap3A_398, %swap3A_399, %swap3A_400], %swap3A_403 {add = true, strides = array<i32>} : memref<4x8x1024xf32, #tpu.memory_space<vmem>>, vector<1x1x16xf32>,
        %get3A_404 = arith.constant 1 : i32
        %get3A_405 = arith.index_cast %get3A_404 : i32 to index
        %get3A_406 = arith.index_cast %scan3A_327 : i32 to index
        %get3A_407 = arith.constant 96 : index
        %get3A_408 = tpu.vector_load %arg8[%get3A_405, %get3A_406, %get3A_407] {strides = array<i32>} : memref<4x8x1024xf32, #tpu.memory_space<vmem>>, vector<1x1x16xf32>,
        %get3A_409 = vector.shape_cast %get3A_408 : vector<1x1x16xf32> to vector<16xf32>
        %swap3A_410 = arith.constant 1 : i32
        %swap3A_411 = arith.index_cast %swap3A_410 : i32 to index
        %swap3A_412 = arith.index_cast %scan3A_327 : i32 to index
        %swap3A_413 = arith.constant 96 : index
        %swap3A_414 = tpu.vector_load %arg7[%swap3A_411, %swap3A_412, %swap3A_413] {strides = array<i32>} : memref<4x8x1024xf32, #tpu.memory_space<vmem>>, vector<1x1x16xf32>,
        %swap3A_415 = vector.shape_cast %swap3A_414 : vector<1x1x16xf32> to vector<16xf32>
        %swap3A_416 = vector.shape_cast %get3A_409 : vector<16xf32> to vector<1x1x16xf32>
        tpu.vector_store %arg7[%swap3A_411, %swap3A_412, %swap3A_413], %swap3A_416 {add = true, strides = array<i32>} : memref<4x8x1024xf32, #tpu.memory_space<vmem>>, vector<1x1x16xf32>,
        %get3A_417 = arith.constant 1 : i32
        %get3A_418 = arith.index_cast %get3A_417 : i32 to index
        %get3A_419 = arith.index_cast %scan3A_327 : i32 to index
        %get3A_420 = arith.constant 112 : index
        %get3A_421 = tpu.vector_load %arg8[%get3A_418, %get3A_419, %get3A_420] {strides = array<i32>} : memref<4x8x1024xf32, #tpu.memory_space<vmem>>, vector<1x1x16xf32>,
        %get3A_422 = vector.shape_cast %get3A_421 : vector<1x1x16xf32> to vector<16xf32>
        %swap3A_423 = arith.constant 1 : i32
        %swap3A_424 = arith.index_cast %swap3A_423 : i32 to index
        %swap3A_425 = arith.index_cast %scan3A_327 : i32 to index
        %swap3A_426 = arith.constant 112 : index
        %swap3A_427 = tpu.vector_load %arg7[%swap3A_424, %swap3A_425, %swap3A_426] {strides = array<i32>} : memref<4x8x1024xf32, #tpu.memory_space<vmem>>, vector<1x1x16xf32>,
        %swap3A_428 = vector.shape_cast %swap3A_427 : vector<1x1x16xf32> to vector<16xf32>
        %swap3A_429 = vector.shape_cast %get3A_422 : vector<16xf32> to vector<1x1x16xf32>
        tpu.vector_store %arg7[%swap3A_424, %swap3A_425, %swap3A_426], %swap3A_429 {add = true, strides = array<i32>} : memref<4x8x1024xf32, #tpu.memory_space<vmem>>, vector<1x1x16xf32>,
        %get3A_430 = arith.constant 1 : i32
        %get3A_431 = arith.index_cast %get3A_430 : i32 to index
        %get3A_432 = arith.index_cast %scan3A_327 : i32 to index
        %get3A_433 = arith.constant 128 : index
        %get3A_434 = tpu.vector_load %arg8[%get3A_431, %get3A_432, %get3A_433] {strides = array<i32>} : memref<4x8x1024xf32, #tpu.memory_space<vmem>>, vector<1x1x16xf32>,
        %get3A_435 = vector.shape_cast %get3A_434 : vector<1x1x16xf32> to vector<16xf32>
        %swap3A_436 = arith.constant 1 : i32
        %swap3A_437 = arith.index_cast %swap3A_436 : i32 to index
        %swap3A_438 = arith.index_cast %scan3A_327 : i32 to index
        %swap3A_439 = arith.constant 128 : index
        %swap3A_440 = tpu.vector_load %arg7[%swap3A_437, %swap3A_438, %swap3A_439] {strides = array<i32>} : memref<4x8x1024xf32, #tpu.memory_space<vmem>>, vector<1x1x16xf32>,
        %swap3A_441 = vector.shape_cast %swap3A_440 : vector<1x1x16xf32> to vector<16xf32>
        %swap3A_442 = vector.shape_cast %get3A_435 : vector<16xf32> to vector<1x1x16xf32>
        tpu.vector_store %arg7[%swap3A_437, %swap3A_438, %swap3A_439], %swap3A_442 {add = true, strides = array<i32>} : memref<4x8x1024xf32, #tpu.memory_space<vmem>>, vector<1x1x16xf32>,
        %get3A_443 = arith.constant 1 : i32
        %get3A_444 = arith.index_cast %get3A_443 : i32 to index
        %get3A_445 = arith.index_cast %scan3A_327 : i32 to index
        %get3A_446 = arith.constant 144 : index
        %get3A_447 = tpu.vector_load %arg8[%get3A_444, %get3A_445, %get3A_446] {strides = array<i32>} : memref<4x8x1024xf32, #tpu.memory_space<vmem>>, vector<1x1x16xf32>,
        %get3A_448 = vector.shape_cast %get3A_447 : vector<1x1x16xf32> to vector<16xf32>
        %swap3A_449 = arith.constant 1 : i32
        %swap3A_450 = arith.index_cast %swap3A_449 : i32 to index
        %swap3A_451 = arith.index_cast %scan3A_327 : i32 to index
        %swap3A_452 = arith.constant 144 : index
        %swap3A_453 = tpu.vector_load %arg7[%swap3A_450, %swap3A_451, %swap3A_452] {strides = array<i32>} : memref<4x8x1024xf32, #tpu.memory_space<vmem>>, vector<1x1x16xf32>,
        %swap3A_454 = vector.shape_cast %swap3A_453 : vector<1x1x16xf32> to vector<16xf32>
        %swap3A_455 = vector.shape_cast %get3A_448 : vector<16xf32> to vector<1x1x16xf32>
        tpu.vector_store %arg7[%swap3A_450, %swap3A_451, %swap3A_452], %swap3A_455 {add = true, strides = array<i32>} : memref<4x8x1024xf32, #tpu.memory_space<vmem>>, vector<1x1x16xf32>,
        %get3A_456 = arith.constant 1 : i32
        %get3A_457 = arith.index_cast %get3A_456 : i32 to index
        %get3A_458 = arith.index_cast %scan3A_327 : i32 to index
        %get3A_459 = arith.constant 160 : index
        %get3A_460 = tpu.vector_load %arg8[%get3A_457, %get3A_458, %get3A_459] {strides = array<i32>} : memref<4x8x1024xf32, #tpu.memory_space<vmem>>, vector<1x1x16xf32>,
        %get3A_461 = vector.shape_cast %get3A_460 : vector<1x1x16xf32> to vector<16xf32>
        %swap3A_462 = arith.constant 1 : i32
        %swap3A_463 = arith.index_cast %swap3A_462 : i32 to index
        %swap3A_464 = arith.index_cast %scan3A_327 : i32 to index
        %swap3A_465 = arith.constant 160 : index
        %swap3A_466 = tpu.vector_load %arg7[%swap3A_463, %swap3A_464, %swap3A_465] {strides = array<i32>} : memref<4x8x1024xf32, #tpu.memory_space<vmem>>, vector<1x1x16xf32>,
        %swap3A_467 = vector.shape_cast %swap3A_466 : vector<1x1x16xf32> to vector<16xf32>
        %swap3A_468 = vector.shape_cast %get3A_461 : vector<16xf32> to vector<1x1x16xf32>
        tpu.vector_store %arg7[%swap3A_463, %swap3A_464, %swap3A_465], %swap3A_468 {add = true, strides = array<i32>} : memref<4x8x1024xf32, #tpu.memory_space<vmem>>, vector<1x1x16xf32>,
        %get3A_469 = arith.constant 1 : i32
        %get3A_470 = arith.index_cast %get3A_469 : i32 to index
        %get3A_471 = arith.index_cast %scan3A_327 : i32 to index
        %get3A_472 = arith.constant 176 : index
        %get3A_473 = tpu.vector_load %arg8[%get3A_470, %get3A_471, %get3A_472] {strides = array<i32>} : memref<4x8x1024xf32, #tpu.memory_space<vmem>>, vector<1x1x16xf32>,
        %get3A_474 = vector.shape_cast %get3A_473 : vector<1x1x16xf32> to vector<16xf32>
        %swap3A_475 = arith.constant 1 : i32
        %swap3A_476 = arith.index_cast %swap3A_475 : i32 to index
        %swap3A_477 = arith.index_cast %scan3A_327 : i32 to index
        %swap3A_478 = arith.constant 176 : index
        %swap3A_479 = tpu.vector_load %arg7[%swap3A_476, %swap3A_477, %swap3A_478] {strides = array<i32>} : memref<4x8x1024xf32, #tpu.memory_space<vmem>>, vector<1x1x16xf32>,
        %swap3A_480 = vector.shape_cast %swap3A_479 : vector<1x1x16xf32> to vector<16xf32>
        %swap3A_481 = vector.shape_cast %get3A_474 : vector<16xf32> to vector<1x1x16xf32>
        tpu.vector_store %arg7[%swap3A_476, %swap3A_477, %swap3A_478], %swap3A_481 {add = true, strides = array<i32>} : memref<4x8x1024xf32, #tpu.memory_space<vmem>>, vector<1x1x16xf32>,
        %get3A_482 = arith.constant 1 : i32
        %get3A_483 = arith.index_cast %get3A_482 : i32 to index
        %get3A_484 = arith.index_cast %scan3A_327 : i32 to index
        %get3A_485 = arith.constant 192 : index
        %get3A_486 = tpu.vector_load %arg8[%get3A_483, %get3A_484, %get3A_485] {strides = array<i32>} : memref<4x8x1024xf32, #tpu.memory_space<vmem>>, vector<1x1x16xf32>,
        %get3A_487 = vector.shape_cast %get3A_486 : vector<1x1x16xf32> to vector<16xf32>
        %swap3A_488 = arith.constant 1 : i32
        %swap3A_489 = arith.index_cast %swap3A_488 : i32 to index
        %swap3A_490 = arith.index_cast %scan3A_327 : i32 to index
        %swap3A_491 = arith.constant 192 : index
        %swap3A_492 = tpu.vector_load %arg7[%swap3A_489, %swap3A_490, %swap3A_491] {strides = array<i32>} : memref<4x8x1024xf32, #tpu.memory_space<vmem>>, vector<1x1x16xf32>,
        %swap3A_493 = vector.shape_cast %swap3A_492 : vector<1x1x16xf32> to vector<16xf32>
        %swap3A_494 = vector.shape_cast %get3A_487 : vector<16xf32> to vector<1x1x16xf32>
        tpu.vector_store %arg7[%swap3A_489, %swap3A_490, %swap3A_491], %swap3A_494 {add = true, strides = array<i32>} : memref<4x8x1024xf32, #tpu.memory_space<vmem>>, vector<1x1x16xf32>,
        %get3A_495 = arith.constant 1 : i32
        %get3A_496 = arith.index_cast %get3A_495 : i32 to index
        %get3A_497 = arith.index_cast %scan3A_327 : i32 to index
        %get3A_498 = arith.constant 208 : index
        %get3A_499 = tpu.vector_load %arg8[%get3A_496, %get3A_497, %get3A_498] {strides = array<i32>} : memref<4x8x1024xf32, #tpu.memory_space<vmem>>, vector<1x1x16xf32>,
        %get3A_500 = vector.shape_cast %get3A_499 : vector<1x1x16xf32> to vector<16xf32>
        %swap3A_501 = arith.constant 1 : i32
        %swap3A_502 = arith.index_cast %swap3A_501 : i32 to index
        %swap3A_503 = arith.index_cast %scan3A_327 : i32 to index
        %swap3A_504 = arith.constant 208 : index
        %swap3A_505 = tpu.vector_load %arg7[%swap3A_502, %swap3A_503, %swap3A_504] {strides = array<i32>} : memref<4x8x1024xf32, #tpu.memory_space<vmem>>, vector<1x1x16xf32>,
        %swap3A_506 = vector.shape_cast %swap3A_505 : vector<1x1x16xf32> to vector<16xf32>
        %swap3A_507 = vector.shape_cast %get3A_500 : vector<16xf32> to vector<1x1x16xf32>
        tpu.vector_store %arg7[%swap3A_502, %swap3A_503, %swap3A_504], %swap3A_507 {add = true, strides = array<i32>} : memref<4x8x1024xf32, #tpu.memory_space<vmem>>, vector<1x1x16xf32>,
        %get3A_508 = arith.constant 1 : i32
        %get3A_509 = arith.index_cast %get3A_508 : i32 to index
        %get3A_510 = arith.index_cast %scan3A_327 : i32 to index
        %get3A_511 = arith.constant 224 : index
        %get3A_512 = tpu.vector_load %arg8[%get3A_509, %get3A_510, %get3A_511] {strides = array<i32>} : memref<4x8x1024xf32, #tpu.memory_space<vmem>>, vector<1x1x16xf32>,
        %get3A_513 = vector.shape_cast %get3A_512 : vector<1x1x16xf32> to vector<16xf32>
        %swap3A_514 = arith.constant 1 : i32
        %swap3A_515 = arith.index_cast %swap3A_514 : i32 to index
        %swap3A_516 = arith.index_cast %scan3A_327 : i32 to index
        %swap3A_517 = arith.constant 224 : index
        %swap3A_518 = tpu.vector_load %arg7[%swap3A_515, %swap3A_516, %swap3A_517] {strides = array<i32>} : memref<4x8x1024xf32, #tpu.memory_space<vmem>>, vector<1x1x16xf32>,
        %swap3A_519 = vector.shape_cast %swap3A_518 : vector<1x1x16xf32> to vector<16xf32>
        %swap3A_520 = vector.shape_cast %get3A_513 : vector<16xf32> to vector<1x1x16xf32>
        tpu.vector_store %arg7[%swap3A_515, %swap3A_516, %swap3A_517], %swap3A_520 {add = true, strides = array<i32>} : memref<4x8x1024xf32, #tpu.memory_space<vmem>>, vector<1x1x16xf32>,
        %get3A_521 = arith.constant 1 : i32
        %get3A_522 = arith.index_cast %get3A_521 : i32 to index
        %get3A_523 = arith.index_cast %scan3A_327 : i32 to index
        %get3A_524 = arith.constant 240 : index
        %get3A_525 = tpu.vector_load %arg8[%get3A_522, %get3A_523, %get3A_524] {strides = array<i32>} : memref<4x8x1024xf32, #tpu.memory_space<vmem>>, vector<1x1x16xf32>,
        %get3A_526 = vector.shape_cast %get3A_525 : vector<1x1x16xf32> to vector<16xf32>
        %swap3A_527 = arith.constant 1 : i32
        %swap3A_528 = arith.index_cast %swap3A_527 : i32 to index
        %swap3A_529 = arith.index_cast %scan3A_327 : i32 to index
        %swap3A_530 = arith.constant 240 : index
        %swap3A_531 = tpu.vector_load %arg7[%swap3A_528, %swap3A_529, %swap3A_530] {strides = array<i32>} : memref<4x8x1024xf32, #tpu.memory_space<vmem>>, vector<1x1x16xf32>,
        %swap3A_532 = vector.shape_cast %swap3A_531 : vector<1x1x16xf32> to vector<16xf32>
        %swap3A_533 = vector.shape_cast %get3A_526 : vector<16xf32> to vector<1x1x16xf32>
        tpu.vector_store %arg7[%swap3A_528, %swap3A_529, %swap3A_530], %swap3A_533 {add = true, strides = array<i32>} : memref<4x8x1024xf32, #tpu.memory_space<vmem>>, vector<1x1x16xf32>,
        %get3A_534 = arith.constant 1 : i32
        %get3A_535 = arith.index_cast %get3A_534 : i32 to index
        %get3A_536 = arith.index_cast %scan3A_327 : i32 to index
        %get3A_537 = arith.constant 256 : index
        %get3A_538 = tpu.vector_load %arg8[%get3A_535, %get3A_536, %get3A_537] {strides = array<i32>} : memref<4x8x1024xf32, #tpu.memory_space<vmem>>, vector<1x1x16xf32>,
        %get3A_539 = vector.shape_cast %get3A_538 : vector<1x1x16xf32> to vector<16xf32>
        %swap3A_540 = arith.constant 1 : i32
        %swap3A_541 = arith.index_cast %swap3A_540 : i32 to index
        %swap3A_542 = arith.index_cast %scan3A_327 : i32 to index
        %swap3A_543 = arith.constant 256 : index
        %swap3A_544 = tpu.vector_load %arg7[%swap3A_541, %swap3A_542, %swap3A_543] {strides = array<i32>} : memref<4x8x1024xf32, #tpu.memory_space<vmem>>, vector<1x1x16xf32>,
        %swap3A_545 = vector.shape_cast %swap3A_544 : vector<1x1x16xf32> to vector<16xf32>
        %swap3A_546 = vector.shape_cast %get3A_539 : vector<16xf32> to vector<1x1x16xf32>
        tpu.vector_store %arg7[%swap3A_541, %swap3A_542, %swap3A_543], %swap3A_546 {add = true, strides = array<i32>} : memref<4x8x1024xf32, #tpu.memory_space<vmem>>, vector<1x1x16xf32>,
        %get3A_547 = arith.constant 1 : i32
        %get3A_548 = arith.index_cast %get3A_547 : i32 to index
        %get3A_549 = arith.index_cast %scan3A_327 : i32 to index
        %get3A_550 = arith.constant 272 : index
        %get3A_551 = tpu.vector_load %arg8[%get3A_548, %get3A_549, %get3A_550] {strides = array<i32>} : memref<4x8x1024xf32, #tpu.memory_space<vmem>>, vector<1x1x16xf32>,
        %get3A_552 = vector.shape_cast %get3A_551 : vector<1x1x16xf32> to vector<16xf32>
        %swap3A_553 = arith.constant 1 : i32
        %swap3A_554 = arith.index_cast %swap3A_553 : i32 to index
        %swap3A_555 = arith.index_cast %scan3A_327 : i32 to index
        %swap3A_556 = arith.constant 272 : index
        %swap3A_557 = tpu.vector_load %arg7[%swap3A_554, %swap3A_555, %swap3A_556] {strides = array<i32>} : memref<4x8x1024xf32, #tpu.memory_space<vmem>>, vector<1x1x16xf32>,
        %swap3A_558 = vector.shape_cast %swap3A_557 : vector<1x1x16xf32> to vector<16xf32>
        %swap3A_559 = vector.shape_cast %get3A_552 : vector<16xf32> to vector<1x1x16xf32>
        tpu.vector_store %arg7[%swap3A_554, %swap3A_555, %swap3A_556], %swap3A_559 {add = true, strides = array<i32>} : memref<4x8x1024xf32, #tpu.memory_space<vmem>>, vector<1x1x16xf32>,
        %get3A_560 = arith.constant 1 : i32
        %get3A_561 = arith.index_cast %get3A_560 : i32 to index
        %get3A_562 = arith.index_cast %scan3A_327 : i32 to index
        %get3A_563 = arith.constant 288 : index
        %get3A_564 = tpu.vector_load %arg8[%get3A_561, %get3A_562, %get3A_563] {strides = array<i32>} : memref<4x8x1024xf32, #tpu.memory_space<vmem>>, vector<1x1x16xf32>,
        %get3A_565 = vector.shape_cast %get3A_564 : vector<1x1x16xf32> to vector<16xf32>
        %swap3A_566 = arith.constant 1 : i32
        %swap3A_567 = arith.index_cast %swap3A_566 : i32 to index
        %swap3A_568 = arith.index_cast %scan3A_327 : i32 to index
        %swap3A_569 = arith.constant 288 : index
        %swap3A_570 = tpu.vector_load %arg7[%swap3A_567, %swap3A_568, %swap3A_569] {strides = array<i32>} : memref<4x8x1024xf32, #tpu.memory_space<vmem>>, vector<1x1x16xf32>,
        %swap3A_571 = vector.shape_cast %swap3A_570 : vector<1x1x16xf32> to vector<16xf32>
        %swap3A_572 = vector.shape_cast %get3A_565 : vector<16xf32> to vector<1x1x16xf32>
        tpu.vector_store %arg7[%swap3A_567, %swap3A_568, %swap3A_569], %swap3A_572 {add = true, strides = array<i32>} : memref<4x8x1024xf32, #tpu.memory_space<vmem>>, vector<1x1x16xf32>,
        %get3A_573 = arith.constant 1 : i32
        %get3A_574 = arith.index_cast %get3A_573 : i32 to index
        %get3A_575 = arith.index_cast %scan3A_327 : i32 to index
        %get3A_576 = arith.constant 304 : index
        %get3A_577 = tpu.vector_load %arg8[%get3A_574, %get3A_575, %get3A_576] {strides = array<i32>} : memref<4x8x1024xf32, #tpu.memory_space<vmem>>, vector<1x1x16xf32>,
        %get3A_578 = vector.shape_cast %get3A_577 : vector<1x1x16xf32> to vector<16xf32>
        %swap3A_579 = arith.constant 1 : i32
        %swap3A_580 = arith.index_cast %swap3A_579 : i32 to index
        %swap3A_581 = arith.index_cast %scan3A_327 : i32 to index
        %swap3A_582 = arith.constant 304 : index
        %swap3A_583 = tpu.vector_load %arg7[%swap3A_580, %swap3A_581, %swap3A_582] {strides = array<i32>} : memref<4x8x1024xf32, #tpu.memory_space<vmem>>, vector<1x1x16xf32>,
        %swap3A_584 = vector.shape_cast %swap3A_583 : vector<1x1x16xf32> to vector<16xf32>
        %swap3A_585 = vector.shape_cast %get3A_578 : vector<16xf32> to vector<1x1x16xf32>
        tpu.vector_store %arg7[%swap3A_580, %swap3A_581, %swap3A_582], %swap3A_585 {add = true, strides = array<i32>} : memref<4x8x1024xf32, #tpu.memory_space<vmem>>, vector<1x1x16xf32>,
        %get3A_586 = arith.constant 1 : i32
        %get3A_587 = arith.index_cast %get3A_586 : i32 to index
        %get3A_588 = arith.index_cast %scan3A_327 : i32 to index
        %get3A_589 = arith.constant 320 : index
        %get3A_590 = tpu.vector_load %arg8[%get3A_587, %get3A_588, %get3A_589] {strides = array<i32>} : memref<4x8x1024xf32, #tpu.memory_space<vmem>>, vector<1x1x16xf32>,
        %get3A_591 = vector.shape_cast %get3A_590 : vector<1x1x16xf32> to vector<16xf32>
        %swap3A_592 = arith.constant 1 : i32
        %swap3A_593 = arith.index_cast %swap3A_592 : i32 to index
        %swap3A_594 = arith.index_cast %scan3A_327 : i32 to index
        %swap3A_595 = arith.constant 320 : index
        %swap3A_596 = tpu.vector_load %arg7[%swap3A_593, %swap3A_594, %swap3A_595] {strides = array<i32>} : memref<4x8x1024xf32, #tpu.memory_space<vmem>>, vector<1x1x16xf32>,
        %swap3A_597 = vector.shape_cast %swap3A_596 : vector<1x1x16xf32> to vector<16xf32>
        %swap3A_598 = vector.shape_cast %get3A_591 : vector<16xf32> to vector<1x1x16xf32>
        tpu.vector_store %arg7[%swap3A_593, %swap3A_594, %swap3A_595], %swap3A_598 {add = true, strides = array<i32>} : memref<4x8x1024xf32, #tpu.memory_space<vmem>>, vector<1x1x16xf32>,
        %get3A_599 = arith.constant 1 : i32
        %get3A_600 = arith.index_cast %get3A_599 : i32 to index
        %get3A_601 = arith.index_cast %scan3A_327 : i32 to index
        %get3A_602 = arith.constant 336 : index
        %get3A_603 = tpu.vector_load %arg8[%get3A_600, %get3A_601, %get3A_602] {strides = array<i32>} : memref<4x8x1024xf32, #tpu.memory_space<vmem>>, vector<1x1x16xf32>,
        %get3A_604 = vector.shape_cast %get3A_603 : vector<1x1x16xf32> to vector<16xf32>
        %swap3A_605 = arith.constant 1 : i32
        %swap3A_606 = arith.index_cast %swap3A_605 : i32 to index
        %swap3A_607 = arith.index_cast %scan3A_327 : i32 to index
        %swap3A_608 = arith.constant 336 : index
        %swap3A_609 = tpu.vector_load %arg7[%swap3A_606, %swap3A_607, %swap3A_608] {strides = array<i32>} : memref<4x8x1024xf32, #tpu.memory_space<vmem>>, vector<1x1x16xf32>,
        %swap3A_610 = vector.shape_cast %swap3A_609 : vector<1x1x16xf32> to vector<16xf32>
        %swap3A_611 = vector.shape_cast %get3A_604 : vector<16xf32> to vector<1x1x16xf32>
        tpu.vector_store %arg7[%swap3A_606, %swap3A_607, %swap3A_608], %swap3A_611 {add = true, strides = array<i32>} : memref<4x8x1024xf32, #tpu.memory_space<vmem>>, vector<1x1x16xf32>,
        %get3A_612 = arith.constant 1 : i32
        %get3A_613 = arith.index_cast %get3A_612 : i32 to index
        %get3A_614 = arith.index_cast %scan3A_327 : i32 to index
        %get3A_615 = arith.constant 352 : index
        %get3A_616 = tpu.vector_load %arg8[%get3A_613, %get3A_614, %get3A_615] {strides = array<i32>} : memref<4x8x1024xf32, #tpu.memory_space<vmem>>, vector<1x1x16xf32>,
        %get3A_617 = vector.shape_cast %get3A_616 : vector<1x1x16xf32> to vector<16xf32>
        %swap3A_618 = arith.constant 1 : i32
        %swap3A_619 = arith.index_cast %swap3A_618 : i32 to index
        %swap3A_620 = arith.index_cast %scan3A_327 : i32 to index
        %swap3A_621 = arith.constant 352 : index
        %swap3A_622 = tpu.vector_load %arg7[%swap3A_619, %swap3A_620, %swap3A_621] {strides = array<i32>} : memref<4x8x1024xf32, #tpu.memory_space<vmem>>, vector<1x1x16xf32>,
        %swap3A_623 = vector.shape_cast %swap3A_622 : vector<1x1x16xf32> to vector<16xf32>
        %swap3A_624 = vector.shape_cast %get3A_617 : vector<16xf32> to vector<1x1x16xf32>
        tpu.vector_store %arg7[%swap3A_619, %swap3A_620, %swap3A_621], %swap3A_624 {add = true, strides = array<i32>} : memref<4x8x1024xf32, #tpu.memory_space<vmem>>, vector<1x1x16xf32>,
        %get3A_625 = arith.constant 1 : i32
        %get3A_626 = arith.index_cast %get3A_625 : i32 to index
        %get3A_627 = arith.index_cast %scan3A_327 : i32 to index
        %get3A_628 = arith.constant 368 : index
        %get3A_629 = tpu.vector_load %arg8[%get3A_626, %get3A_627, %get3A_628] {strides = array<i32>} : memref<4x8x1024xf32, #tpu.memory_space<vmem>>, vector<1x1x16xf32>,
        %get3A_630 = vector.shape_cast %get3A_629 : vector<1x1x16xf32> to vector<16xf32>
        %swap3A_631 = arith.constant 1 : i32
        %swap3A_632 = arith.index_cast %swap3A_631 : i32 to index
        %swap3A_633 = arith.index_cast %scan3A_327 : i32 to index
        %swap3A_634 = arith.constant 368 : index
        %swap3A_635 = tpu.vector_load %arg7[%swap3A_632, %swap3A_633, %swap3A_634] {strides = array<i32>} : memref<4x8x1024xf32, #tpu.memory_space<vmem>>, vector<1x1x16xf32>,
        %swap3A_636 = vector.shape_cast %swap3A_635 : vector<1x1x16xf32> to vector<16xf32>
        %swap3A_637 = vector.shape_cast %get3A_630 : vector<16xf32> to vector<1x1x16xf32>
        tpu.vector_store %arg7[%swap3A_632, %swap3A_633, %swap3A_634], %swap3A_637 {add = true, strides = array<i32>} : memref<4x8x1024xf32, #tpu.memory_space<vmem>>, vector<1x1x16xf32>,
        %get3A_638 = arith.constant 1 : i32
        %get3A_639 = arith.index_cast %get3A_638 : i32 to index
        %get3A_640 = arith.index_cast %scan3A_327 : i32 to index
        %get3A_641 = arith.constant 384 : index
        %get3A_642 = tpu.vector_load %arg8[%get3A_639, %get3A_640, %get3A_641] {strides = array<i32>} : memref<4x8x1024xf32, #tpu.memory_space<vmem>>, vector<1x1x16xf32>,
        %get3A_643 = vector.shape_cast %get3A_642 : vector<1x1x16xf32> to vector<16xf32>
        %swap3A_644 = arith.constant 1 : i32
        %swap3A_645 = arith.index_cast %swap3A_644 : i32 to index
        %swap3A_646 = arith.index_cast %scan3A_327 : i32 to index
        %swap3A_647 = arith.constant 384 : index
        %swap3A_648 = tpu.vector_load %arg7[%swap3A_645, %swap3A_646, %swap3A_647] {strides = array<i32>} : memref<4x8x1024xf32, #tpu.memory_space<vmem>>, vector<1x1x16xf32>,
        %swap3A_649 = vector.shape_cast %swap3A_648 : vector<1x1x16xf32> to vector<16xf32>
        %swap3A_650 = vector.shape_cast %get3A_643 : vector<16xf32> to vector<1x1x16xf32>
        tpu.vector_store %arg7[%swap3A_645, %swap3A_646, %swap3A_647], %swap3A_650 {add = true, strides = array<i32>} : memref<4x8x1024xf32, #tpu.memory_space<vmem>>, vector<1x1x16xf32>,
        %get3A_651 = arith.constant 1 : i32
        %get3A_652 = arith.index_cast %get3A_651 : i32 to index
        %get3A_653 = arith.index_cast %scan3A_327 : i32 to index
        %get3A_654 = arith.constant 400 : index
        %get3A_655 = tpu.vector_load %arg8[%get3A_652, %get3A_653, %get3A_654] {strides = array<i32>} : memref<4x8x1024xf32, #tpu.memory_space<vmem>>, vector<1x1x16xf32>,
        %get3A_656 = vector.shape_cast %get3A_655 : vector<1x1x16xf32> to vector<16xf32>
        %swap3A_657 = arith.constant 1 : i32
        %swap3A_658 = arith.index_cast %swap3A_657 : i32 to index
        %swap3A_659 = arith.index_cast %scan3A_327 : i32 to index
        %swap3A_660 = arith.constant 400 : index
        %swap3A_661 = tpu.vector_load %arg7[%swap3A_658, %swap3A_659, %swap3A_660] {strides = array<i32>} : memref<4x8x1024xf32, #tpu.memory_space<vmem>>, vector<1x1x16xf32>,
        %swap3A_662 = vector.shape_cast %swap3A_661 : vector<1x1x16xf32> to vector<16xf32>
        %swap3A_663 = vector.shape_cast %get3A_656 : vector<16xf32> to vector<1x1x16xf32>
        tpu.vector_store %arg7[%swap3A_658, %swap3A_659, %swap3A_660], %swap3A_663 {add = true, strides = array<i32>} : memref<4x8x1024xf32, #tpu.memory_space<vmem>>, vector<1x1x16xf32>,
        %get3A_664 = arith.constant 1 : i32
        %get3A_665 = arith.index_cast %get3A_664 : i32 to index
        %get3A_666 = arith.index_cast %scan3A_327 : i32 to index
        %get3A_667 = arith.constant 416 : index
        %get3A_668 = tpu.vector_load %arg8[%get3A_665, %get3A_666, %get3A_667] {strides = array<i32>} : memref<4x8x1024xf32, #tpu.memory_space<vmem>>, vector<1x1x16xf32>,
        %get3A_669 = vector.shape_cast %get3A_668 : vector<1x1x16xf32> to vector<16xf32>
        %swap3A_670 = arith.constant 1 : i32
        %swap3A_671 = arith.index_cast %swap3A_670 : i32 to index
        %swap3A_672 = arith.index_cast %scan3A_327 : i32 to index
        %swap3A_673 = arith.constant 416 : index
        %swap3A_674 = tpu.vector_load %arg7[%swap3A_671, %swap3A_672, %swap3A_673] {strides = array<i32>} : memref<4x8x1024xf32, #tpu.memory_space<vmem>>, vector<1x1x16xf32>,
        %swap3A_675 = vector.shape_cast %swap3A_674 : vector<1x1x16xf32> to vector<16xf32>
        %swap3A_676 = vector.shape_cast %get3A_669 : vector<16xf32> to vector<1x1x16xf32>
        tpu.vector_store %arg7[%swap3A_671, %swap3A_672, %swap3A_673], %swap3A_676 {add = true, strides = array<i32>} : memref<4x8x1024xf32, #tpu.memory_space<vmem>>, vector<1x1x16xf32>,
        %get3A_677 = arith.constant 1 : i32
        %get3A_678 = arith.index_cast %get3A_677 : i32 to index
        %get3A_679 = arith.index_cast %scan3A_327 : i32 to index
        %get3A_680 = arith.constant 432 : index
        %get3A_681 = tpu.vector_load %arg8[%get3A_678, %get3A_679, %get3A_680] {strides = array<i32>} : memref<4x8x1024xf32, #tpu.memory_space<vmem>>, vector<1x1x16xf32>,
        %get3A_682 = vector.shape_cast %get3A_681 : vector<1x1x16xf32> to vector<16xf32>
        %swap3A_683 = arith.constant 1 : i32
        %swap3A_684 = arith.index_cast %swap3A_683 : i32 to index
        %swap3A_685 = arith.index_cast %scan3A_327 : i32 to index
        %swap3A_686 = arith.constant 432 : index
        %swap3A_687 = tpu.vector_load %arg7[%swap3A_684, %swap3A_685, %swap3A_686] {strides = array<i32>} : memref<4x8x1024xf32, #tpu.memory_space<vmem>>, vector<1x1x16xf32>,
        %swap3A_688 = vector.shape_cast %swap3A_687 : vector<1x1x16xf32> to vector<16xf32>
        %swap3A_689 = vector.shape_cast %get3A_682 : vector<16xf32> to vector<1x1x16xf32>
        tpu.vector_store %arg7[%swap3A_684, %swap3A_685, %swap3A_686], %swap3A_689 {add = true, strides = array<i32>} : memref<4x8x1024xf32, #tpu.memory_space<vmem>>, vector<1x1x16xf32>,
        %get3A_690 = arith.constant 1 : i32
        %get3A_691 = arith.index_cast %get3A_690 : i32 to index
        %get3A_692 = arith.index_cast %scan3A_327 : i32 to index
        %get3A_693 = arith.constant 448 : index
        %get3A_694 = tpu.vector_load %arg8[%get3A_691, %get3A_692, %get3A_693] {strides = array<i32>} : memref<4x8x1024xf32, #tpu.memory_space<vmem>>, vector<1x1x16xf32>,
        %get3A_695 = vector.shape_cast %get3A_694 : vector<1x1x16xf32> to vector<16xf32>
        %swap3A_696 = arith.constant 1 : i32
        %swap3A_697 = arith.index_cast %swap3A_696 : i32 to index
        %swap3A_698 = arith.index_cast %scan3A_327 : i32 to index
        %swap3A_699 = arith.constant 448 : index
        %swap3A_700 = tpu.vector_load %arg7[%swap3A_697, %swap3A_698, %swap3A_699] {strides = array<i32>} : memref<4x8x1024xf32, #tpu.memory_space<vmem>>, vector<1x1x16xf32>,
        %swap3A_701 = vector.shape_cast %swap3A_700 : vector<1x1x16xf32> to vector<16xf32>
        %swap3A_702 = vector.shape_cast %get3A_695 : vector<16xf32> to vector<1x1x16xf32>
        tpu.vector_store %arg7[%swap3A_697, %swap3A_698, %swap3A_699], %swap3A_702 {add = true, strides = array<i32>} : memref<4x8x1024xf32, #tpu.memory_space<vmem>>, vector<1x1x16xf32>,
        %get3A_703 = arith.constant 1 : i32
        %get3A_704 = arith.index_cast %get3A_703 : i32 to index
        %get3A_705 = arith.index_cast %scan3A_327 : i32 to index
        %get3A_706 = arith.constant 464 : index
        %get3A_707 = tpu.vector_load %arg8[%get3A_704, %get3A_705, %get3A_706] {strides = array<i32>} : memref<4x8x1024xf32, #tpu.memory_space<vmem>>, vector<1x1x16xf32>,
        %get3A_708 = vector.shape_cast %get3A_707 : vector<1x1x16xf32> to vector<16xf32>
        %swap3A_709 = arith.constant 1 : i32
        %swap3A_710 = arith.index_cast %swap3A_709 : i32 to index
        %swap3A_711 = arith.index_cast %scan3A_327 : i32 to index
        %swap3A_712 = arith.constant 464 : index
        %swap3A_713 = tpu.vector_load %arg7[%swap3A_710, %swap3A_711, %swap3A_712] {strides = array<i32>} : memref<4x8x1024xf32, #tpu.memory_space<vmem>>, vector<1x1x16xf32>,
        %swap3A_714 = vector.shape_cast %swap3A_713 : vector<1x1x16xf32> to vector<16xf32>
        %swap3A_715 = vector.shape_cast %get3A_708 : vector<16xf32> to vector<1x1x16xf32>
        tpu.vector_store %arg7[%swap3A_710, %swap3A_711, %swap3A_712], %swap3A_715 {add = true, strides = array<i32>} : memref<4x8x1024xf32, #tpu.memory_space<vmem>>, vector<1x1x16xf32>,
        %get3A_716 = arith.constant 1 : i32
        %get3A_717 = arith.index_cast %get3A_716 : i32 to index
        %get3A_718 = arith.index_cast %scan3A_327 : i32 to index
        %get3A_719 = arith.constant 480 : index
        %get3A_720 = tpu.vector_load %arg8[%get3A_717, %get3A_718, %get3A_719] {strides = array<i32>} : memref<4x8x1024xf32, #tpu.memory_space<vmem>>, vector<1x1x16xf32>,
        %get3A_721 = vector.shape_cast %get3A_720 : vector<1x1x16xf32> to vector<16xf32>
        %swap3A_722 = arith.constant 1 : i32
        %swap3A_723 = arith.index_cast %swap3A_722 : i32 to index
        %swap3A_724 = arith.index_cast %scan3A_327 : i32 to index
        %swap3A_725 = arith.constant 480 : index
        %swap3A_726 = tpu.vector_load %arg7[%swap3A_723, %swap3A_724, %swap3A_725] {strides = array<i32>} : memref<4x8x1024xf32, #tpu.memory_space<vmem>>, vector<1x1x16xf32>,
        %swap3A_727 = vector.shape_cast %swap3A_726 : vector<1x1x16xf32> to vector<16xf32>
        %swap3A_728 = vector.shape_cast %get3A_721 : vector<16xf32> to vector<1x1x16xf32>
        tpu.vector_store %arg7[%swap3A_723, %swap3A_724, %swap3A_725], %swap3A_728 {add = true, strides = array<i32>} : memref<4x8x1024xf32, #tpu.memory_space<vmem>>, vector<1x1x16xf32>,
        %get3A_729 = arith.constant 1 : i32
        %get3A_730 = arith.index_cast %get3A_729 : i32 to index
        %get3A_731 = arith.index_cast %scan3A_327 : i32 to index
        %get3A_732 = arith.constant 496 : index
        %get3A_733 = tpu.vector_load %arg8[%get3A_730, %get3A_731, %get3A_732] {strides = array<i32>} : memref<4x8x1024xf32, #tpu.memory_space<vmem>>, vector<1x1x16xf32>,
        %get3A_734 = vector.shape_cast %get3A_733 : vector<1x1x16xf32> to vector<16xf32>
        %swap3A_735 = arith.constant 1 : i32
        %swap3A_736 = arith.index_cast %swap3A_735 : i32 to index
        %swap3A_737 = arith.index_cast %scan3A_327 : i32 to index
        %swap3A_738 = arith.constant 496 : index
        %swap3A_739 = tpu.vector_load %arg7[%swap3A_736, %swap3A_737, %swap3A_738] {strides = array<i32>} : memref<4x8x1024xf32, #tpu.memory_space<vmem>>, vector<1x1x16xf32>,
        %swap3A_740 = vector.shape_cast %swap3A_739 : vector<1x1x16xf32> to vector<16xf32>
        %swap3A_741 = vector.shape_cast %get3A_734 : vector<16xf32> to vector<1x1x16xf32>
        tpu.vector_store %arg7[%swap3A_736, %swap3A_737, %swap3A_738], %swap3A_741 {add = true, strides = array<i32>} : memref<4x8x1024xf32, #tpu.memory_space<vmem>>, vector<1x1x16xf32>,
        %get3A_742 = arith.constant 1 : i32
        %get3A_743 = arith.index_cast %get3A_742 : i32 to index
        %get3A_744 = arith.index_cast %scan3A_327 : i32 to index
        %get3A_745 = arith.constant 512 : index
        %get3A_746 = tpu.vector_load %arg8[%get3A_743, %get3A_744, %get3A_745] {strides = array<i32>} : memref<4x8x1024xf32, #tpu.memory_space<vmem>>, vector<1x1x16xf32>,
        %get3A_747 = vector.shape_cast %get3A_746 : vector<1x1x16xf32> to vector<16xf32>
        %swap3A_748 = arith.constant 1 : i32
        %swap3A_749 = arith.index_cast %swap3A_748 : i32 to index
        %swap3A_750 = arith.index_cast %scan3A_327 : i32 to index
        %swap3A_751 = arith.constant 512 : index
        %swap3A_752 = tpu.vector_load %arg7[%swap3A_749, %swap3A_750, %swap3A_751] {strides = array<i32>} : memref<4x8x1024xf32, #tpu.memory_space<vmem>>, vector<1x1x16xf32>,
        %swap3A_753 = vector.shape_cast %swap3A_752 : vector<1x1x16xf32> to vector<16xf32>
        %swap3A_754 = vector.shape_cast %get3A_747 : vector<16xf32> to vector<1x1x16xf32>
        tpu.vector_store %arg7[%swap3A_749, %swap3A_750, %swap3A_751], %swap3A_754 {add = true, strides = array<i32>} : memref<4x8x1024xf32, #tpu.memory_space<vmem>>, vector<1x1x16xf32>,
        %get3A_755 = arith.constant 1 : i32
        %get3A_756 = arith.index_cast %get3A_755 : i32 to index
        %get3A_757 = arith.index_cast %scan3A_327 : i32 to index
        %get3A_758 = arith.constant 528 : index
        %get3A_759 = tpu.vector_load %arg8[%get3A_756, %get3A_757, %get3A_758] {strides = array<i32>} : memref<4x8x1024xf32, #tpu.memory_space<vmem>>, vector<1x1x16xf32>,
        %get3A_760 = vector.shape_cast %get3A_759 : vector<1x1x16xf32> to vector<16xf32>
        %swap3A_761 = arith.constant 1 : i32
        %swap3A_762 = arith.index_cast %swap3A_761 : i32 to index
        %swap3A_763 = arith.index_cast %scan3A_327 : i32 to index
        %swap3A_764 = arith.constant 528 : index
        %swap3A_765 = tpu.vector_load %arg7[%swap3A_762, %swap3A_763, %swap3A_764] {strides = array<i32>} : memref<4x8x1024xf32, #tpu.memory_space<vmem>>, vector<1x1x16xf32>,
        %swap3A_766 = vector.shape_cast %swap3A_765 : vector<1x1x16xf32> to vector<16xf32>
        %swap3A_767 = vector.shape_cast %get3A_760 : vector<16xf32> to vector<1x1x16xf32>
        tpu.vector_store %arg7[%swap3A_762, %swap3A_763, %swap3A_764], %swap3A_767 {add = true, strides = array<i32>} : memref<4x8x1024xf32, #tpu.memory_space<vmem>>, vector<1x1x16xf32>,
        %get3A_768 = arith.constant 1 : i32
        %get3A_769 = arith.index_cast %get3A_768 : i32 to index
        %get3A_770 = arith.index_cast %scan3A_327 : i32 to index
        %get3A_771 = arith.constant 544 : index
        %get3A_772 = tpu.vector_load %arg8[%get3A_769, %get3A_770, %get3A_771] {strides = array<i32>} : memref<4x8x1024xf32, #tpu.memory_space<vmem>>, vector<1x1x16xf32>,
        %get3A_773 = vector.shape_cast %get3A_772 : vector<1x1x16xf32> to vector<16xf32>
        %swap3A_774 = arith.constant 1 : i32
        %swap3A_775 = arith.index_cast %swap3A_774 : i32 to index
        %swap3A_776 = arith.index_cast %scan3A_327 : i32 to index
        %swap3A_777 = arith.constant 544 : index
        %swap3A_778 = tpu.vector_load %arg7[%swap3A_775, %swap3A_776, %swap3A_777] {strides = array<i32>} : memref<4x8x1024xf32, #tpu.memory_space<vmem>>, vector<1x1x16xf32>,
        %swap3A_779 = vector.shape_cast %swap3A_778 : vector<1x1x16xf32> to vector<16xf32>
        %swap3A_780 = vector.shape_cast %get3A_773 : vector<16xf32> to vector<1x1x16xf32>
        tpu.vector_store %arg7[%swap3A_775, %swap3A_776, %swap3A_777], %swap3A_780 {add = true, strides = array<i32>} : memref<4x8x1024xf32, #tpu.memory_space<vmem>>, vector<1x1x16xf32>,
        %get3A_781 = arith.constant 1 : i32
        %get3A_782 = arith.index_cast %get3A_781 : i32 to index
        %get3A_783 = arith.index_cast %scan3A_327 : i32 to index
        %get3A_784 = arith.constant 560 : index
        %get3A_785 = tpu.vector_load %arg8[%get3A_782, %get3A_783, %get3A_784] {strides = array<i32>} : memref<4x8x1024xf32, #tpu.memory_space<vmem>>, vector<1x1x16xf32>,
        %get3A_786 = vector.shape_cast %get3A_785 : vector<1x1x16xf32> to vector<16xf32>
        %swap3A_787 = arith.constant 1 : i32
        %swap3A_788 = arith.index_cast %swap3A_787 : i32 to index
        %swap3A_789 = arith.index_cast %scan3A_327 : i32 to index
        %swap3A_790 = arith.constant 560 : index
        %swap3A_791 = tpu.vector_load %arg7[%swap3A_788, %swap3A_789, %swap3A_790] {strides = array<i32>} : memref<4x8x1024xf32, #tpu.memory_space<vmem>>, vector<1x1x16xf32>,
        %swap3A_792 = vector.shape_cast %swap3A_791 : vector<1x1x16xf32> to vector<16xf32>
        %swap3A_793 = vector.shape_cast %get3A_786 : vector<16xf32> to vector<1x1x16xf32>
        tpu.vector_store %arg7[%swap3A_788, %swap3A_789, %swap3A_790], %swap3A_793 {add = true, strides = array<i32>} : memref<4x8x1024xf32, #tpu.memory_space<vmem>>, vector<1x1x16xf32>,
        %get3A_794 = arith.constant 1 : i32
        %get3A_795 = arith.index_cast %get3A_794 : i32 to index
        %get3A_796 = arith.index_cast %scan3A_327 : i32 to index
        %get3A_797 = arith.constant 576 : index
        %get3A_798 = tpu.vector_load %arg8[%get3A_795, %get3A_796, %get3A_797] {strides = array<i32>} : memref<4x8x1024xf32, #tpu.memory_space<vmem>>, vector<1x1x16xf32>,
        %get3A_799 = vector.shape_cast %get3A_798 : vector<1x1x16xf32> to vector<16xf32>
        %swap3A_800 = arith.constant 1 : i32
        %swap3A_801 = arith.index_cast %swap3A_800 : i32 to index
        %swap3A_802 = arith.index_cast %scan3A_327 : i32 to index
        %swap3A_803 = arith.constant 576 : index
        %swap3A_804 = tpu.vector_load %arg7[%swap3A_801, %swap3A_802, %swap3A_803] {strides = array<i32>} : memref<4x8x1024xf32, #tpu.memory_space<vmem>>, vector<1x1x16xf32>,
        %swap3A_805 = vector.shape_cast %swap3A_804 : vector<1x1x16xf32> to vector<16xf32>
        %swap3A_806 = vector.shape_cast %get3A_799 : vector<16xf32> to vector<1x1x16xf32>
        tpu.vector_store %arg7[%swap3A_801, %swap3A_802, %swap3A_803], %swap3A_806 {add = true, strides = array<i32>} : memref<4x8x1024xf32, #tpu.memory_space<vmem>>, vector<1x1x16xf32>,
        %get3A_807 = arith.constant 1 : i32
        %get3A_808 = arith.index_cast %get3A_807 : i32 to index
        %get3A_809 = arith.index_cast %scan3A_327 : i32 to index
        %get3A_810 = arith.constant 592 : index
        %get3A_811 = tpu.vector_load %arg8[%get3A_808, %get3A_809, %get3A_810] {strides = array<i32>} : memref<4x8x1024xf32, #tpu.memory_space<vmem>>, vector<1x1x16xf32>,
        %get3A_812 = vector.shape_cast %get3A_811 : vector<1x1x16xf32> to vector<16xf32>
        %swap3A_813 = arith.constant 1 : i32
        %swap3A_814 = arith.index_cast %swap3A_813 : i32 to index
        %swap3A_815 = arith.index_cast %scan3A_327 : i32 to index
        %swap3A_816 = arith.constant 592 : index
        %swap3A_817 = tpu.vector_load %arg7[%swap3A_814, %swap3A_815, %swap3A_816] {strides = array<i32>} : memref<4x8x1024xf32, #tpu.memory_space<vmem>>, vector<1x1x16xf32>,
        %swap3A_818 = vector.shape_cast %swap3A_817 : vector<1x1x16xf32> to vector<16xf32>
        %swap3A_819 = vector.shape_cast %get3A_812 : vector<16xf32> to vector<1x1x16xf32>
        tpu.vector_store %arg7[%swap3A_814, %swap3A_815, %swap3A_816], %swap3A_819 {add = true, strides = array<i32>} : memref<4x8x1024xf32, #tpu.memory_space<vmem>>, vector<1x1x16xf32>,
        %get3A_820 = arith.constant 1 : i32
        %get3A_821 = arith.index_cast %get3A_820 : i32 to index
        %get3A_822 = arith.index_cast %scan3A_327 : i32 to index
        %get3A_823 = arith.constant 608 : index
        %get3A_824 = tpu.vector_load %arg8[%get3A_821, %get3A_822, %get3A_823] {strides = array<i32>} : memref<4x8x1024xf32, #tpu.memory_space<vmem>>, vector<1x1x16xf32>,
        %get3A_825 = vector.shape_cast %get3A_824 : vector<1x1x16xf32> to vector<16xf32>
        %swap3A_826 = arith.constant 1 : i32
        %swap3A_827 = arith.index_cast %swap3A_826 : i32 to index
        %swap3A_828 = arith.index_cast %scan3A_327 : i32 to index
        %swap3A_829 = arith.constant 608 : index
        %swap3A_830 = tpu.vector_load %arg7[%swap3A_827, %swap3A_828, %swap3A_829] {strides = array<i32>} : memref<4x8x1024xf32, #tpu.memory_space<vmem>>, vector<1x1x16xf32>,
        %swap3A_831 = vector.shape_cast %swap3A_830 : vector<1x1x16xf32> to vector<16xf32>
        %swap3A_832 = vector.shape_cast %get3A_825 : vector<16xf32> to vector<1x1x16xf32>
        tpu.vector_store %arg7[%swap3A_827, %swap3A_828, %swap3A_829], %swap3A_832 {add = true, strides = array<i32>} : memref<4x8x1024xf32, #tpu.memory_space<vmem>>, vector<1x1x16xf32>,
        %get3A_833 = arith.constant 1 : i32
        %get3A_834 = arith.index_cast %get3A_833 : i32 to index
        %get3A_835 = arith.index_cast %scan3A_327 : i32 to index
        %get3A_836 = arith.constant 624 : index
        %get3A_837 = tpu.vector_load %arg8[%get3A_834, %get3A_835, %get3A_836] {strides = array<i32>} : memref<4x8x1024xf32, #tpu.memory_space<vmem>>, vector<1x1x16xf32>,
        %get3A_838 = vector.shape_cast %get3A_837 : vector<1x1x16xf32> to vector<16xf32>
        %swap3A_839 = arith.constant 1 : i32
        %swap3A_840 = arith.index_cast %swap3A_839 : i32 to index
        %swap3A_841 = arith.index_cast %scan3A_327 : i32 to index
        %swap3A_842 = arith.constant 624 : index
        %swap3A_843 = tpu.vector_load %arg7[%swap3A_840, %swap3A_841, %swap3A_842] {strides = array<i32>} : memref<4x8x1024xf32, #tpu.memory_space<vmem>>, vector<1x1x16xf32>,
        %swap3A_844 = vector.shape_cast %swap3A_843 : vector<1x1x16xf32> to vector<16xf32>
        %swap3A_845 = vector.shape_cast %get3A_838 : vector<16xf32> to vector<1x1x16xf32>
        tpu.vector_store %arg7[%swap3A_840, %swap3A_841, %swap3A_842], %swap3A_845 {add = true, strides = array<i32>} : memref<4x8x1024xf32, #tpu.memory_space<vmem>>, vector<1x1x16xf32>,
        %get3A_846 = arith.constant 1 : i32
        %get3A_847 = arith.index_cast %get3A_846 : i32 to index
        %get3A_848 = arith.index_cast %scan3A_327 : i32 to index
        %get3A_849 = arith.constant 640 : index
        %get3A_850 = tpu.vector_load %arg8[%get3A_847, %get3A_848, %get3A_849] {strides = array<i32>} : memref<4x8x1024xf32, #tpu.memory_space<vmem>>, vector<1x1x16xf32>,
        %get3A_851 = vector.shape_cast %get3A_850 : vector<1x1x16xf32> to vector<16xf32>
        %swap3A_852 = arith.constant 1 : i32
        %swap3A_853 = arith.index_cast %swap3A_852 : i32 to index
        %swap3A_854 = arith.index_cast %scan3A_327 : i32 to index
        %swap3A_855 = arith.constant 640 : index
        %swap3A_856 = tpu.vector_load %arg7[%swap3A_853, %swap3A_854, %swap3A_855] {strides = array<i32>} : memref<4x8x1024xf32, #tpu.memory_space<vmem>>, vector<1x1x16xf32>,
        %swap3A_857 = vector.shape_cast %swap3A_856 : vector<1x1x16xf32> to vector<16xf32>
        %swap3A_858 = vector.shape_cast %get3A_851 : vector<16xf32> to vector<1x1x16xf32>
        tpu.vector_store %arg7[%swap3A_853, %swap3A_854, %swap3A_855], %swap3A_858 {add = true, strides = array<i32>} : memref<4x8x1024xf32, #tpu.memory_space<vmem>>, vector<1x1x16xf32>,
        %get3A_859 = arith.constant 1 : i32
        %get3A_860 = arith.index_cast %get3A_859 : i32 to index
        %get3A_861 = arith.index_cast %scan3A_327 : i32 to index
        %get3A_862 = arith.constant 656 : index
        %get3A_863 = tpu.vector_load %arg8[%get3A_860, %get3A_861, %get3A_862] {strides = array<i32>} : memref<4x8x1024xf32, #tpu.memory_space<vmem>>, vector<1x1x16xf32>,
        %get3A_864 = vector.shape_cast %get3A_863 : vector<1x1x16xf32> to vector<16xf32>
        %swap3A_865 = arith.constant 1 : i32
        %swap3A_866 = arith.index_cast %swap3A_865 : i32 to index
        %swap3A_867 = arith.index_cast %scan3A_327 : i32 to index
        %swap3A_868 = arith.constant 656 : index
        %swap3A_869 = tpu.vector_load %arg7[%swap3A_866, %swap3A_867, %swap3A_868] {strides = array<i32>} : memref<4x8x1024xf32, #tpu.memory_space<vmem>>, vector<1x1x16xf32>,
        %swap3A_870 = vector.shape_cast %swap3A_869 : vector<1x1x16xf32> to vector<16xf32>
        %swap3A_871 = vector.shape_cast %get3A_864 : vector<16xf32> to vector<1x1x16xf32>
        tpu.vector_store %arg7[%swap3A_866, %swap3A_867, %swap3A_868], %swap3A_871 {add = true, strides = array<i32>} : memref<4x8x1024xf32, #tpu.memory_space<vmem>>, vector<1x1x16xf32>,
        %get3A_872 = arith.constant 1 : i32
        %get3A_873 = arith.index_cast %get3A_872 : i32 to index
        %get3A_874 = arith.index_cast %scan3A_327 : i32 to index
        %get3A_875 = arith.constant 672 : index
        %get3A_876 = tpu.vector_load %arg8[%get3A_873, %get3A_874, %get3A_875] {strides = array<i32>} : memref<4x8x1024xf32, #tpu.memory_space<vmem>>, vector<1x1x16xf32>,
        %get3A_877 = vector.shape_cast %get3A_876 : vector<1x1x16xf32> to vector<16xf32>
        %swap3A_878 = arith.constant 1 : i32
        %swap3A_879 = arith.index_cast %swap3A_878 : i32 to index
        %swap3A_880 = arith.index_cast %scan3A_327 : i32 to index
        %swap3A_881 = arith.constant 672 : index
        %swap3A_882 = tpu.vector_load %arg7[%swap3A_879, %swap3A_880, %swap3A_881] {strides = array<i32>} : memref<4x8x1024xf32, #tpu.memory_space<vmem>>, vector<1x1x16xf32>,
        %swap3A_883 = vector.shape_cast %swap3A_882 : vector<1x1x16xf32> to vector<16xf32>
        %swap3A_884 = vector.shape_cast %get3A_877 : vector<16xf32> to vector<1x1x16xf32>
        tpu.vector_store %arg7[%swap3A_879, %swap3A_880, %swap3A_881], %swap3A_884 {add = true, strides = array<i32>} : memref<4x8x1024xf32, #tpu.memory_space<vmem>>, vector<1x1x16xf32>,
        %get3A_885 = arith.constant 1 : i32
        %get3A_886 = arith.index_cast %get3A_885 : i32 to index
        %get3A_887 = arith.index_cast %scan3A_327 : i32 to index
        %get3A_888 = arith.constant 688 : index
        %get3A_889 = tpu.vector_load %arg8[%get3A_886, %get3A_887, %get3A_888] {strides = array<i32>} : memref<4x8x1024xf32, #tpu.memory_space<vmem>>, vector<1x1x16xf32>,
        %get3A_890 = vector.shape_cast %get3A_889 : vector<1x1x16xf32> to vector<16xf32>
        %swap3A_891 = arith.constant 1 : i32
        %swap3A_892 = arith.index_cast %swap3A_891 : i32 to index
        %swap3A_893 = arith.index_cast %scan3A_327 : i32 to index
        %swap3A_894 = arith.constant 688 : index
        %swap3A_895 = tpu.vector_load %arg7[%swap3A_892, %swap3A_893, %swap3A_894] {strides = array<i32>} : memref<4x8x1024xf32, #tpu.memory_space<vmem>>, vector<1x1x16xf32>,
        %swap3A_896 = vector.shape_cast %swap3A_895 : vector<1x1x16xf32> to vector<16xf32>
        %swap3A_897 = vector.shape_cast %get3A_890 : vector<16xf32> to vector<1x1x16xf32>
        tpu.vector_store %arg7[%swap3A_892, %swap3A_893, %swap3A_894], %swap3A_897 {add = true, strides = array<i32>} : memref<4x8x1024xf32, #tpu.memory_space<vmem>>, vector<1x1x16xf32>,
        %get3A_898 = arith.constant 1 : i32
        %get3A_899 = arith.index_cast %get3A_898 : i32 to index
        %get3A_900 = arith.index_cast %scan3A_327 : i32 to index
        %get3A_901 = arith.constant 704 : index
        %get3A_902 = tpu.vector_load %arg8[%get3A_899, %get3A_900, %get3A_901] {strides = array<i32>} : memref<4x8x1024xf32, #tpu.memory_space<vmem>>, vector<1x1x16xf32>,
        %get3A_903 = vector.shape_cast %get3A_902 : vector<1x1x16xf32> to vector<16xf32>
        %swap3A_904 = arith.constant 1 : i32
        %swap3A_905 = arith.index_cast %swap3A_904 : i32 to index
        %swap3A_906 = arith.index_cast %scan3A_327 : i32 to index
        %swap3A_907 = arith.constant 704 : index
        %swap3A_908 = tpu.vector_load %arg7[%swap3A_905, %swap3A_906, %swap3A_907] {strides = array<i32>} : memref<4x8x1024xf32, #tpu.memory_space<vmem>>, vector<1x1x16xf32>,
        %swap3A_909 = vector.shape_cast %swap3A_908 : vector<1x1x16xf32> to vector<16xf32>
        %swap3A_910 = vector.shape_cast %get3A_903 : vector<16xf32> to vector<1x1x16xf32>
        tpu.vector_store %arg7[%swap3A_905, %swap3A_906, %swap3A_907], %swap3A_910 {add = true, strides = array<i32>} : memref<4x8x1024xf32, #tpu.memory_space<vmem>>, vector<1x1x16xf32>,
        %get3A_911 = arith.constant 1 : i32
        %get3A_912 = arith.index_cast %get3A_911 : i32 to index
        %get3A_913 = arith.index_cast %scan3A_327 : i32 to index
        %get3A_914 = arith.constant 720 : index
        %get3A_915 = tpu.vector_load %arg8[%get3A_912, %get3A_913, %get3A_914] {strides = array<i32>} : memref<4x8x1024xf32, #tpu.memory_space<vmem>>, vector<1x1x16xf32>,
        %get3A_916 = vector.shape_cast %get3A_915 : vector<1x1x16xf32> to vector<16xf32>
        %swap3A_917 = arith.constant 1 : i32
        %swap3A_918 = arith.index_cast %swap3A_917 : i32 to index
        %swap3A_919 = arith.index_cast %scan3A_327 : i32 to index
        %swap3A_920 = arith.constant 720 : index
        %swap3A_921 = tpu.vector_load %arg7[%swap3A_918, %swap3A_919, %swap3A_920] {strides = array<i32>} : memref<4x8x1024xf32, #tpu.memory_space<vmem>>, vector<1x1x16xf32>,
        %swap3A_922 = vector.shape_cast %swap3A_921 : vector<1x1x16xf32> to vector<16xf32>
        %swap3A_923 = vector.shape_cast %get3A_916 : vector<16xf32> to vector<1x1x16xf32>
        tpu.vector_store %arg7[%swap3A_918, %swap3A_919, %swap3A_920], %swap3A_923 {add = true, strides = array<i32>} : memref<4x8x1024xf32, #tpu.memory_space<vmem>>, vector<1x1x16xf32>,
        %get3A_924 = arith.constant 1 : i32
        %get3A_925 = arith.index_cast %get3A_924 : i32 to index
        %get3A_926 = arith.index_cast %scan3A_327 : i32 to index
        %get3A_927 = arith.constant 736 : index
        %get3A_928 = tpu.vector_load %arg8[%get3A_925, %get3A_926, %get3A_927] {strides = array<i32>} : memref<4x8x1024xf32, #tpu.memory_space<vmem>>, vector<1x1x16xf32>,
        %get3A_929 = vector.shape_cast %get3A_928 : vector<1x1x16xf32> to vector<16xf32>
        %swap3A_930 = arith.constant 1 : i32
        %swap3A_931 = arith.index_cast %swap3A_930 : i32 to index
        %swap3A_932 = arith.index_cast %scan3A_327 : i32 to index
        %swap3A_933 = arith.constant 736 : index
        %swap3A_934 = tpu.vector_load %arg7[%swap3A_931, %swap3A_932, %swap3A_933] {strides = array<i32>} : memref<4x8x1024xf32, #tpu.memory_space<vmem>>, vector<1x1x16xf32>,
        %swap3A_935 = vector.shape_cast %swap3A_934 : vector<1x1x16xf32> to vector<16xf32>
        %swap3A_936 = vector.shape_cast %get3A_929 : vector<16xf32> to vector<1x1x16xf32>
        tpu.vector_store %arg7[%swap3A_931, %swap3A_932, %swap3A_933], %swap3A_936 {add = true, strides = array<i32>} : memref<4x8x1024xf32, #tpu.memory_space<vmem>>, vector<1x1x16xf32>,
        %get3A_937 = arith.constant 1 : i32
        %get3A_938 = arith.index_cast %get3A_937 : i32 to index
        %get3A_939 = arith.index_cast %scan3A_327 : i32 to index
        %get3A_940 = arith.constant 752 : index
        %get3A_941 = tpu.vector_load %arg8[%get3A_938, %get3A_939, %get3A_940] {strides = array<i32>} : memref<4x8x1024xf32, #tpu.memory_space<vmem>>, vector<1x1x16xf32>,
        %get3A_942 = vector.shape_cast %get3A_941 : vector<1x1x16xf32> to vector<16xf32>
        %swap3A_943 = arith.constant 1 : i32
        %swap3A_944 = arith.index_cast %swap3A_943 : i32 to index
        %swap3A_945 = arith.index_cast %scan3A_327 : i32 to index
        %swap3A_946 = arith.constant 752 : index
        %swap3A_947 = tpu.vector_load %arg7[%swap3A_944, %swap3A_945, %swap3A_946] {strides = array<i32>} : memref<4x8x1024xf32, #tpu.memory_space<vmem>>, vector<1x1x16xf32>,
        %swap3A_948 = vector.shape_cast %swap3A_947 : vector<1x1x16xf32> to vector<16xf32>
        %swap3A_949 = vector.shape_cast %get3A_942 : vector<16xf32> to vector<1x1x16xf32>
        tpu.vector_store %arg7[%swap3A_944, %swap3A_945, %swap3A_946], %swap3A_949 {add = true, strides = array<i32>} : memref<4x8x1024xf32, #tpu.memory_space<vmem>>, vector<1x1x16xf32>,
        %get3A_950 = arith.constant 1 : i32
        %get3A_951 = arith.index_cast %get3A_950 : i32 to index
        %get3A_952 = arith.index_cast %scan3A_327 : i32 to index
        %get3A_953 = arith.constant 768 : index
        %get3A_954 = tpu.vector_load %arg8[%get3A_951, %get3A_952, %get3A_953] {strides = array<i32>} : memref<4x8x1024xf32, #tpu.memory_space<vmem>>, vector<1x1x16xf32>,
        %get3A_955 = vector.shape_cast %get3A_954 : vector<1x1x16xf32> to vector<16xf32>
        %swap3A_956 = arith.constant 1 : i32
        %swap3A_957 = arith.index_cast %swap3A_956 : i32 to index
        %swap3A_958 = arith.index_cast %scan3A_327 : i32 to index
        %swap3A_959 = arith.constant 768 : index
        %swap3A_960 = tpu.vector_load %arg7[%swap3A_957, %swap3A_958, %swap3A_959] {strides = array<i32>} : memref<4x8x1024xf32, #tpu.memory_space<vmem>>, vector<1x1x16xf32>,
        %swap3A_961 = vector.shape_cast %swap3A_960 : vector<1x1x16xf32> to vector<16xf32>
        %swap3A_962 = vector.shape_cast %get3A_955 : vector<16xf32> to vector<1x1x16xf32>
        tpu.vector_store %arg7[%swap3A_957, %swap3A_958, %swap3A_959], %swap3A_962 {add = true, strides = array<i32>} : memref<4x8x1024xf32, #tpu.memory_space<vmem>>, vector<1x1x16xf32>,
        %get3A_963 = arith.constant 1 : i32
        %get3A_964 = arith.index_cast %get3A_963 : i32 to index
        %get3A_965 = arith.index_cast %scan3A_327 : i32 to index
        %get3A_966 = arith.constant 784 : index
        %get3A_967 = tpu.vector_load %arg8[%get3A_964, %get3A_965, %get3A_966] {strides = array<i32>} : memref<4x8x1024xf32, #tpu.memory_space<vmem>>, vector<1x1x16xf32>,
        %get3A_968 = vector.shape_cast %get3A_967 : vector<1x1x16xf32> to vector<16xf32>
        %swap3A_969 = arith.constant 1 : i32
        %swap3A_970 = arith.index_cast %swap3A_969 : i32 to index
        %swap3A_971 = arith.index_cast %scan3A_327 : i32 to index
        %swap3A_972 = arith.constant 784 : index
        %swap3A_973 = tpu.vector_load %arg7[%swap3A_970, %swap3A_971, %swap3A_972] {strides = array<i32>} : memref<4x8x1024xf32, #tpu.memory_space<vmem>>, vector<1x1x16xf32>,
        %swap3A_974 = vector.shape_cast %swap3A_973 : vector<1x1x16xf32> to vector<16xf32>
        %swap3A_975 = vector.shape_cast %get3A_968 : vector<16xf32> to vector<1x1x16xf32>
        tpu.vector_store %arg7[%swap3A_970, %swap3A_971, %swap3A_972], %swap3A_975 {add = true, strides = array<i32>} : memref<4x8x1024xf32, #tpu.memory_space<vmem>>, vector<1x1x16xf32>,
        %get3A_976 = arith.constant 1 : i32
        %get3A_977 = arith.index_cast %get3A_976 : i32 to index
        %get3A_978 = arith.index_cast %scan3A_327 : i32 to index
        %get3A_979 = arith.constant 800 : index
        %get3A_980 = tpu.vector_load %arg8[%get3A_977, %get3A_978, %get3A_979] {strides = array<i32>} : memref<4x8x1024xf32, #tpu.memory_space<vmem>>, vector<1x1x16xf32>,
        %get3A_981 = vector.shape_cast %get3A_980 : vector<1x1x16xf32> to vector<16xf32>
        %swap3A_982 = arith.constant 1 : i32
        %swap3A_983 = arith.index_cast %swap3A_982 : i32 to index
        %swap3A_984 = arith.index_cast %scan3A_327 : i32 to index
        %swap3A_985 = arith.constant 800 : index
        %swap3A_986 = tpu.vector_load %arg7[%swap3A_983, %swap3A_984, %swap3A_985] {strides = array<i32>} : memref<4x8x1024xf32, #tpu.memory_space<vmem>>, vector<1x1x16xf32>,
        %swap3A_987 = vector.shape_cast %swap3A_986 : vector<1x1x16xf32> to vector<16xf32>
        %swap3A_988 = vector.shape_cast %get3A_981 : vector<16xf32> to vector<1x1x16xf32>
        tpu.vector_store %arg7[%swap3A_983, %swap3A_984, %swap3A_985], %swap3A_988 {add = true, strides = array<i32>} : memref<4x8x1024xf32, #tpu.memory_space<vmem>>, vector<1x1x16xf32>,
        %get3A_989 = arith.constant 1 : i32
        %get3A_990 = arith.index_cast %get3A_989 : i32 to index
        %get3A_991 = arith.index_cast %scan3A_327 : i32 to index
        %get3A_992 = arith.constant 816 : index
        %get3A_993 = tpu.vector_load %arg8[%get3A_990, %get3A_991, %get3A_992] {strides = array<i32>} : memref<4x8x1024xf32, #tpu.memory_space<vmem>>, vector<1x1x16xf32>,
        %get3A_994 = vector.shape_cast %get3A_993 : vector<1x1x16xf32> to vector<16xf32>
        %swap3A_995 = arith.constant 1 : i32
        %swap3A_996 = arith.index_cast %swap3A_995 : i32 to index
        %swap3A_997 = arith.index_cast %scan3A_327 : i32 to index
        %swap3A_998 = arith.constant 816 : index
        %swap3A_999 = tpu.vector_load %arg7[%swap3A_996, %swap3A_997, %swap3A_998] {strides = array<i32>} : memref<4x8x1024xf32, #tpu.memory_space<vmem>>, vector<1x1x16xf32>,
        %swap3A_1000 = vector.shape_cast %swap3A_999 : vector<1x1x16xf32> to vector<16xf32>
        %swap3A_1001 = vector.shape_cast %get3A_994 : vector<16xf32> to vector<1x1x16xf32>
        tpu.vector_store %arg7[%swap3A_996, %swap3A_997, %swap3A_998], %swap3A_1001 {add = true, strides = array<i32>} : memref<4x8x1024xf32, #tpu.memory_space<vmem>>, vector<1x1x16xf32>,
        %get3A_1002 = arith.constant 1 : i32
        %get3A_1003 = arith.index_cast %get3A_1002 : i32 to index
        %get3A_1004 = arith.index_cast %scan3A_327 : i32 to index
        %get3A_1005 = arith.constant 832 : index
        %get3A_1006 = tpu.vector_load %arg8[%get3A_1003, %get3A_1004, %get3A_1005] {strides = array<i32>} : memref<4x8x1024xf32, #tpu.memory_space<vmem>>, vector<1x1x16xf32>,
        %get3A_1007 = vector.shape_cast %get3A_1006 : vector<1x1x16xf32> to vector<16xf32>
        %swap3A_1008 = arith.constant 1 : i32
        %swap3A_1009 = arith.index_cast %swap3A_1008 : i32 to index
        %swap3A_1010 = arith.index_cast %scan3A_327 : i32 to index
        %swap3A_1011 = arith.constant 832 : index
        %swap3A_1012 = tpu.vector_load %arg7[%swap3A_1009, %swap3A_1010, %swap3A_1011] {strides = array<i32>} : memref<4x8x1024xf32, #tpu.memory_space<vmem>>, vector<1x1x16xf32>,
        %swap3A_1013 = vector.shape_cast %swap3A_1012 : vector<1x1x16xf32> to vector<16xf32>
        %swap3A_1014 = vector.shape_cast %get3A_1007 : vector<16xf32> to vector<1x1x16xf32>
        tpu.vector_store %arg7[%swap3A_1009, %swap3A_1010, %swap3A_1011], %swap3A_1014 {add = true, strides = array<i32>} : memref<4x8x1024xf32, #tpu.memory_space<vmem>>, vector<1x1x16xf32>,
        %get3A_1015 = arith.constant 1 : i32
        %get3A_1016 = arith.index_cast %get3A_1015 : i32 to index
        %get3A_1017 = arith.index_cast %scan3A_327 : i32 to index
        %get3A_1018 = arith.constant 848 : index
        %get3A_1019 = tpu.vector_load %arg8[%get3A_1016, %get3A_1017, %get3A_1018] {strides = array<i32>} : memref<4x8x1024xf32, #tpu.memory_space<vmem>>, vector<1x1x16xf32>,
        %get3A_1020 = vector.shape_cast %get3A_1019 : vector<1x1x16xf32> to vector<16xf32>
        %swap3A_1021 = arith.constant 1 : i32
        %swap3A_1022 = arith.index_cast %swap3A_1021 : i32 to index
        %swap3A_1023 = arith.index_cast %scan3A_327 : i32 to index
        %swap3A_1024 = arith.constant 848 : index
        %swap3A_1025 = tpu.vector_load %arg7[%swap3A_1022, %swap3A_1023, %swap3A_1024] {strides = array<i32>} : memref<4x8x1024xf32, #tpu.memory_space<vmem>>, vector<1x1x16xf32>,
        %swap3A_1026 = vector.shape_cast %swap3A_1025 : vector<1x1x16xf32> to vector<16xf32>
        %swap3A_1027 = vector.shape_cast %get3A_1020 : vector<16xf32> to vector<1x1x16xf32>
        tpu.vector_store %arg7[%swap3A_1022, %swap3A_1023, %swap3A_1024], %swap3A_1027 {add = true, strides = array<i32>} : memref<4x8x1024xf32, #tpu.memory_space<vmem>>, vector<1x1x16xf32>,
        %get3A_1028 = arith.constant 1 : i32
        %get3A_1029 = arith.index_cast %get3A_1028 : i32 to index
        %get3A_1030 = arith.index_cast %scan3A_327 : i32 to index
        %get3A_1031 = arith.constant 864 : index
        %get3A_1032 = tpu.vector_load %arg8[%get3A_1029, %get3A_1030, %get3A_1031] {strides = array<i32>} : memref<4x8x1024xf32, #tpu.memory_space<vmem>>, vector<1x1x16xf32>,
        %get3A_1033 = vector.shape_cast %get3A_1032 : vector<1x1x16xf32> to vector<16xf32>
        %swap3A_1034 = arith.constant 1 : i32
        %swap3A_1035 = arith.index_cast %swap3A_1034 : i32 to index
        %swap3A_1036 = arith.index_cast %scan3A_327 : i32 to index
        %swap3A_1037 = arith.constant 864 : index
        %swap3A_1038 = tpu.vector_load %arg7[%swap3A_1035, %swap3A_1036, %swap3A_1037] {strides = array<i32>} : memref<4x8x1024xf32, #tpu.memory_space<vmem>>, vector<1x1x16xf32>,
        %swap3A_1039 = vector.shape_cast %swap3A_1038 : vector<1x1x16xf32> to vector<16xf32>
        %swap3A_1040 = vector.shape_cast %get3A_1033 : vector<16xf32> to vector<1x1x16xf32>
        tpu.vector_store %arg7[%swap3A_1035, %swap3A_1036, %swap3A_1037], %swap3A_1040 {add = true, strides = array<i32>} : memref<4x8x1024xf32, #tpu.memory_space<vmem>>, vector<1x1x16xf32>,
        %get3A_1041 = arith.constant 1 : i32
        %get3A_1042 = arith.index_cast %get3A_1041 : i32 to index
        %get3A_1043 = arith.index_cast %scan3A_327 : i32 to index
        %get3A_1044 = arith.constant 880 : index
        %get3A_1045 = tpu.vector_load %arg8[%get3A_1042, %get3A_1043, %get3A_1044] {strides = array<i32>} : memref<4x8x1024xf32, #tpu.memory_space<vmem>>, vector<1x1x16xf32>,
        %get3A_1046 = vector.shape_cast %get3A_1045 : vector<1x1x16xf32> to vector<16xf32>
        %swap3A_1047 = arith.constant 1 : i32
        %swap3A_1048 = arith.index_cast %swap3A_1047 : i32 to index
        %swap3A_1049 = arith.index_cast %scan3A_327 : i32 to index
        %swap3A_1050 = arith.constant 880 : index
        %swap3A_1051 = tpu.vector_load %arg7[%swap3A_1048, %swap3A_1049, %swap3A_1050] {strides = array<i32>} : memref<4x8x1024xf32, #tpu.memory_space<vmem>>, vector<1x1x16xf32>,
        %swap3A_1052 = vector.shape_cast %swap3A_1051 : vector<1x1x16xf32> to vector<16xf32>
        %swap3A_1053 = vector.shape_cast %get3A_1046 : vector<16xf32> to vector<1x1x16xf32>
        tpu.vector_store %arg7[%swap3A_1048, %swap3A_1049, %swap3A_1050], %swap3A_1053 {add = true, strides = array<i32>} : memref<4x8x1024xf32, #tpu.memory_space<vmem>>, vector<1x1x16xf32>,
        %get3A_1054 = arith.constant 1 : i32
        %get3A_1055 = arith.index_cast %get3A_1054 : i32 to index
        %get3A_1056 = arith.index_cast %scan3A_327 : i32 to index
        %get3A_1057 = arith.constant 896 : index
        %get3A_1058 = tpu.vector_load %arg8[%get3A_1055, %get3A_1056, %get3A_1057] {strides = array<i32>} : memref<4x8x1024xf32, #tpu.memory_space<vmem>>, vector<1x1x16xf32>,
        %get3A_1059 = vector.shape_cast %get3A_1058 : vector<1x1x16xf32> to vector<16xf32>
        %swap3A_1060 = arith.constant 1 : i32
        %swap3A_1061 = arith.index_cast %swap3A_1060 : i32 to index
        %swap3A_1062 = arith.index_cast %scan3A_327 : i32 to index
        %swap3A_1063 = arith.constant 896 : index
        %swap3A_1064 = tpu.vector_load %arg7[%swap3A_1061, %swap3A_1062, %swap3A_1063] {strides = array<i32>} : memref<4x8x1024xf32, #tpu.memory_space<vmem>>, vector<1x1x16xf32>,
        %swap3A_1065 = vector.shape_cast %swap3A_1064 : vector<1x1x16xf32> to vector<16xf32>
        %swap3A_1066 = vector.shape_cast %get3A_1059 : vector<16xf32> to vector<1x1x16xf32>
        tpu.vector_store %arg7[%swap3A_1061, %swap3A_1062, %swap3A_1063], %swap3A_1066 {add = true, strides = array<i32>} : memref<4x8x1024xf32, #tpu.memory_space<vmem>>, vector<1x1x16xf32>,
        %get3A_1067 = arith.constant 1 : i32
        %get3A_1068 = arith.index_cast %get3A_1067 : i32 to index
        %get3A_1069 = arith.index_cast %scan3A_327 : i32 to index
        %get3A_1070 = arith.constant 912 : index
        %get3A_1071 = tpu.vector_load %arg8[%get3A_1068, %get3A_1069, %get3A_1070] {strides = array<i32>} : memref<4x8x1024xf32, #tpu.memory_space<vmem>>, vector<1x1x16xf32>,
        %get3A_1072 = vector.shape_cast %get3A_1071 : vector<1x1x16xf32> to vector<16xf32>
        %swap3A_1073 = arith.constant 1 : i32
        %swap3A_1074 = arith.index_cast %swap3A_1073 : i32 to index
        %swap3A_1075 = arith.index_cast %scan3A_327 : i32 to index
        %swap3A_1076 = arith.constant 912 : index
        %swap3A_1077 = tpu.vector_load %arg7[%swap3A_1074, %swap3A_1075, %swap3A_1076] {strides = array<i32>} : memref<4x8x1024xf32, #tpu.memory_space<vmem>>, vector<1x1x16xf32>,
        %swap3A_1078 = vector.shape_cast %swap3A_1077 : vector<1x1x16xf32> to vector<16xf32>
        %swap3A_1079 = vector.shape_cast %get3A_1072 : vector<16xf32> to vector<1x1x16xf32>
        tpu.vector_store %arg7[%swap3A_1074, %swap3A_1075, %swap3A_1076], %swap3A_1079 {add = true, strides = array<i32>} : memref<4x8x1024xf32, #tpu.memory_space<vmem>>, vector<1x1x16xf32>,
        %get3A_1080 = arith.constant 1 : i32
        %get3A_1081 = arith.index_cast %get3A_1080 : i32 to index
        %get3A_1082 = arith.index_cast %scan3A_327 : i32 to index
        %get3A_1083 = arith.constant 928 : index
        %get3A_1084 = tpu.vector_load %arg8[%get3A_1081, %get3A_1082, %get3A_1083] {strides = array<i32>} : memref<4x8x1024xf32, #tpu.memory_space<vmem>>, vector<1x1x16xf32>,
        %get3A_1085 = vector.shape_cast %get3A_1084 : vector<1x1x16xf32> to vector<16xf32>
        %swap3A_1086 = arith.constant 1 : i32
        %swap3A_1087 = arith.index_cast %swap3A_1086 : i32 to index
        %swap3A_1088 = arith.index_cast %scan3A_327 : i32 to index
        %swap3A_1089 = arith.constant 928 : index
        %swap3A_1090 = tpu.vector_load %arg7[%swap3A_1087, %swap3A_1088, %swap3A_1089] {strides = array<i32>} : memref<4x8x1024xf32, #tpu.memory_space<vmem>>, vector<1x1x16xf32>,
        %swap3A_1091 = vector.shape_cast %swap3A_1090 : vector<1x1x16xf32> to vector<16xf32>
        %swap3A_1092 = vector.shape_cast %get3A_1085 : vector<16xf32> to vector<1x1x16xf32>
        tpu.vector_store %arg7[%swap3A_1087, %swap3A_1088, %swap3A_1089], %swap3A_1092 {add = true, strides = array<i32>} : memref<4x8x1024xf32, #tpu.memory_space<vmem>>, vector<1x1x16xf32>,
        %get3A_1093 = arith.constant 1 : i32
        %get3A_1094 = arith.index_cast %get3A_1093 : i32 to index
        %get3A_1095 = arith.index_cast %scan3A_327 : i32 to index
        %get3A_1096 = arith.constant 944 : index
        %get3A_1097 = tpu.vector_load %arg8[%get3A_1094, %get3A_1095, %get3A_1096] {strides = array<i32>} : memref<4x8x1024xf32, #tpu.memory_space<vmem>>, vector<1x1x16xf32>,
        %get3A_1098 = vector.shape_cast %get3A_1097 : vector<1x1x16xf32> to vector<16xf32>
        %swap3A_1099 = arith.constant 1 : i32
        %swap3A_1100 = arith.index_cast %swap3A_1099 : i32 to index
        %swap3A_1101 = arith.index_cast %scan3A_327 : i32 to index
        %swap3A_1102 = arith.constant 944 : index
        %swap3A_1103 = tpu.vector_load %arg7[%swap3A_1100, %swap3A_1101, %swap3A_1102] {strides = array<i32>} : memref<4x8x1024xf32, #tpu.memory_space<vmem>>, vector<1x1x16xf32>,
        %swap3A_1104 = vector.shape_cast %swap3A_1103 : vector<1x1x16xf32> to vector<16xf32>
        %swap3A_1105 = vector.shape_cast %get3A_1098 : vector<16xf32> to vector<1x1x16xf32>
        tpu.vector_store %arg7[%swap3A_1100, %swap3A_1101, %swap3A_1102], %swap3A_1105 {add = true, strides = array<i32>} : memref<4x8x1024xf32, #tpu.memory_space<vmem>>, vector<1x1x16xf32>,
        %get3A_1106 = arith.constant 1 : i32
        %get3A_1107 = arith.index_cast %get3A_1106 : i32 to index
        %get3A_1108 = arith.index_cast %scan3A_327 : i32 to index
        %get3A_1109 = arith.constant 960 : index
        %get3A_1110 = tpu.vector_load %arg8[%get3A_1107, %get3A_1108, %get3A_1109] {strides = array<i32>} : memref<4x8x1024xf32, #tpu.memory_space<vmem>>, vector<1x1x16xf32>,
        %get3A_1111 = vector.shape_cast %get3A_1110 : vector<1x1x16xf32> to vector<16xf32>
        %swap3A_1112 = arith.constant 1 : i32
        %swap3A_1113 = arith.index_cast %swap3A_1112 : i32 to index
        %swap3A_1114 = arith.index_cast %scan3A_327 : i32 to index
        %swap3A_1115 = arith.constant 960 : index
        %swap3A_1116 = tpu.vector_load %arg7[%swap3A_1113, %swap3A_1114, %swap3A_1115] {strides = array<i32>} : memref<4x8x1024xf32, #tpu.memory_space<vmem>>, vector<1x1x16xf32>,
        %swap3A_1117 = vector.shape_cast %swap3A_1116 : vector<1x1x16xf32> to vector<16xf32>
        %swap3A_1118 = vector.shape_cast %get3A_1111 : vector<16xf32> to vector<1x1x16xf32>
        tpu.vector_store %arg7[%swap3A_1113, %swap3A_1114, %swap3A_1115], %swap3A_1118 {add = true, strides = array<i32>} : memref<4x8x1024xf32, #tpu.memory_space<vmem>>, vector<1x1x16xf32>,
        %get3A_1119 = arith.constant 1 : i32
        %get3A_1120 = arith.index_cast %get3A_1119 : i32 to index
        %get3A_1121 = arith.index_cast %scan3A_327 : i32 to index
        %get3A_1122 = arith.constant 976 : index
        %get3A_1123 = tpu.vector_load %arg8[%get3A_1120, %get3A_1121, %get3A_1122] {strides = array<i32>} : memref<4x8x1024xf32, #tpu.memory_space<vmem>>, vector<1x1x16xf32>,
        %get3A_1124 = vector.shape_cast %get3A_1123 : vector<1x1x16xf32> to vector<16xf32>
        %swap3A_1125 = arith.constant 1 : i32
        %swap3A_1126 = arith.index_cast %swap3A_1125 : i32 to index
        %swap3A_1127 = arith.index_cast %scan3A_327 : i32 to index
        %swap3A_1128 = arith.constant 976 : index
        %swap3A_1129 = tpu.vector_load %arg7[%swap3A_1126, %swap3A_1127, %swap3A_1128] {strides = array<i32>} : memref<4x8x1024xf32, #tpu.memory_space<vmem>>, vector<1x1x16xf32>,
        %swap3A_1130 = vector.shape_cast %swap3A_1129 : vector<1x1x16xf32> to vector<16xf32>
        %swap3A_1131 = vector.shape_cast %get3A_1124 : vector<16xf32> to vector<1x1x16xf32>
        tpu.vector_store %arg7[%swap3A_1126, %swap3A_1127, %swap3A_1128], %swap3A_1131 {add = true, strides = array<i32>} : memref<4x8x1024xf32, #tpu.memory_space<vmem>>, vector<1x1x16xf32>,
        %get3A_1132 = arith.constant 1 : i32
        %get3A_1133 = arith.index_cast %get3A_1132 : i32 to index
        %get3A_1134 = arith.index_cast %scan3A_327 : i32 to index
        %get3A_1135 = arith.constant 992 : index
        %get3A_1136 = tpu.vector_load %arg8[%get3A_1133, %get3A_1134, %get3A_1135] {strides = array<i32>} : memref<4x8x1024xf32, #tpu.memory_space<vmem>>, vector<1x1x16xf32>,
        %get3A_1137 = vector.shape_cast %get3A_1136 : vector<1x1x16xf32> to vector<16xf32>
        %swap3A_1138 = arith.constant 1 : i32
        %swap3A_1139 = arith.index_cast %swap3A_1138 : i32 to index
        %swap3A_1140 = arith.index_cast %scan3A_327 : i32 to index
        %swap3A_1141 = arith.constant 992 : index
        %swap3A_1142 = tpu.vector_load %arg7[%swap3A_1139, %swap3A_1140, %swap3A_1141] {strides = array<i32>} : memref<4x8x1024xf32, #tpu.memory_space<vmem>>, vector<1x1x16xf32>,
        %swap3A_1143 = vector.shape_cast %swap3A_1142 : vector<1x1x16xf32> to vector<16xf32>
        %swap3A_1144 = vector.shape_cast %get3A_1137 : vector<16xf32> to vector<1x1x16xf32>
        tpu.vector_store %arg7[%swap3A_1139, %swap3A_1140, %swap3A_1141], %swap3A_1144 {add = true, strides = array<i32>} : memref<4x8x1024xf32, #tpu.memory_space<vmem>>, vector<1x1x16xf32>,
        %get3A_1145 = arith.constant 1 : i32
        %get3A_1146 = arith.index_cast %get3A_1145 : i32 to index
        %get3A_1147 = arith.index_cast %scan3A_327 : i32 to index
        %get3A_1148 = arith.constant 1008 : index
        %get3A_1149 = tpu.vector_load %arg8[%get3A_1146, %get3A_1147, %get3A_1148] {strides = array<i32>} : memref<4x8x1024xf32, #tpu.memory_space<vmem>>, vector<1x1x16xf32>,
        %get3A_1150 = vector.shape_cast %get3A_1149 : vector<1x1x16xf32> to vector<16xf32>
        %swap3A_1151 = arith.constant 1 : i32
        %swap3A_1152 = arith.index_cast %swap3A_1151 : i32 to index
        %swap3A_1153 = arith.index_cast %scan3A_327 : i32 to index
        %swap3A_1154 = arith.constant 1008 : index
        %swap3A_1155 = tpu.vector_load %arg7[%swap3A_1152, %swap3A_1153, %swap3A_1154] {strides = array<i32>} : memref<4x8x1024xf32, #tpu.memory_space<vmem>>, vector<1x1x16xf32>,
        %swap3A_1156 = vector.shape_cast %swap3A_1155 : vector<1x1x16xf32> to vector<16xf32>
        %swap3A_1157 = vector.shape_cast %get3A_1150 : vector<16xf32> to vector<1x1x16xf32>
        tpu.vector_store %arg7[%swap3A_1152, %swap3A_1153, %swap3A_1154], %swap3A_1157 {add = true, strides = array<i32>} : memref<4x8x1024xf32, #tpu.memory_space<vmem>>, vector<1x1x16xf32>,
      }
      %scan3A_192 = arith.constant 8 : i32
      %mul3A_193 = arith.constant 8 : i32
      %mul3A_194 = arith.muli %add3A_153, %mul3A_193 : i32
      %add3A_195 = arith.addi %mul3A_2, %mul3A_194 : i32
      %dma_start3A_196 = arith.constant 1 : i32
      %dma_start3A_197 = arith.constant 0 : i32
      %dma_start3A_198 = arith.constant 0 : i32
      %dma_start3A_199 = tpu.memref_slice %arg7[%dma_start3A_196, %dma_start3A_197, %dma_start3A_198] : memref<4x8x1024xf32, #tpu.memory_space<vmem>> -> memref<1x8x1024xf32, #tpu.memory_space<vmem>>
      %dma_start3A_200 = tpu.memref_squeeze %dma_start3A_199 : memref<1x8x1024xf32, #tpu.memory_space<vmem>> -> memref<8x1024xf32, #tpu.memory_space<vmem>>
      %dma_start3A_201 = arith.constant 0 : i32
      %dma_start3A_202 = tpu.memref_slice %arg5[%add3A_195, %dma_start3A_201] : memref<32768x1024xf32, #tpu.memory_space<hbm>> -> memref<8x1024xf32, #tpu.memory_space<hbm>>
      %dma_start3A_203 = arith.constant 0 : i32
      %dma_start3A_204 = tpu.memref_slice %arg5[%add3A_195, %dma_start3A_203] : memref<32768x1024xf32, #tpu.memory_space<hbm>> -> memref<8x1024xf32, #tpu.memory_space<hbm>>
      %dma_start3A_205 = arith.constant 0 : i32
      %dma_start3A_206 = arith.constant 0 : i32
      %dma_start3A_207 = tpu.memref_slice %arg7[%dma_start3A_196, %dma_start3A_205, %dma_start3A_206] : memref<4x8x1024xf32, #tpu.memory_space<vmem>> -> memref<1x8x1024xf32, #tpu.memory_space<vmem>>
      %dma_start3A_208 = tpu.memref_squeeze %dma_start3A_207 : memref<1x8x1024xf32, #tpu.memory_space<vmem>> -> memref<8x1024xf32, #tpu.memory_space<vmem>>
      tpu.enqueue_dma source(%dma_start3A_208 : memref<8x1024xf32, #tpu.memory_space<vmem>>) target(%dma_start3A_204 : memref<8x1024xf32, #tpu.memory_space<hbm>>) target_semaphore(%arg14 : memref<!tpu.dma_semaphore, #tpu.memory_space<semaphore_mem>>)
      %mul3A_209 = arith.constant 4 : i32
      %mul3A_210 = arith.muli %scan3A_93, %mul3A_209 : i32
      %add3A_211 = arith.constant 2 : i32
      %add3A_212 = arith.addi %mul3A_210, %add3A_211 : i32
      %add3A_213 = arith.constant 2 : i32
      %add3A_214 = arith.addi %add3A_212, %add3A_213 : i32
      %lt3A_215 = arith.constant 128 : i32
      %lt3A_216 = arith.cmpi slt, %add3A_214, %lt3A_215 : i32
      %convert_element_type3A_217 = arith.extui %lt3A_216 : i1 to i32
      %cond3A_218 = arith.constant 0 : i32
      %cond3A_219 = arith.cmpi ne, %convert_element_type3A_217, %cond3A_218 : i32
      scf.if %cond3A_219 {
        %add3A_327 = arith.constant 2 : i32
        %add3A_328 = arith.addi %add3A_212, %add3A_327 : i32
        %ge3A = arith.constant 4 : i32
        %ge3A_329 = arith.cmpi sge, %add3A_328, %ge3A : i32
        %convert_element_type3A_330 = arith.extui %ge3A_329 : i1 to i32
        %cond3A_331 = arith.constant 0 : i32
        %cond3A_332 = arith.cmpi ne, %convert_element_type3A_330, %cond3A_331 : i32
        scf.if %cond3A_332 {
          %sub3A = arith.constant 2 : i32
          %sub3A_363 = arith.subi %add3A_212, %sub3A : i32
          %mul3A_364 = arith.constant 8 : i32
          %mul3A_365 = arith.muli %sub3A_363, %mul3A_364 : i32
          %add3A_366 = arith.addi %mul3A_2, %mul3A_365 : i32
          %dma_wait3A_367 = arith.constant 0 : i32
          %dma_wait3A_368 = arith.constant 0 : i32
          %dma_wait3A_369 = arith.constant 0 : i32
          %dma_wait3A_370 = tpu.memref_slice %arg7[%dma_wait3A_367, %dma_wait3A_368, %dma_wait3A_369] : memref<4x8x1024xf32, #tpu.memory_space<vmem>> -> memref<1x8x1024xf32, #tpu.memory_space<vmem>>
          %dma_wait3A_371 = tpu.memref_squeeze %dma_wait3A_370 : memref<1x8x1024xf32, #tpu.memory_space<vmem>> -> memref<8x1024xf32, #tpu.memory_space<vmem>>
          %dma_wait3A_372 = arith.constant 0 : i32
          %dma_wait3A_373 = tpu.memref_slice %arg5[%add3A_366, %dma_wait3A_372] : memref<32768x1024xf32, #tpu.memory_space<hbm>> -> memref<8x1024xf32, #tpu.memory_space<hbm>>
          %dma_wait3A_374 = arith.constant 0 : i32
          %dma_wait3A_375 = tpu.memref_slice %arg5[%add3A_366, %dma_wait3A_374] : memref<32768x1024xf32, #tpu.memory_space<hbm>> -> memref<8x1024xf32, #tpu.memory_space<hbm>>
          %dma_wait3A_376 = arith.constant 0 : i32
          %dma_wait3A_377 = arith.constant 0 : i32
          %dma_wait3A_378 = tpu.memref_slice %arg7[%dma_wait3A_367, %dma_wait3A_376, %dma_wait3A_377] : memref<4x8x1024xf32, #tpu.memory_space<vmem>> -> memref<1x8x1024xf32, #tpu.memory_space<vmem>>
          %dma_wait3A_379 = tpu.memref_squeeze %dma_wait3A_378 : memref<1x8x1024xf32, #tpu.memory_space<vmem>> -> memref<8x1024xf32, #tpu.memory_space<vmem>>
          tpu.wait_dma2 semaphore(%arg13 : memref<!tpu.dma_semaphore, #tpu.memory_space<semaphore_mem>>) src(%dma_wait3A_379 : memref<8x1024xf32, #tpu.memory_space<vmem>>) dst(%dma_wait3A_375 : memref<8x1024xf32, #tpu.memory_space<hbm>>)
        } else {
        }
        %add3A_333 = arith.constant 2 : i32
        %add3A_334 = arith.addi %add3A_212, %add3A_333 : i32
        %mul3A_335 = arith.constant 8 : i32
        %mul3A_336 = arith.muli %add3A_334, %mul3A_335 : i32
        %add3A_337 = arith.addi %mul3A_2, %mul3A_336 : i32
        %mul3A_338 = arith.constant 8 : i32
        %mul3A_339 = arith.muli %add3A_334, %mul3A_338 : i32
        %multiple_of3A_340 = tpu.assume_multiple %mul3A_339, 8 : i32
        %dma_start3A_341 = arith.constant 0 : i32
        %dma_start3A_342 = arith.constant 0 : i32
        %dma_start3A_343 = arith.constant 0 : i32
        %dma_start3A_344 = tpu.memref_slice %arg8[%dma_start3A_341, %dma_start3A_342, %dma_start3A_343] : memref<4x8x1024xf32, #tpu.memory_space<vmem>> -> memref<1x8x1024xf32, #tpu.memory_space<vmem>>
        %dma_start3A_345 = tpu.memref_squeeze %dma_start3A_344 : memref<1x8x1024xf32, #tpu.memory_space<vmem>> -> memref<8x1024xf32, #tpu.memory_space<vmem>>
        %dma_start3A_346 = tpu.memref_slice %arg6[%multiple_of3A_340] : memref<1024xi32, #tpu.memory_space<vmem>> -> memref<8xi32, #tpu.memory_space<vmem>>
        %dma_start3A_347 = arith.constant 0 : i32
        %dma_start3A_348 = arith.constant 0 : i32
        %dma_start3A_349 = tpu.memref_slice %arg4[%dma_start3A_347, %dma_start3A_348] : memref<8193x1024xf32, #tpu.memory_space<hbm>> -> memref<8193x1024xf32, #tpu.memory_space<hbm>>
        tpu.enqueue_indirect_dma source(%dma_start3A_349 : memref<8193x1024xf32, #tpu.memory_space<hbm>>) target(%dma_start3A_345 : memref<8x1024xf32, #tpu.memory_space<vmem>>) offsets(%dma_start3A_346 : memref<8xi32, #tpu.memory_space<vmem>>) semaphore(%arg9 : memref<!tpu.dma_semaphore, #tpu.memory_space<semaphore_mem>>)
        %dma_start3A_350 = arith.constant 0 : i32
        %dma_start3A_351 = arith.constant 0 : i32
        %dma_start3A_352 = arith.constant 0 : i32
        %dma_start3A_353 = tpu.memref_slice %arg7[%dma_start3A_350, %dma_start3A_351, %dma_start3A_352] : memref<4x8x1024xf32, #tpu.memory_space<vmem>> -> memref<1x8x1024xf32, #tpu.memory_space<vmem>>
        %dma_start3A_354 = tpu.memref_squeeze %dma_start3A_353 : memref<1x8x1024xf32, #tpu.memory_space<vmem>> -> memref<8x1024xf32, #tpu.memory_space<vmem>>
        %dma_start3A_355 = arith.constant 0 : i32
        %dma_start3A_356 = tpu.memref_slice %arg2[%add3A_337, %dma_start3A_355] : memref<32768x1024xf32, #tpu.memory_space<hbm>> -> memref<8x1024xf32, #tpu.memory_space<hbm>>
        %dma_start3A_357 = arith.constant 0 : i32
        %dma_start3A_358 = arith.constant 0 : i32
        %dma_start3A_359 = tpu.memref_slice %arg7[%dma_start3A_350, %dma_start3A_357, %dma_start3A_358] : memref<4x8x1024xf32, #tpu.memory_space<vmem>> -> memref<1x8x1024xf32, #tpu.memory_space<vmem>>
        %dma_start3A_360 = tpu.memref_squeeze %dma_start3A_359 : memref<1x8x1024xf32, #tpu.memory_space<vmem>> -> memref<8x1024xf32, #tpu.memory_space<vmem>>
        %dma_start3A_361 = arith.constant 0 : i32
        %dma_start3A_362 = tpu.memref_slice %arg2[%add3A_337, %dma_start3A_361] : memref<32768x1024xf32, #tpu.memory_space<hbm>> -> memref<8x1024xf32, #tpu.memory_space<hbm>>
        tpu.enqueue_dma source(%dma_start3A_362 : memref<8x1024xf32, #tpu.memory_space<hbm>>) target(%dma_start3A_360 : memref<8x1024xf32, #tpu.memory_space<vmem>>) target_semaphore(%arg9 : memref<!tpu.dma_semaphore, #tpu.memory_space<semaphore_mem>>)
      } else {
      }
      %mul3A_220 = arith.constant 8 : i32
      %mul3A_221 = arith.muli %add3A_212, %mul3A_220 : i32
      %add3A_222 = arith.addi %mul3A_2, %mul3A_221 : i32
      %dma_wait3A_223 = arith.constant 2 : i32
      %dma_wait3A_224 = arith.constant 0 : i32
      %dma_wait3A_225 = arith.constant 0 : i32
      %dma_wait3A_226 = tpu.memref_slice %arg7[%dma_wait3A_223, %dma_wait3A_224, %dma_wait3A_225] : memref<4x8x1024xf32, #tpu.memory_space<vmem>> -> memref<1x8x1024xf32, #tpu.memory_space<vmem>>
      %dma_wait3A_227 = tpu.memref_squeeze %dma_wait3A_226 : memref<1x8x1024xf32, #tpu.memory_space<vmem>> -> memref<8x1024xf32, #tpu.memory_space<vmem>>
      %dma_wait3A_228 = arith.constant 0 : i32
      %dma_wait3A_229 = tpu.memref_slice %arg2[%add3A_222, %dma_wait3A_228] : memref<32768x1024xf32, #tpu.memory_space<hbm>> -> memref<8x1024xf32, #tpu.memory_space<hbm>>
      %dma_wait3A_230 = arith.constant 0 : i32
      %dma_wait3A_231 = arith.constant 0 : i32
      %dma_wait3A_232 = tpu.memref_slice %arg7[%dma_wait3A_223, %dma_wait3A_230, %dma_wait3A_231] : memref<4x8x1024xf32, #tpu.memory_space<vmem>> -> memref<1x8x1024xf32, #tpu.memory_space<vmem>>
      %dma_wait3A_233 = tpu.memref_squeeze %dma_wait3A_232 : memref<1x8x1024xf32, #tpu.memory_space<vmem>> -> memref<8x1024xf32, #tpu.memory_space<vmem>>
      %dma_wait3A_234 = arith.constant 0 : i32
      %dma_wait3A_235 = tpu.memref_slice %arg2[%add3A_222, %dma_wait3A_234] : memref<32768x1024xf32, #tpu.memory_space<hbm>> -> memref<8x1024xf32, #tpu.memory_space<hbm>>
      tpu.wait_dma2 semaphore(%arg11 : memref<!tpu.dma_semaphore, #tpu.memory_space<semaphore_mem>>) src(%dma_wait3A_235 : memref<8x1024xf32, #tpu.memory_space<hbm>>) dst(%dma_wait3A_233 : memref<8x1024xf32, #tpu.memory_space<vmem>>)
      %dma_wait3A_236 = arith.constant 2 : i32
      %dma_wait3A_237 = arith.constant 0 : i32
      %dma_wait3A_238 = arith.constant 0 : i32
      %dma_wait3A_239 = tpu.memref_slice %arg8[%dma_wait3A_236, %dma_wait3A_237, %dma_wait3A_238] : memref<4x8x1024xf32, #tpu.memory_space<vmem>> -> memref<1x8x1024xf32, #tpu.memory_space<vmem>>
      %dma_wait3A_240 = tpu.memref_squeeze %dma_wait3A_239 : memref<1x8x1024xf32, #tpu.memory_space<vmem>> -> memref<8x1024xf32, #tpu.memory_space<vmem>>
      %dma_wait3A_241 = arith.constant 0 : i32
      %dma_wait3A_242 = tpu.memref_slice %arg6[%dma_wait3A_241] : memref<1024xi32, #tpu.memory_space<vmem>> -> memref<8xi32, #tpu.memory_space<vmem>>
      %dma_wait3A_243 = arith.constant 0 : i32
      %dma_wait3A_244 = arith.constant 0 : i32
      %dma_wait3A_245 = tpu.memref_slice %arg4[%dma_wait3A_243, %dma_wait3A_244] : memref<8193x1024xf32, #tpu.memory_space<hbm>> -> memref<8193x1024xf32, #tpu.memory_space<hbm>>
      tpu.wait_indirect_dma semaphore(%arg11 : memref<!tpu.dma_semaphore, #tpu.memory_space<semaphore_mem>>) src(%dma_wait3A_245 : memref<8193x1024xf32, #tpu.memory_space<hbm>>) dst(%dma_wait3A_240 : memref<8x1024xf32, #tpu.memory_space<vmem>>)
      %scan3A_246 = arith.constant 0 : i32
      %scan3A_247 = arith.constant 0 : i32
      %scan3A_248 = arith.constant 8 : i32
      %scan3A_249 = arith.addi %scan3A_247, %scan3A_248 : i32
      %scan3A_250 = arith.constant 1 : i32
      scf.for %scan3A_327 = %scan3A_247 to %scan3A_249 step %scan3A_250  : i32 {
        %get3A = arith.constant 2 : i32
        %get3A_328 = arith.index_cast %get3A : i32 to index
        %get3A_329 = arith.index_cast %scan3A_327 : i32 to index
        %get3A_330 = arith.constant 0 : index
        %get3A_331 = tpu.vector_load %arg8[%get3A_328, %get3A_329, %get3A_330] {strides = array<i32>} : memref<4x8x1024xf32, #tpu.memory_space<vmem>>, vector<1x1x16xf32>,
        %get3A_332 = vector.shape_cast %get3A_331 : vector<1x1x16xf32> to vector<16xf32>
        %swap3A = arith.constant 2 : i32
        %swap3A_333 = arith.index_cast %swap3A : i32 to index
        %swap3A_334 = arith.index_cast %scan3A_327 : i32 to index
        %swap3A_335 = arith.constant 0 : index
        %swap3A_336 = tpu.vector_load %arg7[%swap3A_333, %swap3A_334, %swap3A_335] {strides = array<i32>} : memref<4x8x1024xf32, #tpu.memory_space<vmem>>, vector<1x1x16xf32>,
        %swap3A_337 = vector.shape_cast %swap3A_336 : vector<1x1x16xf32> to vector<16xf32>
        %swap3A_338 = vector.shape_cast %get3A_332 : vector<16xf32> to vector<1x1x16xf32>
        tpu.vector_store %arg7[%swap3A_333, %swap3A_334, %swap3A_335], %swap3A_338 {add = true, strides = array<i32>} : memref<4x8x1024xf32, #tpu.memory_space<vmem>>, vector<1x1x16xf32>,
        %get3A_339 = arith.constant 2 : i32
        %get3A_340 = arith.index_cast %get3A_339 : i32 to index
        %get3A_341 = arith.index_cast %scan3A_327 : i32 to index
        %get3A_342 = arith.constant 16 : index
        %get3A_343 = tpu.vector_load %arg8[%get3A_340, %get3A_341, %get3A_342] {strides = array<i32>} : memref<4x8x1024xf32, #tpu.memory_space<vmem>>, vector<1x1x16xf32>,
        %get3A_344 = vector.shape_cast %get3A_343 : vector<1x1x16xf32> to vector<16xf32>
        %swap3A_345 = arith.constant 2 : i32
        %swap3A_346 = arith.index_cast %swap3A_345 : i32 to index
        %swap3A_347 = arith.index_cast %scan3A_327 : i32 to index
        %swap3A_348 = arith.constant 16 : index
        %swap3A_349 = tpu.vector_load %arg7[%swap3A_346, %swap3A_347, %swap3A_348] {strides = array<i32>} : memref<4x8x1024xf32, #tpu.memory_space<vmem>>, vector<1x1x16xf32>,
        %swap3A_350 = vector.shape_cast %swap3A_349 : vector<1x1x16xf32> to vector<16xf32>
        %swap3A_351 = vector.shape_cast %get3A_344 : vector<16xf32> to vector<1x1x16xf32>
        tpu.vector_store %arg7[%swap3A_346, %swap3A_347, %swap3A_348], %swap3A_351 {add = true, strides = array<i32>} : memref<4x8x1024xf32, #tpu.memory_space<vmem>>, vector<1x1x16xf32>,
        %get3A_352 = arith.constant 2 : i32
        %get3A_353 = arith.index_cast %get3A_352 : i32 to index
        %get3A_354 = arith.index_cast %scan3A_327 : i32 to index
        %get3A_355 = arith.constant 32 : index
        %get3A_356 = tpu.vector_load %arg8[%get3A_353, %get3A_354, %get3A_355] {strides = array<i32>} : memref<4x8x1024xf32, #tpu.memory_space<vmem>>, vector<1x1x16xf32>,
        %get3A_357 = vector.shape_cast %get3A_356 : vector<1x1x16xf32> to vector<16xf32>
        %swap3A_358 = arith.constant 2 : i32
        %swap3A_359 = arith.index_cast %swap3A_358 : i32 to index
        %swap3A_360 = arith.index_cast %scan3A_327 : i32 to index
        %swap3A_361 = arith.constant 32 : index
        %swap3A_362 = tpu.vector_load %arg7[%swap3A_359, %swap3A_360, %swap3A_361] {strides = array<i32>} : memref<4x8x1024xf32, #tpu.memory_space<vmem>>, vector<1x1x16xf32>,
        %swap3A_363 = vector.shape_cast %swap3A_362 : vector<1x1x16xf32> to vector<16xf32>
        %swap3A_364 = vector.shape_cast %get3A_357 : vector<16xf32> to vector<1x1x16xf32>
        tpu.vector_store %arg7[%swap3A_359, %swap3A_360, %swap3A_361], %swap3A_364 {add = true, strides = array<i32>} : memref<4x8x1024xf32, #tpu.memory_space<vmem>>, vector<1x1x16xf32>,
        %get3A_365 = arith.constant 2 : i32
        %get3A_366 = arith.index_cast %get3A_365 : i32 to index
        %get3A_367 = arith.index_cast %scan3A_327 : i32 to index
        %get3A_368 = arith.constant 48 : index
        %get3A_369 = tpu.vector_load %arg8[%get3A_366, %get3A_367, %get3A_368] {strides = array<i32>} : memref<4x8x1024xf32, #tpu.memory_space<vmem>>, vector<1x1x16xf32>,
        %get3A_370 = vector.shape_cast %get3A_369 : vector<1x1x16xf32> to vector<16xf32>
        %swap3A_371 = arith.constant 2 : i32
        %swap3A_372 = arith.index_cast %swap3A_371 : i32 to index
        %swap3A_373 = arith.index_cast %scan3A_327 : i32 to index
        %swap3A_374 = arith.constant 48 : index
        %swap3A_375 = tpu.vector_load %arg7[%swap3A_372, %swap3A_373, %swap3A_374] {strides = array<i32>} : memref<4x8x1024xf32, #tpu.memory_space<vmem>>, vector<1x1x16xf32>,
        %swap3A_376 = vector.shape_cast %swap3A_375 : vector<1x1x16xf32> to vector<16xf32>
        %swap3A_377 = vector.shape_cast %get3A_370 : vector<16xf32> to vector<1x1x16xf32>
        tpu.vector_store %arg7[%swap3A_372, %swap3A_373, %swap3A_374], %swap3A_377 {add = true, strides = array<i32>} : memref<4x8x1024xf32, #tpu.memory_space<vmem>>, vector<1x1x16xf32>,
        %get3A_378 = arith.constant 2 : i32
        %get3A_379 = arith.index_cast %get3A_378 : i32 to index
        %get3A_380 = arith.index_cast %scan3A_327 : i32 to index
        %get3A_381 = arith.constant 64 : index
        %get3A_382 = tpu.vector_load %arg8[%get3A_379, %get3A_380, %get3A_381] {strides = array<i32>} : memref<4x8x1024xf32, #tpu.memory_space<vmem>>, vector<1x1x16xf32>,
        %get3A_383 = vector.shape_cast %get3A_382 : vector<1x1x16xf32> to vector<16xf32>
        %swap3A_384 = arith.constant 2 : i32
        %swap3A_385 = arith.index_cast %swap3A_384 : i32 to index
        %swap3A_386 = arith.index_cast %scan3A_327 : i32 to index
        %swap3A_387 = arith.constant 64 : index
        %swap3A_388 = tpu.vector_load %arg7[%swap3A_385, %swap3A_386, %swap3A_387] {strides = array<i32>} : memref<4x8x1024xf32, #tpu.memory_space<vmem>>, vector<1x1x16xf32>,
        %swap3A_389 = vector.shape_cast %swap3A_388 : vector<1x1x16xf32> to vector<16xf32>
        %swap3A_390 = vector.shape_cast %get3A_383 : vector<16xf32> to vector<1x1x16xf32>
        tpu.vector_store %arg7[%swap3A_385, %swap3A_386, %swap3A_387], %swap3A_390 {add = true, strides = array<i32>} : memref<4x8x1024xf32, #tpu.memory_space<vmem>>, vector<1x1x16xf32>,
        %get3A_391 = arith.constant 2 : i32
        %get3A_392 = arith.index_cast %get3A_391 : i32 to index
        %get3A_393 = arith.index_cast %scan3A_327 : i32 to index
        %get3A_394 = arith.constant 80 : index
        %get3A_395 = tpu.vector_load %arg8[%get3A_392, %get3A_393, %get3A_394] {strides = array<i32>} : memref<4x8x1024xf32, #tpu.memory_space<vmem>>, vector<1x1x16xf32>,
        %get3A_396 = vector.shape_cast %get3A_395 : vector<1x1x16xf32> to vector<16xf32>
        %swap3A_397 = arith.constant 2 : i32
        %swap3A_398 = arith.index_cast %swap3A_397 : i32 to index
        %swap3A_399 = arith.index_cast %scan3A_327 : i32 to index
        %swap3A_400 = arith.constant 80 : index
        %swap3A_401 = tpu.vector_load %arg7[%swap3A_398, %swap3A_399, %swap3A_400] {strides = array<i32>} : memref<4x8x1024xf32, #tpu.memory_space<vmem>>, vector<1x1x16xf32>,
        %swap3A_402 = vector.shape_cast %swap3A_401 : vector<1x1x16xf32> to vector<16xf32>
        %swap3A_403 = vector.shape_cast %get3A_396 : vector<16xf32> to vector<1x1x16xf32>
        tpu.vector_store %arg7[%swap3A_398, %swap3A_399, %swap3A_400], %swap3A_403 {add = true, strides = array<i32>} : memref<4x8x1024xf32, #tpu.memory_space<vmem>>, vector<1x1x16xf32>,
        %get3A_404 = arith.constant 2 : i32
        %get3A_405 = arith.index_cast %get3A_404 : i32 to index
        %get3A_406 = arith.index_cast %scan3A_327 : i32 to index
        %get3A_407 = arith.constant 96 : index
        %get3A_408 = tpu.vector_load %arg8[%get3A_405, %get3A_406, %get3A_407] {strides = array<i32>} : memref<4x8x1024xf32, #tpu.memory_space<vmem>>, vector<1x1x16xf32>,
        %get3A_409 = vector.shape_cast %get3A_408 : vector<1x1x16xf32> to vector<16xf32>
        %swap3A_410 = arith.constant 2 : i32
        %swap3A_411 = arith.index_cast %swap3A_410 : i32 to index
        %swap3A_412 = arith.index_cast %scan3A_327 : i32 to index
        %swap3A_413 = arith.constant 96 : index
        %swap3A_414 = tpu.vector_load %arg7[%swap3A_411, %swap3A_412, %swap3A_413] {strides = array<i32>} : memref<4x8x1024xf32, #tpu.memory_space<vmem>>, vector<1x1x16xf32>,
        %swap3A_415 = vector.shape_cast %swap3A_414 : vector<1x1x16xf32> to vector<16xf32>
        %swap3A_416 = vector.shape_cast %get3A_409 : vector<16xf32> to vector<1x1x16xf32>
        tpu.vector_store %arg7[%swap3A_411, %swap3A_412, %swap3A_413], %swap3A_416 {add = true, strides = array<i32>} : memref<4x8x1024xf32, #tpu.memory_space<vmem>>, vector<1x1x16xf32>,
        %get3A_417 = arith.constant 2 : i32
        %get3A_418 = arith.index_cast %get3A_417 : i32 to index
        %get3A_419 = arith.index_cast %scan3A_327 : i32 to index
        %get3A_420 = arith.constant 112 : index
        %get3A_421 = tpu.vector_load %arg8[%get3A_418, %get3A_419, %get3A_420] {strides = array<i32>} : memref<4x8x1024xf32, #tpu.memory_space<vmem>>, vector<1x1x16xf32>,
        %get3A_422 = vector.shape_cast %get3A_421 : vector<1x1x16xf32> to vector<16xf32>
        %swap3A_423 = arith.constant 2 : i32
        %swap3A_424 = arith.index_cast %swap3A_423 : i32 to index
        %swap3A_425 = arith.index_cast %scan3A_327 : i32 to index
        %swap3A_426 = arith.constant 112 : index
        %swap3A_427 = tpu.vector_load %arg7[%swap3A_424, %swap3A_425, %swap3A_426] {strides = array<i32>} : memref<4x8x1024xf32, #tpu.memory_space<vmem>>, vector<1x1x16xf32>,
        %swap3A_428 = vector.shape_cast %swap3A_427 : vector<1x1x16xf32> to vector<16xf32>
        %swap3A_429 = vector.shape_cast %get3A_422 : vector<16xf32> to vector<1x1x16xf32>
        tpu.vector_store %arg7[%swap3A_424, %swap3A_425, %swap3A_426], %swap3A_429 {add = true, strides = array<i32>} : memref<4x8x1024xf32, #tpu.memory_space<vmem>>, vector<1x1x16xf32>,
        %get3A_430 = arith.constant 2 : i32
        %get3A_431 = arith.index_cast %get3A_430 : i32 to index
        %get3A_432 = arith.index_cast %scan3A_327 : i32 to index
        %get3A_433 = arith.constant 128 : index
        %get3A_434 = tpu.vector_load %arg8[%get3A_431, %get3A_432, %get3A_433] {strides = array<i32>} : memref<4x8x1024xf32, #tpu.memory_space<vmem>>, vector<1x1x16xf32>,
        %get3A_435 = vector.shape_cast %get3A_434 : vector<1x1x16xf32> to vector<16xf32>
        %swap3A_436 = arith.constant 2 : i32
        %swap3A_437 = arith.index_cast %swap3A_436 : i32 to index
        %swap3A_438 = arith.index_cast %scan3A_327 : i32 to index
        %swap3A_439 = arith.constant 128 : index
        %swap3A_440 = tpu.vector_load %arg7[%swap3A_437, %swap3A_438, %swap3A_439] {strides = array<i32>} : memref<4x8x1024xf32, #tpu.memory_space<vmem>>, vector<1x1x16xf32>,
        %swap3A_441 = vector.shape_cast %swap3A_440 : vector<1x1x16xf32> to vector<16xf32>
        %swap3A_442 = vector.shape_cast %get3A_435 : vector<16xf32> to vector<1x1x16xf32>
        tpu.vector_store %arg7[%swap3A_437, %swap3A_438, %swap3A_439], %swap3A_442 {add = true, strides = array<i32>} : memref<4x8x1024xf32, #tpu.memory_space<vmem>>, vector<1x1x16xf32>,
        %get3A_443 = arith.constant 2 : i32
        %get3A_444 = arith.index_cast %get3A_443 : i32 to index
        %get3A_445 = arith.index_cast %scan3A_327 : i32 to index
        %get3A_446 = arith.constant 144 : index
        %get3A_447 = tpu.vector_load %arg8[%get3A_444, %get3A_445, %get3A_446] {strides = array<i32>} : memref<4x8x1024xf32, #tpu.memory_space<vmem>>, vector<1x1x16xf32>,
        %get3A_448 = vector.shape_cast %get3A_447 : vector<1x1x16xf32> to vector<16xf32>
        %swap3A_449 = arith.constant 2 : i32
        %swap3A_450 = arith.index_cast %swap3A_449 : i32 to index
        %swap3A_451 = arith.index_cast %scan3A_327 : i32 to index
        %swap3A_452 = arith.constant 144 : index
        %swap3A_453 = tpu.vector_load %arg7[%swap3A_450, %swap3A_451, %swap3A_452] {strides = array<i32>} : memref<4x8x1024xf32, #tpu.memory_space<vmem>>, vector<1x1x16xf32>,
        %swap3A_454 = vector.shape_cast %swap3A_453 : vector<1x1x16xf32> to vector<16xf32>
        %swap3A_455 = vector.shape_cast %get3A_448 : vector<16xf32> to vector<1x1x16xf32>
        tpu.vector_store %arg7[%swap3A_450, %swap3A_451, %swap3A_452], %swap3A_455 {add = true, strides = array<i32>} : memref<4x8x1024xf32, #tpu.memory_space<vmem>>, vector<1x1x16xf32>,
        %get3A_456 = arith.constant 2 : i32
        %get3A_457 = arith.index_cast %get3A_456 : i32 to index
        %get3A_458 = arith.index_cast %scan3A_327 : i32 to index
        %get3A_459 = arith.constant 160 : index
        %get3A_460 = tpu.vector_load %arg8[%get3A_457, %get3A_458, %get3A_459] {strides = array<i32>} : memref<4x8x1024xf32, #tpu.memory_space<vmem>>, vector<1x1x16xf32>,
        %get3A_461 = vector.shape_cast %get3A_460 : vector<1x1x16xf32> to vector<16xf32>
        %swap3A_462 = arith.constant 2 : i32
        %swap3A_463 = arith.index_cast %swap3A_462 : i32 to index
        %swap3A_464 = arith.index_cast %scan3A_327 : i32 to index
        %swap3A_465 = arith.constant 160 : index
        %swap3A_466 = tpu.vector_load %arg7[%swap3A_463, %swap3A_464, %swap3A_465] {strides = array<i32>} : memref<4x8x1024xf32, #tpu.memory_space<vmem>>, vector<1x1x16xf32>,
        %swap3A_467 = vector.shape_cast %swap3A_466 : vector<1x1x16xf32> to vector<16xf32>
        %swap3A_468 = vector.shape_cast %get3A_461 : vector<16xf32> to vector<1x1x16xf32>
        tpu.vector_store %arg7[%swap3A_463, %swap3A_464, %swap3A_465], %swap3A_468 {add = true, strides = array<i32>} : memref<4x8x1024xf32, #tpu.memory_space<vmem>>, vector<1x1x16xf32>,
        %get3A_469 = arith.constant 2 : i32
        %get3A_470 = arith.index_cast %get3A_469 : i32 to index
        %get3A_471 = arith.index_cast %scan3A_327 : i32 to index
        %get3A_472 = arith.constant 176 : index
        %get3A_473 = tpu.vector_load %arg8[%get3A_470, %get3A_471, %get3A_472] {strides = array<i32>} : memref<4x8x1024xf32, #tpu.memory_space<vmem>>, vector<1x1x16xf32>,
        %get3A_474 = vector.shape_cast %get3A_473 : vector<1x1x16xf32> to vector<16xf32>
        %swap3A_475 = arith.constant 2 : i32
        %swap3A_476 = arith.index_cast %swap3A_475 : i32 to index
        %swap3A_477 = arith.index_cast %scan3A_327 : i32 to index
        %swap3A_478 = arith.constant 176 : index
        %swap3A_479 = tpu.vector_load %arg7[%swap3A_476, %swap3A_477, %swap3A_478] {strides = array<i32>} : memref<4x8x1024xf32, #tpu.memory_space<vmem>>, vector<1x1x16xf32>,
        %swap3A_480 = vector.shape_cast %swap3A_479 : vector<1x1x16xf32> to vector<16xf32>
        %swap3A_481 = vector.shape_cast %get3A_474 : vector<16xf32> to vector<1x1x16xf32>
        tpu.vector_store %arg7[%swap3A_476, %swap3A_477, %swap3A_478], %swap3A_481 {add = true, strides = array<i32>} : memref<4x8x1024xf32, #tpu.memory_space<vmem>>, vector<1x1x16xf32>,
        %get3A_482 = arith.constant 2 : i32
        %get3A_483 = arith.index_cast %get3A_482 : i32 to index
        %get3A_484 = arith.index_cast %scan3A_327 : i32 to index
        %get3A_485 = arith.constant 192 : index
        %get3A_486 = tpu.vector_load %arg8[%get3A_483, %get3A_484, %get3A_485] {strides = array<i32>} : memref<4x8x1024xf32, #tpu.memory_space<vmem>>, vector<1x1x16xf32>,
        %get3A_487 = vector.shape_cast %get3A_486 : vector<1x1x16xf32> to vector<16xf32>
        %swap3A_488 = arith.constant 2 : i32
        %swap3A_489 = arith.index_cast %swap3A_488 : i32 to index
        %swap3A_490 = arith.index_cast %scan3A_327 : i32 to index
        %swap3A_491 = arith.constant 192 : index
        %swap3A_492 = tpu.vector_load %arg7[%swap3A_489, %swap3A_490, %swap3A_491] {strides = array<i32>} : memref<4x8x1024xf32, #tpu.memory_space<vmem>>, vector<1x1x16xf32>,
        %swap3A_493 = vector.shape_cast %swap3A_492 : vector<1x1x16xf32> to vector<16xf32>
        %swap3A_494 = vector.shape_cast %get3A_487 : vector<16xf32> to vector<1x1x16xf32>
        tpu.vector_store %arg7[%swap3A_489, %swap3A_490, %swap3A_491], %swap3A_494 {add = true, strides = array<i32>} : memref<4x8x1024xf32, #tpu.memory_space<vmem>>, vector<1x1x16xf32>,
        %get3A_495 = arith.constant 2 : i32
        %get3A_496 = arith.index_cast %get3A_495 : i32 to index
        %get3A_497 = arith.index_cast %scan3A_327 : i32 to index
        %get3A_498 = arith.constant 208 : index
        %get3A_499 = tpu.vector_load %arg8[%get3A_496, %get3A_497, %get3A_498] {strides = array<i32>} : memref<4x8x1024xf32, #tpu.memory_space<vmem>>, vector<1x1x16xf32>,
        %get3A_500 = vector.shape_cast %get3A_499 : vector<1x1x16xf32> to vector<16xf32>
        %swap3A_501 = arith.constant 2 : i32
        %swap3A_502 = arith.index_cast %swap3A_501 : i32 to index
        %swap3A_503 = arith.index_cast %scan3A_327 : i32 to index
        %swap3A_504 = arith.constant 208 : index
        %swap3A_505 = tpu.vector_load %arg7[%swap3A_502, %swap3A_503, %swap3A_504] {strides = array<i32>} : memref<4x8x1024xf32, #tpu.memory_space<vmem>>, vector<1x1x16xf32>,
        %swap3A_506 = vector.shape_cast %swap3A_505 : vector<1x1x16xf32> to vector<16xf32>
        %swap3A_507 = vector.shape_cast %get3A_500 : vector<16xf32> to vector<1x1x16xf32>
        tpu.vector_store %arg7[%swap3A_502, %swap3A_503, %swap3A_504], %swap3A_507 {add = true, strides = array<i32>} : memref<4x8x1024xf32, #tpu.memory_space<vmem>>, vector<1x1x16xf32>,
        %get3A_508 = arith.constant 2 : i32
        %get3A_509 = arith.index_cast %get3A_508 : i32 to index
        %get3A_510 = arith.index_cast %scan3A_327 : i32 to index
        %get3A_511 = arith.constant 224 : index
        %get3A_512 = tpu.vector_load %arg8[%get3A_509, %get3A_510, %get3A_511] {strides = array<i32>} : memref<4x8x1024xf32, #tpu.memory_space<vmem>>, vector<1x1x16xf32>,
        %get3A_513 = vector.shape_cast %get3A_512 : vector<1x1x16xf32> to vector<16xf32>
        %swap3A_514 = arith.constant 2 : i32
        %swap3A_515 = arith.index_cast %swap3A_514 : i32 to index
        %swap3A_516 = arith.index_cast %scan3A_327 : i32 to index
        %swap3A_517 = arith.constant 224 : index
        %swap3A_518 = tpu.vector_load %arg7[%swap3A_515, %swap3A_516, %swap3A_517] {strides = array<i32>} : memref<4x8x1024xf32, #tpu.memory_space<vmem>>, vector<1x1x16xf32>,
        %swap3A_519 = vector.shape_cast %swap3A_518 : vector<1x1x16xf32> to vector<16xf32>
        %swap3A_520 = vector.shape_cast %get3A_513 : vector<16xf32> to vector<1x1x16xf32>
        tpu.vector_store %arg7[%swap3A_515, %swap3A_516, %swap3A_517], %swap3A_520 {add = true, strides = array<i32>} : memref<4x8x1024xf32, #tpu.memory_space<vmem>>, vector<1x1x16xf32>,
        %get3A_521 = arith.constant 2 : i32
        %get3A_522 = arith.index_cast %get3A_521 : i32 to index
        %get3A_523 = arith.index_cast %scan3A_327 : i32 to index
        %get3A_524 = arith.constant 240 : index
        %get3A_525 = tpu.vector_load %arg8[%get3A_522, %get3A_523, %get3A_524] {strides = array<i32>} : memref<4x8x1024xf32, #tpu.memory_space<vmem>>, vector<1x1x16xf32>,
        %get3A_526 = vector.shape_cast %get3A_525 : vector<1x1x16xf32> to vector<16xf32>
        %swap3A_527 = arith.constant 2 : i32
        %swap3A_528 = arith.index_cast %swap3A_527 : i32 to index
        %swap3A_529 = arith.index_cast %scan3A_327 : i32 to index
        %swap3A_530 = arith.constant 240 : index
        %swap3A_531 = tpu.vector_load %arg7[%swap3A_528, %swap3A_529, %swap3A_530] {strides = array<i32>} : memref<4x8x1024xf32, #tpu.memory_space<vmem>>, vector<1x1x16xf32>,
        %swap3A_532 = vector.shape_cast %swap3A_531 : vector<1x1x16xf32> to vector<16xf32>
        %swap3A_533 = vector.shape_cast %get3A_526 : vector<16xf32> to vector<1x1x16xf32>
        tpu.vector_store %arg7[%swap3A_528, %swap3A_529, %swap3A_530], %swap3A_533 {add = true, strides = array<i32>} : memref<4x8x1024xf32, #tpu.memory_space<vmem>>, vector<1x1x16xf32>,
        %get3A_534 = arith.constant 2 : i32
        %get3A_535 = arith.index_cast %get3A_534 : i32 to index
        %get3A_536 = arith.index_cast %scan3A_327 : i32 to index
        %get3A_537 = arith.constant 256 : index
        %get3A_538 = tpu.vector_load %arg8[%get3A_535, %get3A_536, %get3A_537] {strides = array<i32>} : memref<4x8x1024xf32, #tpu.memory_space<vmem>>, vector<1x1x16xf32>,
        %get3A_539 = vector.shape_cast %get3A_538 : vector<1x1x16xf32> to vector<16xf32>
        %swap3A_540 = arith.constant 2 : i32
        %swap3A_541 = arith.index_cast %swap3A_540 : i32 to index
        %swap3A_542 = arith.index_cast %scan3A_327 : i32 to index
        %swap3A_543 = arith.constant 256 : index
        %swap3A_544 = tpu.vector_load %arg7[%swap3A_541, %swap3A_542, %swap3A_543] {strides = array<i32>} : memref<4x8x1024xf32, #tpu.memory_space<vmem>>, vector<1x1x16xf32>,
        %swap3A_545 = vector.shape_cast %swap3A_544 : vector<1x1x16xf32> to vector<16xf32>
        %swap3A_546 = vector.shape_cast %get3A_539 : vector<16xf32> to vector<1x1x16xf32>
        tpu.vector_store %arg7[%swap3A_541, %swap3A_542, %swap3A_543], %swap3A_546 {add = true, strides = array<i32>} : memref<4x8x1024xf32, #tpu.memory_space<vmem>>, vector<1x1x16xf32>,
        %get3A_547 = arith.constant 2 : i32
        %get3A_548 = arith.index_cast %get3A_547 : i32 to index
        %get3A_549 = arith.index_cast %scan3A_327 : i32 to index
        %get3A_550 = arith.constant 272 : index
        %get3A_551 = tpu.vector_load %arg8[%get3A_548, %get3A_549, %get3A_550] {strides = array<i32>} : memref<4x8x1024xf32, #tpu.memory_space<vmem>>, vector<1x1x16xf32>,
        %get3A_552 = vector.shape_cast %get3A_551 : vector<1x1x16xf32> to vector<16xf32>
        %swap3A_553 = arith.constant 2 : i32
        %swap3A_554 = arith.index_cast %swap3A_553 : i32 to index
        %swap3A_555 = arith.index_cast %scan3A_327 : i32 to index
        %swap3A_556 = arith.constant 272 : index
        %swap3A_557 = tpu.vector_load %arg7[%swap3A_554, %swap3A_555, %swap3A_556] {strides = array<i32>} : memref<4x8x1024xf32, #tpu.memory_space<vmem>>, vector<1x1x16xf32>,
        %swap3A_558 = vector.shape_cast %swap3A_557 : vector<1x1x16xf32> to vector<16xf32>
        %swap3A_559 = vector.shape_cast %get3A_552 : vector<16xf32> to vector<1x1x16xf32>
        tpu.vector_store %arg7[%swap3A_554, %swap3A_555, %swap3A_556], %swap3A_559 {add = true, strides = array<i32>} : memref<4x8x1024xf32, #tpu.memory_space<vmem>>, vector<1x1x16xf32>,
        %get3A_560 = arith.constant 2 : i32
        %get3A_561 = arith.index_cast %get3A_560 : i32 to index
        %get3A_562 = arith.index_cast %scan3A_327 : i32 to index
        %get3A_563 = arith.constant 288 : index
        %get3A_564 = tpu.vector_load %arg8[%get3A_561, %get3A_562, %get3A_563] {strides = array<i32>} : memref<4x8x1024xf32, #tpu.memory_space<vmem>>, vector<1x1x16xf32>,
        %get3A_565 = vector.shape_cast %get3A_564 : vector<1x1x16xf32> to vector<16xf32>
        %swap3A_566 = arith.constant 2 : i32
        %swap3A_567 = arith.index_cast %swap3A_566 : i32 to index
        %swap3A_568 = arith.index_cast %scan3A_327 : i32 to index
        %swap3A_569 = arith.constant 288 : index
        %swap3A_570 = tpu.vector_load %arg7[%swap3A_567, %swap3A_568, %swap3A_569] {strides = array<i32>} : memref<4x8x1024xf32, #tpu.memory_space<vmem>>, vector<1x1x16xf32>,
        %swap3A_571 = vector.shape_cast %swap3A_570 : vector<1x1x16xf32> to vector<16xf32>
        %swap3A_572 = vector.shape_cast %get3A_565 : vector<16xf32> to vector<1x1x16xf32>
        tpu.vector_store %arg7[%swap3A_567, %swap3A_568, %swap3A_569], %swap3A_572 {add = true, strides = array<i32>} : memref<4x8x1024xf32, #tpu.memory_space<vmem>>, vector<1x1x16xf32>,
        %get3A_573 = arith.constant 2 : i32
        %get3A_574 = arith.index_cast %get3A_573 : i32 to index
        %get3A_575 = arith.index_cast %scan3A_327 : i32 to index
        %get3A_576 = arith.constant 304 : index
        %get3A_577 = tpu.vector_load %arg8[%get3A_574, %get3A_575, %get3A_576] {strides = array<i32>} : memref<4x8x1024xf32, #tpu.memory_space<vmem>>, vector<1x1x16xf32>,
        %get3A_578 = vector.shape_cast %get3A_577 : vector<1x1x16xf32> to vector<16xf32>
        %swap3A_579 = arith.constant 2 : i32
        %swap3A_580 = arith.index_cast %swap3A_579 : i32 to index
        %swap3A_581 = arith.index_cast %scan3A_327 : i32 to index
        %swap3A_582 = arith.constant 304 : index
        %swap3A_583 = tpu.vector_load %arg7[%swap3A_580, %swap3A_581, %swap3A_582] {strides = array<i32>} : memref<4x8x1024xf32, #tpu.memory_space<vmem>>, vector<1x1x16xf32>,
        %swap3A_584 = vector.shape_cast %swap3A_583 : vector<1x1x16xf32> to vector<16xf32>
        %swap3A_585 = vector.shape_cast %get3A_578 : vector<16xf32> to vector<1x1x16xf32>
        tpu.vector_store %arg7[%swap3A_580, %swap3A_581, %swap3A_582], %swap3A_585 {add = true, strides = array<i32>} : memref<4x8x1024xf32, #tpu.memory_space<vmem>>, vector<1x1x16xf32>,
        %get3A_586 = arith.constant 2 : i32
        %get3A_587 = arith.index_cast %get3A_586 : i32 to index
        %get3A_588 = arith.index_cast %scan3A_327 : i32 to index
        %get3A_589 = arith.constant 320 : index
        %get3A_590 = tpu.vector_load %arg8[%get3A_587, %get3A_588, %get3A_589] {strides = array<i32>} : memref<4x8x1024xf32, #tpu.memory_space<vmem>>, vector<1x1x16xf32>,
        %get3A_591 = vector.shape_cast %get3A_590 : vector<1x1x16xf32> to vector<16xf32>
        %swap3A_592 = arith.constant 2 : i32
        %swap3A_593 = arith.index_cast %swap3A_592 : i32 to index
        %swap3A_594 = arith.index_cast %scan3A_327 : i32 to index
        %swap3A_595 = arith.constant 320 : index
        %swap3A_596 = tpu.vector_load %arg7[%swap3A_593, %swap3A_594, %swap3A_595] {strides = array<i32>} : memref<4x8x1024xf32, #tpu.memory_space<vmem>>, vector<1x1x16xf32>,
        %swap3A_597 = vector.shape_cast %swap3A_596 : vector<1x1x16xf32> to vector<16xf32>
        %swap3A_598 = vector.shape_cast %get3A_591 : vector<16xf32> to vector<1x1x16xf32>
        tpu.vector_store %arg7[%swap3A_593, %swap3A_594, %swap3A_595], %swap3A_598 {add = true, strides = array<i32>} : memref<4x8x1024xf32, #tpu.memory_space<vmem>>, vector<1x1x16xf32>,
        %get3A_599 = arith.constant 2 : i32
        %get3A_600 = arith.index_cast %get3A_599 : i32 to index
        %get3A_601 = arith.index_cast %scan3A_327 : i32 to index
        %get3A_602 = arith.constant 336 : index
        %get3A_603 = tpu.vector_load %arg8[%get3A_600, %get3A_601, %get3A_602] {strides = array<i32>} : memref<4x8x1024xf32, #tpu.memory_space<vmem>>, vector<1x1x16xf32>,
        %get3A_604 = vector.shape_cast %get3A_603 : vector<1x1x16xf32> to vector<16xf32>
        %swap3A_605 = arith.constant 2 : i32
        %swap3A_606 = arith.index_cast %swap3A_605 : i32 to index
        %swap3A_607 = arith.index_cast %scan3A_327 : i32 to index
        %swap3A_608 = arith.constant 336 : index
        %swap3A_609 = tpu.vector_load %arg7[%swap3A_606, %swap3A_607, %swap3A_608] {strides = array<i32>} : memref<4x8x1024xf32, #tpu.memory_space<vmem>>, vector<1x1x16xf32>,
        %swap3A_610 = vector.shape_cast %swap3A_609 : vector<1x1x16xf32> to vector<16xf32>
        %swap3A_611 = vector.shape_cast %get3A_604 : vector<16xf32> to vector<1x1x16xf32>
        tpu.vector_store %arg7[%swap3A_606, %swap3A_607, %swap3A_608], %swap3A_611 {add = true, strides = array<i32>} : memref<4x8x1024xf32, #tpu.memory_space<vmem>>, vector<1x1x16xf32>,
        %get3A_612 = arith.constant 2 : i32
        %get3A_613 = arith.index_cast %get3A_612 : i32 to index
        %get3A_614 = arith.index_cast %scan3A_327 : i32 to index
        %get3A_615 = arith.constant 352 : index
        %get3A_616 = tpu.vector_load %arg8[%get3A_613, %get3A_614, %get3A_615] {strides = array<i32>} : memref<4x8x1024xf32, #tpu.memory_space<vmem>>, vector<1x1x16xf32>,
        %get3A_617 = vector.shape_cast %get3A_616 : vector<1x1x16xf32> to vector<16xf32>
        %swap3A_618 = arith.constant 2 : i32
        %swap3A_619 = arith.index_cast %swap3A_618 : i32 to index
        %swap3A_620 = arith.index_cast %scan3A_327 : i32 to index
        %swap3A_621 = arith.constant 352 : index
        %swap3A_622 = tpu.vector_load %arg7[%swap3A_619, %swap3A_620, %swap3A_621] {strides = array<i32>} : memref<4x8x1024xf32, #tpu.memory_space<vmem>>, vector<1x1x16xf32>,
        %swap3A_623 = vector.shape_cast %swap3A_622 : vector<1x1x16xf32> to vector<16xf32>
        %swap3A_624 = vector.shape_cast %get3A_617 : vector<16xf32> to vector<1x1x16xf32>
        tpu.vector_store %arg7[%swap3A_619, %swap3A_620, %swap3A_621], %swap3A_624 {add = true, strides = array<i32>} : memref<4x8x1024xf32, #tpu.memory_space<vmem>>, vector<1x1x16xf32>,
        %get3A_625 = arith.constant 2 : i32
        %get3A_626 = arith.index_cast %get3A_625 : i32 to index
        %get3A_627 = arith.index_cast %scan3A_327 : i32 to index
        %get3A_628 = arith.constant 368 : index
        %get3A_629 = tpu.vector_load %arg8[%get3A_626, %get3A_627, %get3A_628] {strides = array<i32>} : memref<4x8x1024xf32, #tpu.memory_space<vmem>>, vector<1x1x16xf32>,
        %get3A_630 = vector.shape_cast %get3A_629 : vector<1x1x16xf32> to vector<16xf32>
        %swap3A_631 = arith.constant 2 : i32
        %swap3A_632 = arith.index_cast %swap3A_631 : i32 to index
        %swap3A_633 = arith.index_cast %scan3A_327 : i32 to index
        %swap3A_634 = arith.constant 368 : index
        %swap3A_635 = tpu.vector_load %arg7[%swap3A_632, %swap3A_633, %swap3A_634] {strides = array<i32>} : memref<4x8x1024xf32, #tpu.memory_space<vmem>>, vector<1x1x16xf32>,
        %swap3A_636 = vector.shape_cast %swap3A_635 : vector<1x1x16xf32> to vector<16xf32>
        %swap3A_637 = vector.shape_cast %get3A_630 : vector<16xf32> to vector<1x1x16xf32>
        tpu.vector_store %arg7[%swap3A_632, %swap3A_633, %swap3A_634], %swap3A_637 {add = true, strides = array<i32>} : memref<4x8x1024xf32, #tpu.memory_space<vmem>>, vector<1x1x16xf32>,
        %get3A_638 = arith.constant 2 : i32
        %get3A_639 = arith.index_cast %get3A_638 : i32 to index
        %get3A_640 = arith.index_cast %scan3A_327 : i32 to index
        %get3A_641 = arith.constant 384 : index
        %get3A_642 = tpu.vector_load %arg8[%get3A_639, %get3A_640, %get3A_641] {strides = array<i32>} : memref<4x8x1024xf32, #tpu.memory_space<vmem>>, vector<1x1x16xf32>,
        %get3A_643 = vector.shape_cast %get3A_642 : vector<1x1x16xf32> to vector<16xf32>
        %swap3A_644 = arith.constant 2 : i32
        %swap3A_645 = arith.index_cast %swap3A_644 : i32 to index
        %swap3A_646 = arith.index_cast %scan3A_327 : i32 to index
        %swap3A_647 = arith.constant 384 : index
        %swap3A_648 = tpu.vector_load %arg7[%swap3A_645, %swap3A_646, %swap3A_647] {strides = array<i32>} : memref<4x8x1024xf32, #tpu.memory_space<vmem>>, vector<1x1x16xf32>,
        %swap3A_649 = vector.shape_cast %swap3A_648 : vector<1x1x16xf32> to vector<16xf32>
        %swap3A_650 = vector.shape_cast %get3A_643 : vector<16xf32> to vector<1x1x16xf32>
        tpu.vector_store %arg7[%swap3A_645, %swap3A_646, %swap3A_647], %swap3A_650 {add = true, strides = array<i32>} : memref<4x8x1024xf32, #tpu.memory_space<vmem>>, vector<1x1x16xf32>,
        %get3A_651 = arith.constant 2 : i32
        %get3A_652 = arith.index_cast %get3A_651 : i32 to index
        %get3A_653 = arith.index_cast %scan3A_327 : i32 to index
        %get3A_654 = arith.constant 400 : index
        %get3A_655 = tpu.vector_load %arg8[%get3A_652, %get3A_653, %get3A_654] {strides = array<i32>} : memref<4x8x1024xf32, #tpu.memory_space<vmem>>, vector<1x1x16xf32>,
        %get3A_656 = vector.shape_cast %get3A_655 : vector<1x1x16xf32> to vector<16xf32>
        %swap3A_657 = arith.constant 2 : i32
        %swap3A_658 = arith.index_cast %swap3A_657 : i32 to index
        %swap3A_659 = arith.index_cast %scan3A_327 : i32 to index
        %swap3A_660 = arith.constant 400 : index
        %swap3A_661 = tpu.vector_load %arg7[%swap3A_658, %swap3A_659, %swap3A_660] {strides = array<i32>} : memref<4x8x1024xf32, #tpu.memory_space<vmem>>, vector<1x1x16xf32>,
        %swap3A_662 = vector.shape_cast %swap3A_661 : vector<1x1x16xf32> to vector<16xf32>
        %swap3A_663 = vector.shape_cast %get3A_656 : vector<16xf32> to vector<1x1x16xf32>
        tpu.vector_store %arg7[%swap3A_658, %swap3A_659, %swap3A_660], %swap3A_663 {add = true, strides = array<i32>} : memref<4x8x1024xf32, #tpu.memory_space<vmem>>, vector<1x1x16xf32>,
        %get3A_664 = arith.constant 2 : i32
        %get3A_665 = arith.index_cast %get3A_664 : i32 to index
        %get3A_666 = arith.index_cast %scan3A_327 : i32 to index
        %get3A_667 = arith.constant 416 : index
        %get3A_668 = tpu.vector_load %arg8[%get3A_665, %get3A_666, %get3A_667] {strides = array<i32>} : memref<4x8x1024xf32, #tpu.memory_space<vmem>>, vector<1x1x16xf32>,
        %get3A_669 = vector.shape_cast %get3A_668 : vector<1x1x16xf32> to vector<16xf32>
        %swap3A_670 = arith.constant 2 : i32
        %swap3A_671 = arith.index_cast %swap3A_670 : i32 to index
        %swap3A_672 = arith.index_cast %scan3A_327 : i32 to index
        %swap3A_673 = arith.constant 416 : index
        %swap3A_674 = tpu.vector_load %arg7[%swap3A_671, %swap3A_672, %swap3A_673] {strides = array<i32>} : memref<4x8x1024xf32, #tpu.memory_space<vmem>>, vector<1x1x16xf32>,
        %swap3A_675 = vector.shape_cast %swap3A_674 : vector<1x1x16xf32> to vector<16xf32>
        %swap3A_676 = vector.shape_cast %get3A_669 : vector<16xf32> to vector<1x1x16xf32>
        tpu.vector_store %arg7[%swap3A_671, %swap3A_672, %swap3A_673], %swap3A_676 {add = true, strides = array<i32>} : memref<4x8x1024xf32, #tpu.memory_space<vmem>>, vector<1x1x16xf32>,
        %get3A_677 = arith.constant 2 : i32
        %get3A_678 = arith.index_cast %get3A_677 : i32 to index
        %get3A_679 = arith.index_cast %scan3A_327 : i32 to index
        %get3A_680 = arith.constant 432 : index
        %get3A_681 = tpu.vector_load %arg8[%get3A_678, %get3A_679, %get3A_680] {strides = array<i32>} : memref<4x8x1024xf32, #tpu.memory_space<vmem>>, vector<1x1x16xf32>,
        %get3A_682 = vector.shape_cast %get3A_681 : vector<1x1x16xf32> to vector<16xf32>
        %swap3A_683 = arith.constant 2 : i32
        %swap3A_684 = arith.index_cast %swap3A_683 : i32 to index
        %swap3A_685 = arith.index_cast %scan3A_327 : i32 to index
        %swap3A_686 = arith.constant 432 : index
        %swap3A_687 = tpu.vector_load %arg7[%swap3A_684, %swap3A_685, %swap3A_686] {strides = array<i32>} : memref<4x8x1024xf32, #tpu.memory_space<vmem>>, vector<1x1x16xf32>,
        %swap3A_688 = vector.shape_cast %swap3A_687 : vector<1x1x16xf32> to vector<16xf32>
        %swap3A_689 = vector.shape_cast %get3A_682 : vector<16xf32> to vector<1x1x16xf32>
        tpu.vector_store %arg7[%swap3A_684, %swap3A_685, %swap3A_686], %swap3A_689 {add = true, strides = array<i32>} : memref<4x8x1024xf32, #tpu.memory_space<vmem>>, vector<1x1x16xf32>,
        %get3A_690 = arith.constant 2 : i32
        %get3A_691 = arith.index_cast %get3A_690 : i32 to index
        %get3A_692 = arith.index_cast %scan3A_327 : i32 to index
        %get3A_693 = arith.constant 448 : index
        %get3A_694 = tpu.vector_load %arg8[%get3A_691, %get3A_692, %get3A_693] {strides = array<i32>} : memref<4x8x1024xf32, #tpu.memory_space<vmem>>, vector<1x1x16xf32>,
        %get3A_695 = vector.shape_cast %get3A_694 : vector<1x1x16xf32> to vector<16xf32>
        %swap3A_696 = arith.constant 2 : i32
        %swap3A_697 = arith.index_cast %swap3A_696 : i32 to index
        %swap3A_698 = arith.index_cast %scan3A_327 : i32 to index
        %swap3A_699 = arith.constant 448 : index
        %swap3A_700 = tpu.vector_load %arg7[%swap3A_697, %swap3A_698, %swap3A_699] {strides = array<i32>} : memref<4x8x1024xf32, #tpu.memory_space<vmem>>, vector<1x1x16xf32>,
        %swap3A_701 = vector.shape_cast %swap3A_700 : vector<1x1x16xf32> to vector<16xf32>
        %swap3A_702 = vector.shape_cast %get3A_695 : vector<16xf32> to vector<1x1x16xf32>
        tpu.vector_store %arg7[%swap3A_697, %swap3A_698, %swap3A_699], %swap3A_702 {add = true, strides = array<i32>} : memref<4x8x1024xf32, #tpu.memory_space<vmem>>, vector<1x1x16xf32>,
        %get3A_703 = arith.constant 2 : i32
        %get3A_704 = arith.index_cast %get3A_703 : i32 to index
        %get3A_705 = arith.index_cast %scan3A_327 : i32 to index
        %get3A_706 = arith.constant 464 : index
        %get3A_707 = tpu.vector_load %arg8[%get3A_704, %get3A_705, %get3A_706] {strides = array<i32>} : memref<4x8x1024xf32, #tpu.memory_space<vmem>>, vector<1x1x16xf32>,
        %get3A_708 = vector.shape_cast %get3A_707 : vector<1x1x16xf32> to vector<16xf32>
        %swap3A_709 = arith.constant 2 : i32
        %swap3A_710 = arith.index_cast %swap3A_709 : i32 to index
        %swap3A_711 = arith.index_cast %scan3A_327 : i32 to index
        %swap3A_712 = arith.constant 464 : index
        %swap3A_713 = tpu.vector_load %arg7[%swap3A_710, %swap3A_711, %swap3A_712] {strides = array<i32>} : memref<4x8x1024xf32, #tpu.memory_space<vmem>>, vector<1x1x16xf32>,
        %swap3A_714 = vector.shape_cast %swap3A_713 : vector<1x1x16xf32> to vector<16xf32>
        %swap3A_715 = vector.shape_cast %get3A_708 : vector<16xf32> to vector<1x1x16xf32>
        tpu.vector_store %arg7[%swap3A_710, %swap3A_711, %swap3A_712], %swap3A_715 {add = true, strides = array<i32>} : memref<4x8x1024xf32, #tpu.memory_space<vmem>>, vector<1x1x16xf32>,
        %get3A_716 = arith.constant 2 : i32
        %get3A_717 = arith.index_cast %get3A_716 : i32 to index
        %get3A_718 = arith.index_cast %scan3A_327 : i32 to index
        %get3A_719 = arith.constant 480 : index
        %get3A_720 = tpu.vector_load %arg8[%get3A_717, %get3A_718, %get3A_719] {strides = array<i32>} : memref<4x8x1024xf32, #tpu.memory_space<vmem>>, vector<1x1x16xf32>,
        %get3A_721 = vector.shape_cast %get3A_720 : vector<1x1x16xf32> to vector<16xf32>
        %swap3A_722 = arith.constant 2 : i32
        %swap3A_723 = arith.index_cast %swap3A_722 : i32 to index
        %swap3A_724 = arith.index_cast %scan3A_327 : i32 to index
        %swap3A_725 = arith.constant 480 : index
        %swap3A_726 = tpu.vector_load %arg7[%swap3A_723, %swap3A_724, %swap3A_725] {strides = array<i32>} : memref<4x8x1024xf32, #tpu.memory_space<vmem>>, vector<1x1x16xf32>,
        %swap3A_727 = vector.shape_cast %swap3A_726 : vector<1x1x16xf32> to vector<16xf32>
        %swap3A_728 = vector.shape_cast %get3A_721 : vector<16xf32> to vector<1x1x16xf32>
        tpu.vector_store %arg7[%swap3A_723, %swap3A_724, %swap3A_725], %swap3A_728 {add = true, strides = array<i32>} : memref<4x8x1024xf32, #tpu.memory_space<vmem>>, vector<1x1x16xf32>,
        %get3A_729 = arith.constant 2 : i32
        %get3A_730 = arith.index_cast %get3A_729 : i32 to index
        %get3A_731 = arith.index_cast %scan3A_327 : i32 to index
        %get3A_732 = arith.constant 496 : index
        %get3A_733 = tpu.vector_load %arg8[%get3A_730, %get3A_731, %get3A_732] {strides = array<i32>} : memref<4x8x1024xf32, #tpu.memory_space<vmem>>, vector<1x1x16xf32>,
        %get3A_734 = vector.shape_cast %get3A_733 : vector<1x1x16xf32> to vector<16xf32>
        %swap3A_735 = arith.constant 2 : i32
        %swap3A_736 = arith.index_cast %swap3A_735 : i32 to index
        %swap3A_737 = arith.index_cast %scan3A_327 : i32 to index
        %swap3A_738 = arith.constant 496 : index
        %swap3A_739 = tpu.vector_load %arg7[%swap3A_736, %swap3A_737, %swap3A_738] {strides = array<i32>} : memref<4x8x1024xf32, #tpu.memory_space<vmem>>, vector<1x1x16xf32>,
        %swap3A_740 = vector.shape_cast %swap3A_739 : vector<1x1x16xf32> to vector<16xf32>
        %swap3A_741 = vector.shape_cast %get3A_734 : vector<16xf32> to vector<1x1x16xf32>
        tpu.vector_store %arg7[%swap3A_736, %swap3A_737, %swap3A_738], %swap3A_741 {add = true, strides = array<i32>} : memref<4x8x1024xf32, #tpu.memory_space<vmem>>, vector<1x1x16xf32>,
        %get3A_742 = arith.constant 2 : i32
        %get3A_743 = arith.index_cast %get3A_742 : i32 to index
        %get3A_744 = arith.index_cast %scan3A_327 : i32 to index
        %get3A_745 = arith.constant 512 : index
        %get3A_746 = tpu.vector_load %arg8[%get3A_743, %get3A_744, %get3A_745] {strides = array<i32>} : memref<4x8x1024xf32, #tpu.memory_space<vmem>>, vector<1x1x16xf32>,
        %get3A_747 = vector.shape_cast %get3A_746 : vector<1x1x16xf32> to vector<16xf32>
        %swap3A_748 = arith.constant 2 : i32
        %swap3A_749 = arith.index_cast %swap3A_748 : i32 to index
        %swap3A_750 = arith.index_cast %scan3A_327 : i32 to index
        %swap3A_751 = arith.constant 512 : index
        %swap3A_752 = tpu.vector_load %arg7[%swap3A_749, %swap3A_750, %swap3A_751] {strides = array<i32>} : memref<4x8x1024xf32, #tpu.memory_space<vmem>>, vector<1x1x16xf32>,
        %swap3A_753 = vector.shape_cast %swap3A_752 : vector<1x1x16xf32> to vector<16xf32>
        %swap3A_754 = vector.shape_cast %get3A_747 : vector<16xf32> to vector<1x1x16xf32>
        tpu.vector_store %arg7[%swap3A_749, %swap3A_750, %swap3A_751], %swap3A_754 {add = true, strides = array<i32>} : memref<4x8x1024xf32, #tpu.memory_space<vmem>>, vector<1x1x16xf32>,
        %get3A_755 = arith.constant 2 : i32
        %get3A_756 = arith.index_cast %get3A_755 : i32 to index
        %get3A_757 = arith.index_cast %scan3A_327 : i32 to index
        %get3A_758 = arith.constant 528 : index
        %get3A_759 = tpu.vector_load %arg8[%get3A_756, %get3A_757, %get3A_758] {strides = array<i32>} : memref<4x8x1024xf32, #tpu.memory_space<vmem>>, vector<1x1x16xf32>,
        %get3A_760 = vector.shape_cast %get3A_759 : vector<1x1x16xf32> to vector<16xf32>
        %swap3A_761 = arith.constant 2 : i32
        %swap3A_762 = arith.index_cast %swap3A_761 : i32 to index
        %swap3A_763 = arith.index_cast %scan3A_327 : i32 to index
        %swap3A_764 = arith.constant 528 : index
        %swap3A_765 = tpu.vector_load %arg7[%swap3A_762, %swap3A_763, %swap3A_764] {strides = array<i32>} : memref<4x8x1024xf32, #tpu.memory_space<vmem>>, vector<1x1x16xf32>,
        %swap3A_766 = vector.shape_cast %swap3A_765 : vector<1x1x16xf32> to vector<16xf32>
        %swap3A_767 = vector.shape_cast %get3A_760 : vector<16xf32> to vector<1x1x16xf32>
        tpu.vector_store %arg7[%swap3A_762, %swap3A_763, %swap3A_764], %swap3A_767 {add = true, strides = array<i32>} : memref<4x8x1024xf32, #tpu.memory_space<vmem>>, vector<1x1x16xf32>,
        %get3A_768 = arith.constant 2 : i32
        %get3A_769 = arith.index_cast %get3A_768 : i32 to index
        %get3A_770 = arith.index_cast %scan3A_327 : i32 to index
        %get3A_771 = arith.constant 544 : index
        %get3A_772 = tpu.vector_load %arg8[%get3A_769, %get3A_770, %get3A_771] {strides = array<i32>} : memref<4x8x1024xf32, #tpu.memory_space<vmem>>, vector<1x1x16xf32>,
        %get3A_773 = vector.shape_cast %get3A_772 : vector<1x1x16xf32> to vector<16xf32>
        %swap3A_774 = arith.constant 2 : i32
        %swap3A_775 = arith.index_cast %swap3A_774 : i32 to index
        %swap3A_776 = arith.index_cast %scan3A_327 : i32 to index
        %swap3A_777 = arith.constant 544 : index
        %swap3A_778 = tpu.vector_load %arg7[%swap3A_775, %swap3A_776, %swap3A_777] {strides = array<i32>} : memref<4x8x1024xf32, #tpu.memory_space<vmem>>, vector<1x1x16xf32>,
        %swap3A_779 = vector.shape_cast %swap3A_778 : vector<1x1x16xf32> to vector<16xf32>
        %swap3A_780 = vector.shape_cast %get3A_773 : vector<16xf32> to vector<1x1x16xf32>
        tpu.vector_store %arg7[%swap3A_775, %swap3A_776, %swap3A_777], %swap3A_780 {add = true, strides = array<i32>} : memref<4x8x1024xf32, #tpu.memory_space<vmem>>, vector<1x1x16xf32>,
        %get3A_781 = arith.constant 2 : i32
        %get3A_782 = arith.index_cast %get3A_781 : i32 to index
        %get3A_783 = arith.index_cast %scan3A_327 : i32 to index
        %get3A_784 = arith.constant 560 : index
        %get3A_785 = tpu.vector_load %arg8[%get3A_782, %get3A_783, %get3A_784] {strides = array<i32>} : memref<4x8x1024xf32, #tpu.memory_space<vmem>>, vector<1x1x16xf32>,
        %get3A_786 = vector.shape_cast %get3A_785 : vector<1x1x16xf32> to vector<16xf32>
        %swap3A_787 = arith.constant 2 : i32
        %swap3A_788 = arith.index_cast %swap3A_787 : i32 to index
        %swap3A_789 = arith.index_cast %scan3A_327 : i32 to index
        %swap3A_790 = arith.constant 560 : index
        %swap3A_791 = tpu.vector_load %arg7[%swap3A_788, %swap3A_789, %swap3A_790] {strides = array<i32>} : memref<4x8x1024xf32, #tpu.memory_space<vmem>>, vector<1x1x16xf32>,
        %swap3A_792 = vector.shape_cast %swap3A_791 : vector<1x1x16xf32> to vector<16xf32>
        %swap3A_793 = vector.shape_cast %get3A_786 : vector<16xf32> to vector<1x1x16xf32>
        tpu.vector_store %arg7[%swap3A_788, %swap3A_789, %swap3A_790], %swap3A_793 {add = true, strides = array<i32>} : memref<4x8x1024xf32, #tpu.memory_space<vmem>>, vector<1x1x16xf32>,
        %get3A_794 = arith.constant 2 : i32
        %get3A_795 = arith.index_cast %get3A_794 : i32 to index
        %get3A_796 = arith.index_cast %scan3A_327 : i32 to index
        %get3A_797 = arith.constant 576 : index
        %get3A_798 = tpu.vector_load %arg8[%get3A_795, %get3A_796, %get3A_797] {strides = array<i32>} : memref<4x8x1024xf32, #tpu.memory_space<vmem>>, vector<1x1x16xf32>,
        %get3A_799 = vector.shape_cast %get3A_798 : vector<1x1x16xf32> to vector<16xf32>
        %swap3A_800 = arith.constant 2 : i32
        %swap3A_801 = arith.index_cast %swap3A_800 : i32 to index
        %swap3A_802 = arith.index_cast %scan3A_327 : i32 to index
        %swap3A_803 = arith.constant 576 : index
        %swap3A_804 = tpu.vector_load %arg7[%swap3A_801, %swap3A_802, %swap3A_803] {strides = array<i32>} : memref<4x8x1024xf32, #tpu.memory_space<vmem>>, vector<1x1x16xf32>,
        %swap3A_805 = vector.shape_cast %swap3A_804 : vector<1x1x16xf32> to vector<16xf32>
        %swap3A_806 = vector.shape_cast %get3A_799 : vector<16xf32> to vector<1x1x16xf32>
        tpu.vector_store %arg7[%swap3A_801, %swap3A_802, %swap3A_803], %swap3A_806 {add = true, strides = array<i32>} : memref<4x8x1024xf32, #tpu.memory_space<vmem>>, vector<1x1x16xf32>,
        %get3A_807 = arith.constant 2 : i32
        %get3A_808 = arith.index_cast %get3A_807 : i32 to index
        %get3A_809 = arith.index_cast %scan3A_327 : i32 to index
        %get3A_810 = arith.constant 592 : index
        %get3A_811 = tpu.vector_load %arg8[%get3A_808, %get3A_809, %get3A_810] {strides = array<i32>} : memref<4x8x1024xf32, #tpu.memory_space<vmem>>, vector<1x1x16xf32>,
        %get3A_812 = vector.shape_cast %get3A_811 : vector<1x1x16xf32> to vector<16xf32>
        %swap3A_813 = arith.constant 2 : i32
        %swap3A_814 = arith.index_cast %swap3A_813 : i32 to index
        %swap3A_815 = arith.index_cast %scan3A_327 : i32 to index
        %swap3A_816 = arith.constant 592 : index
        %swap3A_817 = tpu.vector_load %arg7[%swap3A_814, %swap3A_815, %swap3A_816] {strides = array<i32>} : memref<4x8x1024xf32, #tpu.memory_space<vmem>>, vector<1x1x16xf32>,
        %swap3A_818 = vector.shape_cast %swap3A_817 : vector<1x1x16xf32> to vector<16xf32>
        %swap3A_819 = vector.shape_cast %get3A_812 : vector<16xf32> to vector<1x1x16xf32>
        tpu.vector_store %arg7[%swap3A_814, %swap3A_815, %swap3A_816], %swap3A_819 {add = true, strides = array<i32>} : memref<4x8x1024xf32, #tpu.memory_space<vmem>>, vector<1x1x16xf32>,
        %get3A_820 = arith.constant 2 : i32
        %get3A_821 = arith.index_cast %get3A_820 : i32 to index
        %get3A_822 = arith.index_cast %scan3A_327 : i32 to index
        %get3A_823 = arith.constant 608 : index
        %get3A_824 = tpu.vector_load %arg8[%get3A_821, %get3A_822, %get3A_823] {strides = array<i32>} : memref<4x8x1024xf32, #tpu.memory_space<vmem>>, vector<1x1x16xf32>,
        %get3A_825 = vector.shape_cast %get3A_824 : vector<1x1x16xf32> to vector<16xf32>
        %swap3A_826 = arith.constant 2 : i32
        %swap3A_827 = arith.index_cast %swap3A_826 : i32 to index
        %swap3A_828 = arith.index_cast %scan3A_327 : i32 to index
        %swap3A_829 = arith.constant 608 : index
        %swap3A_830 = tpu.vector_load %arg7[%swap3A_827, %swap3A_828, %swap3A_829] {strides = array<i32>} : memref<4x8x1024xf32, #tpu.memory_space<vmem>>, vector<1x1x16xf32>,
        %swap3A_831 = vector.shape_cast %swap3A_830 : vector<1x1x16xf32> to vector<16xf32>
        %swap3A_832 = vector.shape_cast %get3A_825 : vector<16xf32> to vector<1x1x16xf32>
        tpu.vector_store %arg7[%swap3A_827, %swap3A_828, %swap3A_829], %swap3A_832 {add = true, strides = array<i32>} : memref<4x8x1024xf32, #tpu.memory_space<vmem>>, vector<1x1x16xf32>,
        %get3A_833 = arith.constant 2 : i32
        %get3A_834 = arith.index_cast %get3A_833 : i32 to index
        %get3A_835 = arith.index_cast %scan3A_327 : i32 to index
        %get3A_836 = arith.constant 624 : index
        %get3A_837 = tpu.vector_load %arg8[%get3A_834, %get3A_835, %get3A_836] {strides = array<i32>} : memref<4x8x1024xf32, #tpu.memory_space<vmem>>, vector<1x1x16xf32>,
        %get3A_838 = vector.shape_cast %get3A_837 : vector<1x1x16xf32> to vector<16xf32>
        %swap3A_839 = arith.constant 2 : i32
        %swap3A_840 = arith.index_cast %swap3A_839 : i32 to index
        %swap3A_841 = arith.index_cast %scan3A_327 : i32 to index
        %swap3A_842 = arith.constant 624 : index
        %swap3A_843 = tpu.vector_load %arg7[%swap3A_840, %swap3A_841, %swap3A_842] {strides = array<i32>} : memref<4x8x1024xf32, #tpu.memory_space<vmem>>, vector<1x1x16xf32>,
        %swap3A_844 = vector.shape_cast %swap3A_843 : vector<1x1x16xf32> to vector<16xf32>
        %swap3A_845 = vector.shape_cast %get3A_838 : vector<16xf32> to vector<1x1x16xf32>
        tpu.vector_store %arg7[%swap3A_840, %swap3A_841, %swap3A_842], %swap3A_845 {add = true, strides = array<i32>} : memref<4x8x1024xf32, #tpu.memory_space<vmem>>, vector<1x1x16xf32>,
        %get3A_846 = arith.constant 2 : i32
        %get3A_847 = arith.index_cast %get3A_846 : i32 to index
        %get3A_848 = arith.index_cast %scan3A_327 : i32 to index
        %get3A_849 = arith.constant 640 : index
        %get3A_850 = tpu.vector_load %arg8[%get3A_847, %get3A_848, %get3A_849] {strides = array<i32>} : memref<4x8x1024xf32, #tpu.memory_space<vmem>>, vector<1x1x16xf32>,
        %get3A_851 = vector.shape_cast %get3A_850 : vector<1x1x16xf32> to vector<16xf32>
        %swap3A_852 = arith.constant 2 : i32
        %swap3A_853 = arith.index_cast %swap3A_852 : i32 to index
        %swap3A_854 = arith.index_cast %scan3A_327 : i32 to index
        %swap3A_855 = arith.constant 640 : index
        %swap3A_856 = tpu.vector_load %arg7[%swap3A_853, %swap3A_854, %swap3A_855] {strides = array<i32>} : memref<4x8x1024xf32, #tpu.memory_space<vmem>>, vector<1x1x16xf32>,
        %swap3A_857 = vector.shape_cast %swap3A_856 : vector<1x1x16xf32> to vector<16xf32>
        %swap3A_858 = vector.shape_cast %get3A_851 : vector<16xf32> to vector<1x1x16xf32>
        tpu.vector_store %arg7[%swap3A_853, %swap3A_854, %swap3A_855], %swap3A_858 {add = true, strides = array<i32>} : memref<4x8x1024xf32, #tpu.memory_space<vmem>>, vector<1x1x16xf32>,
        %get3A_859 = arith.constant 2 : i32
        %get3A_860 = arith.index_cast %get3A_859 : i32 to index
        %get3A_861 = arith.index_cast %scan3A_327 : i32 to index
        %get3A_862 = arith.constant 656 : index
        %get3A_863 = tpu.vector_load %arg8[%get3A_860, %get3A_861, %get3A_862] {strides = array<i32>} : memref<4x8x1024xf32, #tpu.memory_space<vmem>>, vector<1x1x16xf32>,
        %get3A_864 = vector.shape_cast %get3A_863 : vector<1x1x16xf32> to vector<16xf32>
        %swap3A_865 = arith.constant 2 : i32
        %swap3A_866 = arith.index_cast %swap3A_865 : i32 to index
        %swap3A_867 = arith.index_cast %scan3A_327 : i32 to index
        %swap3A_868 = arith.constant 656 : index
        %swap3A_869 = tpu.vector_load %arg7[%swap3A_866, %swap3A_867, %swap3A_868] {strides = array<i32>} : memref<4x8x1024xf32, #tpu.memory_space<vmem>>, vector<1x1x16xf32>,
        %swap3A_870 = vector.shape_cast %swap3A_869 : vector<1x1x16xf32> to vector<16xf32>
        %swap3A_871 = vector.shape_cast %get3A_864 : vector<16xf32> to vector<1x1x16xf32>
        tpu.vector_store %arg7[%swap3A_866, %swap3A_867, %swap3A_868], %swap3A_871 {add = true, strides = array<i32>} : memref<4x8x1024xf32, #tpu.memory_space<vmem>>, vector<1x1x16xf32>,
        %get3A_872 = arith.constant 2 : i32
        %get3A_873 = arith.index_cast %get3A_872 : i32 to index
        %get3A_874 = arith.index_cast %scan3A_327 : i32 to index
        %get3A_875 = arith.constant 672 : index
        %get3A_876 = tpu.vector_load %arg8[%get3A_873, %get3A_874, %get3A_875] {strides = array<i32>} : memref<4x8x1024xf32, #tpu.memory_space<vmem>>, vector<1x1x16xf32>,
        %get3A_877 = vector.shape_cast %get3A_876 : vector<1x1x16xf32> to vector<16xf32>
        %swap3A_878 = arith.constant 2 : i32
        %swap3A_879 = arith.index_cast %swap3A_878 : i32 to index
        %swap3A_880 = arith.index_cast %scan3A_327 : i32 to index
        %swap3A_881 = arith.constant 672 : index
        %swap3A_882 = tpu.vector_load %arg7[%swap3A_879, %swap3A_880, %swap3A_881] {strides = array<i32>} : memref<4x8x1024xf32, #tpu.memory_space<vmem>>, vector<1x1x16xf32>,
        %swap3A_883 = vector.shape_cast %swap3A_882 : vector<1x1x16xf32> to vector<16xf32>
        %swap3A_884 = vector.shape_cast %get3A_877 : vector<16xf32> to vector<1x1x16xf32>
        tpu.vector_store %arg7[%swap3A_879, %swap3A_880, %swap3A_881], %swap3A_884 {add = true, strides = array<i32>} : memref<4x8x1024xf32, #tpu.memory_space<vmem>>, vector<1x1x16xf32>,
        %get3A_885 = arith.constant 2 : i32
        %get3A_886 = arith.index_cast %get3A_885 : i32 to index
        %get3A_887 = arith.index_cast %scan3A_327 : i32 to index
        %get3A_888 = arith.constant 688 : index
        %get3A_889 = tpu.vector_load %arg8[%get3A_886, %get3A_887, %get3A_888] {strides = array<i32>} : memref<4x8x1024xf32, #tpu.memory_space<vmem>>, vector<1x1x16xf32>,
        %get3A_890 = vector.shape_cast %get3A_889 : vector<1x1x16xf32> to vector<16xf32>
        %swap3A_891 = arith.constant 2 : i32
        %swap3A_892 = arith.index_cast %swap3A_891 : i32 to index
        %swap3A_893 = arith.index_cast %scan3A_327 : i32 to index
        %swap3A_894 = arith.constant 688 : index
        %swap3A_895 = tpu.vector_load %arg7[%swap3A_892, %swap3A_893, %swap3A_894] {strides = array<i32>} : memref<4x8x1024xf32, #tpu.memory_space<vmem>>, vector<1x1x16xf32>,
        %swap3A_896 = vector.shape_cast %swap3A_895 : vector<1x1x16xf32> to vector<16xf32>
        %swap3A_897 = vector.shape_cast %get3A_890 : vector<16xf32> to vector<1x1x16xf32>
        tpu.vector_store %arg7[%swap3A_892, %swap3A_893, %swap3A_894], %swap3A_897 {add = true, strides = array<i32>} : memref<4x8x1024xf32, #tpu.memory_space<vmem>>, vector<1x1x16xf32>,
        %get3A_898 = arith.constant 2 : i32
        %get3A_899 = arith.index_cast %get3A_898 : i32 to index
        %get3A_900 = arith.index_cast %scan3A_327 : i32 to index
        %get3A_901 = arith.constant 704 : index
        %get3A_902 = tpu.vector_load %arg8[%get3A_899, %get3A_900, %get3A_901] {strides = array<i32>} : memref<4x8x1024xf32, #tpu.memory_space<vmem>>, vector<1x1x16xf32>,
        %get3A_903 = vector.shape_cast %get3A_902 : vector<1x1x16xf32> to vector<16xf32>
        %swap3A_904 = arith.constant 2 : i32
        %swap3A_905 = arith.index_cast %swap3A_904 : i32 to index
        %swap3A_906 = arith.index_cast %scan3A_327 : i32 to index
        %swap3A_907 = arith.constant 704 : index
        %swap3A_908 = tpu.vector_load %arg7[%swap3A_905, %swap3A_906, %swap3A_907] {strides = array<i32>} : memref<4x8x1024xf32, #tpu.memory_space<vmem>>, vector<1x1x16xf32>,
        %swap3A_909 = vector.shape_cast %swap3A_908 : vector<1x1x16xf32> to vector<16xf32>
        %swap3A_910 = vector.shape_cast %get3A_903 : vector<16xf32> to vector<1x1x16xf32>
        tpu.vector_store %arg7[%swap3A_905, %swap3A_906, %swap3A_907], %swap3A_910 {add = true, strides = array<i32>} : memref<4x8x1024xf32, #tpu.memory_space<vmem>>, vector<1x1x16xf32>,
        %get3A_911 = arith.constant 2 : i32
        %get3A_912 = arith.index_cast %get3A_911 : i32 to index
        %get3A_913 = arith.index_cast %scan3A_327 : i32 to index
        %get3A_914 = arith.constant 720 : index
        %get3A_915 = tpu.vector_load %arg8[%get3A_912, %get3A_913, %get3A_914] {strides = array<i32>} : memref<4x8x1024xf32, #tpu.memory_space<vmem>>, vector<1x1x16xf32>,
        %get3A_916 = vector.shape_cast %get3A_915 : vector<1x1x16xf32> to vector<16xf32>
        %swap3A_917 = arith.constant 2 : i32
        %swap3A_918 = arith.index_cast %swap3A_917 : i32 to index
        %swap3A_919 = arith.index_cast %scan3A_327 : i32 to index
        %swap3A_920 = arith.constant 720 : index
        %swap3A_921 = tpu.vector_load %arg7[%swap3A_918, %swap3A_919, %swap3A_920] {strides = array<i32>} : memref<4x8x1024xf32, #tpu.memory_space<vmem>>, vector<1x1x16xf32>,
        %swap3A_922 = vector.shape_cast %swap3A_921 : vector<1x1x16xf32> to vector<16xf32>
        %swap3A_923 = vector.shape_cast %get3A_916 : vector<16xf32> to vector<1x1x16xf32>
        tpu.vector_store %arg7[%swap3A_918, %swap3A_919, %swap3A_920], %swap3A_923 {add = true, strides = array<i32>} : memref<4x8x1024xf32, #tpu.memory_space<vmem>>, vector<1x1x16xf32>,
        %get3A_924 = arith.constant 2 : i32
        %get3A_925 = arith.index_cast %get3A_924 : i32 to index
        %get3A_926 = arith.index_cast %scan3A_327 : i32 to index
        %get3A_927 = arith.constant 736 : index
        %get3A_928 = tpu.vector_load %arg8[%get3A_925, %get3A_926, %get3A_927] {strides = array<i32>} : memref<4x8x1024xf32, #tpu.memory_space<vmem>>, vector<1x1x16xf32>,
        %get3A_929 = vector.shape_cast %get3A_928 : vector<1x1x16xf32> to vector<16xf32>
        %swap3A_930 = arith.constant 2 : i32
        %swap3A_931 = arith.index_cast %swap3A_930 : i32 to index
        %swap3A_932 = arith.index_cast %scan3A_327 : i32 to index
        %swap3A_933 = arith.constant 736 : index
        %swap3A_934 = tpu.vector_load %arg7[%swap3A_931, %swap3A_932, %swap3A_933] {strides = array<i32>} : memref<4x8x1024xf32, #tpu.memory_space<vmem>>, vector<1x1x16xf32>,
        %swap3A_935 = vector.shape_cast %swap3A_934 : vector<1x1x16xf32> to vector<16xf32>
        %swap3A_936 = vector.shape_cast %get3A_929 : vector<16xf32> to vector<1x1x16xf32>
        tpu.vector_store %arg7[%swap3A_931, %swap3A_932, %swap3A_933], %swap3A_936 {add = true, strides = array<i32>} : memref<4x8x1024xf32, #tpu.memory_space<vmem>>, vector<1x1x16xf32>,
        %get3A_937 = arith.constant 2 : i32
        %get3A_938 = arith.index_cast %get3A_937 : i32 to index
        %get3A_939 = arith.index_cast %scan3A_327 : i32 to index
        %get3A_940 = arith.constant 752 : index
        %get3A_941 = tpu.vector_load %arg8[%get3A_938, %get3A_939, %get3A_940] {strides = array<i32>} : memref<4x8x1024xf32, #tpu.memory_space<vmem>>, vector<1x1x16xf32>,
        %get3A_942 = vector.shape_cast %get3A_941 : vector<1x1x16xf32> to vector<16xf32>
        %swap3A_943 = arith.constant 2 : i32
        %swap3A_944 = arith.index_cast %swap3A_943 : i32 to index
        %swap3A_945 = arith.index_cast %scan3A_327 : i32 to index
        %swap3A_946 = arith.constant 752 : index
        %swap3A_947 = tpu.vector_load %arg7[%swap3A_944, %swap3A_945, %swap3A_946] {strides = array<i32>} : memref<4x8x1024xf32, #tpu.memory_space<vmem>>, vector<1x1x16xf32>,
        %swap3A_948 = vector.shape_cast %swap3A_947 : vector<1x1x16xf32> to vector<16xf32>
        %swap3A_949 = vector.shape_cast %get3A_942 : vector<16xf32> to vector<1x1x16xf32>
        tpu.vector_store %arg7[%swap3A_944, %swap3A_945, %swap3A_946], %swap3A_949 {add = true, strides = array<i32>} : memref<4x8x1024xf32, #tpu.memory_space<vmem>>, vector<1x1x16xf32>,
        %get3A_950 = arith.constant 2 : i32
        %get3A_951 = arith.index_cast %get3A_950 : i32 to index
        %get3A_952 = arith.index_cast %scan3A_327 : i32 to index
        %get3A_953 = arith.constant 768 : index
        %get3A_954 = tpu.vector_load %arg8[%get3A_951, %get3A_952, %get3A_953] {strides = array<i32>} : memref<4x8x1024xf32, #tpu.memory_space<vmem>>, vector<1x1x16xf32>,
        %get3A_955 = vector.shape_cast %get3A_954 : vector<1x1x16xf32> to vector<16xf32>
        %swap3A_956 = arith.constant 2 : i32
        %swap3A_957 = arith.index_cast %swap3A_956 : i32 to index
        %swap3A_958 = arith.index_cast %scan3A_327 : i32 to index
        %swap3A_959 = arith.constant 768 : index
        %swap3A_960 = tpu.vector_load %arg7[%swap3A_957, %swap3A_958, %swap3A_959] {strides = array<i32>} : memref<4x8x1024xf32, #tpu.memory_space<vmem>>, vector<1x1x16xf32>,
        %swap3A_961 = vector.shape_cast %swap3A_960 : vector<1x1x16xf32> to vector<16xf32>
        %swap3A_962 = vector.shape_cast %get3A_955 : vector<16xf32> to vector<1x1x16xf32>
        tpu.vector_store %arg7[%swap3A_957, %swap3A_958, %swap3A_959], %swap3A_962 {add = true, strides = array<i32>} : memref<4x8x1024xf32, #tpu.memory_space<vmem>>, vector<1x1x16xf32>,
        %get3A_963 = arith.constant 2 : i32
        %get3A_964 = arith.index_cast %get3A_963 : i32 to index
        %get3A_965 = arith.index_cast %scan3A_327 : i32 to index
        %get3A_966 = arith.constant 784 : index
        %get3A_967 = tpu.vector_load %arg8[%get3A_964, %get3A_965, %get3A_966] {strides = array<i32>} : memref<4x8x1024xf32, #tpu.memory_space<vmem>>, vector<1x1x16xf32>,
        %get3A_968 = vector.shape_cast %get3A_967 : vector<1x1x16xf32> to vector<16xf32>
        %swap3A_969 = arith.constant 2 : i32
        %swap3A_970 = arith.index_cast %swap3A_969 : i32 to index
        %swap3A_971 = arith.index_cast %scan3A_327 : i32 to index
        %swap3A_972 = arith.constant 784 : index
        %swap3A_973 = tpu.vector_load %arg7[%swap3A_970, %swap3A_971, %swap3A_972] {strides = array<i32>} : memref<4x8x1024xf32, #tpu.memory_space<vmem>>, vector<1x1x16xf32>,
        %swap3A_974 = vector.shape_cast %swap3A_973 : vector<1x1x16xf32> to vector<16xf32>
        %swap3A_975 = vector.shape_cast %get3A_968 : vector<16xf32> to vector<1x1x16xf32>
        tpu.vector_store %arg7[%swap3A_970, %swap3A_971, %swap3A_972], %swap3A_975 {add = true, strides = array<i32>} : memref<4x8x1024xf32, #tpu.memory_space<vmem>>, vector<1x1x16xf32>,
        %get3A_976 = arith.constant 2 : i32
        %get3A_977 = arith.index_cast %get3A_976 : i32 to index
        %get3A_978 = arith.index_cast %scan3A_327 : i32 to index
        %get3A_979 = arith.constant 800 : index
        %get3A_980 = tpu.vector_load %arg8[%get3A_977, %get3A_978, %get3A_979] {strides = array<i32>} : memref<4x8x1024xf32, #tpu.memory_space<vmem>>, vector<1x1x16xf32>,
        %get3A_981 = vector.shape_cast %get3A_980 : vector<1x1x16xf32> to vector<16xf32>
        %swap3A_982 = arith.constant 2 : i32
        %swap3A_983 = arith.index_cast %swap3A_982 : i32 to index
        %swap3A_984 = arith.index_cast %scan3A_327 : i32 to index
        %swap3A_985 = arith.constant 800 : index
        %swap3A_986 = tpu.vector_load %arg7[%swap3A_983, %swap3A_984, %swap3A_985] {strides = array<i32>} : memref<4x8x1024xf32, #tpu.memory_space<vmem>>, vector<1x1x16xf32>,
        %swap3A_987 = vector.shape_cast %swap3A_986 : vector<1x1x16xf32> to vector<16xf32>
        %swap3A_988 = vector.shape_cast %get3A_981 : vector<16xf32> to vector<1x1x16xf32>
        tpu.vector_store %arg7[%swap3A_983, %swap3A_984, %swap3A_985], %swap3A_988 {add = true, strides = array<i32>} : memref<4x8x1024xf32, #tpu.memory_space<vmem>>, vector<1x1x16xf32>,
        %get3A_989 = arith.constant 2 : i32
        %get3A_990 = arith.index_cast %get3A_989 : i32 to index
        %get3A_991 = arith.index_cast %scan3A_327 : i32 to index
        %get3A_992 = arith.constant 816 : index
        %get3A_993 = tpu.vector_load %arg8[%get3A_990, %get3A_991, %get3A_992] {strides = array<i32>} : memref<4x8x1024xf32, #tpu.memory_space<vmem>>, vector<1x1x16xf32>,
        %get3A_994 = vector.shape_cast %get3A_993 : vector<1x1x16xf32> to vector<16xf32>
        %swap3A_995 = arith.constant 2 : i32
        %swap3A_996 = arith.index_cast %swap3A_995 : i32 to index
        %swap3A_997 = arith.index_cast %scan3A_327 : i32 to index
        %swap3A_998 = arith.constant 816 : index
        %swap3A_999 = tpu.vector_load %arg7[%swap3A_996, %swap3A_997, %swap3A_998] {strides = array<i32>} : memref<4x8x1024xf32, #tpu.memory_space<vmem>>, vector<1x1x16xf32>,
        %swap3A_1000 = vector.shape_cast %swap3A_999 : vector<1x1x16xf32> to vector<16xf32>
        %swap3A_1001 = vector.shape_cast %get3A_994 : vector<16xf32> to vector<1x1x16xf32>
        tpu.vector_store %arg7[%swap3A_996, %swap3A_997, %swap3A_998], %swap3A_1001 {add = true, strides = array<i32>} : memref<4x8x1024xf32, #tpu.memory_space<vmem>>, vector<1x1x16xf32>,
        %get3A_1002 = arith.constant 2 : i32
        %get3A_1003 = arith.index_cast %get3A_1002 : i32 to index
        %get3A_1004 = arith.index_cast %scan3A_327 : i32 to index
        %get3A_1005 = arith.constant 832 : index
        %get3A_1006 = tpu.vector_load %arg8[%get3A_1003, %get3A_1004, %get3A_1005] {strides = array<i32>} : memref<4x8x1024xf32, #tpu.memory_space<vmem>>, vector<1x1x16xf32>,
        %get3A_1007 = vector.shape_cast %get3A_1006 : vector<1x1x16xf32> to vector<16xf32>
        %swap3A_1008 = arith.constant 2 : i32
        %swap3A_1009 = arith.index_cast %swap3A_1008 : i32 to index
        %swap3A_1010 = arith.index_cast %scan3A_327 : i32 to index
        %swap3A_1011 = arith.constant 832 : index
        %swap3A_1012 = tpu.vector_load %arg7[%swap3A_1009, %swap3A_1010, %swap3A_1011] {strides = array<i32>} : memref<4x8x1024xf32, #tpu.memory_space<vmem>>, vector<1x1x16xf32>,
        %swap3A_1013 = vector.shape_cast %swap3A_1012 : vector<1x1x16xf32> to vector<16xf32>
        %swap3A_1014 = vector.shape_cast %get3A_1007 : vector<16xf32> to vector<1x1x16xf32>
        tpu.vector_store %arg7[%swap3A_1009, %swap3A_1010, %swap3A_1011], %swap3A_1014 {add = true, strides = array<i32>} : memref<4x8x1024xf32, #tpu.memory_space<vmem>>, vector<1x1x16xf32>,
        %get3A_1015 = arith.constant 2 : i32
        %get3A_1016 = arith.index_cast %get3A_1015 : i32 to index
        %get3A_1017 = arith.index_cast %scan3A_327 : i32 to index
        %get3A_1018 = arith.constant 848 : index
        %get3A_1019 = tpu.vector_load %arg8[%get3A_1016, %get3A_1017, %get3A_1018] {strides = array<i32>} : memref<4x8x1024xf32, #tpu.memory_space<vmem>>, vector<1x1x16xf32>,
        %get3A_1020 = vector.shape_cast %get3A_1019 : vector<1x1x16xf32> to vector<16xf32>
        %swap3A_1021 = arith.constant 2 : i32
        %swap3A_1022 = arith.index_cast %swap3A_1021 : i32 to index
        %swap3A_1023 = arith.index_cast %scan3A_327 : i32 to index
        %swap3A_1024 = arith.constant 848 : index
        %swap3A_1025 = tpu.vector_load %arg7[%swap3A_1022, %swap3A_1023, %swap3A_1024] {strides = array<i32>} : memref<4x8x1024xf32, #tpu.memory_space<vmem>>, vector<1x1x16xf32>,
        %swap3A_1026 = vector.shape_cast %swap3A_1025 : vector<1x1x16xf32> to vector<16xf32>
        %swap3A_1027 = vector.shape_cast %get3A_1020 : vector<16xf32> to vector<1x1x16xf32>
        tpu.vector_store %arg7[%swap3A_1022, %swap3A_1023, %swap3A_1024], %swap3A_1027 {add = true, strides = array<i32>} : memref<4x8x1024xf32, #tpu.memory_space<vmem>>, vector<1x1x16xf32>,
        %get3A_1028 = arith.constant 2 : i32
        %get3A_1029 = arith.index_cast %get3A_1028 : i32 to index
        %get3A_1030 = arith.index_cast %scan3A_327 : i32 to index
        %get3A_1031 = arith.constant 864 : index
        %get3A_1032 = tpu.vector_load %arg8[%get3A_1029, %get3A_1030, %get3A_1031] {strides = array<i32>} : memref<4x8x1024xf32, #tpu.memory_space<vmem>>, vector<1x1x16xf32>,
        %get3A_1033 = vector.shape_cast %get3A_1032 : vector<1x1x16xf32> to vector<16xf32>
        %swap3A_1034 = arith.constant 2 : i32
        %swap3A_1035 = arith.index_cast %swap3A_1034 : i32 to index
        %swap3A_1036 = arith.index_cast %scan3A_327 : i32 to index
        %swap3A_1037 = arith.constant 864 : index
        %swap3A_1038 = tpu.vector_load %arg7[%swap3A_1035, %swap3A_1036, %swap3A_1037] {strides = array<i32>} : memref<4x8x1024xf32, #tpu.memory_space<vmem>>, vector<1x1x16xf32>,
        %swap3A_1039 = vector.shape_cast %swap3A_1038 : vector<1x1x16xf32> to vector<16xf32>
        %swap3A_1040 = vector.shape_cast %get3A_1033 : vector<16xf32> to vector<1x1x16xf32>
        tpu.vector_store %arg7[%swap3A_1035, %swap3A_1036, %swap3A_1037], %swap3A_1040 {add = true, strides = array<i32>} : memref<4x8x1024xf32, #tpu.memory_space<vmem>>, vector<1x1x16xf32>,
        %get3A_1041 = arith.constant 2 : i32
        %get3A_1042 = arith.index_cast %get3A_1041 : i32 to index
        %get3A_1043 = arith.index_cast %scan3A_327 : i32 to index
        %get3A_1044 = arith.constant 880 : index
        %get3A_1045 = tpu.vector_load %arg8[%get3A_1042, %get3A_1043, %get3A_1044] {strides = array<i32>} : memref<4x8x1024xf32, #tpu.memory_space<vmem>>, vector<1x1x16xf32>,
        %get3A_1046 = vector.shape_cast %get3A_1045 : vector<1x1x16xf32> to vector<16xf32>
        %swap3A_1047 = arith.constant 2 : i32
        %swap3A_1048 = arith.index_cast %swap3A_1047 : i32 to index
        %swap3A_1049 = arith.index_cast %scan3A_327 : i32 to index
        %swap3A_1050 = arith.constant 880 : index
        %swap3A_1051 = tpu.vector_load %arg7[%swap3A_1048, %swap3A_1049, %swap3A_1050] {strides = array<i32>} : memref<4x8x1024xf32, #tpu.memory_space<vmem>>, vector<1x1x16xf32>,
        %swap3A_1052 = vector.shape_cast %swap3A_1051 : vector<1x1x16xf32> to vector<16xf32>
        %swap3A_1053 = vector.shape_cast %get3A_1046 : vector<16xf32> to vector<1x1x16xf32>
        tpu.vector_store %arg7[%swap3A_1048, %swap3A_1049, %swap3A_1050], %swap3A_1053 {add = true, strides = array<i32>} : memref<4x8x1024xf32, #tpu.memory_space<vmem>>, vector<1x1x16xf32>,
        %get3A_1054 = arith.constant 2 : i32
        %get3A_1055 = arith.index_cast %get3A_1054 : i32 to index
        %get3A_1056 = arith.index_cast %scan3A_327 : i32 to index
        %get3A_1057 = arith.constant 896 : index
        %get3A_1058 = tpu.vector_load %arg8[%get3A_1055, %get3A_1056, %get3A_1057] {strides = array<i32>} : memref<4x8x1024xf32, #tpu.memory_space<vmem>>, vector<1x1x16xf32>,
        %get3A_1059 = vector.shape_cast %get3A_1058 : vector<1x1x16xf32> to vector<16xf32>
        %swap3A_1060 = arith.constant 2 : i32
        %swap3A_1061 = arith.index_cast %swap3A_1060 : i32 to index
        %swap3A_1062 = arith.index_cast %scan3A_327 : i32 to index
        %swap3A_1063 = arith.constant 896 : index
        %swap3A_1064 = tpu.vector_load %arg7[%swap3A_1061, %swap3A_1062, %swap3A_1063] {strides = array<i32>} : memref<4x8x1024xf32, #tpu.memory_space<vmem>>, vector<1x1x16xf32>,
        %swap3A_1065 = vector.shape_cast %swap3A_1064 : vector<1x1x16xf32> to vector<16xf32>
        %swap3A_1066 = vector.shape_cast %get3A_1059 : vector<16xf32> to vector<1x1x16xf32>
        tpu.vector_store %arg7[%swap3A_1061, %swap3A_1062, %swap3A_1063], %swap3A_1066 {add = true, strides = array<i32>} : memref<4x8x1024xf32, #tpu.memory_space<vmem>>, vector<1x1x16xf32>,
        %get3A_1067 = arith.constant 2 : i32
        %get3A_1068 = arith.index_cast %get3A_1067 : i32 to index
        %get3A_1069 = arith.index_cast %scan3A_327 : i32 to index
        %get3A_1070 = arith.constant 912 : index
        %get3A_1071 = tpu.vector_load %arg8[%get3A_1068, %get3A_1069, %get3A_1070] {strides = array<i32>} : memref<4x8x1024xf32, #tpu.memory_space<vmem>>, vector<1x1x16xf32>,
        %get3A_1072 = vector.shape_cast %get3A_1071 : vector<1x1x16xf32> to vector<16xf32>
        %swap3A_1073 = arith.constant 2 : i32
        %swap3A_1074 = arith.index_cast %swap3A_1073 : i32 to index
        %swap3A_1075 = arith.index_cast %scan3A_327 : i32 to index
        %swap3A_1076 = arith.constant 912 : index
        %swap3A_1077 = tpu.vector_load %arg7[%swap3A_1074, %swap3A_1075, %swap3A_1076] {strides = array<i32>} : memref<4x8x1024xf32, #tpu.memory_space<vmem>>, vector<1x1x16xf32>,
        %swap3A_1078 = vector.shape_cast %swap3A_1077 : vector<1x1x16xf32> to vector<16xf32>
        %swap3A_1079 = vector.shape_cast %get3A_1072 : vector<16xf32> to vector<1x1x16xf32>
        tpu.vector_store %arg7[%swap3A_1074, %swap3A_1075, %swap3A_1076], %swap3A_1079 {add = true, strides = array<i32>} : memref<4x8x1024xf32, #tpu.memory_space<vmem>>, vector<1x1x16xf32>,
        %get3A_1080 = arith.constant 2 : i32
        %get3A_1081 = arith.index_cast %get3A_1080 : i32 to index
        %get3A_1082 = arith.index_cast %scan3A_327 : i32 to index
        %get3A_1083 = arith.constant 928 : index
        %get3A_1084 = tpu.vector_load %arg8[%get3A_1081, %get3A_1082, %get3A_1083] {strides = array<i32>} : memref<4x8x1024xf32, #tpu.memory_space<vmem>>, vector<1x1x16xf32>,
        %get3A_1085 = vector.shape_cast %get3A_1084 : vector<1x1x16xf32> to vector<16xf32>
        %swap3A_1086 = arith.constant 2 : i32
        %swap3A_1087 = arith.index_cast %swap3A_1086 : i32 to index
        %swap3A_1088 = arith.index_cast %scan3A_327 : i32 to index
        %swap3A_1089 = arith.constant 928 : index
        %swap3A_1090 = tpu.vector_load %arg7[%swap3A_1087, %swap3A_1088, %swap3A_1089] {strides = array<i32>} : memref<4x8x1024xf32, #tpu.memory_space<vmem>>, vector<1x1x16xf32>,
        %swap3A_1091 = vector.shape_cast %swap3A_1090 : vector<1x1x16xf32> to vector<16xf32>
        %swap3A_1092 = vector.shape_cast %get3A_1085 : vector<16xf32> to vector<1x1x16xf32>
        tpu.vector_store %arg7[%swap3A_1087, %swap3A_1088, %swap3A_1089], %swap3A_1092 {add = true, strides = array<i32>} : memref<4x8x1024xf32, #tpu.memory_space<vmem>>, vector<1x1x16xf32>,
        %get3A_1093 = arith.constant 2 : i32
        %get3A_1094 = arith.index_cast %get3A_1093 : i32 to index
        %get3A_1095 = arith.index_cast %scan3A_327 : i32 to index
        %get3A_1096 = arith.constant 944 : index
        %get3A_1097 = tpu.vector_load %arg8[%get3A_1094, %get3A_1095, %get3A_1096] {strides = array<i32>} : memref<4x8x1024xf32, #tpu.memory_space<vmem>>, vector<1x1x16xf32>,
        %get3A_1098 = vector.shape_cast %get3A_1097 : vector<1x1x16xf32> to vector<16xf32>
        %swap3A_1099 = arith.constant 2 : i32
        %swap3A_1100 = arith.index_cast %swap3A_1099 : i32 to index
        %swap3A_1101 = arith.index_cast %scan3A_327 : i32 to index
        %swap3A_1102 = arith.constant 944 : index
        %swap3A_1103 = tpu.vector_load %arg7[%swap3A_1100, %swap3A_1101, %swap3A_1102] {strides = array<i32>} : memref<4x8x1024xf32, #tpu.memory_space<vmem>>, vector<1x1x16xf32>,
        %swap3A_1104 = vector.shape_cast %swap3A_1103 : vector<1x1x16xf32> to vector<16xf32>
        %swap3A_1105 = vector.shape_cast %get3A_1098 : vector<16xf32> to vector<1x1x16xf32>
        tpu.vector_store %arg7[%swap3A_1100, %swap3A_1101, %swap3A_1102], %swap3A_1105 {add = true, strides = array<i32>} : memref<4x8x1024xf32, #tpu.memory_space<vmem>>, vector<1x1x16xf32>,
        %get3A_1106 = arith.constant 2 : i32
        %get3A_1107 = arith.index_cast %get3A_1106 : i32 to index
        %get3A_1108 = arith.index_cast %scan3A_327 : i32 to index
        %get3A_1109 = arith.constant 960 : index
        %get3A_1110 = tpu.vector_load %arg8[%get3A_1107, %get3A_1108, %get3A_1109] {strides = array<i32>} : memref<4x8x1024xf32, #tpu.memory_space<vmem>>, vector<1x1x16xf32>,
        %get3A_1111 = vector.shape_cast %get3A_1110 : vector<1x1x16xf32> to vector<16xf32>
        %swap3A_1112 = arith.constant 2 : i32
        %swap3A_1113 = arith.index_cast %swap3A_1112 : i32 to index
        %swap3A_1114 = arith.index_cast %scan3A_327 : i32 to index
        %swap3A_1115 = arith.constant 960 : index
        %swap3A_1116 = tpu.vector_load %arg7[%swap3A_1113, %swap3A_1114, %swap3A_1115] {strides = array<i32>} : memref<4x8x1024xf32, #tpu.memory_space<vmem>>, vector<1x1x16xf32>,
        %swap3A_1117 = vector.shape_cast %swap3A_1116 : vector<1x1x16xf32> to vector<16xf32>
        %swap3A_1118 = vector.shape_cast %get3A_1111 : vector<16xf32> to vector<1x1x16xf32>
        tpu.vector_store %arg7[%swap3A_1113, %swap3A_1114, %swap3A_1115], %swap3A_1118 {add = true, strides = array<i32>} : memref<4x8x1024xf32, #tpu.memory_space<vmem>>, vector<1x1x16xf32>,
        %get3A_1119 = arith.constant 2 : i32
        %get3A_1120 = arith.index_cast %get3A_1119 : i32 to index
        %get3A_1121 = arith.index_cast %scan3A_327 : i32 to index
        %get3A_1122 = arith.constant 976 : index
        %get3A_1123 = tpu.vector_load %arg8[%get3A_1120, %get3A_1121, %get3A_1122] {strides = array<i32>} : memref<4x8x1024xf32, #tpu.memory_space<vmem>>, vector<1x1x16xf32>,
        %get3A_1124 = vector.shape_cast %get3A_1123 : vector<1x1x16xf32> to vector<16xf32>
        %swap3A_1125 = arith.constant 2 : i32
        %swap3A_1126 = arith.index_cast %swap3A_1125 : i32 to index
        %swap3A_1127 = arith.index_cast %scan3A_327 : i32 to index
        %swap3A_1128 = arith.constant 976 : index
        %swap3A_1129 = tpu.vector_load %arg7[%swap3A_1126, %swap3A_1127, %swap3A_1128] {strides = array<i32>} : memref<4x8x1024xf32, #tpu.memory_space<vmem>>, vector<1x1x16xf32>,
        %swap3A_1130 = vector.shape_cast %swap3A_1129 : vector<1x1x16xf32> to vector<16xf32>
        %swap3A_1131 = vector.shape_cast %get3A_1124 : vector<16xf32> to vector<1x1x16xf32>
        tpu.vector_store %arg7[%swap3A_1126, %swap3A_1127, %swap3A_1128], %swap3A_1131 {add = true, strides = array<i32>} : memref<4x8x1024xf32, #tpu.memory_space<vmem>>, vector<1x1x16xf32>,
        %get3A_1132 = arith.constant 2 : i32
        %get3A_1133 = arith.index_cast %get3A_1132 : i32 to index
        %get3A_1134 = arith.index_cast %scan3A_327 : i32 to index
        %get3A_1135 = arith.constant 992 : index
        %get3A_1136 = tpu.vector_load %arg8[%get3A_1133, %get3A_1134, %get3A_1135] {strides = array<i32>} : memref<4x8x1024xf32, #tpu.memory_space<vmem>>, vector<1x1x16xf32>,
        %get3A_1137 = vector.shape_cast %get3A_1136 : vector<1x1x16xf32> to vector<16xf32>
        %swap3A_1138 = arith.constant 2 : i32
        %swap3A_1139 = arith.index_cast %swap3A_1138 : i32 to index
        %swap3A_1140 = arith.index_cast %scan3A_327 : i32 to index
        %swap3A_1141 = arith.constant 992 : index
        %swap3A_1142 = tpu.vector_load %arg7[%swap3A_1139, %swap3A_1140, %swap3A_1141] {strides = array<i32>} : memref<4x8x1024xf32, #tpu.memory_space<vmem>>, vector<1x1x16xf32>,
        %swap3A_1143 = vector.shape_cast %swap3A_1142 : vector<1x1x16xf32> to vector<16xf32>
        %swap3A_1144 = vector.shape_cast %get3A_1137 : vector<16xf32> to vector<1x1x16xf32>
        tpu.vector_store %arg7[%swap3A_1139, %swap3A_1140, %swap3A_1141], %swap3A_1144 {add = true, strides = array<i32>} : memref<4x8x1024xf32, #tpu.memory_space<vmem>>, vector<1x1x16xf32>,
        %get3A_1145 = arith.constant 2 : i32
        %get3A_1146 = arith.index_cast %get3A_1145 : i32 to index
        %get3A_1147 = arith.index_cast %scan3A_327 : i32 to index
        %get3A_1148 = arith.constant 1008 : index
        %get3A_1149 = tpu.vector_load %arg8[%get3A_1146, %get3A_1147, %get3A_1148] {strides = array<i32>} : memref<4x8x1024xf32, #tpu.memory_space<vmem>>, vector<1x1x16xf32>,
        %get3A_1150 = vector.shape_cast %get3A_1149 : vector<1x1x16xf32> to vector<16xf32>
        %swap3A_1151 = arith.constant 2 : i32
        %swap3A_1152 = arith.index_cast %swap3A_1151 : i32 to index
        %swap3A_1153 = arith.index_cast %scan3A_327 : i32 to index
        %swap3A_1154 = arith.constant 1008 : index
        %swap3A_1155 = tpu.vector_load %arg7[%swap3A_1152, %swap3A_1153, %swap3A_1154] {strides = array<i32>} : memref<4x8x1024xf32, #tpu.memory_space<vmem>>, vector<1x1x16xf32>,
        %swap3A_1156 = vector.shape_cast %swap3A_1155 : vector<1x1x16xf32> to vector<16xf32>
        %swap3A_1157 = vector.shape_cast %get3A_1150 : vector<16xf32> to vector<1x1x16xf32>
        tpu.vector_store %arg7[%swap3A_1152, %swap3A_1153, %swap3A_1154], %swap3A_1157 {add = true, strides = array<i32>} : memref<4x8x1024xf32, #tpu.memory_space<vmem>>, vector<1x1x16xf32>,
      }
      %scan3A_251 = arith.constant 8 : i32
      %mul3A_252 = arith.constant 8 : i32
      %mul3A_253 = arith.muli %add3A_212, %mul3A_252 : i32
      %add3A_254 = arith.addi %mul3A_2, %mul3A_253 : i32
      %dma_start3A_255 = arith.constant 2 : i32
      %dma_start3A_256 = arith.constant 0 : i32
      %dma_start3A_257 = arith.constant 0 : i32
      %dma_start3A_258 = tpu.memref_slice %arg7[%dma_start3A_255, %dma_start3A_256, %dma_start3A_257] : memref<4x8x1024xf32, #tpu.memory_space<vmem>> -> memref<1x8x1024xf32, #tpu.memory_space<vmem>>
      %dma_start3A_259 = tpu.memref_squeeze %dma_start3A_258 : memref<1x8x1024xf32, #tpu.memory_space<vmem>> -> memref<8x1024xf32, #tpu.memory_space<vmem>>
      %dma_start3A_260 = arith.constant 0 : i32
      %dma_start3A_261 = tpu.memref_slice %arg5[%add3A_254, %dma_start3A_260] : memref<32768x1024xf32, #tpu.memory_space<hbm>> -> memref<8x1024xf32, #tpu.memory_space<hbm>>
      %dma_start3A_262 = arith.constant 0 : i32
      %dma_start3A_263 = tpu.memref_slice %arg5[%add3A_254, %dma_start3A_262] : memref<32768x1024xf32, #tpu.memory_space<hbm>> -> memref<8x1024xf32, #tpu.memory_space<hbm>>
      %dma_start3A_264 = arith.constant 0 : i32
      %dma_start3A_265 = arith.constant 0 : i32
      %dma_start3A_266 = tpu.memref_slice %arg7[%dma_start3A_255, %dma_start3A_264, %dma_start3A_265] : memref<4x8x1024xf32, #tpu.memory_space<vmem>> -> memref<1x8x1024xf32, #tpu.memory_space<vmem>>
      %dma_start3A_267 = tpu.memref_squeeze %dma_start3A_266 : memref<1x8x1024xf32, #tpu.memory_space<vmem>> -> memref<8x1024xf32, #tpu.memory_space<vmem>>
      tpu.enqueue_dma source(%dma_start3A_267 : memref<8x1024xf32, #tpu.memory_space<vmem>>) target(%dma_start3A_263 : memref<8x1024xf32, #tpu.memory_space<hbm>>) target_semaphore(%arg15 : memref<!tpu.dma_semaphore, #tpu.memory_space<semaphore_mem>>)
      %mul3A_268 = arith.constant 4 : i32
      %mul3A_269 = arith.muli %scan3A_93, %mul3A_268 : i32
      %add3A_270 = arith.constant 3 : i32
      %add3A_271 = arith.addi %mul3A_269, %add3A_270 : i32
      %add3A_272 = arith.constant 2 : i32
      %add3A_273 = arith.addi %add3A_271, %add3A_272 : i32
      %lt3A_274 = arith.constant 128 : i32
      %lt3A_275 = arith.cmpi slt, %add3A_273, %lt3A_274 : i32
      %convert_element_type3A_276 = arith.extui %lt3A_275 : i1 to i32
      %cond3A_277 = arith.constant 0 : i32
      %cond3A_278 = arith.cmpi ne, %convert_element_type3A_276, %cond3A_277 : i32
      scf.if %cond3A_278 {
        %add3A_327 = arith.constant 2 : i32
        %add3A_328 = arith.addi %add3A_271, %add3A_327 : i32
        %ge3A = arith.constant 4 : i32
        %ge3A_329 = arith.cmpi sge, %add3A_328, %ge3A : i32
        %convert_element_type3A_330 = arith.extui %ge3A_329 : i1 to i32
        %cond3A_331 = arith.constant 0 : i32
        %cond3A_332 = arith.cmpi ne, %convert_element_type3A_330, %cond3A_331 : i32
        scf.if %cond3A_332 {
          %sub3A = arith.constant 2 : i32
          %sub3A_363 = arith.subi %add3A_271, %sub3A : i32
          %mul3A_364 = arith.constant 8 : i32
          %mul3A_365 = arith.muli %sub3A_363, %mul3A_364 : i32
          %add3A_366 = arith.addi %mul3A_2, %mul3A_365 : i32
          %dma_wait3A_367 = arith.constant 1 : i32
          %dma_wait3A_368 = arith.constant 0 : i32
          %dma_wait3A_369 = arith.constant 0 : i32
          %dma_wait3A_370 = tpu.memref_slice %arg7[%dma_wait3A_367, %dma_wait3A_368, %dma_wait3A_369] : memref<4x8x1024xf32, #tpu.memory_space<vmem>> -> memref<1x8x1024xf32, #tpu.memory_space<vmem>>
          %dma_wait3A_371 = tpu.memref_squeeze %dma_wait3A_370 : memref<1x8x1024xf32, #tpu.memory_space<vmem>> -> memref<8x1024xf32, #tpu.memory_space<vmem>>
          %dma_wait3A_372 = arith.constant 0 : i32
          %dma_wait3A_373 = tpu.memref_slice %arg5[%add3A_366, %dma_wait3A_372] : memref<32768x1024xf32, #tpu.memory_space<hbm>> -> memref<8x1024xf32, #tpu.memory_space<hbm>>
          %dma_wait3A_374 = arith.constant 0 : i32
          %dma_wait3A_375 = tpu.memref_slice %arg5[%add3A_366, %dma_wait3A_374] : memref<32768x1024xf32, #tpu.memory_space<hbm>> -> memref<8x1024xf32, #tpu.memory_space<hbm>>
          %dma_wait3A_376 = arith.constant 0 : i32
          %dma_wait3A_377 = arith.constant 0 : i32
          %dma_wait3A_378 = tpu.memref_slice %arg7[%dma_wait3A_367, %dma_wait3A_376, %dma_wait3A_377] : memref<4x8x1024xf32, #tpu.memory_space<vmem>> -> memref<1x8x1024xf32, #tpu.memory_space<vmem>>
          %dma_wait3A_379 = tpu.memref_squeeze %dma_wait3A_378 : memref<1x8x1024xf32, #tpu.memory_space<vmem>> -> memref<8x1024xf32, #tpu.memory_space<vmem>>
          tpu.wait_dma2 semaphore(%arg14 : memref<!tpu.dma_semaphore, #tpu.memory_space<semaphore_mem>>) src(%dma_wait3A_379 : memref<8x1024xf32, #tpu.memory_space<vmem>>) dst(%dma_wait3A_375 : memref<8x1024xf32, #tpu.memory_space<hbm>>)
        } else {
        }
        %add3A_333 = arith.constant 2 : i32
        %add3A_334 = arith.addi %add3A_271, %add3A_333 : i32
        %mul3A_335 = arith.constant 8 : i32
        %mul3A_336 = arith.muli %add3A_334, %mul3A_335 : i32
        %add3A_337 = arith.addi %mul3A_2, %mul3A_336 : i32
        %mul3A_338 = arith.constant 8 : i32
        %mul3A_339 = arith.muli %add3A_334, %mul3A_338 : i32
        %multiple_of3A_340 = tpu.assume_multiple %mul3A_339, 8 : i32
        %dma_start3A_341 = arith.constant 1 : i32
        %dma_start3A_342 = arith.constant 0 : i32
        %dma_start3A_343 = arith.constant 0 : i32
        %dma_start3A_344 = tpu.memref_slice %arg8[%dma_start3A_341, %dma_start3A_342, %dma_start3A_343] : memref<4x8x1024xf32, #tpu.memory_space<vmem>> -> memref<1x8x1024xf32, #tpu.memory_space<vmem>>
        %dma_start3A_345 = tpu.memref_squeeze %dma_start3A_344 : memref<1x8x1024xf32, #tpu.memory_space<vmem>> -> memref<8x1024xf32, #tpu.memory_space<vmem>>
        %dma_start3A_346 = tpu.memref_slice %arg6[%multiple_of3A_340] : memref<1024xi32, #tpu.memory_space<vmem>> -> memref<8xi32, #tpu.memory_space<vmem>>
        %dma_start3A_347 = arith.constant 0 : i32
        %dma_start3A_348 = arith.constant 0 : i32
        %dma_start3A_349 = tpu.memref_slice %arg4[%dma_start3A_347, %dma_start3A_348] : memref<8193x1024xf32, #tpu.memory_space<hbm>> -> memref<8193x1024xf32, #tpu.memory_space<hbm>>
        tpu.enqueue_indirect_dma source(%dma_start3A_349 : memref<8193x1024xf32, #tpu.memory_space<hbm>>) target(%dma_start3A_345 : memref<8x1024xf32, #tpu.memory_space<vmem>>) offsets(%dma_start3A_346 : memref<8xi32, #tpu.memory_space<vmem>>) semaphore(%arg10 : memref<!tpu.dma_semaphore, #tpu.memory_space<semaphore_mem>>)
        %dma_start3A_350 = arith.constant 1 : i32
        %dma_start3A_351 = arith.constant 0 : i32
        %dma_start3A_352 = arith.constant 0 : i32
        %dma_start3A_353 = tpu.memref_slice %arg7[%dma_start3A_350, %dma_start3A_351, %dma_start3A_352] : memref<4x8x1024xf32, #tpu.memory_space<vmem>> -> memref<1x8x1024xf32, #tpu.memory_space<vmem>>
        %dma_start3A_354 = tpu.memref_squeeze %dma_start3A_353 : memref<1x8x1024xf32, #tpu.memory_space<vmem>> -> memref<8x1024xf32, #tpu.memory_space<vmem>>
        %dma_start3A_355 = arith.constant 0 : i32
        %dma_start3A_356 = tpu.memref_slice %arg2[%add3A_337, %dma_start3A_355] : memref<32768x1024xf32, #tpu.memory_space<hbm>> -> memref<8x1024xf32, #tpu.memory_space<hbm>>
        %dma_start3A_357 = arith.constant 0 : i32
        %dma_start3A_358 = arith.constant 0 : i32
        %dma_start3A_359 = tpu.memref_slice %arg7[%dma_start3A_350, %dma_start3A_357, %dma_start3A_358] : memref<4x8x1024xf32, #tpu.memory_space<vmem>> -> memref<1x8x1024xf32, #tpu.memory_space<vmem>>
        %dma_start3A_360 = tpu.memref_squeeze %dma_start3A_359 : memref<1x8x1024xf32, #tpu.memory_space<vmem>> -> memref<8x1024xf32, #tpu.memory_space<vmem>>
        %dma_start3A_361 = arith.constant 0 : i32
        %dma_start3A_362 = tpu.memref_slice %arg2[%add3A_337, %dma_start3A_361] : memref<32768x1024xf32, #tpu.memory_space<hbm>> -> memref<8x1024xf32, #tpu.memory_space<hbm>>
        tpu.enqueue_dma source(%dma_start3A_362 : memref<8x1024xf32, #tpu.memory_space<hbm>>) target(%dma_start3A_360 : memref<8x1024xf32, #tpu.memory_space<vmem>>) target_semaphore(%arg10 : memref<!tpu.dma_semaphore, #tpu.memory_space<semaphore_mem>>)
      } else {
      }
      %mul3A_279 = arith.constant 8 : i32
      %mul3A_280 = arith.muli %add3A_271, %mul3A_279 : i32
      %add3A_281 = arith.addi %mul3A_2, %mul3A_280 : i32
      %dma_wait3A_282 = arith.constant 3 : i32
      %dma_wait3A_283 = arith.constant 0 : i32
      %dma_wait3A_284 = arith.constant 0 : i32
      %dma_wait3A_285 = tpu.memref_slice %arg7[%dma_wait3A_282, %dma_wait3A_283, %dma_wait3A_284] : memref<4x8x1024xf32, #tpu.memory_space<vmem>> -> memref<1x8x1024xf32, #tpu.memory_space<vmem>>
      %dma_wait3A_286 = tpu.memref_squeeze %dma_wait3A_285 : memref<1x8x1024xf32, #tpu.memory_space<vmem>> -> memref<8x1024xf32, #tpu.memory_space<vmem>>
      %dma_wait3A_287 = arith.constant 0 : i32
      %dma_wait3A_288 = tpu.memref_slice %arg2[%add3A_281, %dma_wait3A_287] : memref<32768x1024xf32, #tpu.memory_space<hbm>> -> memref<8x1024xf32, #tpu.memory_space<hbm>>
      %dma_wait3A_289 = arith.constant 0 : i32
      %dma_wait3A_290 = arith.constant 0 : i32
      %dma_wait3A_291 = tpu.memref_slice %arg7[%dma_wait3A_282, %dma_wait3A_289, %dma_wait3A_290] : memref<4x8x1024xf32, #tpu.memory_space<vmem>> -> memref<1x8x1024xf32, #tpu.memory_space<vmem>>
      %dma_wait3A_292 = tpu.memref_squeeze %dma_wait3A_291 : memref<1x8x1024xf32, #tpu.memory_space<vmem>> -> memref<8x1024xf32, #tpu.memory_space<vmem>>
      %dma_wait3A_293 = arith.constant 0 : i32
      %dma_wait3A_294 = tpu.memref_slice %arg2[%add3A_281, %dma_wait3A_293] : memref<32768x1024xf32, #tpu.memory_space<hbm>> -> memref<8x1024xf32, #tpu.memory_space<hbm>>
      tpu.wait_dma2 semaphore(%arg12 : memref<!tpu.dma_semaphore, #tpu.memory_space<semaphore_mem>>) src(%dma_wait3A_294 : memref<8x1024xf32, #tpu.memory_space<hbm>>) dst(%dma_wait3A_292 : memref<8x1024xf32, #tpu.memory_space<vmem>>)
      %dma_wait3A_295 = arith.constant 3 : i32
      %dma_wait3A_296 = arith.constant 0 : i32
      %dma_wait3A_297 = arith.constant 0 : i32
      %dma_wait3A_298 = tpu.memref_slice %arg8[%dma_wait3A_295, %dma_wait3A_296, %dma_wait3A_297] : memref<4x8x1024xf32, #tpu.memory_space<vmem>> -> memref<1x8x1024xf32, #tpu.memory_space<vmem>>
      %dma_wait3A_299 = tpu.memref_squeeze %dma_wait3A_298 : memref<1x8x1024xf32, #tpu.memory_space<vmem>> -> memref<8x1024xf32, #tpu.memory_space<vmem>>
      %dma_wait3A_300 = arith.constant 0 : i32
      %dma_wait3A_301 = tpu.memref_slice %arg6[%dma_wait3A_300] : memref<1024xi32, #tpu.memory_space<vmem>> -> memref<8xi32, #tpu.memory_space<vmem>>
      %dma_wait3A_302 = arith.constant 0 : i32
      %dma_wait3A_303 = arith.constant 0 : i32
      %dma_wait3A_304 = tpu.memref_slice %arg4[%dma_wait3A_302, %dma_wait3A_303] : memref<8193x1024xf32, #tpu.memory_space<hbm>> -> memref<8193x1024xf32, #tpu.memory_space<hbm>>
      tpu.wait_indirect_dma semaphore(%arg12 : memref<!tpu.dma_semaphore, #tpu.memory_space<semaphore_mem>>) src(%dma_wait3A_304 : memref<8193x1024xf32, #tpu.memory_space<hbm>>) dst(%dma_wait3A_299 : memref<8x1024xf32, #tpu.memory_space<vmem>>)
      %scan3A_305 = arith.constant 0 : i32
      %scan3A_306 = arith.constant 0 : i32
      %scan3A_307 = arith.constant 8 : i32
      %scan3A_308 = arith.addi %scan3A_306, %scan3A_307 : i32
      %scan3A_309 = arith.constant 1 : i32
      scf.for %scan3A_327 = %scan3A_306 to %scan3A_308 step %scan3A_309  : i32 {
        %get3A = arith.constant 3 : i32
        %get3A_328 = arith.index_cast %get3A : i32 to index
        %get3A_329 = arith.index_cast %scan3A_327 : i32 to index
        %get3A_330 = arith.constant 0 : index
        %get3A_331 = tpu.vector_load %arg8[%get3A_328, %get3A_329, %get3A_330] {strides = array<i32>} : memref<4x8x1024xf32, #tpu.memory_space<vmem>>, vector<1x1x16xf32>,
        %get3A_332 = vector.shape_cast %get3A_331 : vector<1x1x16xf32> to vector<16xf32>
        %swap3A = arith.constant 3 : i32
        %swap3A_333 = arith.index_cast %swap3A : i32 to index
        %swap3A_334 = arith.index_cast %scan3A_327 : i32 to index
        %swap3A_335 = arith.constant 0 : index
        %swap3A_336 = tpu.vector_load %arg7[%swap3A_333, %swap3A_334, %swap3A_335] {strides = array<i32>} : memref<4x8x1024xf32, #tpu.memory_space<vmem>>, vector<1x1x16xf32>,
        %swap3A_337 = vector.shape_cast %swap3A_336 : vector<1x1x16xf32> to vector<16xf32>
        %swap3A_338 = vector.shape_cast %get3A_332 : vector<16xf32> to vector<1x1x16xf32>
        tpu.vector_store %arg7[%swap3A_333, %swap3A_334, %swap3A_335], %swap3A_338 {add = true, strides = array<i32>} : memref<4x8x1024xf32, #tpu.memory_space<vmem>>, vector<1x1x16xf32>,
        %get3A_339 = arith.constant 3 : i32
        %get3A_340 = arith.index_cast %get3A_339 : i32 to index
        %get3A_341 = arith.index_cast %scan3A_327 : i32 to index
        %get3A_342 = arith.constant 16 : index
        %get3A_343 = tpu.vector_load %arg8[%get3A_340, %get3A_341, %get3A_342] {strides = array<i32>} : memref<4x8x1024xf32, #tpu.memory_space<vmem>>, vector<1x1x16xf32>,
        %get3A_344 = vector.shape_cast %get3A_343 : vector<1x1x16xf32> to vector<16xf32>
        %swap3A_345 = arith.constant 3 : i32
        %swap3A_346 = arith.index_cast %swap3A_345 : i32 to index
        %swap3A_347 = arith.index_cast %scan3A_327 : i32 to index
        %swap3A_348 = arith.constant 16 : index
        %swap3A_349 = tpu.vector_load %arg7[%swap3A_346, %swap3A_347, %swap3A_348] {strides = array<i32>} : memref<4x8x1024xf32, #tpu.memory_space<vmem>>, vector<1x1x16xf32>,
        %swap3A_350 = vector.shape_cast %swap3A_349 : vector<1x1x16xf32> to vector<16xf32>
        %swap3A_351 = vector.shape_cast %get3A_344 : vector<16xf32> to vector<1x1x16xf32>
        tpu.vector_store %arg7[%swap3A_346, %swap3A_347, %swap3A_348], %swap3A_351 {add = true, strides = array<i32>} : memref<4x8x1024xf32, #tpu.memory_space<vmem>>, vector<1x1x16xf32>,
        %get3A_352 = arith.constant 3 : i32
        %get3A_353 = arith.index_cast %get3A_352 : i32 to index
        %get3A_354 = arith.index_cast %scan3A_327 : i32 to index
        %get3A_355 = arith.constant 32 : index
        %get3A_356 = tpu.vector_load %arg8[%get3A_353, %get3A_354, %get3A_355] {strides = array<i32>} : memref<4x8x1024xf32, #tpu.memory_space<vmem>>, vector<1x1x16xf32>,
        %get3A_357 = vector.shape_cast %get3A_356 : vector<1x1x16xf32> to vector<16xf32>
        %swap3A_358 = arith.constant 3 : i32
        %swap3A_359 = arith.index_cast %swap3A_358 : i32 to index
        %swap3A_360 = arith.index_cast %scan3A_327 : i32 to index
        %swap3A_361 = arith.constant 32 : index
        %swap3A_362 = tpu.vector_load %arg7[%swap3A_359, %swap3A_360, %swap3A_361] {strides = array<i32>} : memref<4x8x1024xf32, #tpu.memory_space<vmem>>, vector<1x1x16xf32>,
        %swap3A_363 = vector.shape_cast %swap3A_362 : vector<1x1x16xf32> to vector<16xf32>
        %swap3A_364 = vector.shape_cast %get3A_357 : vector<16xf32> to vector<1x1x16xf32>
        tpu.vector_store %arg7[%swap3A_359, %swap3A_360, %swap3A_361], %swap3A_364 {add = true, strides = array<i32>} : memref<4x8x1024xf32, #tpu.memory_space<vmem>>, vector<1x1x16xf32>,
        %get3A_365 = arith.constant 3 : i32
        %get3A_366 = arith.index_cast %get3A_365 : i32 to index
        %get3A_367 = arith.index_cast %scan3A_327 : i32 to index
        %get3A_368 = arith.constant 48 : index
        %get3A_369 = tpu.vector_load %arg8[%get3A_366, %get3A_367, %get3A_368] {strides = array<i32>} : memref<4x8x1024xf32, #tpu.memory_space<vmem>>, vector<1x1x16xf32>,
        %get3A_370 = vector.shape_cast %get3A_369 : vector<1x1x16xf32> to vector<16xf32>
        %swap3A_371 = arith.constant 3 : i32
        %swap3A_372 = arith.index_cast %swap3A_371 : i32 to index
        %swap3A_373 = arith.index_cast %scan3A_327 : i32 to index
        %swap3A_374 = arith.constant 48 : index
        %swap3A_375 = tpu.vector_load %arg7[%swap3A_372, %swap3A_373, %swap3A_374] {strides = array<i32>} : memref<4x8x1024xf32, #tpu.memory_space<vmem>>, vector<1x1x16xf32>,
        %swap3A_376 = vector.shape_cast %swap3A_375 : vector<1x1x16xf32> to vector<16xf32>
        %swap3A_377 = vector.shape_cast %get3A_370 : vector<16xf32> to vector<1x1x16xf32>
        tpu.vector_store %arg7[%swap3A_372, %swap3A_373, %swap3A_374], %swap3A_377 {add = true, strides = array<i32>} : memref<4x8x1024xf32, #tpu.memory_space<vmem>>, vector<1x1x16xf32>,
        %get3A_378 = arith.constant 3 : i32
        %get3A_379 = arith.index_cast %get3A_378 : i32 to index
        %get3A_380 = arith.index_cast %scan3A_327 : i32 to index
        %get3A_381 = arith.constant 64 : index
        %get3A_382 = tpu.vector_load %arg8[%get3A_379, %get3A_380, %get3A_381] {strides = array<i32>} : memref<4x8x1024xf32, #tpu.memory_space<vmem>>, vector<1x1x16xf32>,
        %get3A_383 = vector.shape_cast %get3A_382 : vector<1x1x16xf32> to vector<16xf32>
        %swap3A_384 = arith.constant 3 : i32
        %swap3A_385 = arith.index_cast %swap3A_384 : i32 to index
        %swap3A_386 = arith.index_cast %scan3A_327 : i32 to index
        %swap3A_387 = arith.constant 64 : index
        %swap3A_388 = tpu.vector_load %arg7[%swap3A_385, %swap3A_386, %swap3A_387] {strides = array<i32>} : memref<4x8x1024xf32, #tpu.memory_space<vmem>>, vector<1x1x16xf32>,
        %swap3A_389 = vector.shape_cast %swap3A_388 : vector<1x1x16xf32> to vector<16xf32>
        %swap3A_390 = vector.shape_cast %get3A_383 : vector<16xf32> to vector<1x1x16xf32>
        tpu.vector_store %arg7[%swap3A_385, %swap3A_386, %swap3A_387], %swap3A_390 {add = true, strides = array<i32>} : memref<4x8x1024xf32, #tpu.memory_space<vmem>>, vector<1x1x16xf32>,
        %get3A_391 = arith.constant 3 : i32
        %get3A_392 = arith.index_cast %get3A_391 : i32 to index
        %get3A_393 = arith.index_cast %scan3A_327 : i32 to index
        %get3A_394 = arith.constant 80 : index
        %get3A_395 = tpu.vector_load %arg8[%get3A_392, %get3A_393, %get3A_394] {strides = array<i32>} : memref<4x8x1024xf32, #tpu.memory_space<vmem>>, vector<1x1x16xf32>,
        %get3A_396 = vector.shape_cast %get3A_395 : vector<1x1x16xf32> to vector<16xf32>
        %swap3A_397 = arith.constant 3 : i32
        %swap3A_398 = arith.index_cast %swap3A_397 : i32 to index
        %swap3A_399 = arith.index_cast %scan3A_327 : i32 to index
        %swap3A_400 = arith.constant 80 : index
        %swap3A_401 = tpu.vector_load %arg7[%swap3A_398, %swap3A_399, %swap3A_400] {strides = array<i32>} : memref<4x8x1024xf32, #tpu.memory_space<vmem>>, vector<1x1x16xf32>,
        %swap3A_402 = vector.shape_cast %swap3A_401 : vector<1x1x16xf32> to vector<16xf32>
        %swap3A_403 = vector.shape_cast %get3A_396 : vector<16xf32> to vector<1x1x16xf32>
        tpu.vector_store %arg7[%swap3A_398, %swap3A_399, %swap3A_400], %swap3A_403 {add = true, strides = array<i32>} : memref<4x8x1024xf32, #tpu.memory_space<vmem>>, vector<1x1x16xf32>,
        %get3A_404 = arith.constant 3 : i32
        %get3A_405 = arith.index_cast %get3A_404 : i32 to index
        %get3A_406 = arith.index_cast %scan3A_327 : i32 to index
        %get3A_407 = arith.constant 96 : index
        %get3A_408 = tpu.vector_load %arg8[%get3A_405, %get3A_406, %get3A_407] {strides = array<i32>} : memref<4x8x1024xf32, #tpu.memory_space<vmem>>, vector<1x1x16xf32>,
        %get3A_409 = vector.shape_cast %get3A_408 : vector<1x1x16xf32> to vector<16xf32>
        %swap3A_410 = arith.constant 3 : i32
        %swap3A_411 = arith.index_cast %swap3A_410 : i32 to index
        %swap3A_412 = arith.index_cast %scan3A_327 : i32 to index
        %swap3A_413 = arith.constant 96 : index
        %swap3A_414 = tpu.vector_load %arg7[%swap3A_411, %swap3A_412, %swap3A_413] {strides = array<i32>} : memref<4x8x1024xf32, #tpu.memory_space<vmem>>, vector<1x1x16xf32>,
        %swap3A_415 = vector.shape_cast %swap3A_414 : vector<1x1x16xf32> to vector<16xf32>
        %swap3A_416 = vector.shape_cast %get3A_409 : vector<16xf32> to vector<1x1x16xf32>
        tpu.vector_store %arg7[%swap3A_411, %swap3A_412, %swap3A_413], %swap3A_416 {add = true, strides = array<i32>} : memref<4x8x1024xf32, #tpu.memory_space<vmem>>, vector<1x1x16xf32>,
        %get3A_417 = arith.constant 3 : i32
        %get3A_418 = arith.index_cast %get3A_417 : i32 to index
        %get3A_419 = arith.index_cast %scan3A_327 : i32 to index
        %get3A_420 = arith.constant 112 : index
        %get3A_421 = tpu.vector_load %arg8[%get3A_418, %get3A_419, %get3A_420] {strides = array<i32>} : memref<4x8x1024xf32, #tpu.memory_space<vmem>>, vector<1x1x16xf32>,
        %get3A_422 = vector.shape_cast %get3A_421 : vector<1x1x16xf32> to vector<16xf32>
        %swap3A_423 = arith.constant 3 : i32
        %swap3A_424 = arith.index_cast %swap3A_423 : i32 to index
        %swap3A_425 = arith.index_cast %scan3A_327 : i32 to index
        %swap3A_426 = arith.constant 112 : index
        %swap3A_427 = tpu.vector_load %arg7[%swap3A_424, %swap3A_425, %swap3A_426] {strides = array<i32>} : memref<4x8x1024xf32, #tpu.memory_space<vmem>>, vector<1x1x16xf32>,
        %swap3A_428 = vector.shape_cast %swap3A_427 : vector<1x1x16xf32> to vector<16xf32>
        %swap3A_429 = vector.shape_cast %get3A_422 : vector<16xf32> to vector<1x1x16xf32>
        tpu.vector_store %arg7[%swap3A_424, %swap3A_425, %swap3A_426], %swap3A_429 {add = true, strides = array<i32>} : memref<4x8x1024xf32, #tpu.memory_space<vmem>>, vector<1x1x16xf32>,
        %get3A_430 = arith.constant 3 : i32
        %get3A_431 = arith.index_cast %get3A_430 : i32 to index
        %get3A_432 = arith.index_cast %scan3A_327 : i32 to index
        %get3A_433 = arith.constant 128 : index
        %get3A_434 = tpu.vector_load %arg8[%get3A_431, %get3A_432, %get3A_433] {strides = array<i32>} : memref<4x8x1024xf32, #tpu.memory_space<vmem>>, vector<1x1x16xf32>,
        %get3A_435 = vector.shape_cast %get3A_434 : vector<1x1x16xf32> to vector<16xf32>
        %swap3A_436 = arith.constant 3 : i32
        %swap3A_437 = arith.index_cast %swap3A_436 : i32 to index
        %swap3A_438 = arith.index_cast %scan3A_327 : i32 to index
        %swap3A_439 = arith.constant 128 : index
        %swap3A_440 = tpu.vector_load %arg7[%swap3A_437, %swap3A_438, %swap3A_439] {strides = array<i32>} : memref<4x8x1024xf32, #tpu.memory_space<vmem>>, vector<1x1x16xf32>,
        %swap3A_441 = vector.shape_cast %swap3A_440 : vector<1x1x16xf32> to vector<16xf32>
        %swap3A_442 = vector.shape_cast %get3A_435 : vector<16xf32> to vector<1x1x16xf32>
        tpu.vector_store %arg7[%swap3A_437, %swap3A_438, %swap3A_439], %swap3A_442 {add = true, strides = array<i32>} : memref<4x8x1024xf32, #tpu.memory_space<vmem>>, vector<1x1x16xf32>,
        %get3A_443 = arith.constant 3 : i32
        %get3A_444 = arith.index_cast %get3A_443 : i32 to index
        %get3A_445 = arith.index_cast %scan3A_327 : i32 to index
        %get3A_446 = arith.constant 144 : index
        %get3A_447 = tpu.vector_load %arg8[%get3A_444, %get3A_445, %get3A_446] {strides = array<i32>} : memref<4x8x1024xf32, #tpu.memory_space<vmem>>, vector<1x1x16xf32>,
        %get3A_448 = vector.shape_cast %get3A_447 : vector<1x1x16xf32> to vector<16xf32>
        %swap3A_449 = arith.constant 3 : i32
        %swap3A_450 = arith.index_cast %swap3A_449 : i32 to index
        %swap3A_451 = arith.index_cast %scan3A_327 : i32 to index
        %swap3A_452 = arith.constant 144 : index
        %swap3A_453 = tpu.vector_load %arg7[%swap3A_450, %swap3A_451, %swap3A_452] {strides = array<i32>} : memref<4x8x1024xf32, #tpu.memory_space<vmem>>, vector<1x1x16xf32>,
        %swap3A_454 = vector.shape_cast %swap3A_453 : vector<1x1x16xf32> to vector<16xf32>
        %swap3A_455 = vector.shape_cast %get3A_448 : vector<16xf32> to vector<1x1x16xf32>
        tpu.vector_store %arg7[%swap3A_450, %swap3A_451, %swap3A_452], %swap3A_455 {add = true, strides = array<i32>} : memref<4x8x1024xf32, #tpu.memory_space<vmem>>, vector<1x1x16xf32>,
        %get3A_456 = arith.constant 3 : i32
        %get3A_457 = arith.index_cast %get3A_456 : i32 to index
        %get3A_458 = arith.index_cast %scan3A_327 : i32 to index
        %get3A_459 = arith.constant 160 : index
        %get3A_460 = tpu.vector_load %arg8[%get3A_457, %get3A_458, %get3A_459] {strides = array<i32>} : memref<4x8x1024xf32, #tpu.memory_space<vmem>>, vector<1x1x16xf32>,
        %get3A_461 = vector.shape_cast %get3A_460 : vector<1x1x16xf32> to vector<16xf32>
        %swap3A_462 = arith.constant 3 : i32
        %swap3A_463 = arith.index_cast %swap3A_462 : i32 to index
        %swap3A_464 = arith.index_cast %scan3A_327 : i32 to index
        %swap3A_465 = arith.constant 160 : index
        %swap3A_466 = tpu.vector_load %arg7[%swap3A_463, %swap3A_464, %swap3A_465] {strides = array<i32>} : memref<4x8x1024xf32, #tpu.memory_space<vmem>>, vector<1x1x16xf32>,
        %swap3A_467 = vector.shape_cast %swap3A_466 : vector<1x1x16xf32> to vector<16xf32>
        %swap3A_468 = vector.shape_cast %get3A_461 : vector<16xf32> to vector<1x1x16xf32>
        tpu.vector_store %arg7[%swap3A_463, %swap3A_464, %swap3A_465], %swap3A_468 {add = true, strides = array<i32>} : memref<4x8x1024xf32, #tpu.memory_space<vmem>>, vector<1x1x16xf32>,
        %get3A_469 = arith.constant 3 : i32
        %get3A_470 = arith.index_cast %get3A_469 : i32 to index
        %get3A_471 = arith.index_cast %scan3A_327 : i32 to index
        %get3A_472 = arith.constant 176 : index
        %get3A_473 = tpu.vector_load %arg8[%get3A_470, %get3A_471, %get3A_472] {strides = array<i32>} : memref<4x8x1024xf32, #tpu.memory_space<vmem>>, vector<1x1x16xf32>,
        %get3A_474 = vector.shape_cast %get3A_473 : vector<1x1x16xf32> to vector<16xf32>
        %swap3A_475 = arith.constant 3 : i32
        %swap3A_476 = arith.index_cast %swap3A_475 : i32 to index
        %swap3A_477 = arith.index_cast %scan3A_327 : i32 to index
        %swap3A_478 = arith.constant 176 : index
        %swap3A_479 = tpu.vector_load %arg7[%swap3A_476, %swap3A_477, %swap3A_478] {strides = array<i32>} : memref<4x8x1024xf32, #tpu.memory_space<vmem>>, vector<1x1x16xf32>,
        %swap3A_480 = vector.shape_cast %swap3A_479 : vector<1x1x16xf32> to vector<16xf32>
        %swap3A_481 = vector.shape_cast %get3A_474 : vector<16xf32> to vector<1x1x16xf32>
        tpu.vector_store %arg7[%swap3A_476, %swap3A_477, %swap3A_478], %swap3A_481 {add = true, strides = array<i32>} : memref<4x8x1024xf32, #tpu.memory_space<vmem>>, vector<1x1x16xf32>,
        %get3A_482 = arith.constant 3 : i32
        %get3A_483 = arith.index_cast %get3A_482 : i32 to index
        %get3A_484 = arith.index_cast %scan3A_327 : i32 to index
        %get3A_485 = arith.constant 192 : index
        %get3A_486 = tpu.vector_load %arg8[%get3A_483, %get3A_484, %get3A_485] {strides = array<i32>} : memref<4x8x1024xf32, #tpu.memory_space<vmem>>, vector<1x1x16xf32>,
        %get3A_487 = vector.shape_cast %get3A_486 : vector<1x1x16xf32> to vector<16xf32>
        %swap3A_488 = arith.constant 3 : i32
        %swap3A_489 = arith.index_cast %swap3A_488 : i32 to index
        %swap3A_490 = arith.index_cast %scan3A_327 : i32 to index
        %swap3A_491 = arith.constant 192 : index
        %swap3A_492 = tpu.vector_load %arg7[%swap3A_489, %swap3A_490, %swap3A_491] {strides = array<i32>} : memref<4x8x1024xf32, #tpu.memory_space<vmem>>, vector<1x1x16xf32>,
        %swap3A_493 = vector.shape_cast %swap3A_492 : vector<1x1x16xf32> to vector<16xf32>
        %swap3A_494 = vector.shape_cast %get3A_487 : vector<16xf32> to vector<1x1x16xf32>
        tpu.vector_store %arg7[%swap3A_489, %swap3A_490, %swap3A_491], %swap3A_494 {add = true, strides = array<i32>} : memref<4x8x1024xf32, #tpu.memory_space<vmem>>, vector<1x1x16xf32>,
        %get3A_495 = arith.constant 3 : i32
        %get3A_496 = arith.index_cast %get3A_495 : i32 to index
        %get3A_497 = arith.index_cast %scan3A_327 : i32 to index
        %get3A_498 = arith.constant 208 : index
        %get3A_499 = tpu.vector_load %arg8[%get3A_496, %get3A_497, %get3A_498] {strides = array<i32>} : memref<4x8x1024xf32, #tpu.memory_space<vmem>>, vector<1x1x16xf32>,
        %get3A_500 = vector.shape_cast %get3A_499 : vector<1x1x16xf32> to vector<16xf32>
        %swap3A_501 = arith.constant 3 : i32
        %swap3A_502 = arith.index_cast %swap3A_501 : i32 to index
        %swap3A_503 = arith.index_cast %scan3A_327 : i32 to index
        %swap3A_504 = arith.constant 208 : index
        %swap3A_505 = tpu.vector_load %arg7[%swap3A_502, %swap3A_503, %swap3A_504] {strides = array<i32>} : memref<4x8x1024xf32, #tpu.memory_space<vmem>>, vector<1x1x16xf32>,
        %swap3A_506 = vector.shape_cast %swap3A_505 : vector<1x1x16xf32> to vector<16xf32>
        %swap3A_507 = vector.shape_cast %get3A_500 : vector<16xf32> to vector<1x1x16xf32>
        tpu.vector_store %arg7[%swap3A_502, %swap3A_503, %swap3A_504], %swap3A_507 {add = true, strides = array<i32>} : memref<4x8x1024xf32, #tpu.memory_space<vmem>>, vector<1x1x16xf32>,
        %get3A_508 = arith.constant 3 : i32
        %get3A_509 = arith.index_cast %get3A_508 : i32 to index
        %get3A_510 = arith.index_cast %scan3A_327 : i32 to index
        %get3A_511 = arith.constant 224 : index
        %get3A_512 = tpu.vector_load %arg8[%get3A_509, %get3A_510, %get3A_511] {strides = array<i32>} : memref<4x8x1024xf32, #tpu.memory_space<vmem>>, vector<1x1x16xf32>,
        %get3A_513 = vector.shape_cast %get3A_512 : vector<1x1x16xf32> to vector<16xf32>
        %swap3A_514 = arith.constant 3 : i32
        %swap3A_515 = arith.index_cast %swap3A_514 : i32 to index
        %swap3A_516 = arith.index_cast %scan3A_327 : i32 to index
        %swap3A_517 = arith.constant 224 : index
        %swap3A_518 = tpu.vector_load %arg7[%swap3A_515, %swap3A_516, %swap3A_517] {strides = array<i32>} : memref<4x8x1024xf32, #tpu.memory_space<vmem>>, vector<1x1x16xf32>,
        %swap3A_519 = vector.shape_cast %swap3A_518 : vector<1x1x16xf32> to vector<16xf32>
        %swap3A_520 = vector.shape_cast %get3A_513 : vector<16xf32> to vector<1x1x16xf32>
        tpu.vector_store %arg7[%swap3A_515, %swap3A_516, %swap3A_517], %swap3A_520 {add = true, strides = array<i32>} : memref<4x8x1024xf32, #tpu.memory_space<vmem>>, vector<1x1x16xf32>,
        %get3A_521 = arith.constant 3 : i32
        %get3A_522 = arith.index_cast %get3A_521 : i32 to index
        %get3A_523 = arith.index_cast %scan3A_327 : i32 to index
        %get3A_524 = arith.constant 240 : index
        %get3A_525 = tpu.vector_load %arg8[%get3A_522, %get3A_523, %get3A_524] {strides = array<i32>} : memref<4x8x1024xf32, #tpu.memory_space<vmem>>, vector<1x1x16xf32>,
        %get3A_526 = vector.shape_cast %get3A_525 : vector<1x1x16xf32> to vector<16xf32>
        %swap3A_527 = arith.constant 3 : i32
        %swap3A_528 = arith.index_cast %swap3A_527 : i32 to index
        %swap3A_529 = arith.index_cast %scan3A_327 : i32 to index
        %swap3A_530 = arith.constant 240 : index
        %swap3A_531 = tpu.vector_load %arg7[%swap3A_528, %swap3A_529, %swap3A_530] {strides = array<i32>} : memref<4x8x1024xf32, #tpu.memory_space<vmem>>, vector<1x1x16xf32>,
        %swap3A_532 = vector.shape_cast %swap3A_531 : vector<1x1x16xf32> to vector<16xf32>
        %swap3A_533 = vector.shape_cast %get3A_526 : vector<16xf32> to vector<1x1x16xf32>
        tpu.vector_store %arg7[%swap3A_528, %swap3A_529, %swap3A_530], %swap3A_533 {add = true, strides = array<i32>} : memref<4x8x1024xf32, #tpu.memory_space<vmem>>, vector<1x1x16xf32>,
        %get3A_534 = arith.constant 3 : i32
        %get3A_535 = arith.index_cast %get3A_534 : i32 to index
        %get3A_536 = arith.index_cast %scan3A_327 : i32 to index
        %get3A_537 = arith.constant 256 : index
        %get3A_538 = tpu.vector_load %arg8[%get3A_535, %get3A_536, %get3A_537] {strides = array<i32>} : memref<4x8x1024xf32, #tpu.memory_space<vmem>>, vector<1x1x16xf32>,
        %get3A_539 = vector.shape_cast %get3A_538 : vector<1x1x16xf32> to vector<16xf32>
        %swap3A_540 = arith.constant 3 : i32
        %swap3A_541 = arith.index_cast %swap3A_540 : i32 to index
        %swap3A_542 = arith.index_cast %scan3A_327 : i32 to index
        %swap3A_543 = arith.constant 256 : index
        %swap3A_544 = tpu.vector_load %arg7[%swap3A_541, %swap3A_542, %swap3A_543] {strides = array<i32>} : memref<4x8x1024xf32, #tpu.memory_space<vmem>>, vector<1x1x16xf32>,
        %swap3A_545 = vector.shape_cast %swap3A_544 : vector<1x1x16xf32> to vector<16xf32>
        %swap3A_546 = vector.shape_cast %get3A_539 : vector<16xf32> to vector<1x1x16xf32>
        tpu.vector_store %arg7[%swap3A_541, %swap3A_542, %swap3A_543], %swap3A_546 {add = true, strides = array<i32>} : memref<4x8x1024xf32, #tpu.memory_space<vmem>>, vector<1x1x16xf32>,
        %get3A_547 = arith.constant 3 : i32
        %get3A_548 = arith.index_cast %get3A_547 : i32 to index
        %get3A_549 = arith.index_cast %scan3A_327 : i32 to index
        %get3A_550 = arith.constant 272 : index
        %get3A_551 = tpu.vector_load %arg8[%get3A_548, %get3A_549, %get3A_550] {strides = array<i32>} : memref<4x8x1024xf32, #tpu.memory_space<vmem>>, vector<1x1x16xf32>,
        %get3A_552 = vector.shape_cast %get3A_551 : vector<1x1x16xf32> to vector<16xf32>
        %swap3A_553 = arith.constant 3 : i32
        %swap3A_554 = arith.index_cast %swap3A_553 : i32 to index
        %swap3A_555 = arith.index_cast %scan3A_327 : i32 to index
        %swap3A_556 = arith.constant 272 : index
        %swap3A_557 = tpu.vector_load %arg7[%swap3A_554, %swap3A_555, %swap3A_556] {strides = array<i32>} : memref<4x8x1024xf32, #tpu.memory_space<vmem>>, vector<1x1x16xf32>,
        %swap3A_558 = vector.shape_cast %swap3A_557 : vector<1x1x16xf32> to vector<16xf32>
        %swap3A_559 = vector.shape_cast %get3A_552 : vector<16xf32> to vector<1x1x16xf32>
        tpu.vector_store %arg7[%swap3A_554, %swap3A_555, %swap3A_556], %swap3A_559 {add = true, strides = array<i32>} : memref<4x8x1024xf32, #tpu.memory_space<vmem>>, vector<1x1x16xf32>,
        %get3A_560 = arith.constant 3 : i32
        %get3A_561 = arith.index_cast %get3A_560 : i32 to index
        %get3A_562 = arith.index_cast %scan3A_327 : i32 to index
        %get3A_563 = arith.constant 288 : index
        %get3A_564 = tpu.vector_load %arg8[%get3A_561, %get3A_562, %get3A_563] {strides = array<i32>} : memref<4x8x1024xf32, #tpu.memory_space<vmem>>, vector<1x1x16xf32>,
        %get3A_565 = vector.shape_cast %get3A_564 : vector<1x1x16xf32> to vector<16xf32>
        %swap3A_566 = arith.constant 3 : i32
        %swap3A_567 = arith.index_cast %swap3A_566 : i32 to index
        %swap3A_568 = arith.index_cast %scan3A_327 : i32 to index
        %swap3A_569 = arith.constant 288 : index
        %swap3A_570 = tpu.vector_load %arg7[%swap3A_567, %swap3A_568, %swap3A_569] {strides = array<i32>} : memref<4x8x1024xf32, #tpu.memory_space<vmem>>, vector<1x1x16xf32>,
        %swap3A_571 = vector.shape_cast %swap3A_570 : vector<1x1x16xf32> to vector<16xf32>
        %swap3A_572 = vector.shape_cast %get3A_565 : vector<16xf32> to vector<1x1x16xf32>
        tpu.vector_store %arg7[%swap3A_567, %swap3A_568, %swap3A_569], %swap3A_572 {add = true, strides = array<i32>} : memref<4x8x1024xf32, #tpu.memory_space<vmem>>, vector<1x1x16xf32>,
        %get3A_573 = arith.constant 3 : i32
        %get3A_574 = arith.index_cast %get3A_573 : i32 to index
        %get3A_575 = arith.index_cast %scan3A_327 : i32 to index
        %get3A_576 = arith.constant 304 : index
        %get3A_577 = tpu.vector_load %arg8[%get3A_574, %get3A_575, %get3A_576] {strides = array<i32>} : memref<4x8x1024xf32, #tpu.memory_space<vmem>>, vector<1x1x16xf32>,
        %get3A_578 = vector.shape_cast %get3A_577 : vector<1x1x16xf32> to vector<16xf32>
        %swap3A_579 = arith.constant 3 : i32
        %swap3A_580 = arith.index_cast %swap3A_579 : i32 to index
        %swap3A_581 = arith.index_cast %scan3A_327 : i32 to index
        %swap3A_582 = arith.constant 304 : index
        %swap3A_583 = tpu.vector_load %arg7[%swap3A_580, %swap3A_581, %swap3A_582] {strides = array<i32>} : memref<4x8x1024xf32, #tpu.memory_space<vmem>>, vector<1x1x16xf32>,
        %swap3A_584 = vector.shape_cast %swap3A_583 : vector<1x1x16xf32> to vector<16xf32>
        %swap3A_585 = vector.shape_cast %get3A_578 : vector<16xf32> to vector<1x1x16xf32>
        tpu.vector_store %arg7[%swap3A_580, %swap3A_581, %swap3A_582], %swap3A_585 {add = true, strides = array<i32>} : memref<4x8x1024xf32, #tpu.memory_space<vmem>>, vector<1x1x16xf32>,
        %get3A_586 = arith.constant 3 : i32
        %get3A_587 = arith.index_cast %get3A_586 : i32 to index
        %get3A_588 = arith.index_cast %scan3A_327 : i32 to index
        %get3A_589 = arith.constant 320 : index
        %get3A_590 = tpu.vector_load %arg8[%get3A_587, %get3A_588, %get3A_589] {strides = array<i32>} : memref<4x8x1024xf32, #tpu.memory_space<vmem>>, vector<1x1x16xf32>,
        %get3A_591 = vector.shape_cast %get3A_590 : vector<1x1x16xf32> to vector<16xf32>
        %swap3A_592 = arith.constant 3 : i32
        %swap3A_593 = arith.index_cast %swap3A_592 : i32 to index
        %swap3A_594 = arith.index_cast %scan3A_327 : i32 to index
        %swap3A_595 = arith.constant 320 : index
        %swap3A_596 = tpu.vector_load %arg7[%swap3A_593, %swap3A_594, %swap3A_595] {strides = array<i32>} : memref<4x8x1024xf32, #tpu.memory_space<vmem>>, vector<1x1x16xf32>,
        %swap3A_597 = vector.shape_cast %swap3A_596 : vector<1x1x16xf32> to vector<16xf32>
        %swap3A_598 = vector.shape_cast %get3A_591 : vector<16xf32> to vector<1x1x16xf32>
        tpu.vector_store %arg7[%swap3A_593, %swap3A_594, %swap3A_595], %swap3A_598 {add = true, strides = array<i32>} : memref<4x8x1024xf32, #tpu.memory_space<vmem>>, vector<1x1x16xf32>,
        %get3A_599 = arith.constant 3 : i32
        %get3A_600 = arith.index_cast %get3A_599 : i32 to index
        %get3A_601 = arith.index_cast %scan3A_327 : i32 to index
        %get3A_602 = arith.constant 336 : index
        %get3A_603 = tpu.vector_load %arg8[%get3A_600, %get3A_601, %get3A_602] {strides = array<i32>} : memref<4x8x1024xf32, #tpu.memory_space<vmem>>, vector<1x1x16xf32>,
        %get3A_604 = vector.shape_cast %get3A_603 : vector<1x1x16xf32> to vector<16xf32>
        %swap3A_605 = arith.constant 3 : i32
        %swap3A_606 = arith.index_cast %swap3A_605 : i32 to index
        %swap3A_607 = arith.index_cast %scan3A_327 : i32 to index
        %swap3A_608 = arith.constant 336 : index
        %swap3A_609 = tpu.vector_load %arg7[%swap3A_606, %swap3A_607, %swap3A_608] {strides = array<i32>} : memref<4x8x1024xf32, #tpu.memory_space<vmem>>, vector<1x1x16xf32>,
        %swap3A_610 = vector.shape_cast %swap3A_609 : vector<1x1x16xf32> to vector<16xf32>
        %swap3A_611 = vector.shape_cast %get3A_604 : vector<16xf32> to vector<1x1x16xf32>
        tpu.vector_store %arg7[%swap3A_606, %swap3A_607, %swap3A_608], %swap3A_611 {add = true, strides = array<i32>} : memref<4x8x1024xf32, #tpu.memory_space<vmem>>, vector<1x1x16xf32>,
        %get3A_612 = arith.constant 3 : i32
        %get3A_613 = arith.index_cast %get3A_612 : i32 to index
        %get3A_614 = arith.index_cast %scan3A_327 : i32 to index
        %get3A_615 = arith.constant 352 : index
        %get3A_616 = tpu.vector_load %arg8[%get3A_613, %get3A_614, %get3A_615] {strides = array<i32>} : memref<4x8x1024xf32, #tpu.memory_space<vmem>>, vector<1x1x16xf32>,
        %get3A_617 = vector.shape_cast %get3A_616 : vector<1x1x16xf32> to vector<16xf32>
        %swap3A_618 = arith.constant 3 : i32
        %swap3A_619 = arith.index_cast %swap3A_618 : i32 to index
        %swap3A_620 = arith.index_cast %scan3A_327 : i32 to index
        %swap3A_621 = arith.constant 352 : index
        %swap3A_622 = tpu.vector_load %arg7[%swap3A_619, %swap3A_620, %swap3A_621] {strides = array<i32>} : memref<4x8x1024xf32, #tpu.memory_space<vmem>>, vector<1x1x16xf32>,
        %swap3A_623 = vector.shape_cast %swap3A_622 : vector<1x1x16xf32> to vector<16xf32>
        %swap3A_624 = vector.shape_cast %get3A_617 : vector<16xf32> to vector<1x1x16xf32>
        tpu.vector_store %arg7[%swap3A_619, %swap3A_620, %swap3A_621], %swap3A_624 {add = true, strides = array<i32>} : memref<4x8x1024xf32, #tpu.memory_space<vmem>>, vector<1x1x16xf32>,
        %get3A_625 = arith.constant 3 : i32
        %get3A_626 = arith.index_cast %get3A_625 : i32 to index
        %get3A_627 = arith.index_cast %scan3A_327 : i32 to index
        %get3A_628 = arith.constant 368 : index
        %get3A_629 = tpu.vector_load %arg8[%get3A_626, %get3A_627, %get3A_628] {strides = array<i32>} : memref<4x8x1024xf32, #tpu.memory_space<vmem>>, vector<1x1x16xf32>,
        %get3A_630 = vector.shape_cast %get3A_629 : vector<1x1x16xf32> to vector<16xf32>
        %swap3A_631 = arith.constant 3 : i32
        %swap3A_632 = arith.index_cast %swap3A_631 : i32 to index
        %swap3A_633 = arith.index_cast %scan3A_327 : i32 to index
        %swap3A_634 = arith.constant 368 : index
        %swap3A_635 = tpu.vector_load %arg7[%swap3A_632, %swap3A_633, %swap3A_634] {strides = array<i32>} : memref<4x8x1024xf32, #tpu.memory_space<vmem>>, vector<1x1x16xf32>,
        %swap3A_636 = vector.shape_cast %swap3A_635 : vector<1x1x16xf32> to vector<16xf32>
        %swap3A_637 = vector.shape_cast %get3A_630 : vector<16xf32> to vector<1x1x16xf32>
        tpu.vector_store %arg7[%swap3A_632, %swap3A_633, %swap3A_634], %swap3A_637 {add = true, strides = array<i32>} : memref<4x8x1024xf32, #tpu.memory_space<vmem>>, vector<1x1x16xf32>,
        %get3A_638 = arith.constant 3 : i32
        %get3A_639 = arith.index_cast %get3A_638 : i32 to index
        %get3A_640 = arith.index_cast %scan3A_327 : i32 to index
        %get3A_641 = arith.constant 384 : index
        %get3A_642 = tpu.vector_load %arg8[%get3A_639, %get3A_640, %get3A_641] {strides = array<i32>} : memref<4x8x1024xf32, #tpu.memory_space<vmem>>, vector<1x1x16xf32>,
        %get3A_643 = vector.shape_cast %get3A_642 : vector<1x1x16xf32> to vector<16xf32>
        %swap3A_644 = arith.constant 3 : i32
        %swap3A_645 = arith.index_cast %swap3A_644 : i32 to index
        %swap3A_646 = arith.index_cast %scan3A_327 : i32 to index
        %swap3A_647 = arith.constant 384 : index
        %swap3A_648 = tpu.vector_load %arg7[%swap3A_645, %swap3A_646, %swap3A_647] {strides = array<i32>} : memref<4x8x1024xf32, #tpu.memory_space<vmem>>, vector<1x1x16xf32>,
        %swap3A_649 = vector.shape_cast %swap3A_648 : vector<1x1x16xf32> to vector<16xf32>
        %swap3A_650 = vector.shape_cast %get3A_643 : vector<16xf32> to vector<1x1x16xf32>
        tpu.vector_store %arg7[%swap3A_645, %swap3A_646, %swap3A_647], %swap3A_650 {add = true, strides = array<i32>} : memref<4x8x1024xf32, #tpu.memory_space<vmem>>, vector<1x1x16xf32>,
        %get3A_651 = arith.constant 3 : i32
        %get3A_652 = arith.index_cast %get3A_651 : i32 to index
        %get3A_653 = arith.index_cast %scan3A_327 : i32 to index
        %get3A_654 = arith.constant 400 : index
        %get3A_655 = tpu.vector_load %arg8[%get3A_652, %get3A_653, %get3A_654] {strides = array<i32>} : memref<4x8x1024xf32, #tpu.memory_space<vmem>>, vector<1x1x16xf32>,
        %get3A_656 = vector.shape_cast %get3A_655 : vector<1x1x16xf32> to vector<16xf32>
        %swap3A_657 = arith.constant 3 : i32
        %swap3A_658 = arith.index_cast %swap3A_657 : i32 to index
        %swap3A_659 = arith.index_cast %scan3A_327 : i32 to index
        %swap3A_660 = arith.constant 400 : index
        %swap3A_661 = tpu.vector_load %arg7[%swap3A_658, %swap3A_659, %swap3A_660] {strides = array<i32>} : memref<4x8x1024xf32, #tpu.memory_space<vmem>>, vector<1x1x16xf32>,
        %swap3A_662 = vector.shape_cast %swap3A_661 : vector<1x1x16xf32> to vector<16xf32>
        %swap3A_663 = vector.shape_cast %get3A_656 : vector<16xf32> to vector<1x1x16xf32>
        tpu.vector_store %arg7[%swap3A_658, %swap3A_659, %swap3A_660], %swap3A_663 {add = true, strides = array<i32>} : memref<4x8x1024xf32, #tpu.memory_space<vmem>>, vector<1x1x16xf32>,
        %get3A_664 = arith.constant 3 : i32
        %get3A_665 = arith.index_cast %get3A_664 : i32 to index
        %get3A_666 = arith.index_cast %scan3A_327 : i32 to index
        %get3A_667 = arith.constant 416 : index
        %get3A_668 = tpu.vector_load %arg8[%get3A_665, %get3A_666, %get3A_667] {strides = array<i32>} : memref<4x8x1024xf32, #tpu.memory_space<vmem>>, vector<1x1x16xf32>,
        %get3A_669 = vector.shape_cast %get3A_668 : vector<1x1x16xf32> to vector<16xf32>
        %swap3A_670 = arith.constant 3 : i32
        %swap3A_671 = arith.index_cast %swap3A_670 : i32 to index
        %swap3A_672 = arith.index_cast %scan3A_327 : i32 to index
        %swap3A_673 = arith.constant 416 : index
        %swap3A_674 = tpu.vector_load %arg7[%swap3A_671, %swap3A_672, %swap3A_673] {strides = array<i32>} : memref<4x8x1024xf32, #tpu.memory_space<vmem>>, vector<1x1x16xf32>,
        %swap3A_675 = vector.shape_cast %swap3A_674 : vector<1x1x16xf32> to vector<16xf32>
        %swap3A_676 = vector.shape_cast %get3A_669 : vector<16xf32> to vector<1x1x16xf32>
        tpu.vector_store %arg7[%swap3A_671, %swap3A_672, %swap3A_673], %swap3A_676 {add = true, strides = array<i32>} : memref<4x8x1024xf32, #tpu.memory_space<vmem>>, vector<1x1x16xf32>,
        %get3A_677 = arith.constant 3 : i32
        %get3A_678 = arith.index_cast %get3A_677 : i32 to index
        %get3A_679 = arith.index_cast %scan3A_327 : i32 to index
        %get3A_680 = arith.constant 432 : index
        %get3A_681 = tpu.vector_load %arg8[%get3A_678, %get3A_679, %get3A_680] {strides = array<i32>} : memref<4x8x1024xf32, #tpu.memory_space<vmem>>, vector<1x1x16xf32>,
        %get3A_682 = vector.shape_cast %get3A_681 : vector<1x1x16xf32> to vector<16xf32>
        %swap3A_683 = arith.constant 3 : i32
        %swap3A_684 = arith.index_cast %swap3A_683 : i32 to index
        %swap3A_685 = arith.index_cast %scan3A_327 : i32 to index
        %swap3A_686 = arith.constant 432 : index
        %swap3A_687 = tpu.vector_load %arg7[%swap3A_684, %swap3A_685, %swap3A_686] {strides = array<i32>} : memref<4x8x1024xf32, #tpu.memory_space<vmem>>, vector<1x1x16xf32>,
        %swap3A_688 = vector.shape_cast %swap3A_687 : vector<1x1x16xf32> to vector<16xf32>
        %swap3A_689 = vector.shape_cast %get3A_682 : vector<16xf32> to vector<1x1x16xf32>
        tpu.vector_store %arg7[%swap3A_684, %swap3A_685, %swap3A_686], %swap3A_689 {add = true, strides = array<i32>} : memref<4x8x1024xf32, #tpu.memory_space<vmem>>, vector<1x1x16xf32>,
        %get3A_690 = arith.constant 3 : i32
        %get3A_691 = arith.index_cast %get3A_690 : i32 to index
        %get3A_692 = arith.index_cast %scan3A_327 : i32 to index
        %get3A_693 = arith.constant 448 : index
        %get3A_694 = tpu.vector_load %arg8[%get3A_691, %get3A_692, %get3A_693] {strides = array<i32>} : memref<4x8x1024xf32, #tpu.memory_space<vmem>>, vector<1x1x16xf32>,
        %get3A_695 = vector.shape_cast %get3A_694 : vector<1x1x16xf32> to vector<16xf32>
        %swap3A_696 = arith.constant 3 : i32
        %swap3A_697 = arith.index_cast %swap3A_696 : i32 to index
        %swap3A_698 = arith.index_cast %scan3A_327 : i32 to index
        %swap3A_699 = arith.constant 448 : index
        %swap3A_700 = tpu.vector_load %arg7[%swap3A_697, %swap3A_698, %swap3A_699] {strides = array<i32>} : memref<4x8x1024xf32, #tpu.memory_space<vmem>>, vector<1x1x16xf32>,
        %swap3A_701 = vector.shape_cast %swap3A_700 : vector<1x1x16xf32> to vector<16xf32>
        %swap3A_702 = vector.shape_cast %get3A_695 : vector<16xf32> to vector<1x1x16xf32>
        tpu.vector_store %arg7[%swap3A_697, %swap3A_698, %swap3A_699], %swap3A_702 {add = true, strides = array<i32>} : memref<4x8x1024xf32, #tpu.memory_space<vmem>>, vector<1x1x16xf32>,
        %get3A_703 = arith.constant 3 : i32
        %get3A_704 = arith.index_cast %get3A_703 : i32 to index
        %get3A_705 = arith.index_cast %scan3A_327 : i32 to index
        %get3A_706 = arith.constant 464 : index
        %get3A_707 = tpu.vector_load %arg8[%get3A_704, %get3A_705, %get3A_706] {strides = array<i32>} : memref<4x8x1024xf32, #tpu.memory_space<vmem>>, vector<1x1x16xf32>,
        %get3A_708 = vector.shape_cast %get3A_707 : vector<1x1x16xf32> to vector<16xf32>
        %swap3A_709 = arith.constant 3 : i32
        %swap3A_710 = arith.index_cast %swap3A_709 : i32 to index
        %swap3A_711 = arith.index_cast %scan3A_327 : i32 to index
        %swap3A_712 = arith.constant 464 : index
        %swap3A_713 = tpu.vector_load %arg7[%swap3A_710, %swap3A_711, %swap3A_712] {strides = array<i32>} : memref<4x8x1024xf32, #tpu.memory_space<vmem>>, vector<1x1x16xf32>,
        %swap3A_714 = vector.shape_cast %swap3A_713 : vector<1x1x16xf32> to vector<16xf32>
        %swap3A_715 = vector.shape_cast %get3A_708 : vector<16xf32> to vector<1x1x16xf32>
        tpu.vector_store %arg7[%swap3A_710, %swap3A_711, %swap3A_712], %swap3A_715 {add = true, strides = array<i32>} : memref<4x8x1024xf32, #tpu.memory_space<vmem>>, vector<1x1x16xf32>,
        %get3A_716 = arith.constant 3 : i32
        %get3A_717 = arith.index_cast %get3A_716 : i32 to index
        %get3A_718 = arith.index_cast %scan3A_327 : i32 to index
        %get3A_719 = arith.constant 480 : index
        %get3A_720 = tpu.vector_load %arg8[%get3A_717, %get3A_718, %get3A_719] {strides = array<i32>} : memref<4x8x1024xf32, #tpu.memory_space<vmem>>, vector<1x1x16xf32>,
        %get3A_721 = vector.shape_cast %get3A_720 : vector<1x1x16xf32> to vector<16xf32>
        %swap3A_722 = arith.constant 3 : i32
        %swap3A_723 = arith.index_cast %swap3A_722 : i32 to index
        %swap3A_724 = arith.index_cast %scan3A_327 : i32 to index
        %swap3A_725 = arith.constant 480 : index
        %swap3A_726 = tpu.vector_load %arg7[%swap3A_723, %swap3A_724, %swap3A_725] {strides = array<i32>} : memref<4x8x1024xf32, #tpu.memory_space<vmem>>, vector<1x1x16xf32>,
        %swap3A_727 = vector.shape_cast %swap3A_726 : vector<1x1x16xf32> to vector<16xf32>
        %swap3A_728 = vector.shape_cast %get3A_721 : vector<16xf32> to vector<1x1x16xf32>
        tpu.vector_store %arg7[%swap3A_723, %swap3A_724, %swap3A_725], %swap3A_728 {add = true, strides = array<i32>} : memref<4x8x1024xf32, #tpu.memory_space<vmem>>, vector<1x1x16xf32>,
        %get3A_729 = arith.constant 3 : i32
        %get3A_730 = arith.index_cast %get3A_729 : i32 to index
        %get3A_731 = arith.index_cast %scan3A_327 : i32 to index
        %get3A_732 = arith.constant 496 : index
        %get3A_733 = tpu.vector_load %arg8[%get3A_730, %get3A_731, %get3A_732] {strides = array<i32>} : memref<4x8x1024xf32, #tpu.memory_space<vmem>>, vector<1x1x16xf32>,
        %get3A_734 = vector.shape_cast %get3A_733 : vector<1x1x16xf32> to vector<16xf32>
        %swap3A_735 = arith.constant 3 : i32
        %swap3A_736 = arith.index_cast %swap3A_735 : i32 to index
        %swap3A_737 = arith.index_cast %scan3A_327 : i32 to index
        %swap3A_738 = arith.constant 496 : index
        %swap3A_739 = tpu.vector_load %arg7[%swap3A_736, %swap3A_737, %swap3A_738] {strides = array<i32>} : memref<4x8x1024xf32, #tpu.memory_space<vmem>>, vector<1x1x16xf32>,
        %swap3A_740 = vector.shape_cast %swap3A_739 : vector<1x1x16xf32> to vector<16xf32>
        %swap3A_741 = vector.shape_cast %get3A_734 : vector<16xf32> to vector<1x1x16xf32>
        tpu.vector_store %arg7[%swap3A_736, %swap3A_737, %swap3A_738], %swap3A_741 {add = true, strides = array<i32>} : memref<4x8x1024xf32, #tpu.memory_space<vmem>>, vector<1x1x16xf32>,
        %get3A_742 = arith.constant 3 : i32
        %get3A_743 = arith.index_cast %get3A_742 : i32 to index
        %get3A_744 = arith.index_cast %scan3A_327 : i32 to index
        %get3A_745 = arith.constant 512 : index
        %get3A_746 = tpu.vector_load %arg8[%get3A_743, %get3A_744, %get3A_745] {strides = array<i32>} : memref<4x8x1024xf32, #tpu.memory_space<vmem>>, vector<1x1x16xf32>,
        %get3A_747 = vector.shape_cast %get3A_746 : vector<1x1x16xf32> to vector<16xf32>
        %swap3A_748 = arith.constant 3 : i32
        %swap3A_749 = arith.index_cast %swap3A_748 : i32 to index
        %swap3A_750 = arith.index_cast %scan3A_327 : i32 to index
        %swap3A_751 = arith.constant 512 : index
        %swap3A_752 = tpu.vector_load %arg7[%swap3A_749, %swap3A_750, %swap3A_751] {strides = array<i32>} : memref<4x8x1024xf32, #tpu.memory_space<vmem>>, vector<1x1x16xf32>,
        %swap3A_753 = vector.shape_cast %swap3A_752 : vector<1x1x16xf32> to vector<16xf32>
        %swap3A_754 = vector.shape_cast %get3A_747 : vector<16xf32> to vector<1x1x16xf32>
        tpu.vector_store %arg7[%swap3A_749, %swap3A_750, %swap3A_751], %swap3A_754 {add = true, strides = array<i32>} : memref<4x8x1024xf32, #tpu.memory_space<vmem>>, vector<1x1x16xf32>,
        %get3A_755 = arith.constant 3 : i32
        %get3A_756 = arith.index_cast %get3A_755 : i32 to index
        %get3A_757 = arith.index_cast %scan3A_327 : i32 to index
        %get3A_758 = arith.constant 528 : index
        %get3A_759 = tpu.vector_load %arg8[%get3A_756, %get3A_757, %get3A_758] {strides = array<i32>} : memref<4x8x1024xf32, #tpu.memory_space<vmem>>, vector<1x1x16xf32>,
        %get3A_760 = vector.shape_cast %get3A_759 : vector<1x1x16xf32> to vector<16xf32>
        %swap3A_761 = arith.constant 3 : i32
        %swap3A_762 = arith.index_cast %swap3A_761 : i32 to index
        %swap3A_763 = arith.index_cast %scan3A_327 : i32 to index
        %swap3A_764 = arith.constant 528 : index
        %swap3A_765 = tpu.vector_load %arg7[%swap3A_762, %swap3A_763, %swap3A_764] {strides = array<i32>} : memref<4x8x1024xf32, #tpu.memory_space<vmem>>, vector<1x1x16xf32>,
        %swap3A_766 = vector.shape_cast %swap3A_765 : vector<1x1x16xf32> to vector<16xf32>
        %swap3A_767 = vector.shape_cast %get3A_760 : vector<16xf32> to vector<1x1x16xf32>
        tpu.vector_store %arg7[%swap3A_762, %swap3A_763, %swap3A_764], %swap3A_767 {add = true, strides = array<i32>} : memref<4x8x1024xf32, #tpu.memory_space<vmem>>, vector<1x1x16xf32>,
        %get3A_768 = arith.constant 3 : i32
        %get3A_769 = arith.index_cast %get3A_768 : i32 to index
        %get3A_770 = arith.index_cast %scan3A_327 : i32 to index
        %get3A_771 = arith.constant 544 : index
        %get3A_772 = tpu.vector_load %arg8[%get3A_769, %get3A_770, %get3A_771] {strides = array<i32>} : memref<4x8x1024xf32, #tpu.memory_space<vmem>>, vector<1x1x16xf32>,
        %get3A_773 = vector.shape_cast %get3A_772 : vector<1x1x16xf32> to vector<16xf32>
        %swap3A_774 = arith.constant 3 : i32
        %swap3A_775 = arith.index_cast %swap3A_774 : i32 to index
        %swap3A_776 = arith.index_cast %scan3A_327 : i32 to index
        %swap3A_777 = arith.constant 544 : index
        %swap3A_778 = tpu.vector_load %arg7[%swap3A_775, %swap3A_776, %swap3A_777] {strides = array<i32>} : memref<4x8x1024xf32, #tpu.memory_space<vmem>>, vector<1x1x16xf32>,
        %swap3A_779 = vector.shape_cast %swap3A_778 : vector<1x1x16xf32> to vector<16xf32>
        %swap3A_780 = vector.shape_cast %get3A_773 : vector<16xf32> to vector<1x1x16xf32>
        tpu.vector_store %arg7[%swap3A_775, %swap3A_776, %swap3A_777], %swap3A_780 {add = true, strides = array<i32>} : memref<4x8x1024xf32, #tpu.memory_space<vmem>>, vector<1x1x16xf32>,
        %get3A_781 = arith.constant 3 : i32
        %get3A_782 = arith.index_cast %get3A_781 : i32 to index
        %get3A_783 = arith.index_cast %scan3A_327 : i32 to index
        %get3A_784 = arith.constant 560 : index
        %get3A_785 = tpu.vector_load %arg8[%get3A_782, %get3A_783, %get3A_784] {strides = array<i32>} : memref<4x8x1024xf32, #tpu.memory_space<vmem>>, vector<1x1x16xf32>,
        %get3A_786 = vector.shape_cast %get3A_785 : vector<1x1x16xf32> to vector<16xf32>
        %swap3A_787 = arith.constant 3 : i32
        %swap3A_788 = arith.index_cast %swap3A_787 : i32 to index
        %swap3A_789 = arith.index_cast %scan3A_327 : i32 to index
        %swap3A_790 = arith.constant 560 : index
        %swap3A_791 = tpu.vector_load %arg7[%swap3A_788, %swap3A_789, %swap3A_790] {strides = array<i32>} : memref<4x8x1024xf32, #tpu.memory_space<vmem>>, vector<1x1x16xf32>,
        %swap3A_792 = vector.shape_cast %swap3A_791 : vector<1x1x16xf32> to vector<16xf32>
        %swap3A_793 = vector.shape_cast %get3A_786 : vector<16xf32> to vector<1x1x16xf32>
        tpu.vector_store %arg7[%swap3A_788, %swap3A_789, %swap3A_790], %swap3A_793 {add = true, strides = array<i32>} : memref<4x8x1024xf32, #tpu.memory_space<vmem>>, vector<1x1x16xf32>,
        %get3A_794 = arith.constant 3 : i32
        %get3A_795 = arith.index_cast %get3A_794 : i32 to index
        %get3A_796 = arith.index_cast %scan3A_327 : i32 to index
        %get3A_797 = arith.constant 576 : index
        %get3A_798 = tpu.vector_load %arg8[%get3A_795, %get3A_796, %get3A_797] {strides = array<i32>} : memref<4x8x1024xf32, #tpu.memory_space<vmem>>, vector<1x1x16xf32>,
        %get3A_799 = vector.shape_cast %get3A_798 : vector<1x1x16xf32> to vector<16xf32>
        %swap3A_800 = arith.constant 3 : i32
        %swap3A_801 = arith.index_cast %swap3A_800 : i32 to index
        %swap3A_802 = arith.index_cast %scan3A_327 : i32 to index
        %swap3A_803 = arith.constant 576 : index
        %swap3A_804 = tpu.vector_load %arg7[%swap3A_801, %swap3A_802, %swap3A_803] {strides = array<i32>} : memref<4x8x1024xf32, #tpu.memory_space<vmem>>, vector<1x1x16xf32>,
        %swap3A_805 = vector.shape_cast %swap3A_804 : vector<1x1x16xf32> to vector<16xf32>
        %swap3A_806 = vector.shape_cast %get3A_799 : vector<16xf32> to vector<1x1x16xf32>
        tpu.vector_store %arg7[%swap3A_801, %swap3A_802, %swap3A_803], %swap3A_806 {add = true, strides = array<i32>} : memref<4x8x1024xf32, #tpu.memory_space<vmem>>, vector<1x1x16xf32>,
        %get3A_807 = arith.constant 3 : i32
        %get3A_808 = arith.index_cast %get3A_807 : i32 to index
        %get3A_809 = arith.index_cast %scan3A_327 : i32 to index
        %get3A_810 = arith.constant 592 : index
        %get3A_811 = tpu.vector_load %arg8[%get3A_808, %get3A_809, %get3A_810] {strides = array<i32>} : memref<4x8x1024xf32, #tpu.memory_space<vmem>>, vector<1x1x16xf32>,
        %get3A_812 = vector.shape_cast %get3A_811 : vector<1x1x16xf32> to vector<16xf32>
        %swap3A_813 = arith.constant 3 : i32
        %swap3A_814 = arith.index_cast %swap3A_813 : i32 to index
        %swap3A_815 = arith.index_cast %scan3A_327 : i32 to index
        %swap3A_816 = arith.constant 592 : index
        %swap3A_817 = tpu.vector_load %arg7[%swap3A_814, %swap3A_815, %swap3A_816] {strides = array<i32>} : memref<4x8x1024xf32, #tpu.memory_space<vmem>>, vector<1x1x16xf32>,
        %swap3A_818 = vector.shape_cast %swap3A_817 : vector<1x1x16xf32> to vector<16xf32>
        %swap3A_819 = vector.shape_cast %get3A_812 : vector<16xf32> to vector<1x1x16xf32>
        tpu.vector_store %arg7[%swap3A_814, %swap3A_815, %swap3A_816], %swap3A_819 {add = true, strides = array<i32>} : memref<4x8x1024xf32, #tpu.memory_space<vmem>>, vector<1x1x16xf32>,
        %get3A_820 = arith.constant 3 : i32
        %get3A_821 = arith.index_cast %get3A_820 : i32 to index
        %get3A_822 = arith.index_cast %scan3A_327 : i32 to index
        %get3A_823 = arith.constant 608 : index
        %get3A_824 = tpu.vector_load %arg8[%get3A_821, %get3A_822, %get3A_823] {strides = array<i32>} : memref<4x8x1024xf32, #tpu.memory_space<vmem>>, vector<1x1x16xf32>,
        %get3A_825 = vector.shape_cast %get3A_824 : vector<1x1x16xf32> to vector<16xf32>
        %swap3A_826 = arith.constant 3 : i32
        %swap3A_827 = arith.index_cast %swap3A_826 : i32 to index
        %swap3A_828 = arith.index_cast %scan3A_327 : i32 to index
        %swap3A_829 = arith.constant 608 : index
        %swap3A_830 = tpu.vector_load %arg7[%swap3A_827, %swap3A_828, %swap3A_829] {strides = array<i32>} : memref<4x8x1024xf32, #tpu.memory_space<vmem>>, vector<1x1x16xf32>,
        %swap3A_831 = vector.shape_cast %swap3A_830 : vector<1x1x16xf32> to vector<16xf32>
        %swap3A_832 = vector.shape_cast %get3A_825 : vector<16xf32> to vector<1x1x16xf32>
        tpu.vector_store %arg7[%swap3A_827, %swap3A_828, %swap3A_829], %swap3A_832 {add = true, strides = array<i32>} : memref<4x8x1024xf32, #tpu.memory_space<vmem>>, vector<1x1x16xf32>,
        %get3A_833 = arith.constant 3 : i32
        %get3A_834 = arith.index_cast %get3A_833 : i32 to index
        %get3A_835 = arith.index_cast %scan3A_327 : i32 to index
        %get3A_836 = arith.constant 624 : index
        %get3A_837 = tpu.vector_load %arg8[%get3A_834, %get3A_835, %get3A_836] {strides = array<i32>} : memref<4x8x1024xf32, #tpu.memory_space<vmem>>, vector<1x1x16xf32>,
        %get3A_838 = vector.shape_cast %get3A_837 : vector<1x1x16xf32> to vector<16xf32>
        %swap3A_839 = arith.constant 3 : i32
        %swap3A_840 = arith.index_cast %swap3A_839 : i32 to index
        %swap3A_841 = arith.index_cast %scan3A_327 : i32 to index
        %swap3A_842 = arith.constant 624 : index
        %swap3A_843 = tpu.vector_load %arg7[%swap3A_840, %swap3A_841, %swap3A_842] {strides = array<i32>} : memref<4x8x1024xf32, #tpu.memory_space<vmem>>, vector<1x1x16xf32>,
        %swap3A_844 = vector.shape_cast %swap3A_843 : vector<1x1x16xf32> to vector<16xf32>
        %swap3A_845 = vector.shape_cast %get3A_838 : vector<16xf32> to vector<1x1x16xf32>
        tpu.vector_store %arg7[%swap3A_840, %swap3A_841, %swap3A_842], %swap3A_845 {add = true, strides = array<i32>} : memref<4x8x1024xf32, #tpu.memory_space<vmem>>, vector<1x1x16xf32>,
        %get3A_846 = arith.constant 3 : i32
        %get3A_847 = arith.index_cast %get3A_846 : i32 to index
        %get3A_848 = arith.index_cast %scan3A_327 : i32 to index
        %get3A_849 = arith.constant 640 : index
        %get3A_850 = tpu.vector_load %arg8[%get3A_847, %get3A_848, %get3A_849] {strides = array<i32>} : memref<4x8x1024xf32, #tpu.memory_space<vmem>>, vector<1x1x16xf32>,
        %get3A_851 = vector.shape_cast %get3A_850 : vector<1x1x16xf32> to vector<16xf32>
        %swap3A_852 = arith.constant 3 : i32
        %swap3A_853 = arith.index_cast %swap3A_852 : i32 to index
        %swap3A_854 = arith.index_cast %scan3A_327 : i32 to index
        %swap3A_855 = arith.constant 640 : index
        %swap3A_856 = tpu.vector_load %arg7[%swap3A_853, %swap3A_854, %swap3A_855] {strides = array<i32>} : memref<4x8x1024xf32, #tpu.memory_space<vmem>>, vector<1x1x16xf32>,
        %swap3A_857 = vector.shape_cast %swap3A_856 : vector<1x1x16xf32> to vector<16xf32>
        %swap3A_858 = vector.shape_cast %get3A_851 : vector<16xf32> to vector<1x1x16xf32>
        tpu.vector_store %arg7[%swap3A_853, %swap3A_854, %swap3A_855], %swap3A_858 {add = true, strides = array<i32>} : memref<4x8x1024xf32, #tpu.memory_space<vmem>>, vector<1x1x16xf32>,
        %get3A_859 = arith.constant 3 : i32
        %get3A_860 = arith.index_cast %get3A_859 : i32 to index
        %get3A_861 = arith.index_cast %scan3A_327 : i32 to index
        %get3A_862 = arith.constant 656 : index
        %get3A_863 = tpu.vector_load %arg8[%get3A_860, %get3A_861, %get3A_862] {strides = array<i32>} : memref<4x8x1024xf32, #tpu.memory_space<vmem>>, vector<1x1x16xf32>,
        %get3A_864 = vector.shape_cast %get3A_863 : vector<1x1x16xf32> to vector<16xf32>
        %swap3A_865 = arith.constant 3 : i32
        %swap3A_866 = arith.index_cast %swap3A_865 : i32 to index
        %swap3A_867 = arith.index_cast %scan3A_327 : i32 to index
        %swap3A_868 = arith.constant 656 : index
        %swap3A_869 = tpu.vector_load %arg7[%swap3A_866, %swap3A_867, %swap3A_868] {strides = array<i32>} : memref<4x8x1024xf32, #tpu.memory_space<vmem>>, vector<1x1x16xf32>,
        %swap3A_870 = vector.shape_cast %swap3A_869 : vector<1x1x16xf32> to vector<16xf32>
        %swap3A_871 = vector.shape_cast %get3A_864 : vector<16xf32> to vector<1x1x16xf32>
        tpu.vector_store %arg7[%swap3A_866, %swap3A_867, %swap3A_868], %swap3A_871 {add = true, strides = array<i32>} : memref<4x8x1024xf32, #tpu.memory_space<vmem>>, vector<1x1x16xf32>,
        %get3A_872 = arith.constant 3 : i32
        %get3A_873 = arith.index_cast %get3A_872 : i32 to index
        %get3A_874 = arith.index_cast %scan3A_327 : i32 to index
        %get3A_875 = arith.constant 672 : index
        %get3A_876 = tpu.vector_load %arg8[%get3A_873, %get3A_874, %get3A_875] {strides = array<i32>} : memref<4x8x1024xf32, #tpu.memory_space<vmem>>, vector<1x1x16xf32>,
        %get3A_877 = vector.shape_cast %get3A_876 : vector<1x1x16xf32> to vector<16xf32>
        %swap3A_878 = arith.constant 3 : i32
        %swap3A_879 = arith.index_cast %swap3A_878 : i32 to index
        %swap3A_880 = arith.index_cast %scan3A_327 : i32 to index
        %swap3A_881 = arith.constant 672 : index
        %swap3A_882 = tpu.vector_load %arg7[%swap3A_879, %swap3A_880, %swap3A_881] {strides = array<i32>} : memref<4x8x1024xf32, #tpu.memory_space<vmem>>, vector<1x1x16xf32>,
        %swap3A_883 = vector.shape_cast %swap3A_882 : vector<1x1x16xf32> to vector<16xf32>
        %swap3A_884 = vector.shape_cast %get3A_877 : vector<16xf32> to vector<1x1x16xf32>
        tpu.vector_store %arg7[%swap3A_879, %swap3A_880, %swap3A_881], %swap3A_884 {add = true, strides = array<i32>} : memref<4x8x1024xf32, #tpu.memory_space<vmem>>, vector<1x1x16xf32>,
        %get3A_885 = arith.constant 3 : i32
        %get3A_886 = arith.index_cast %get3A_885 : i32 to index
        %get3A_887 = arith.index_cast %scan3A_327 : i32 to index
        %get3A_888 = arith.constant 688 : index
        %get3A_889 = tpu.vector_load %arg8[%get3A_886, %get3A_887, %get3A_888] {strides = array<i32>} : memref<4x8x1024xf32, #tpu.memory_space<vmem>>, vector<1x1x16xf32>,
        %get3A_890 = vector.shape_cast %get3A_889 : vector<1x1x16xf32> to vector<16xf32>
        %swap3A_891 = arith.constant 3 : i32
        %swap3A_892 = arith.index_cast %swap3A_891 : i32 to index
        %swap3A_893 = arith.index_cast %scan3A_327 : i32 to index
        %swap3A_894 = arith.constant 688 : index
        %swap3A_895 = tpu.vector_load %arg7[%swap3A_892, %swap3A_893, %swap3A_894] {strides = array<i32>} : memref<4x8x1024xf32, #tpu.memory_space<vmem>>, vector<1x1x16xf32>,
        %swap3A_896 = vector.shape_cast %swap3A_895 : vector<1x1x16xf32> to vector<16xf32>
        %swap3A_897 = vector.shape_cast %get3A_890 : vector<16xf32> to vector<1x1x16xf32>
        tpu.vector_store %arg7[%swap3A_892, %swap3A_893, %swap3A_894], %swap3A_897 {add = true, strides = array<i32>} : memref<4x8x1024xf32, #tpu.memory_space<vmem>>, vector<1x1x16xf32>,
        %get3A_898 = arith.constant 3 : i32
        %get3A_899 = arith.index_cast %get3A_898 : i32 to index
        %get3A_900 = arith.index_cast %scan3A_327 : i32 to index
        %get3A_901 = arith.constant 704 : index
        %get3A_902 = tpu.vector_load %arg8[%get3A_899, %get3A_900, %get3A_901] {strides = array<i32>} : memref<4x8x1024xf32, #tpu.memory_space<vmem>>, vector<1x1x16xf32>,
        %get3A_903 = vector.shape_cast %get3A_902 : vector<1x1x16xf32> to vector<16xf32>
        %swap3A_904 = arith.constant 3 : i32
        %swap3A_905 = arith.index_cast %swap3A_904 : i32 to index
        %swap3A_906 = arith.index_cast %scan3A_327 : i32 to index
        %swap3A_907 = arith.constant 704 : index
        %swap3A_908 = tpu.vector_load %arg7[%swap3A_905, %swap3A_906, %swap3A_907] {strides = array<i32>} : memref<4x8x1024xf32, #tpu.memory_space<vmem>>, vector<1x1x16xf32>,
        %swap3A_909 = vector.shape_cast %swap3A_908 : vector<1x1x16xf32> to vector<16xf32>
        %swap3A_910 = vector.shape_cast %get3A_903 : vector<16xf32> to vector<1x1x16xf32>
        tpu.vector_store %arg7[%swap3A_905, %swap3A_906, %swap3A_907], %swap3A_910 {add = true, strides = array<i32>} : memref<4x8x1024xf32, #tpu.memory_space<vmem>>, vector<1x1x16xf32>,
        %get3A_911 = arith.constant 3 : i32
        %get3A_912 = arith.index_cast %get3A_911 : i32 to index
        %get3A_913 = arith.index_cast %scan3A_327 : i32 to index
        %get3A_914 = arith.constant 720 : index
        %get3A_915 = tpu.vector_load %arg8[%get3A_912, %get3A_913, %get3A_914] {strides = array<i32>} : memref<4x8x1024xf32, #tpu.memory_space<vmem>>, vector<1x1x16xf32>,
        %get3A_916 = vector.shape_cast %get3A_915 : vector<1x1x16xf32> to vector<16xf32>
        %swap3A_917 = arith.constant 3 : i32
        %swap3A_918 = arith.index_cast %swap3A_917 : i32 to index
        %swap3A_919 = arith.index_cast %scan3A_327 : i32 to index
        %swap3A_920 = arith.constant 720 : index
        %swap3A_921 = tpu.vector_load %arg7[%swap3A_918, %swap3A_919, %swap3A_920] {strides = array<i32>} : memref<4x8x1024xf32, #tpu.memory_space<vmem>>, vector<1x1x16xf32>,
        %swap3A_922 = vector.shape_cast %swap3A_921 : vector<1x1x16xf32> to vector<16xf32>
        %swap3A_923 = vector.shape_cast %get3A_916 : vector<16xf32> to vector<1x1x16xf32>
        tpu.vector_store %arg7[%swap3A_918, %swap3A_919, %swap3A_920], %swap3A_923 {add = true, strides = array<i32>} : memref<4x8x1024xf32, #tpu.memory_space<vmem>>, vector<1x1x16xf32>,
        %get3A_924 = arith.constant 3 : i32
        %get3A_925 = arith.index_cast %get3A_924 : i32 to index
        %get3A_926 = arith.index_cast %scan3A_327 : i32 to index
        %get3A_927 = arith.constant 736 : index
        %get3A_928 = tpu.vector_load %arg8[%get3A_925, %get3A_926, %get3A_927] {strides = array<i32>} : memref<4x8x1024xf32, #tpu.memory_space<vmem>>, vector<1x1x16xf32>,
        %get3A_929 = vector.shape_cast %get3A_928 : vector<1x1x16xf32> to vector<16xf32>
        %swap3A_930 = arith.constant 3 : i32
        %swap3A_931 = arith.index_cast %swap3A_930 : i32 to index
        %swap3A_932 = arith.index_cast %scan3A_327 : i32 to index
        %swap3A_933 = arith.constant 736 : index
        %swap3A_934 = tpu.vector_load %arg7[%swap3A_931, %swap3A_932, %swap3A_933] {strides = array<i32>} : memref<4x8x1024xf32, #tpu.memory_space<vmem>>, vector<1x1x16xf32>,
        %swap3A_935 = vector.shape_cast %swap3A_934 : vector<1x1x16xf32> to vector<16xf32>
        %swap3A_936 = vector.shape_cast %get3A_929 : vector<16xf32> to vector<1x1x16xf32>
        tpu.vector_store %arg7[%swap3A_931, %swap3A_932, %swap3A_933], %swap3A_936 {add = true, strides = array<i32>} : memref<4x8x1024xf32, #tpu.memory_space<vmem>>, vector<1x1x16xf32>,
        %get3A_937 = arith.constant 3 : i32
        %get3A_938 = arith.index_cast %get3A_937 : i32 to index
        %get3A_939 = arith.index_cast %scan3A_327 : i32 to index
        %get3A_940 = arith.constant 752 : index
        %get3A_941 = tpu.vector_load %arg8[%get3A_938, %get3A_939, %get3A_940] {strides = array<i32>} : memref<4x8x1024xf32, #tpu.memory_space<vmem>>, vector<1x1x16xf32>,
        %get3A_942 = vector.shape_cast %get3A_941 : vector<1x1x16xf32> to vector<16xf32>
        %swap3A_943 = arith.constant 3 : i32
        %swap3A_944 = arith.index_cast %swap3A_943 : i32 to index
        %swap3A_945 = arith.index_cast %scan3A_327 : i32 to index
        %swap3A_946 = arith.constant 752 : index
        %swap3A_947 = tpu.vector_load %arg7[%swap3A_944, %swap3A_945, %swap3A_946] {strides = array<i32>} : memref<4x8x1024xf32, #tpu.memory_space<vmem>>, vector<1x1x16xf32>,
        %swap3A_948 = vector.shape_cast %swap3A_947 : vector<1x1x16xf32> to vector<16xf32>
        %swap3A_949 = vector.shape_cast %get3A_942 : vector<16xf32> to vector<1x1x16xf32>
        tpu.vector_store %arg7[%swap3A_944, %swap3A_945, %swap3A_946], %swap3A_949 {add = true, strides = array<i32>} : memref<4x8x1024xf32, #tpu.memory_space<vmem>>, vector<1x1x16xf32>,
        %get3A_950 = arith.constant 3 : i32
        %get3A_951 = arith.index_cast %get3A_950 : i32 to index
        %get3A_952 = arith.index_cast %scan3A_327 : i32 to index
        %get3A_953 = arith.constant 768 : index
        %get3A_954 = tpu.vector_load %arg8[%get3A_951, %get3A_952, %get3A_953] {strides = array<i32>} : memref<4x8x1024xf32, #tpu.memory_space<vmem>>, vector<1x1x16xf32>,
        %get3A_955 = vector.shape_cast %get3A_954 : vector<1x1x16xf32> to vector<16xf32>
        %swap3A_956 = arith.constant 3 : i32
        %swap3A_957 = arith.index_cast %swap3A_956 : i32 to index
        %swap3A_958 = arith.index_cast %scan3A_327 : i32 to index
        %swap3A_959 = arith.constant 768 : index
        %swap3A_960 = tpu.vector_load %arg7[%swap3A_957, %swap3A_958, %swap3A_959] {strides = array<i32>} : memref<4x8x1024xf32, #tpu.memory_space<vmem>>, vector<1x1x16xf32>,
        %swap3A_961 = vector.shape_cast %swap3A_960 : vector<1x1x16xf32> to vector<16xf32>
        %swap3A_962 = vector.shape_cast %get3A_955 : vector<16xf32> to vector<1x1x16xf32>
        tpu.vector_store %arg7[%swap3A_957, %swap3A_958, %swap3A_959], %swap3A_962 {add = true, strides = array<i32>} : memref<4x8x1024xf32, #tpu.memory_space<vmem>>, vector<1x1x16xf32>,
        %get3A_963 = arith.constant 3 : i32
        %get3A_964 = arith.index_cast %get3A_963 : i32 to index
        %get3A_965 = arith.index_cast %scan3A_327 : i32 to index
        %get3A_966 = arith.constant 784 : index
        %get3A_967 = tpu.vector_load %arg8[%get3A_964, %get3A_965, %get3A_966] {strides = array<i32>} : memref<4x8x1024xf32, #tpu.memory_space<vmem>>, vector<1x1x16xf32>,
        %get3A_968 = vector.shape_cast %get3A_967 : vector<1x1x16xf32> to vector<16xf32>
        %swap3A_969 = arith.constant 3 : i32
        %swap3A_970 = arith.index_cast %swap3A_969 : i32 to index
        %swap3A_971 = arith.index_cast %scan3A_327 : i32 to index
        %swap3A_972 = arith.constant 784 : index
        %swap3A_973 = tpu.vector_load %arg7[%swap3A_970, %swap3A_971, %swap3A_972] {strides = array<i32>} : memref<4x8x1024xf32, #tpu.memory_space<vmem>>, vector<1x1x16xf32>,
        %swap3A_974 = vector.shape_cast %swap3A_973 : vector<1x1x16xf32> to vector<16xf32>
        %swap3A_975 = vector.shape_cast %get3A_968 : vector<16xf32> to vector<1x1x16xf32>
        tpu.vector_store %arg7[%swap3A_970, %swap3A_971, %swap3A_972], %swap3A_975 {add = true, strides = array<i32>} : memref<4x8x1024xf32, #tpu.memory_space<vmem>>, vector<1x1x16xf32>,
        %get3A_976 = arith.constant 3 : i32
        %get3A_977 = arith.index_cast %get3A_976 : i32 to index
        %get3A_978 = arith.index_cast %scan3A_327 : i32 to index
        %get3A_979 = arith.constant 800 : index
        %get3A_980 = tpu.vector_load %arg8[%get3A_977, %get3A_978, %get3A_979] {strides = array<i32>} : memref<4x8x1024xf32, #tpu.memory_space<vmem>>, vector<1x1x16xf32>,
        %get3A_981 = vector.shape_cast %get3A_980 : vector<1x1x16xf32> to vector<16xf32>
        %swap3A_982 = arith.constant 3 : i32
        %swap3A_983 = arith.index_cast %swap3A_982 : i32 to index
        %swap3A_984 = arith.index_cast %scan3A_327 : i32 to index
        %swap3A_985 = arith.constant 800 : index
        %swap3A_986 = tpu.vector_load %arg7[%swap3A_983, %swap3A_984, %swap3A_985] {strides = array<i32>} : memref<4x8x1024xf32, #tpu.memory_space<vmem>>, vector<1x1x16xf32>,
        %swap3A_987 = vector.shape_cast %swap3A_986 : vector<1x1x16xf32> to vector<16xf32>
        %swap3A_988 = vector.shape_cast %get3A_981 : vector<16xf32> to vector<1x1x16xf32>
        tpu.vector_store %arg7[%swap3A_983, %swap3A_984, %swap3A_985], %swap3A_988 {add = true, strides = array<i32>} : memref<4x8x1024xf32, #tpu.memory_space<vmem>>, vector<1x1x16xf32>,
        %get3A_989 = arith.constant 3 : i32
        %get3A_990 = arith.index_cast %get3A_989 : i32 to index
        %get3A_991 = arith.index_cast %scan3A_327 : i32 to index
        %get3A_992 = arith.constant 816 : index
        %get3A_993 = tpu.vector_load %arg8[%get3A_990, %get3A_991, %get3A_992] {strides = array<i32>} : memref<4x8x1024xf32, #tpu.memory_space<vmem>>, vector<1x1x16xf32>,
        %get3A_994 = vector.shape_cast %get3A_993 : vector<1x1x16xf32> to vector<16xf32>
        %swap3A_995 = arith.constant 3 : i32
        %swap3A_996 = arith.index_cast %swap3A_995 : i32 to index
        %swap3A_997 = arith.index_cast %scan3A_327 : i32 to index
        %swap3A_998 = arith.constant 816 : index
        %swap3A_999 = tpu.vector_load %arg7[%swap3A_996, %swap3A_997, %swap3A_998] {strides = array<i32>} : memref<4x8x1024xf32, #tpu.memory_space<vmem>>, vector<1x1x16xf32>,
        %swap3A_1000 = vector.shape_cast %swap3A_999 : vector<1x1x16xf32> to vector<16xf32>
        %swap3A_1001 = vector.shape_cast %get3A_994 : vector<16xf32> to vector<1x1x16xf32>
        tpu.vector_store %arg7[%swap3A_996, %swap3A_997, %swap3A_998], %swap3A_1001 {add = true, strides = array<i32>} : memref<4x8x1024xf32, #tpu.memory_space<vmem>>, vector<1x1x16xf32>,
        %get3A_1002 = arith.constant 3 : i32
        %get3A_1003 = arith.index_cast %get3A_1002 : i32 to index
        %get3A_1004 = arith.index_cast %scan3A_327 : i32 to index
        %get3A_1005 = arith.constant 832 : index
        %get3A_1006 = tpu.vector_load %arg8[%get3A_1003, %get3A_1004, %get3A_1005] {strides = array<i32>} : memref<4x8x1024xf32, #tpu.memory_space<vmem>>, vector<1x1x16xf32>,
        %get3A_1007 = vector.shape_cast %get3A_1006 : vector<1x1x16xf32> to vector<16xf32>
        %swap3A_1008 = arith.constant 3 : i32
        %swap3A_1009 = arith.index_cast %swap3A_1008 : i32 to index
        %swap3A_1010 = arith.index_cast %scan3A_327 : i32 to index
        %swap3A_1011 = arith.constant 832 : index
        %swap3A_1012 = tpu.vector_load %arg7[%swap3A_1009, %swap3A_1010, %swap3A_1011] {strides = array<i32>} : memref<4x8x1024xf32, #tpu.memory_space<vmem>>, vector<1x1x16xf32>,
        %swap3A_1013 = vector.shape_cast %swap3A_1012 : vector<1x1x16xf32> to vector<16xf32>
        %swap3A_1014 = vector.shape_cast %get3A_1007 : vector<16xf32> to vector<1x1x16xf32>
        tpu.vector_store %arg7[%swap3A_1009, %swap3A_1010, %swap3A_1011], %swap3A_1014 {add = true, strides = array<i32>} : memref<4x8x1024xf32, #tpu.memory_space<vmem>>, vector<1x1x16xf32>,
        %get3A_1015 = arith.constant 3 : i32
        %get3A_1016 = arith.index_cast %get3A_1015 : i32 to index
        %get3A_1017 = arith.index_cast %scan3A_327 : i32 to index
        %get3A_1018 = arith.constant 848 : index
        %get3A_1019 = tpu.vector_load %arg8[%get3A_1016, %get3A_1017, %get3A_1018] {strides = array<i32>} : memref<4x8x1024xf32, #tpu.memory_space<vmem>>, vector<1x1x16xf32>,
        %get3A_1020 = vector.shape_cast %get3A_1019 : vector<1x1x16xf32> to vector<16xf32>
        %swap3A_1021 = arith.constant 3 : i32
        %swap3A_1022 = arith.index_cast %swap3A_1021 : i32 to index
        %swap3A_1023 = arith.index_cast %scan3A_327 : i32 to index
        %swap3A_1024 = arith.constant 848 : index
        %swap3A_1025 = tpu.vector_load %arg7[%swap3A_1022, %swap3A_1023, %swap3A_1024] {strides = array<i32>} : memref<4x8x1024xf32, #tpu.memory_space<vmem>>, vector<1x1x16xf32>,
        %swap3A_1026 = vector.shape_cast %swap3A_1025 : vector<1x1x16xf32> to vector<16xf32>
        %swap3A_1027 = vector.shape_cast %get3A_1020 : vector<16xf32> to vector<1x1x16xf32>
        tpu.vector_store %arg7[%swap3A_1022, %swap3A_1023, %swap3A_1024], %swap3A_1027 {add = true, strides = array<i32>} : memref<4x8x1024xf32, #tpu.memory_space<vmem>>, vector<1x1x16xf32>,
        %get3A_1028 = arith.constant 3 : i32
        %get3A_1029 = arith.index_cast %get3A_1028 : i32 to index
        %get3A_1030 = arith.index_cast %scan3A_327 : i32 to index
        %get3A_1031 = arith.constant 864 : index
        %get3A_1032 = tpu.vector_load %arg8[%get3A_1029, %get3A_1030, %get3A_1031] {strides = array<i32>} : memref<4x8x1024xf32, #tpu.memory_space<vmem>>, vector<1x1x16xf32>,
        %get3A_1033 = vector.shape_cast %get3A_1032 : vector<1x1x16xf32> to vector<16xf32>
        %swap3A_1034 = arith.constant 3 : i32
        %swap3A_1035 = arith.index_cast %swap3A_1034 : i32 to index
        %swap3A_1036 = arith.index_cast %scan3A_327 : i32 to index
        %swap3A_1037 = arith.constant 864 : index
        %swap3A_1038 = tpu.vector_load %arg7[%swap3A_1035, %swap3A_1036, %swap3A_1037] {strides = array<i32>} : memref<4x8x1024xf32, #tpu.memory_space<vmem>>, vector<1x1x16xf32>,
        %swap3A_1039 = vector.shape_cast %swap3A_1038 : vector<1x1x16xf32> to vector<16xf32>
        %swap3A_1040 = vector.shape_cast %get3A_1033 : vector<16xf32> to vector<1x1x16xf32>
        tpu.vector_store %arg7[%swap3A_1035, %swap3A_1036, %swap3A_1037], %swap3A_1040 {add = true, strides = array<i32>} : memref<4x8x1024xf32, #tpu.memory_space<vmem>>, vector<1x1x16xf32>,
        %get3A_1041 = arith.constant 3 : i32
        %get3A_1042 = arith.index_cast %get3A_1041 : i32 to index
        %get3A_1043 = arith.index_cast %scan3A_327 : i32 to index
        %get3A_1044 = arith.constant 880 : index
        %get3A_1045 = tpu.vector_load %arg8[%get3A_1042, %get3A_1043, %get3A_1044] {strides = array<i32>} : memref<4x8x1024xf32, #tpu.memory_space<vmem>>, vector<1x1x16xf32>,
        %get3A_1046 = vector.shape_cast %get3A_1045 : vector<1x1x16xf32> to vector<16xf32>
        %swap3A_1047 = arith.constant 3 : i32
        %swap3A_1048 = arith.index_cast %swap3A_1047 : i32 to index
        %swap3A_1049 = arith.index_cast %scan3A_327 : i32 to index
        %swap3A_1050 = arith.constant 880 : index
        %swap3A_1051 = tpu.vector_load %arg7[%swap3A_1048, %swap3A_1049, %swap3A_1050] {strides = array<i32>} : memref<4x8x1024xf32, #tpu.memory_space<vmem>>, vector<1x1x16xf32>,
        %swap3A_1052 = vector.shape_cast %swap3A_1051 : vector<1x1x16xf32> to vector<16xf32>
        %swap3A_1053 = vector.shape_cast %get3A_1046 : vector<16xf32> to vector<1x1x16xf32>
        tpu.vector_store %arg7[%swap3A_1048, %swap3A_1049, %swap3A_1050], %swap3A_1053 {add = true, strides = array<i32>} : memref<4x8x1024xf32, #tpu.memory_space<vmem>>, vector<1x1x16xf32>,
        %get3A_1054 = arith.constant 3 : i32
        %get3A_1055 = arith.index_cast %get3A_1054 : i32 to index
        %get3A_1056 = arith.index_cast %scan3A_327 : i32 to index
        %get3A_1057 = arith.constant 896 : index
        %get3A_1058 = tpu.vector_load %arg8[%get3A_1055, %get3A_1056, %get3A_1057] {strides = array<i32>} : memref<4x8x1024xf32, #tpu.memory_space<vmem>>, vector<1x1x16xf32>,
        %get3A_1059 = vector.shape_cast %get3A_1058 : vector<1x1x16xf32> to vector<16xf32>
        %swap3A_1060 = arith.constant 3 : i32
        %swap3A_1061 = arith.index_cast %swap3A_1060 : i32 to index
        %swap3A_1062 = arith.index_cast %scan3A_327 : i32 to index
        %swap3A_1063 = arith.constant 896 : index
        %swap3A_1064 = tpu.vector_load %arg7[%swap3A_1061, %swap3A_1062, %swap3A_1063] {strides = array<i32>} : memref<4x8x1024xf32, #tpu.memory_space<vmem>>, vector<1x1x16xf32>,
        %swap3A_1065 = vector.shape_cast %swap3A_1064 : vector<1x1x16xf32> to vector<16xf32>
        %swap3A_1066 = vector.shape_cast %get3A_1059 : vector<16xf32> to vector<1x1x16xf32>
        tpu.vector_store %arg7[%swap3A_1061, %swap3A_1062, %swap3A_1063], %swap3A_1066 {add = true, strides = array<i32>} : memref<4x8x1024xf32, #tpu.memory_space<vmem>>, vector<1x1x16xf32>,
        %get3A_1067 = arith.constant 3 : i32
        %get3A_1068 = arith.index_cast %get3A_1067 : i32 to index
        %get3A_1069 = arith.index_cast %scan3A_327 : i32 to index
        %get3A_1070 = arith.constant 912 : index
        %get3A_1071 = tpu.vector_load %arg8[%get3A_1068, %get3A_1069, %get3A_1070] {strides = array<i32>} : memref<4x8x1024xf32, #tpu.memory_space<vmem>>, vector<1x1x16xf32>,
        %get3A_1072 = vector.shape_cast %get3A_1071 : vector<1x1x16xf32> to vector<16xf32>
        %swap3A_1073 = arith.constant 3 : i32
        %swap3A_1074 = arith.index_cast %swap3A_1073 : i32 to index
        %swap3A_1075 = arith.index_cast %scan3A_327 : i32 to index
        %swap3A_1076 = arith.constant 912 : index
        %swap3A_1077 = tpu.vector_load %arg7[%swap3A_1074, %swap3A_1075, %swap3A_1076] {strides = array<i32>} : memref<4x8x1024xf32, #tpu.memory_space<vmem>>, vector<1x1x16xf32>,
        %swap3A_1078 = vector.shape_cast %swap3A_1077 : vector<1x1x16xf32> to vector<16xf32>
        %swap3A_1079 = vector.shape_cast %get3A_1072 : vector<16xf32> to vector<1x1x16xf32>
        tpu.vector_store %arg7[%swap3A_1074, %swap3A_1075, %swap3A_1076], %swap3A_1079 {add = true, strides = array<i32>} : memref<4x8x1024xf32, #tpu.memory_space<vmem>>, vector<1x1x16xf32>,
        %get3A_1080 = arith.constant 3 : i32
        %get3A_1081 = arith.index_cast %get3A_1080 : i32 to index
        %get3A_1082 = arith.index_cast %scan3A_327 : i32 to index
        %get3A_1083 = arith.constant 928 : index
        %get3A_1084 = tpu.vector_load %arg8[%get3A_1081, %get3A_1082, %get3A_1083] {strides = array<i32>} : memref<4x8x1024xf32, #tpu.memory_space<vmem>>, vector<1x1x16xf32>,
        %get3A_1085 = vector.shape_cast %get3A_1084 : vector<1x1x16xf32> to vector<16xf32>
        %swap3A_1086 = arith.constant 3 : i32
        %swap3A_1087 = arith.index_cast %swap3A_1086 : i32 to index
        %swap3A_1088 = arith.index_cast %scan3A_327 : i32 to index
        %swap3A_1089 = arith.constant 928 : index
        %swap3A_1090 = tpu.vector_load %arg7[%swap3A_1087, %swap3A_1088, %swap3A_1089] {strides = array<i32>} : memref<4x8x1024xf32, #tpu.memory_space<vmem>>, vector<1x1x16xf32>,
        %swap3A_1091 = vector.shape_cast %swap3A_1090 : vector<1x1x16xf32> to vector<16xf32>
        %swap3A_1092 = vector.shape_cast %get3A_1085 : vector<16xf32> to vector<1x1x16xf32>
        tpu.vector_store %arg7[%swap3A_1087, %swap3A_1088, %swap3A_1089], %swap3A_1092 {add = true, strides = array<i32>} : memref<4x8x1024xf32, #tpu.memory_space<vmem>>, vector<1x1x16xf32>,
        %get3A_1093 = arith.constant 3 : i32
        %get3A_1094 = arith.index_cast %get3A_1093 : i32 to index
        %get3A_1095 = arith.index_cast %scan3A_327 : i32 to index
        %get3A_1096 = arith.constant 944 : index
        %get3A_1097 = tpu.vector_load %arg8[%get3A_1094, %get3A_1095, %get3A_1096] {strides = array<i32>} : memref<4x8x1024xf32, #tpu.memory_space<vmem>>, vector<1x1x16xf32>,
        %get3A_1098 = vector.shape_cast %get3A_1097 : vector<1x1x16xf32> to vector<16xf32>
        %swap3A_1099 = arith.constant 3 : i32
        %swap3A_1100 = arith.index_cast %swap3A_1099 : i32 to index
        %swap3A_1101 = arith.index_cast %scan3A_327 : i32 to index
        %swap3A_1102 = arith.constant 944 : index
        %swap3A_1103 = tpu.vector_load %arg7[%swap3A_1100, %swap3A_1101, %swap3A_1102] {strides = array<i32>} : memref<4x8x1024xf32, #tpu.memory_space<vmem>>, vector<1x1x16xf32>,
        %swap3A_1104 = vector.shape_cast %swap3A_1103 : vector<1x1x16xf32> to vector<16xf32>
        %swap3A_1105 = vector.shape_cast %get3A_1098 : vector<16xf32> to vector<1x1x16xf32>
        tpu.vector_store %arg7[%swap3A_1100, %swap3A_1101, %swap3A_1102], %swap3A_1105 {add = true, strides = array<i32>} : memref<4x8x1024xf32, #tpu.memory_space<vmem>>, vector<1x1x16xf32>,
        %get3A_1106 = arith.constant 3 : i32
        %get3A_1107 = arith.index_cast %get3A_1106 : i32 to index
        %get3A_1108 = arith.index_cast %scan3A_327 : i32 to index
        %get3A_1109 = arith.constant 960 : index
        %get3A_1110 = tpu.vector_load %arg8[%get3A_1107, %get3A_1108, %get3A_1109] {strides = array<i32>} : memref<4x8x1024xf32, #tpu.memory_space<vmem>>, vector<1x1x16xf32>,
        %get3A_1111 = vector.shape_cast %get3A_1110 : vector<1x1x16xf32> to vector<16xf32>
        %swap3A_1112 = arith.constant 3 : i32
        %swap3A_1113 = arith.index_cast %swap3A_1112 : i32 to index
        %swap3A_1114 = arith.index_cast %scan3A_327 : i32 to index
        %swap3A_1115 = arith.constant 960 : index
        %swap3A_1116 = tpu.vector_load %arg7[%swap3A_1113, %swap3A_1114, %swap3A_1115] {strides = array<i32>} : memref<4x8x1024xf32, #tpu.memory_space<vmem>>, vector<1x1x16xf32>,
        %swap3A_1117 = vector.shape_cast %swap3A_1116 : vector<1x1x16xf32> to vector<16xf32>
        %swap3A_1118 = vector.shape_cast %get3A_1111 : vector<16xf32> to vector<1x1x16xf32>
        tpu.vector_store %arg7[%swap3A_1113, %swap3A_1114, %swap3A_1115], %swap3A_1118 {add = true, strides = array<i32>} : memref<4x8x1024xf32, #tpu.memory_space<vmem>>, vector<1x1x16xf32>,
        %get3A_1119 = arith.constant 3 : i32
        %get3A_1120 = arith.index_cast %get3A_1119 : i32 to index
        %get3A_1121 = arith.index_cast %scan3A_327 : i32 to index
        %get3A_1122 = arith.constant 976 : index
        %get3A_1123 = tpu.vector_load %arg8[%get3A_1120, %get3A_1121, %get3A_1122] {strides = array<i32>} : memref<4x8x1024xf32, #tpu.memory_space<vmem>>, vector<1x1x16xf32>,
        %get3A_1124 = vector.shape_cast %get3A_1123 : vector<1x1x16xf32> to vector<16xf32>
        %swap3A_1125 = arith.constant 3 : i32
        %swap3A_1126 = arith.index_cast %swap3A_1125 : i32 to index
        %swap3A_1127 = arith.index_cast %scan3A_327 : i32 to index
        %swap3A_1128 = arith.constant 976 : index
        %swap3A_1129 = tpu.vector_load %arg7[%swap3A_1126, %swap3A_1127, %swap3A_1128] {strides = array<i32>} : memref<4x8x1024xf32, #tpu.memory_space<vmem>>, vector<1x1x16xf32>,
        %swap3A_1130 = vector.shape_cast %swap3A_1129 : vector<1x1x16xf32> to vector<16xf32>
        %swap3A_1131 = vector.shape_cast %get3A_1124 : vector<16xf32> to vector<1x1x16xf32>
        tpu.vector_store %arg7[%swap3A_1126, %swap3A_1127, %swap3A_1128], %swap3A_1131 {add = true, strides = array<i32>} : memref<4x8x1024xf32, #tpu.memory_space<vmem>>, vector<1x1x16xf32>,
        %get3A_1132 = arith.constant 3 : i32
        %get3A_1133 = arith.index_cast %get3A_1132 : i32 to index
        %get3A_1134 = arith.index_cast %scan3A_327 : i32 to index
        %get3A_1135 = arith.constant 992 : index
        %get3A_1136 = tpu.vector_load %arg8[%get3A_1133, %get3A_1134, %get3A_1135] {strides = array<i32>} : memref<4x8x1024xf32, #tpu.memory_space<vmem>>, vector<1x1x16xf32>,
        %get3A_1137 = vector.shape_cast %get3A_1136 : vector<1x1x16xf32> to vector<16xf32>
        %swap3A_1138 = arith.constant 3 : i32
        %swap3A_1139 = arith.index_cast %swap3A_1138 : i32 to index
        %swap3A_1140 = arith.index_cast %scan3A_327 : i32 to index
        %swap3A_1141 = arith.constant 992 : index
        %swap3A_1142 = tpu.vector_load %arg7[%swap3A_1139, %swap3A_1140, %swap3A_1141] {strides = array<i32>} : memref<4x8x1024xf32, #tpu.memory_space<vmem>>, vector<1x1x16xf32>,
        %swap3A_1143 = vector.shape_cast %swap3A_1142 : vector<1x1x16xf32> to vector<16xf32>
        %swap3A_1144 = vector.shape_cast %get3A_1137 : vector<16xf32> to vector<1x1x16xf32>
        tpu.vector_store %arg7[%swap3A_1139, %swap3A_1140, %swap3A_1141], %swap3A_1144 {add = true, strides = array<i32>} : memref<4x8x1024xf32, #tpu.memory_space<vmem>>, vector<1x1x16xf32>,
        %get3A_1145 = arith.constant 3 : i32
        %get3A_1146 = arith.index_cast %get3A_1145 : i32 to index
        %get3A_1147 = arith.index_cast %scan3A_327 : i32 to index
        %get3A_1148 = arith.constant 1008 : index
        %get3A_1149 = tpu.vector_load %arg8[%get3A_1146, %get3A_1147, %get3A_1148] {strides = array<i32>} : memref<4x8x1024xf32, #tpu.memory_space<vmem>>, vector<1x1x16xf32>,
        %get3A_1150 = vector.shape_cast %get3A_1149 : vector<1x1x16xf32> to vector<16xf32>
        %swap3A_1151 = arith.constant 3 : i32
        %swap3A_1152 = arith.index_cast %swap3A_1151 : i32 to index
        %swap3A_1153 = arith.index_cast %scan3A_327 : i32 to index
        %swap3A_1154 = arith.constant 1008 : index
        %swap3A_1155 = tpu.vector_load %arg7[%swap3A_1152, %swap3A_1153, %swap3A_1154] {strides = array<i32>} : memref<4x8x1024xf32, #tpu.memory_space<vmem>>, vector<1x1x16xf32>,
        %swap3A_1156 = vector.shape_cast %swap3A_1155 : vector<1x1x16xf32> to vector<16xf32>
        %swap3A_1157 = vector.shape_cast %get3A_1150 : vector<16xf32> to vector<1x1x16xf32>
        tpu.vector_store %arg7[%swap3A_1152, %swap3A_1153, %swap3A_1154], %swap3A_1157 {add = true, strides = array<i32>} : memref<4x8x1024xf32, #tpu.memory_space<vmem>>, vector<1x1x16xf32>,
      }
      %scan3A_310 = arith.constant 8 : i32
      %mul3A_311 = arith.constant 8 : i32
      %mul3A_312 = arith.muli %add3A_271, %mul3A_311 : i32
      %add3A_313 = arith.addi %mul3A_2, %mul3A_312 : i32
      %dma_start3A_314 = arith.constant 3 : i32
      %dma_start3A_315 = arith.constant 0 : i32
      %dma_start3A_316 = arith.constant 0 : i32
      %dma_start3A_317 = tpu.memref_slice %arg7[%dma_start3A_314, %dma_start3A_315, %dma_start3A_316] : memref<4x8x1024xf32, #tpu.memory_space<vmem>> -> memref<1x8x1024xf32, #tpu.memory_space<vmem>>
      %dma_start3A_318 = tpu.memref_squeeze %dma_start3A_317 : memref<1x8x1024xf32, #tpu.memory_space<vmem>> -> memref<8x1024xf32, #tpu.memory_space<vmem>>
      %dma_start3A_319 = arith.constant 0 : i32
      %dma_start3A_320 = tpu.memref_slice %arg5[%add3A_313, %dma_start3A_319] : memref<32768x1024xf32, #tpu.memory_space<hbm>> -> memref<8x1024xf32, #tpu.memory_space<hbm>>
      %dma_start3A_321 = arith.constant 0 : i32
      %dma_start3A_322 = tpu.memref_slice %arg5[%add3A_313, %dma_start3A_321] : memref<32768x1024xf32, #tpu.memory_space<hbm>> -> memref<8x1024xf32, #tpu.memory_space<hbm>>
      %dma_start3A_323 = arith.constant 0 : i32
      %dma_start3A_324 = arith.constant 0 : i32
      %dma_start3A_325 = tpu.memref_slice %arg7[%dma_start3A_314, %dma_start3A_323, %dma_start3A_324] : memref<4x8x1024xf32, #tpu.memory_space<vmem>> -> memref<1x8x1024xf32, #tpu.memory_space<vmem>>
      %dma_start3A_326 = tpu.memref_squeeze %dma_start3A_325 : memref<1x8x1024xf32, #tpu.memory_space<vmem>> -> memref<8x1024xf32, #tpu.memory_space<vmem>>
      tpu.enqueue_dma source(%dma_start3A_326 : memref<8x1024xf32, #tpu.memory_space<vmem>>) target(%dma_start3A_322 : memref<8x1024xf32, #tpu.memory_space<hbm>>) target_semaphore(%arg16 : memref<!tpu.dma_semaphore, #tpu.memory_space<semaphore_mem>>)
    }
    %scan3A_63 = arith.constant 32 : i32
    %add3A_64 = arith.constant 1008 : i32
    %add3A_65 = arith.addi %mul3A_2, %add3A_64 : i32
    %dma_wait3A = arith.constant 2 : i32
    %dma_wait3A_66 = arith.constant 0 : i32
    %dma_wait3A_67 = arith.constant 0 : i32
    %dma_wait3A_68 = tpu.memref_slice %arg7[%dma_wait3A, %dma_wait3A_66, %dma_wait3A_67] : memref<4x8x1024xf32, #tpu.memory_space<vmem>> -> memref<1x8x1024xf32, #tpu.memory_space<vmem>>
    %dma_wait3A_69 = tpu.memref_squeeze %dma_wait3A_68 : memref<1x8x1024xf32, #tpu.memory_space<vmem>> -> memref<8x1024xf32, #tpu.memory_space<vmem>>
    %dma_wait3A_70 = arith.constant 0 : i32
    %dma_wait3A_71 = tpu.memref_slice %arg5[%add3A_65, %dma_wait3A_70] : memref<32768x1024xf32, #tpu.memory_space<hbm>> -> memref<8x1024xf32, #tpu.memory_space<hbm>>
    %dma_wait3A_72 = arith.constant 0 : i32
    %dma_wait3A_73 = tpu.memref_slice %arg5[%add3A_65, %dma_wait3A_72] : memref<32768x1024xf32, #tpu.memory_space<hbm>> -> memref<8x1024xf32, #tpu.memory_space<hbm>>
    %dma_wait3A_74 = arith.constant 0 : i32
    %dma_wait3A_75 = arith.constant 0 : i32
    %dma_wait3A_76 = tpu.memref_slice %arg7[%dma_wait3A, %dma_wait3A_74, %dma_wait3A_75] : memref<4x8x1024xf32, #tpu.memory_space<vmem>> -> memref<1x8x1024xf32, #tpu.memory_space<vmem>>
    %dma_wait3A_77 = tpu.memref_squeeze %dma_wait3A_76 : memref<1x8x1024xf32, #tpu.memory_space<vmem>> -> memref<8x1024xf32, #tpu.memory_space<vmem>>
    tpu.wait_dma2 semaphore(%arg15 : memref<!tpu.dma_semaphore, #tpu.memory_space<semaphore_mem>>) src(%dma_wait3A_77 : memref<8x1024xf32, #tpu.memory_space<vmem>>) dst(%dma_wait3A_73 : memref<8x1024xf32, #tpu.memory_space<hbm>>)
    %add3A_78 = arith.constant 1016 : i32
    %add3A_79 = arith.addi %mul3A_2, %add3A_78 : i32
    %dma_wait3A_80 = arith.constant 3 : i32
    %dma_wait3A_81 = arith.constant 0 : i32
    %dma_wait3A_82 = arith.constant 0 : i32
    %dma_wait3A_83 = tpu.memref_slice %arg7[%dma_wait3A_80, %dma_wait3A_81, %dma_wait3A_82] : memref<4x8x1024xf32, #tpu.memory_space<vmem>> -> memref<1x8x1024xf32, #tpu.memory_space<vmem>>
    %dma_wait3A_84 = tpu.memref_squeeze %dma_wait3A_83 : memref<1x8x1024xf32, #tpu.memory_space<vmem>> -> memref<8x1024xf32, #tpu.memory_space<vmem>>
    %dma_wait3A_85 = arith.constant 0 : i32
    %dma_wait3A_86 = tpu.memref_slice %arg5[%add3A_79, %dma_wait3A_85] : memref<32768x1024xf32, #tpu.memory_space<hbm>> -> memref<8x1024xf32, #tpu.memory_space<hbm>>
    %dma_wait3A_87 = arith.constant 0 : i32
    %dma_wait3A_88 = tpu.memref_slice %arg5[%add3A_79, %dma_wait3A_87] : memref<32768x1024xf32, #tpu.memory_space<hbm>> -> memref<8x1024xf32, #tpu.memory_space<hbm>>
    %dma_wait3A_89 = arith.constant 0 : i32
    %dma_wait3A_90 = arith.constant 0 : i32
    %dma_wait3A_91 = tpu.memref_slice %arg7[%dma_wait3A_80, %dma_wait3A_89, %dma_wait3A_90] : memref<4x8x1024xf32, #tpu.memory_space<vmem>> -> memref<1x8x1024xf32, #tpu.memory_space<vmem>>
    %dma_wait3A_92 = tpu.memref_squeeze %dma_wait3A_91 : memref<1x8x1024xf32, #tpu.memory_space<vmem>> -> memref<8x1024xf32, #tpu.memory_space<vmem>>
    tpu.wait_dma2 semaphore(%arg16 : memref<!tpu.dma_semaphore, #tpu.memory_space<semaphore_mem>>) src(%dma_wait3A_92 : memref<8x1024xf32, #tpu.memory_space<vmem>>) dst(%dma_wait3A_88 : memref<8x1024xf32, #tpu.memory_space<hbm>>)
    return
  }
}

</mosaic_0001>

<sc_bundles>
// kernel: _run.3.cloned.1.call-start
scs
__scs_entry_jumppad:
0x0: {  	(pc) =	sbr.rel $0x88, $3  }
0x1: {  	(tag) =	ssettag $0x0;
	lr =	simm.s32 $0x1  }
0x2: {  	[smem:$0x3F9E] =	sst lr;
	_ =	strace $0xD0000000  }
0x3: {  	_ = 	snop  }
0x4: {  	_ = 	snop  }
0x5: {  	_ = 	snop  }
0x6: {  	_ = 	snop  }
0x7: {  	_ = 	snop  }
__scs_overlays_trampoline_lowered:
0x8: {  	[smem:$0x3FAD] =	sst s0  }
0x9: {  	[smem:$0x3FAE] =	sst s1  }
0xa: {  	[smem:$0x3FAF] =	sst s2  }
0xb: {  	[smem:$0x3FB0] =	sst s3  }
0xc: {  	[smem:$0x3FB1] =	sst s4  }
0xd: {  	[smem:$0x3FB2] =	sst s5  }
0xe: {  	[smem:$0x3FB3] =	sst s6  }
0xf: {  	[smem:$0x3FB4] =	sst s7  }
0x10: {  	[smem:$0x3FB5] =	sst s8  }
0x11: {  	[smem:$0x3FB6] =	sst s9;
	s0 =	simm.s32 @!p0 $0x0  }
0x12: {  	s1 =	sld [smem:$0x3F9C];
	s0 =	simm.s32 @p0 $0x1  }
0x13: {  	[smem:$0x3FB7] =	sst s0;
	s0 =	simm.s32 @!p1 $0x0  }
0x14: {  	s2 =	sld [smem:$0x3F9B];
	s0 =	simm.s32 @p1 $0x1  }
0x15: {  	[smem:$0x3FB8] =	sst s0;
	s0 =	simm.s32 @!p2 $0x0  }
0x16: {  	s3 =	sld [smem:$0x3FDB];
	s0 =	simm.s32 @p2 $0x1  }
0x17: {  	s4 =	simm.s32 $0x1BF5;
	[smem:$0x3FBA] =	sst s0  }
0x18: {  	s0 =	sld [smem:$0x3F9D];
	_ =	swait.ge [sflag:s4], $0x0  }
0x19: {  	s7 =	sld [smem:$0x3F9E]  }
0x1a: {  	s8 =	sadd.s32 $0xFFFFE003, lr  }
0x1b: {  	s9 =	sadd.s32 $0xFFFFFEF7, lr;
	s5 =	simm.s32 $0xFFFFFFFF;
	p2 =	slt.u32 s8, $0xFFFFF086  }
0x1c: {  	p1 =	slt.u32 s9, $0xF7A;
	s5 =	simm.s32 @!p2 $0x0  }
0x1d: {  	s5 =	simm.s32 @p1 $0x1;
	p0 =	seq.s32 s7, s2  }
0x1e: {  	s7 =	smul.u32 @!p0 $0xF7A, s2;
	p2 =	seq.s32 @!p0 s5, $0x0  }
0x1f: {  	s9 =	smul.u32 $0xF7A, s1;
	s8 =	simm.s32 @!p0 $0x1BF5;
	p2 =	por !p2, p0  }
0x20: {  	[sflag:s8] =	ssyncset.s32 @!p0 $0xFFFFF086;
	s6 =	sadd.s32 @!p0 s3, s7;
	s7 =	simm.s32 @!p0 $0x108  }
0x21: {  	s3 =	sadd.s32 s3, s9;
	s6 =	sadd.s32 @!p0 $0x88, s6;
	s7 =	simm.s32 @p2 $0x1082  }
0x22: {  	[simem:s7], [sflag:s8] =	dma.local @!p0 [hbm:s6], $0xF7A  }
0x23: {  	s9 =	sor.u32 $0xD0000000, s2;
	s6 =	simm.s32 $0x108;
	_ =	swait.ge @!p0 [sflag:s8], $0x0  }
0x24: {  	s3 =	sadd.s32 $0x88, s3;
	s6 =	simm.s32 @!p1 $0x1082;
	[sflag:s4] =	ssyncset.s32 $0xFFFFF086  }
0x25: {  	[simem:s6], [sflag:s4] =	dma.local [hbm:s3], $0xF7A  }
0x26: {  	[smem:$0x3F9E] =	sst s1;
	(tag) =	ssettag s2;
	_ =	strace s9  }
0x27: {  	s1 =	sld [smem:$0x3FAE]  }
0x28: {  	s2 =	sld [smem:$0x3FAF]  }
0x29: {  	s4 =	sld [smem:$0x3FB1]  }
0x2a: {  	p0 =	seq.s32 s5, $0x0;
	s5 =	sld [smem:$0x3FB2]  }
0x2b: {  	s6 =	sld [smem:$0x3FB3]  }
0x2c: {  	s7 =	sld [smem:$0x3FB4]  }
0x2d: {  	s3 =	simm.s32 $0x108;
	s8 =	sld [smem:$0x3FB5]  }
0x2e: {  	s3 =	simm.s32 @!p0 $0x1082;
	s9 =	sld [smem:$0x3FB6]  }
0x2f: {  	lr =	sadd.s32 s0, s3;
	s0 =	sld [smem:$0x3FAD]  }
0x30: {  	s3 =	sld [smem:$0x3FB0]  }
0x31: {  	[smem:$0x3FB9] =	sst s10  }
0x32: {  	s10 =	sld [smem:$0x3FB7];
	_ =	sdelay $0x3  }
0x33: {  	p0 =	seq.s32 s10, $0x1;
	s10 =	sld [smem:$0x3FB9];
	_ =	sdelay $0x3  }
0x34: {  	[smem:$0x3FB9] =	sst s10  }
0x35: {  	s10 =	sld [smem:$0x3FB8];
	_ =	sdelay $0x3  }
0x36: {  	p1 =	seq.s32 s10, $0x1;
	s10 =	sld [smem:$0x3FB9];
	_ =	sdelay $0x3  }
0x37: {  	[smem:$0x3FB9] =	sst s10  }
0x38: {  	s10 =	sld [smem:$0x3FBA]  }
0x39: {  	_ = 	snop;
	(pc) =	sbr.ind lr, $3  }
0x3a: {  	_ = 	snop  }
0x3b: {  	_ = 	snop  }
0x3c: {  	p2 =	seq.s32 s10, $0x1;
	s10 =	sld [smem:$0x3FB9]  }
0x3d: {  	_ =	shalt  }
0x3e: {  	_ =	shalt  }
0x3f: {  	_ =	shalt  }
0x40: {  	_ =	shalt  }
0x41: {  	_ =	shalt  }
0x42: {  	_ =	shalt  }
0x43: {  	_ =	shalt  }
0x44: {  	_ =	shalt  }
0x45: {  	_ =	shalt  }
0x46: {  	_ =	shalt  }
0x47: {  	_ =	shalt  }
0x48: {  	_ =	shalt  }
0x49: {  	_ =	shalt  }
0x4a: {  	_ =	shalt  }
0x4b: {  	_ =	shalt  }
0x4c: {  	_ =	shalt  }
0x4d: {  	_ =	shalt  }
0x4e: {  	_ =	shalt  }
0x4f: {  	_ =	shalt  }
0x50: {  	_ =	shalt  }
0x51: {  	_ =	shalt  }
0x52: {  	_ =	shalt  }
0x53: {  	_ =	shalt  }
0x54: {  	_ =	shalt  }
0x55: {  	_ =	shalt  }
0x56: {  	_ =	shalt  }
0x57: {  	_ =	shalt  }
0x58: {  	_ =	shalt  }
0x59: {  	_ =	shalt  }
0x5a: {  	_ =	shalt  }
0x5b: {  	_ =	shalt  }
0x5c: {  	_ =	shalt  }
0x5d: {  	_ =	shalt  }
0x5e: {  	_ =	shalt  }
0x5f: {  	_ =	shalt  }
0x60: {  	_ =	shalt  }
0x61: {  	_ =	shalt  }
0x62: {  	_ =	shalt  }
0x63: {  	_ =	shalt  }
0x64: {  	_ =	shalt  }
0x65: {  	_ =	shalt  }
0x66: {  	_ =	shalt  }
0x67: {  	_ =	shalt  }
0x68: {  	_ =	shalt  }
0x69: {  	_ =	shalt  }
0x6a: {  	_ =	shalt  }
0x6b: {  	_ =	shalt  }
0x6c: {  	_ =	shalt  }
0x6d: {  	_ =	shalt  }
0x6e: {  	_ =	shalt  }
0x6f: {  	_ =	shalt  }
0x70: {  	_ =	shalt  }
0x71: {  	_ =	shalt  }
0x72: {  	_ =	shalt  }
0x73: {  	_ =	shalt  }
0x74: {  	_ =	shalt  }
0x75: {  	_ =	shalt  }
0x76: {  	_ =	shalt  }
0x77: {  	_ =	shalt  }
0x78: {  	_ =	shalt  }
0x79: {  	_ =	shalt  }
0x7a: {  	_ =	shalt  }
0x7b: {  	_ =	shalt  }
0x7c: {  	_ =	shalt  }
0x7d: {  	_ =	shalt  }
0x7e: {  	_ =	shalt  }
0x7f: {  	_ =	shalt  }
0x80: {  	_ =	shalt  }
0x81: {  	_ =	shalt  }
0x82: {  	_ =	shalt  }
0x83: {  	_ =	shalt  }
0x84: {  	_ =	shalt  }
0x85: {  	_ =	shalt  }
0x86: {  	_ =	shalt  }
0x87: {  	_ =	shalt  }
.Lfunc_end0:
.L_simem_size_0:
called_computation_lowered:
.L_overlay_start_0:
0x88: {  	s2 =	sld [smem:$0x3FD9]  }
0x89: {  	s3 =	sld [smem:$0x3FFE];
	_ =	sdelay $0x1  }
0x8a: {  	s1 =	srdreg.scid  }
0x8b: {  	s0 =	sand.u32 $0x1, s1  }
0x8c: {  	s18 =	sshll.u32 s0, $0xA;
	s2 =	sadd.s32 s3, s2  }
0x8d: {  	s2 =	sadd.s32 s2, s18  }
0x8e: {  	[smem:$0x3FC5] =	sst s2  }
0x8f: {  	_ = 	snop  }
0x90: {  	s2 =	sld [smem:$0x3FC9]  }
0x91: {  	s19 =	sld [smem:$0x3FC8]  }
0x92: {  	s4 =	sld [smem:$0x3FC7]  }
0x93: {  	s5 =	sld [smem:$0x3FD0];
	(tm) =	ssettm $0x1  }
0x94: {  	s6 =	sld [smem:$0x3FFB];
	_ =	sdelay $0x3  }
0x95: {  	_ =	strace s6  }
0x96: {  	s6 =	sld [smem:$0x3FFC];
	_ =	sdelay $0x3  }
0x97: {  	_ =	strace s6  }
0x98: {  	s6 =	sld [smem:$0x3FFD];
	_ =	sdelay $0x3  }
0x99: {  	_ =	strace s6  }
0x9a: {  	_ =	strace $0x8FFFFFFF  }
0x9b: {  	s20 =	sld [smem:$0x3FDB];
	_ =	sdelay $0x1  }
0x9c: {  	s7 =	simm.s32 $_scs_section_size  }
0x9d: {  	s8 =	simm.s32 $_size__tile_overlayer_lowered;
	s9 =	simm.s32 $_tile_overlayer_lowered  }
0x9e: {  	s23 =	simm.s32 $0x1BFF;
	s22 =	sshll.u32 s9, $0x1;
	s6 =	sadd.s32 s7, s20  }
0x9f: {  	s10 =	simm.s32 $0x0;
	s21 =	sshll.u32 s8, $0x1;
	s8 =	sadd.s32 s22, s6  }
0xa0: {  	[timem:s10], [sflag:s23] =	dma.local [hbm:s8], s21  }
0xa1: {  	_ =	swait.ge [sflag:s23], s21  }
0xa2: {  	s7 =	ssub.s32 $0x0, s21;
	[sflag:s23] =	ssyncset.done $0x0  }
0xa3: {  	[sflag:s23] =	ssyncadd.s32 s7;
	_ =	sdelay $0x1  }
0xa4: {  	s24 =	simm.s32 $0x1B8B  }
0xa5: {  	_ =	swait.ge [sflag:s24], $0x1  }
0xa6: {  	[sflag:s24] =	ssyncset.done $0x0  }
0xa7: {  	s25 =	simm.s32 $0x1B8E;
	[sflag:s24] =	ssyncadd.s32 $0xFFFFFFFF  }
0xa8: {  	s26 =	simm.s32 $execute0_lowered;
	[smem:$0x3FD2] =	sst s25  }
0xa9: {  	s7 =	sshll.u32 s26, $0x1;
	_ =	strace $0x80000046;
	[dreg:$0x1] =	wrdreg $0xFFFFFFFF  }
0xaa: {  	s28 =	simm.s32 $_size_execute0_lowered;
	s6 =	sadd.s32 s6, s7;
	[dreg:$0x0] =	wrdreg $0x0  }
0xab: {  	s7 =	sshll.u32 s28, $0x1;
	[dreg:$0x2] =	wrdreg s6  }
0xac: {  	[dreg:$0x3] =	wrdreg s7  }
0xad: {  	[dreg:$0x4] =	wrdreg $0xC0  }
0xae: {  	_ =	task [dreg:s10], $0x5FFFF  }
0xaf: {  	[dreg:$0x1] =	wrdreg $0xFFFFFFFF  }
0xb0: {  	[dreg:$0x0] =	wrdreg $0x60  }
0xb1: {  	[dreg:$0x2] =	wrdreg s2  }
0xb2: {  	[dreg:$0x3] =	wrdreg s19  }
0xb3: {  	[dreg:$0x4] =	wrdreg s4  }
0xb4: {  	[dreg:$0x5] =	wrdreg s5  }
0xb5: {  	[dreg:$0x6] =	wrdreg $0x9  }
0xb6: {  	_ =	task.clear_ibuf [dreg:s10], $0x7FFFF;
	_ =	strace $0x90000046  }
0xb7: {  	s29 =	simm.s32 $0x9;
	_ =	strace $0x80000048  }
0xb8: {  	_ =	swait.ge [sflag:s29], $0x1  }
0xb9: {  	[sflag:s29] =	ssyncadd.s32 $0xFFFFFFFF  }
0xba: {  	_ =	strace $0x90000048  }
0xbb: {  	_ =	sfence  }
0xbc: {  	s30 =	sld [smem:$0x0];
	_ =	sdelay $0x2  }
0xbd: {  	s31 =	sshll.u32 s1, $0xD;
	s1 =	sshrl.u32 s1, $0x2  }
0xbe: {  	s3 =	sand.u32 $0x4000, s31;
	s1 =	sadd.s32 s1, s30  }
0xbf: {  	s0 =	sor.u32 s3, s0;
	s1 =	sshll.u32 s1, $0x11  }
0xc0: {  	s0 =	sor.u32 s1, s0  }
0xc1: {  	s0 =	sadd.s32 $0x8F2B, s0  }
0xc2: {  	[sflag:s0] =	ssyncadd.remote.s32 $0x1  }
0xc3: {  	_ =	sfence.sel $0xFFFF  }
0xc4: {  	[dreg:$0x0] =	wrdreg $0xFFFFFFFF;
	(pc) =	sbr.abs _section_cstart, $3  }
0xc5: {  	[dreg:$0x1] =	wrdreg $0xFFFFFFFF  }
0xc6: {  	_ =	task.clear_ibuf [dreg:s10], $0x2FFFF;
	_ =	strace $0x9FFFFFFF  }
0xc7: {  	(tm) =	ssettm $0x7FFFFFFF  }
tec
execute0_lowered:
.L_overlay_start_1:
0x0: {  	(tag) =	ssettag $0x1  }
0x1: {  	s1 =	rddreg [dreg:$0x0]  }
0x2: {  	s0 =	srdreg.scid;
	s2 =	rddreg [dreg:$0x1]  }
0x3: {  	s3 =	stileid.u32;
	s10 =	rddreg [dreg:$0x3]  }
0x4: {  	s6 =	simm.s32 $0x0;
	s16 =	simm.s32 $0x400;
	s26 =	simm.s32 $0x2400  }
0x5: {  	s30 =	simm.s32 $0xD400;
	s31 =	simm.s32 $0xDC00;
	s15 =	simm.s32 $0xE400  }
0x6: {  	s18 =	simm.s32 $0xEC00;
	s19 =	simm.s32 $0xF400;
	s20 =	simm.s32 $0xFC00  }
0x7: {  	s21 =	simm.s32 $0x6400;
	s22 =	simm.s32 $0x2;
	s23 =	simm.s32 $0x3  }
0x8: {  	s24 =	simm.s32 $0x4;
	s4 =	sshll.u32 s3, $0x1;
	s3 =	rddreg [dreg:$0x2]  }
0x9: {  	s14 =	simm.s32 $0x0;
	s0 =	sand.u32 $0x1, s0;
	[smem:$0x7FF] =	sst s6  }
0xa: {  	s29 =	smov.u32 s10;
	s4 =	sor.u32 s0, s4;
	s0 =	ssub.s32 $0x2, s0  }
0xb: {  	_ =	strace $0x80000047;
	s9 =	sadd.s32 $0x200, s3;
	s11 =	sadd.s32 $0x300, s3  }
0xc: {  	s5 =	sshll.u32 s4, $0xA;
	s7 =	sshll.u32 s4, $0x7;
	s8 =	sshrl.u32 s0, $0x1  }
0xd: {  	s28 =	sshll.u32 s4, $0x11;
	s7 =	sor.u32 s7, s5;
	s0 =	ssub.s32 s0, s8  }
0xe: {  	s8 =	sadd.s32 $0x100, s3;
	s4 =	sadd.s32 s1, s28;
	s13 =	sadd.s32 s10, s28  }
0xf: {  	s7 =	sand.u32 $0x6380, s7;
	[dreg:$0x6] =	wrdreg s4;
	s4 =	sadd.s32 $0x400, s4  }
0x10: {  	v0 =	vlaneseq.u32;
	s0 =	smax.u32 s0, $0x1;
	s7 =	sshrl.u32 s7, $0x3;
	[dreg:$0x7] =	wrdreg s4  }
0x11: {  	v1 =	vshrl.u32 v0, $0x3;
	v0 =	vand.u32 $0x7, v0;
	s10 =	simm.s32 $0x0;
	[dreg:$0x8] =	wrdreg s0;
	s2 =	sadd.s32 s2, s7  }
0x12: {  	vm0 =	vmmov $0xffff;
	[tilespmem:$0x1FFF0] =	vst v0;
	v1 =	vmul.u32 $0x8, v1;
	s0 =	simm.s32 $0x1;
	[dreg:$0x5] =	wrdreg s2;
	s2 =	simm.s32 $0x4400  }
.LBB2_1:
0x13: {  	[dreg:$0x9] =	wrdreg s10  }
0x14: {  	s4 =	rddreg [dreg:$0x5];
	s7 =	simm.s32 $0x80;
	s28 =	simm.s32 $0x9  }
0x15: {  	[tilespmem:s6], [sflag:$0x9] =	stream.strided.gather [hbm4b:s4+s7], $0x400, s16, s7, $0x38;
	[tilespmem:$0x10400] =	vst v63  }
0x16: {  	_ =	swait.ge [sflag:s28], $0x400  }
0x17: {  	[sflag:s28] =	ssyncset.done $0x0  }
0x18: {  	s4 =	simm.s32 $0x0;
	s7 =	simm.s32 $0x40;
	[sflag:s28] =	ssyncadd.s32 $0xFFFFFC00  }
.LBB2_2:
0x19: {  	p0 =	sne.s32 s7, $0xFC0;
	v2 =	vld [tilespmem:s4+$0x0];
	_ =	sdelay $0x1  }
.Ltmp0:
0x1a: {  	(pc) =	sbr.rel @p0 .LBB2_2-.Ltmp0, $3  }
0x1b: {  	_ =	sdelay $0x1  }
0x1c: {  	v2 =	vadd.s32 $0x1, v2  }
0x1d: {  	[tilespmem:s4+$0x0] =	vst v2;
	s4 =	sshra.s32 s7, $0x2;
	s7 =	sadd.s32 $0x40, s7  }
0x1e: {  	v2 =	vld [tilespmem:s4+$0x0];
	_ =	sdelay $0x4  }
0x1f: {  	v2 =	vadd.s32 $0x1, v2  }
0x20: {  	[tilespmem:s4+$0x0] =	vst v2  }
0x21: {  	v2 =	vld.msk [tilespmem:$0x0], $0xff;
	_ =	sdelay $0x2  }
0x22: {  	v0 =	vld [tilespmem:$0x1FFF0];
	_ =	sdelay $0x1  }
0x23: {  	v3 =	vshll.u32 v2, $0x3  }
0x24: {  	v2 =	vand.u32 $0x7, v2;
	v3 =	vand.u32 $0xFFFFFFC0, v3  }
0x25: {  	v2 =	vor.u32 v2, v3  }
0x26: {  	v2 =	vperm.xlane v2, v0;
	_ =	sdelay $0x1  }
0x27: {  	v2 =	vadd.s32 v1, v2;
	_ =	sdelay $0x3  }
0x28: {  	s12 =	simm.s32 $0x8400  }
0x29: {  	[tilespmem:s12], [sflag:$0x1] =	stream.indirect_vreg.gather [hbm4b:s3+s14], $0x80, v2, vm0, $0xb8;
	[tilespmem:$0x10400] =	vst v63  }
0x2a: {  	s17 =	simm.s32 $0x8C00  }
0x2b: {  	[tilespmem:s17], [sflag:$0x1] =	stream.indirect_vreg.gather [hbm4b:s8+s14], $0x80, v2, vm0, $0xb8;
	[tilespmem:$0x10400] =	vst v63  }
0x2c: {  	s25 =	simm.s32 $0x9400  }
0x2d: {  	[tilespmem:s25], [sflag:$0x1] =	stream.indirect_vreg.gather [hbm4b:s9+s14], $0x80, v2, vm0, $0xb8;
	[tilespmem:$0x10400] =	vst v63  }
0x2e: {  	s28 =	simm.s32 $0x9C00  }
0x2f: {  	[tilespmem:s28], [sflag:$0x1] =	stream.indirect_vreg.gather [hbm4b:s11+s14], $0x80, v2, vm0, $0xb8;
	[tilespmem:$0x10400] =	vst v63  }
0x30: {  	s7 =	rddreg [dreg:$0x6]  }
0x31: {  	[tilespmem:s16], [sflag:$0x1] =	stream.linear.gather [hbm4b:s7+s14], $0x2000, $0x38;
	[tilespmem:$0x10400] =	vst v63  }
0x32: {  	v2 =	vld.msk [tilespmem:$0x8], $0xff;
	_ =	sdelay $0x4  }
0x33: {  	v3 =	vshll.u32 v2, $0x3  }
0x34: {  	v2 =	vand.u32 $0x7, v2;
	v3 =	vand.u32 $0xFFFFFFC0, v3  }
0x35: {  	v2 =	vor.u32 v2, v3  }
0x36: {  	v2 =	vperm.xlane v2, v0;
	_ =	sdelay $0x1  }
0x37: {  	v2 =	vadd.s32 v1, v2;
	_ =	sdelay $0x3  }
0x38: {  	s10 =	simm.s32 $0xA400  }
0x39: {  	[tilespmem:s10], [sflag:$0x2] =	stream.indirect_vreg.gather [hbm4b:s3+s14], $0x80, v2, vm0, $0xb8;
	[tilespmem:$0x10400] =	vst v63  }
0x3a: {  	s12 =	simm.s32 $0xAC00  }
0x3b: {  	[tilespmem:s12], [sflag:$0x2] =	stream.indirect_vreg.gather [hbm4b:s8+s14], $0x80, v2, vm0, $0xb8;
	[tilespmem:$0x10400] =	vst v63  }
0x3c: {  	s17 =	simm.s32 $0xB400  }
0x3d: {  	[tilespmem:s17], [sflag:$0x2] =	stream.indirect_vreg.gather [hbm4b:s9+s14], $0x80, v2, vm0, $0xb8;
	[tilespmem:$0x10400] =	vst v63  }
0x3e: {  	s25 =	simm.s32 $0xBC00  }
0x3f: {  	[tilespmem:s25], [sflag:$0x2] =	stream.indirect_vreg.gather [hbm4b:s11+s14], $0x80, v2, vm0, $0xb8;
	[tilespmem:$0x10400] =	vst v63  }
0x40: {  	s28 =	rddreg [dreg:$0x7];
	s10 =	simm.s32 $0x0  }
0x41: {  	[tilespmem:s26], [sflag:$0x2] =	stream.linear.gather [hbm4b:s28+s14], $0x2000, $0x38;
	[tilespmem:$0x10400] =	vst v63  }
.LBB2_4:
0x42: {  	p0 =	seq.s32 s10, $0x0  }
0x43: {  	s4 =	simm.s32 @!p0 $0x7  }
0x44: {  	s7 =	sshll.u32 s10, $0x2;
	_ =	swait.ge @!p0 [sflag:s4], $0x2000  }
0x45: {  	s25 =	sor.u32 $0x2, s7;
	[sflag:s4] =	ssyncset.done @!p0 $0x0  }
0x46: {  	s17 =	sshll.u32 s25, $0x3;
	[sflag:s4] =	ssyncadd.s32 @!p0 $0xFFFFE000  }
0x47: {  	v2 =	vld.msk [tilespmem:s17+$0x0], $0xff;
	_ =	sdelay $0x2  }
0x48: {  	v0 =	vld [tilespmem:$0x1FFF0];
	_ =	sdelay $0x1  }
0x49: {  	v3 =	vshll.u32 v2, $0x3  }
0x4a: {  	v2 =	vand.u32 $0x7, v2;
	v3 =	vand.u32 $0xFFFFFFC0, v3  }
0x4b: {  	v2 =	vor.u32 v2, v3  }
0x4c: {  	v2 =	vperm.xlane v2, v0;
	_ =	sdelay $0x1  }
0x4d: {  	v2 =	vadd.s32 v1, v2;
	_ =	sdelay $0x3  }
0x4e: {  	s12 =	simm.s32 $0xC400  }
0x4f: {  	[tilespmem:s12], [sflag:$0x3] =	stream.indirect_vreg.gather [hbm4b:s3+s14], $0x80, v2, vm0, $0xb8;
	[tilespmem:$0x10400] =	vst v63  }
0x50: {  	s28 =	simm.s32 $0xCC00  }
0x51: {  	[tilespmem:s28], [sflag:$0x3] =	stream.indirect_vreg.gather [hbm4b:s8+s14], $0x80, v2, vm0, $0xb8;
	[tilespmem:$0x10400] =	vst v63  }
0x52: {  	s4 =	sadd.s32 s5, s17  }
0x53: {  	[tilespmem:s30], [sflag:$0x3] =	stream.indirect_vreg.gather [hbm4b:s9+s14], $0x80, v2, vm0, $0xb8;
	[tilespmem:$0x10400] =	vst v63  }
0x54: {  	s4 =	sshll.u32 s4, $0x7  }
0x55: {  	[tilespmem:s31], [sflag:$0x3] =	stream.indirect_vreg.gather [hbm4b:s11+s14], $0x80, v2, vm0, $0xb8;
	[tilespmem:$0x10400] =	vst v63  }
0x56: {  	s4 =	sadd.s32 s1, s4  }
0x57: {  	[tilespmem:s2], [sflag:$0x3] =	stream.linear.gather [hbm4b:s4+s14], $0x2000, $0x38;
	[tilespmem:$0x10400] =	vst v63  }
0x58: {  	_ =	swait.ge [sflag:s0], $0x2000  }
0x59: {  	[sflag:s0] =	ssyncset.done $0x0  }
0x5a: {  	[sflag:s0] =	ssyncadd.s32 $0xFFFFE000  }
0x5b: {  	_ =	swait.ge [sflag:s0], $0x2000  }
0x5c: {  	[sflag:s0] =	ssyncset.done $0x0  }
0x5d: {  	s17 =	simm.s32 $0x200;
	s12 =	simm.s32 $0x0;
	[sflag:s0] =	ssyncadd.s32 $0xFFFFE000  }
.LBB2_5:
0x5e: {  	p1 =	sne.s32 s17, $0xE00;
	v2 =	vld [tilespmem:s12+$0xA070]  }
0x5f: {  	v3 =	vld [tilespmem:s12+$0x8400]  }
0x60: {  	v4 =	vld [tilespmem:s12+$0x8410]  }
0x61: {  	v5 =	vld [tilespmem:s12+$0x8420]  }
0x62: {  	v6 =	vld [tilespmem:s12+$0x8430]  }
0x63: {  	[tilespmem:s12+$0x2070] =	vst.add.f32.msk $0xffff, v2  }
0x64: {  	v2 =	vld [tilespmem:s12+$0x8440]  }
0x65: {  	v7 =	vld [tilespmem:s12+$0x8450]  }
0x66: {  	v8 =	vld [tilespmem:s12+$0x8460]  }
0x67: {  	v9 =	vld [tilespmem:s12+$0x8470]  }
0x68: {  	v10 =	vld [tilespmem:s12+$0x8800]  }
0x69: {  	v11 =	vld [tilespmem:s12+$0x8810]  }
0x6a: {  	v12 =	vld [tilespmem:s12+$0x8820]  }
0x6b: {  	v13 =	vld [tilespmem:s12+$0x8830]  }
0x6c: {  	v14 =	vld [tilespmem:s12+$0x8840]  }
0x6d: {  	v15 =	vld [tilespmem:s12+$0x8850]  }
0x6e: {  	v16 =	vld [tilespmem:s12+$0x8860]  }
0x6f: {  	v17 =	vld [tilespmem:s12+$0x8870]  }
0x70: {  	v18 =	vld [tilespmem:s12+$0x8C00]  }
0x71: {  	v19 =	vld [tilespmem:s12+$0x8C10]  }
0x72: {  	v20 =	vld [tilespmem:s12+$0x8C20]  }
0x73: {  	v21 =	vld [tilespmem:s12+$0x8C30]  }
0x74: {  	v22 =	vld [tilespmem:s12+$0x8C40]  }
0x75: {  	v23 =	vld [tilespmem:s12+$0x8C50]  }
0x76: {  	v24 =	vld [tilespmem:s12+$0x8C60]  }
0x77: {  	v25 =	vld [tilespmem:s12+$0x8C70]  }
0x78: {  	v26 =	vld [tilespmem:s12+$0x9000]  }
0x79: {  	v27 =	vld [tilespmem:s12+$0x9010]  }
0x7a: {  	v28 =	vld [tilespmem:s12+$0x9020]  }
0x7b: {  	v29 =	vld [tilespmem:s12+$0x9030]  }
0x7c: {  	v30 =	vld [tilespmem:s12+$0x9040]  }
0x7d: {  	v31 =	vld [tilespmem:s12+$0x9050]  }
0x7e: {  	v32 =	vld [tilespmem:s12+$0x9060]  }
0x7f: {  	v33 =	vld [tilespmem:s12+$0x9070]  }
0x80: {  	v34 =	vld [tilespmem:s12+$0x9400]  }
0x81: {  	v35 =	vld [tilespmem:s12+$0x9410]  }
0x82: {  	v36 =	vld [tilespmem:s12+$0x9420]  }
0x83: {  	v37 =	vld [tilespmem:s12+$0x9430]  }
0x84: {  	v38 =	vld [tilespmem:s12+$0x9440]  }
0x85: {  	v39 =	vld [tilespmem:s12+$0x9450]  }
0x86: {  	v40 =	vld [tilespmem:s12+$0x9460]  }
0x87: {  	v41 =	vld [tilespmem:s12+$0x9470]  }
0x88: {  	v42 =	vld [tilespmem:s12+$0x9800]  }
0x89: {  	v43 =	vld [tilespmem:s12+$0x9810]  }
0x8a: {  	v44 =	vld [tilespmem:s12+$0x9820]  }
0x8b: {  	v45 =	vld [tilespmem:s12+$0x9830]  }
0x8c: {  	v46 =	vld [tilespmem:s12+$0x9840]  }
0x8d: {  	v47 =	vld [tilespmem:s12+$0x9850]  }
0x8e: {  	v48 =	vld [tilespmem:s12+$0x9860]  }
0x8f: {  	v49 =	vld [tilespmem:s12+$0x9870]  }
0x90: {  	v50 =	vld [tilespmem:s12+$0x9C00]  }
0x91: {  	v51 =	vld [tilespmem:s12+$0x9C10]  }
0x92: {  	v52 =	vld [tilespmem:s12+$0x9C20]  }
0x93: {  	v53 =	vld [tilespmem:s12+$0x9C30]  }
0x94: {  	v54 =	vld [tilespmem:s12+$0x9C40]  }
0x95: {  	v55 =	vld [tilespmem:s12+$0x9C50]  }
0x96: {  	v56 =	vld [tilespmem:s12+$0x9C60]  }
0x97: {  	v57 =	vld [tilespmem:s12+$0x9C70]  }
0x98: {  	v58 =	vld [tilespmem:s12+$0xA000]  }
0x99: {  	v59 =	vld [tilespmem:s12+$0xA010]  }
0x9a: {  	v60 =	vld [tilespmem:s12+$0xA020]  }
0x9b: {  	v61 =	vld [tilespmem:s12+$0xA030]  }
0x9c: {  	v62 =	vld [tilespmem:s12+$0xA040]  }
0x9d: {  	v63 =	vld [tilespmem:s12+$0xA050]  }
0x9e: {  	v0 =	vld [tilespmem:s12+$0xA060]  }
0x9f: {  	[tilespmem:s12+$0x400] =	vst.add.f32.msk $0xffff, v3  }
0xa0: {  	[tilespmem:s12+$0x410] =	vst.add.f32.msk $0xffff, v4  }
0xa1: {  	[tilespmem:s12+$0x420] =	vst.add.f32.msk $0xffff, v5  }
0xa2: {  	[tilespmem:s12+$0x430] =	vst.add.f32.msk $0xffff, v6  }
0xa3: {  	[tilespmem:s12+$0x440] =	vst.add.f32.msk $0xffff, v2  }
0xa4: {  	[tilespmem:s12+$0x450] =	vst.add.f32.msk $0xffff, v7  }
0xa5: {  	[tilespmem:s12+$0x460] =	vst.add.f32.msk $0xffff, v8  }
0xa6: {  	[tilespmem:s12+$0x470] =	vst.add.f32.msk $0xffff, v9  }
0xa7: {  	[tilespmem:s12+$0x800] =	vst.add.f32.msk $0xffff, v10  }
0xa8: {  	[tilespmem:s12+$0x810] =	vst.add.f32.msk $0xffff, v11  }
0xa9: {  	[tilespmem:s12+$0x820] =	vst.add.f32.msk $0xffff, v12  }
0xaa: {  	[tilespmem:s12+$0x830] =	vst.add.f32.msk $0xffff, v13  }
0xab: {  	[tilespmem:s12+$0x840] =	vst.add.f32.msk $0xffff, v14  }
0xac: {  	[tilespmem:s12+$0x850] =	vst.add.f32.msk $0xffff, v15  }
0xad: {  	[tilespmem:s12+$0x860] =	vst.add.f32.msk $0xffff, v16  }
0xae: {  	[tilespmem:s12+$0x870] =	vst.add.f32.msk $0xffff, v17  }
0xaf: {  	[tilespmem:s12+$0xC00] =	vst.add.f32.msk $0xffff, v18  }
0xb0: {  	[tilespmem:s12+$0xC10] =	vst.add.f32.msk $0xffff, v19  }
0xb1: {  	[tilespmem:s12+$0xC20] =	vst.add.f32.msk $0xffff, v20  }
0xb2: {  	[tilespmem:s12+$0xC30] =	vst.add.f32.msk $0xffff, v21  }
0xb3: {  	[tilespmem:s12+$0xC40] =	vst.add.f32.msk $0xffff, v22  }
0xb4: {  	[tilespmem:s12+$0xC50] =	vst.add.f32.msk $0xffff, v23  }
0xb5: {  	[tilespmem:s12+$0xC60] =	vst.add.f32.msk $0xffff, v24  }
0xb6: {  	[tilespmem:s12+$0xC70] =	vst.add.f32.msk $0xffff, v25  }
0xb7: {  	[tilespmem:s12+$0x1000] =	vst.add.f32.msk $0xffff, v26  }
0xb8: {  	[tilespmem:s12+$0x1010] =	vst.add.f32.msk $0xffff, v27  }
0xb9: {  	[tilespmem:s12+$0x1020] =	vst.add.f32.msk $0xffff, v28  }
0xba: {  	[tilespmem:s12+$0x1030] =	vst.add.f32.msk $0xffff, v29  }
0xbb: {  	[tilespmem:s12+$0x1040] =	vst.add.f32.msk $0xffff, v30  }
0xbc: {  	[tilespmem:s12+$0x1050] =	vst.add.f32.msk $0xffff, v31  }
0xbd: {  	[tilespmem:s12+$0x1060] =	vst.add.f32.msk $0xffff, v32  }
0xbe: {  	[tilespmem:s12+$0x1070] =	vst.add.f32.msk $0xffff, v33  }
0xbf: {  	[tilespmem:s12+$0x1400] =	vst.add.f32.msk $0xffff, v34  }
0xc0: {  	[tilespmem:s12+$0x1410] =	vst.add.f32.msk $0xffff, v35  }
0xc1: {  	[tilespmem:s12+$0x1420] =	vst.add.f32.msk $0xffff, v36  }
0xc2: {  	[tilespmem:s12+$0x1430] =	vst.add.f32.msk $0xffff, v37  }
0xc3: {  	[tilespmem:s12+$0x1440] =	vst.add.f32.msk $0xffff, v38  }
0xc4: {  	[tilespmem:s12+$0x1450] =	vst.add.f32.msk $0xffff, v39  }
0xc5: {  	[tilespmem:s12+$0x1460] =	vst.add.f32.msk $0xffff, v40  }
0xc6: {  	[tilespmem:s12+$0x1470] =	vst.add.f32.msk $0xffff, v41  }
0xc7: {  	[tilespmem:s12+$0x1800] =	vst.add.f32.msk $0xffff, v42  }
0xc8: {  	[tilespmem:s12+$0x1810] =	vst.add.f32.msk $0xffff, v43  }
0xc9: {  	[tilespmem:s12+$0x1820] =	vst.add.f32.msk $0xffff, v44  }
0xca: {  	[tilespmem:s12+$0x1830] =	vst.add.f32.msk $0xffff, v45  }
0xcb: {  	[tilespmem:s12+$0x1840] =	vst.add.f32.msk $0xffff, v46  }
0xcc: {  	[tilespmem:s12+$0x1850] =	vst.add.f32.msk $0xffff, v47  }
0xcd: {  	[tilespmem:s12+$0x1860] =	vst.add.f32.msk $0xffff, v48  }
0xce: {  	[tilespmem:s12+$0x1870] =	vst.add.f32.msk $0xffff, v49  }
0xcf: {  	[tilespmem:s12+$0x1C00] =	vst.add.f32.msk $0xffff, v50  }
0xd0: {  	[tilespmem:s12+$0x1C10] =	vst.add.f32.msk $0xffff, v51  }
0xd1: {  	[tilespmem:s12+$0x1C20] =	vst.add.f32.msk $0xffff, v52  }
0xd2: {  	[tilespmem:s12+$0x1C30] =	vst.add.f32.msk $0xffff, v53  }
0xd3: {  	[tilespmem:s12+$0x1C40] =	vst.add.f32.msk $0xffff, v54  }
0xd4: {  	[tilespmem:s12+$0x1C50] =	vst.add.f32.msk $0xffff, v55  }
0xd5: {  	[tilespmem:s12+$0x1C60] =	vst.add.f32.msk $0xffff, v56  }
0xd6: {  	[tilespmem:s12+$0x1C70] =	vst.add.f32.msk $0xffff, v57  }
0xd7: {  	[tilespmem:s12+$0x2000] =	vst.add.f32.msk $0xffff, v58  }
0xd8: {  	[tilespmem:s12+$0x2010] =	vst.add.f32.msk $0xffff, v59  }
.Ltmp1:
0xd9: {  	[tilespmem:s12+$0x2020] =	vst.add.f32.msk $0xffff, v60;
	(pc) =	sbr.rel @p1 .LBB2_5-.Ltmp1, $4  }
0xda: {  	[tilespmem:s12+$0x2030] =	vst.add.f32.msk $0xffff, v61  }
0xdb: {  	[tilespmem:s12+$0x2040] =	vst.add.f32.msk $0xffff, v62  }
0xdc: {  	[tilespmem:s12+$0x2050] =	vst.add.f32.msk $0xffff, v63  }
0xdd: {  	[tilespmem:s12+$0x2060] =	vst.add.f32.msk $0xffff, v0;
	s12 =	sshra.s32 s17, $0x2;
	s17 =	sadd.s32 $0x200, s17  }
0xde: {  	v0 =	vld [tilespmem:s12+$0xA070]  }
0xdf: {  	v2 =	vld [tilespmem:s12+$0x8400]  }
0xe0: {  	v3 =	vld [tilespmem:s12+$0x8410]  }
0xe1: {  	v4 =	vld [tilespmem:s12+$0x8420]  }
0xe2: {  	v5 =	vld [tilespmem:s12+$0x8430]  }
0xe3: {  	v6 =	vld [tilespmem:s12+$0x8450]  }
0xe4: {  	v7 =	vld [tilespmem:s12+$0x8460]  }
0xe5: {  	v8 =	vld [tilespmem:s12+$0x8470]  }
0xe6: {  	v9 =	vld [tilespmem:s12+$0x8800]  }
0xe7: {  	v10 =	vld [tilespmem:s12+$0x8810]  }
0xe8: {  	v11 =	vld [tilespmem:s12+$0x8820]  }
0xe9: {  	v12 =	vld [tilespmem:s12+$0x8830]  }
0xea: {  	v13 =	vld [tilespmem:s12+$0x8840]  }
0xeb: {  	v14 =	vld [tilespmem:s12+$0x8850]  }
0xec: {  	v15 =	vld [tilespmem:s12+$0x8860]  }
0xed: {  	v16 =	vld [tilespmem:s12+$0x8870]  }
0xee: {  	v17 =	vld [tilespmem:s12+$0x8C00]  }
0xef: {  	v18 =	vld [tilespmem:s12+$0x8C10]  }
0xf0: {  	v19 =	vld [tilespmem:s12+$0x8C20]  }
0xf1: {  	v20 =	vld [tilespmem:s12+$0x8C30]  }
0xf2: {  	v21 =	vld [tilespmem:s12+$0x8C40]  }
0xf3: {  	v22 =	vld [tilespmem:s12+$0x8C50]  }
0xf4: {  	v23 =	vld [tilespmem:s12+$0x8C60]  }
0xf5: {  	v24 =	vld [tilespmem:s12+$0x8C70]  }
0xf6: {  	v25 =	vld [tilespmem:s12+$0x9000]  }
0xf7: {  	v26 =	vld [tilespmem:s12+$0x9010]  }
0xf8: {  	v27 =	vld [tilespmem:s12+$0x9020]  }
0xf9: {  	v28 =	vld [tilespmem:s12+$0x9030]  }
0xfa: {  	v29 =	vld [tilespmem:s12+$0x9040]  }
0xfb: {  	v30 =	vld [tilespmem:s12+$0x9050]  }
0xfc: {  	v31 =	vld [tilespmem:s12+$0x9060]  }
0xfd: {  	v32 =	vld [tilespmem:s12+$0x9070]  }
0xfe: {  	v33 =	vld [tilespmem:s12+$0x9400]  }
0xff: {  	v34 =	vld [tilespmem:s12+$0x9410]  }
0x100: {  	v35 =	vld [tilespmem:s12+$0x9420]  }
0x101: {  	v36 =	vld [tilespmem:s12+$0x9430]  }
0x102: {  	v37 =	vld [tilespmem:s12+$0x9440]  }
0x103: {  	v38 =	vld [tilespmem:s12+$0x9450]  }
0x104: {  	v39 =	vld [tilespmem:s12+$0x9460]  }
0x105: {  	v40 =	vld [tilespmem:s12+$0x9470]  }
0x106: {  	v41 =	vld [tilespmem:s12+$0x9800]  }
0x107: {  	v42 =	vld [tilespmem:s12+$0x9810]  }
0x108: {  	v43 =	vld [tilespmem:s12+$0x9820]  }
0x109: {  	v44 =	vld [tilespmem:s12+$0x9830]  }
0x10a: {  	v45 =	vld [tilespmem:s12+$0x9840]  }
0x10b: {  	v46 =	vld [tilespmem:s12+$0x9850]  }
0x10c: {  	v47 =	vld [tilespmem:s12+$0x9860]  }
0x10d: {  	v48 =	vld [tilespmem:s12+$0x9870]  }
0x10e: {  	v49 =	vld [tilespmem:s12+$0x9C00]  }
0x10f: {  	v50 =	vld [tilespmem:s12+$0x9C10]  }
0x110: {  	v51 =	vld [tilespmem:s12+$0x9C20]  }
0x111: {  	v52 =	vld [tilespmem:s12+$0x9C30]  }
0x112: {  	v53 =	vld [tilespmem:s12+$0x9C40]  }
0x113: {  	v54 =	vld [tilespmem:s12+$0x9C50]  }
0x114: {  	v55 =	vld [tilespmem:s12+$0x9C60]  }
0x115: {  	v56 =	vld [tilespmem:s12+$0x9C70]  }
0x116: {  	v57 =	vld [tilespmem:s12+$0xA000]  }
0x117: {  	v58 =	vld [tilespmem:s12+$0xA010]  }
0x118: {  	v59 =	vld [tilespmem:s12+$0xA020]  }
0x119: {  	v60 =	vld [tilespmem:s12+$0xA030]  }
0x11a: {  	v61 =	vld [tilespmem:s12+$0xA040]  }
0x11b: {  	v62 =	vld [tilespmem:s12+$0xA050]  }
0x11c: {  	v63 =	vld [tilespmem:s12+$0xA060]  }
0x11d: {  	[tilespmem:s12+$0x2070] =	vst.add.f32.msk $0xffff, v0  }
0x11e: {  	v0 =	vld [tilespmem:s12+$0x8440]  }
0x11f: {  	[tilespmem:s12+$0x400] =	vst.add.f32.msk $0xffff, v2  }
0x120: {  	[tilespmem:s12+$0x410] =	vst.add.f32.msk $0xffff, v3  }
0x121: {  	[tilespmem:s12+$0x420] =	vst.add.f32.msk $0xffff, v4  }
0x122: {  	[tilespmem:s12+$0x430] =	vst.add.f32.msk $0xffff, v5  }
0x123: {  	[tilespmem:s12+$0x450] =	vst.add.f32.msk $0xffff, v6  }
0x124: {  	[tilespmem:s12+$0x460] =	vst.add.f32.msk $0xffff, v7  }
0x125: {  	[tilespmem:s12+$0x470] =	vst.add.f32.msk $0xffff, v8  }
0x126: {  	[tilespmem:s12+$0x800] =	vst.add.f32.msk $0xffff, v9  }
0x127: {  	[tilespmem:s12+$0x810] =	vst.add.f32.msk $0xffff, v10  }
0x128: {  	[tilespmem:s12+$0x820] =	vst.add.f32.msk $0xffff, v11  }
0x129: {  	[tilespmem:s12+$0x830] =	vst.add.f32.msk $0xffff, v12  }
0x12a: {  	[tilespmem:s12+$0x840] =	vst.add.f32.msk $0xffff, v13  }
0x12b: {  	[tilespmem:s12+$0x850] =	vst.add.f32.msk $0xffff, v14  }
0x12c: {  	[tilespmem:s12+$0x860] =	vst.add.f32.msk $0xffff, v15  }
0x12d: {  	[tilespmem:s12+$0x870] =	vst.add.f32.msk $0xffff, v16  }
0x12e: {  	[tilespmem:s12+$0xC00] =	vst.add.f32.msk $0xffff, v17  }
0x12f: {  	[tilespmem:s12+$0xC10] =	vst.add.f32.msk $0xffff, v18  }
0x130: {  	[tilespmem:s12+$0xC20] =	vst.add.f32.msk $0xffff, v19  }
0x131: {  	[tilespmem:s12+$0xC30] =	vst.add.f32.msk $0xffff, v20  }
0x132: {  	[tilespmem:s12+$0xC40] =	vst.add.f32.msk $0xffff, v21  }
0x133: {  	[tilespmem:s12+$0xC50] =	vst.add.f32.msk $0xffff, v22  }
0x134: {  	[tilespmem:s12+$0xC60] =	vst.add.f32.msk $0xffff, v23  }
0x135: {  	[tilespmem:s12+$0xC70] =	vst.add.f32.msk $0xffff, v24  }
0x136: {  	[tilespmem:s12+$0x1000] =	vst.add.f32.msk $0xffff, v25  }
0x137: {  	[tilespmem:s12+$0x1010] =	vst.add.f32.msk $0xffff, v26  }
0x138: {  	[tilespmem:s12+$0x1020] =	vst.add.f32.msk $0xffff, v27  }
0x139: {  	[tilespmem:s12+$0x1030] =	vst.add.f32.msk $0xffff, v28  }
0x13a: {  	[tilespmem:s12+$0x1040] =	vst.add.f32.msk $0xffff, v29  }
0x13b: {  	[tilespmem:s12+$0x1050] =	vst.add.f32.msk $0xffff, v30  }
0x13c: {  	[tilespmem:s12+$0x1060] =	vst.add.f32.msk $0xffff, v31  }
0x13d: {  	[tilespmem:s12+$0x1070] =	vst.add.f32.msk $0xffff, v32  }
0x13e: {  	[tilespmem:s12+$0x1400] =	vst.add.f32.msk $0xffff, v33  }
0x13f: {  	[tilespmem:s12+$0x1410] =	vst.add.f32.msk $0xffff, v34  }
0x140: {  	[tilespmem:s12+$0x1420] =	vst.add.f32.msk $0xffff, v35  }
0x141: {  	[tilespmem:s12+$0x1430] =	vst.add.f32.msk $0xffff, v36  }
0x142: {  	[tilespmem:s12+$0x1440] =	vst.add.f32.msk $0xffff, v37  }
0x143: {  	[tilespmem:s12+$0x1450] =	vst.add.f32.msk $0xffff, v38  }
0x144: {  	[tilespmem:s12+$0x1460] =	vst.add.f32.msk $0xffff, v39  }
0x145: {  	[tilespmem:s12+$0x1470] =	vst.add.f32.msk $0xffff, v40  }
0x146: {  	[tilespmem:s12+$0x1800] =	vst.add.f32.msk $0xffff, v41  }
0x147: {  	[tilespmem:s12+$0x1810] =	vst.add.f32.msk $0xffff, v42  }
0x148: {  	[tilespmem:s12+$0x1820] =	vst.add.f32.msk $0xffff, v43  }
0x149: {  	[tilespmem:s12+$0x1830] =	vst.add.f32.msk $0xffff, v44  }
0x14a: {  	[tilespmem:s12+$0x1840] =	vst.add.f32.msk $0xffff, v45  }
0x14b: {  	[tilespmem:s12+$0x1850] =	vst.add.f32.msk $0xffff, v46  }
0x14c: {  	[tilespmem:s12+$0x1860] =	vst.add.f32.msk $0xffff, v47  }
0x14d: {  	[tilespmem:s12+$0x1870] =	vst.add.f32.msk $0xffff, v48  }
0x14e: {  	[tilespmem:s12+$0x1C00] =	vst.add.f32.msk $0xffff, v49  }
0x14f: {  	[tilespmem:s12+$0x1C10] =	vst.add.f32.msk $0xffff, v50  }
0x150: {  	[tilespmem:s12+$0x1C20] =	vst.add.f32.msk $0xffff, v51  }
0x151: {  	[tilespmem:s12+$0x1C30] =	vst.add.f32.msk $0xffff, v52  }
0x152: {  	[tilespmem:s12+$0x1C40] =	vst.add.f32.msk $0xffff, v53  }
0x153: {  	[tilespmem:s12+$0x1C50] =	vst.add.f32.msk $0xffff, v54  }
0x154: {  	[tilespmem:s12+$0x1C60] =	vst.add.f32.msk $0xffff, v55  }
0x155: {  	[tilespmem:s12+$0x1C70] =	vst.add.f32.msk $0xffff, v56  }
0x156: {  	[tilespmem:s12+$0x2000] =	vst.add.f32.msk $0xffff, v57  }
0x157: {  	[tilespmem:s12+$0x2010] =	vst.add.f32.msk $0xffff, v58  }
0x158: {  	[tilespmem:s12+$0x2020] =	vst.add.f32.msk $0xffff, v59  }
0x159: {  	[tilespmem:s12+$0x2030] =	vst.add.f32.msk $0xffff, v60  }
0x15a: {  	[tilespmem:s12+$0x2040] =	vst.add.f32.msk $0xffff, v61  }
0x15b: {  	[tilespmem:s12+$0x2050] =	vst.add.f32.msk $0xffff, v62  }
0x15c: {  	s4 =	sshll.u32 s10, $0xC;
	[tilespmem:s12+$0x2060] =	vst.add.f32.msk $0xffff, v63  }
0x15d: {  	s4 =	sadd.s32 s4, s13;
	[tilespmem:s12+$0x440] =	vst.add.f32.msk $0xffff, v0  }
0x15e: {  	[hbm4b:s4+s6] =	stream.linear.scatter [tilespmem:s16], [sflag:$0x5], $0x2000, $0x38;
	[tilespmem:$0x10400] =	vst v63  }
0x15f: {  	s4 =	simm.s32 @!p0 $0x8  }
0x160: {  	_ =	swait.ge @!p0 [sflag:s4], $0x2000  }
0x161: {  	s17 =	sor.u32 $0x3, s7;
	[sflag:s4] =	ssyncset.done @!p0 $0x0  }
0x162: {  	s12 =	sshll.u32 s17, $0x3;
	[sflag:s4] =	ssyncadd.s32 @!p0 $0xFFFFE000  }
0x163: {  	v0 =	vld.msk [tilespmem:s12+$0x0], $0xff;
	_ =	sdelay $0x4  }
0x164: {  	v2 =	vshll.u32 v0, $0x3  }
0x165: {  	v0 =	vand.u32 $0x7, v0;
	v2 =	vand.u32 $0xFFFFFFC0, v2  }
0x166: {  	v0 =	vor.u32 v0, v2;
	v2 =	vld [tilespmem:$0x1FFF0];
	_ =	sdelay $0x4  }
0x167: {  	v0 =	vperm.xlane v0, v2;
	_ =	sdelay $0x1  }
0x168: {  	v0 =	vadd.s32 v1, v0;
	_ =	sdelay $0x3  }
0x169: {  	s28 =	simm.s32 $0x0  }
0x16a: {  	[tilespmem:s15], [sflag:$0x4] =	stream.indirect_vreg.gather [hbm4b:s3+s28], $0x80, v0, vm0, $0xb8;
	[tilespmem:$0x10400] =	vst v63  }
0x16b: {  	_ = 	snop  }
0x16c: {  	[tilespmem:s18], [sflag:$0x4] =	stream.indirect_vreg.gather [hbm4b:s8+s28], $0x80, v0, vm0, $0xb8;
	[tilespmem:$0x10400] =	vst v63  }
0x16d: {  	s4 =	sadd.s32 s5, s12  }
0x16e: {  	[tilespmem:s19], [sflag:$0x4] =	stream.indirect_vreg.gather [hbm4b:s9+s28], $0x80, v0, vm0, $0xb8;
	[tilespmem:$0x10400] =	vst v63  }
0x16f: {  	s4 =	sshll.u32 s4, $0x7  }
0x170: {  	[tilespmem:s20], [sflag:$0x4] =	stream.indirect_vreg.gather [hbm4b:s11+s28], $0x80, v0, vm0, $0xb8;
	[tilespmem:$0x10400] =	vst v63  }
0x171: {  	s4 =	sadd.s32 s1, s4  }
0x172: {  	[tilespmem:s21], [sflag:$0x4] =	stream.linear.gather [hbm4b:s4+s28], $0x2000, $0x38;
	[tilespmem:$0x10400] =	vst v63  }
0x173: {  	_ =	swait.ge [sflag:s22], $0x2000  }
0x174: {  	[sflag:s22] =	ssyncset.done $0x0  }
0x175: {  	[sflag:s22] =	ssyncadd.s32 $0xFFFFE000  }
0x176: {  	_ =	swait.ge [sflag:s22], $0x2000  }
0x177: {  	[sflag:s22] =	ssyncset.done $0x0  }
0x178: {  	s7 =	simm.s32 $0x200;
	s12 =	simm.s32 $0x0;
	[sflag:s22] =	ssyncadd.s32 $0xFFFFE000  }
.LBB2_7:
0x179: {  	p0 =	sne.s32 s7, $0xE00;
	v0 =	vld [tilespmem:s12+$0xC070]  }
0x17a: {  	v2 =	vld [tilespmem:s12+$0xA400]  }
0x17b: {  	v3 =	vld [tilespmem:s12+$0xA410]  }
0x17c: {  	v4 =	vld [tilespmem:s12+$0xA420]  }
0x17d: {  	v5 =	vld [tilespmem:s12+$0xA430]  }
0x17e: {  	[tilespmem:s12+$0x4070] =	vst.add.f32.msk $0xffff, v0  }
0x17f: {  	v0 =	vld [tilespmem:s12+$0xA440]  }
0x180: {  	v6 =	vld [tilespmem:s12+$0xA450]  }
0x181: {  	v7 =	vld [tilespmem:s12+$0xA460]  }
0x182: {  	v8 =	vld [tilespmem:s12+$0xA470]  }
0x183: {  	v9 =	vld [tilespmem:s12+$0xA800]  }
0x184: {  	v10 =	vld [tilespmem:s12+$0xA810]  }
0x185: {  	v11 =	vld [tilespmem:s12+$0xA820]  }
0x186: {  	v12 =	vld [tilespmem:s12+$0xA830]  }
0x187: {  	v13 =	vld [tilespmem:s12+$0xA840]  }
0x188: {  	v14 =	vld [tilespmem:s12+$0xA850]  }
0x189: {  	v15 =	vld [tilespmem:s12+$0xA860]  }
0x18a: {  	v16 =	vld [tilespmem:s12+$0xA870]  }
0x18b: {  	v17 =	vld [tilespmem:s12+$0xAC00]  }
0x18c: {  	v18 =	vld [tilespmem:s12+$0xAC10]  }
0x18d: {  	v19 =	vld [tilespmem:s12+$0xAC20]  }
0x18e: {  	v20 =	vld [tilespmem:s12+$0xAC30]  }
0x18f: {  	v21 =	vld [tilespmem:s12+$0xAC40]  }
0x190: {  	v22 =	vld [tilespmem:s12+$0xAC50]  }
0x191: {  	v23 =	vld [tilespmem:s12+$0xAC60]  }
0x192: {  	v24 =	vld [tilespmem:s12+$0xAC70]  }
0x193: {  	v25 =	vld [tilespmem:s12+$0xB000]  }
0x194: {  	v26 =	vld [tilespmem:s12+$0xB010]  }
0x195: {  	v27 =	vld [tilespmem:s12+$0xB020]  }
0x196: {  	v28 =	vld [tilespmem:s12+$0xB030]  }
0x197: {  	v29 =	vld [tilespmem:s12+$0xB040]  }
0x198: {  	v30 =	vld [tilespmem:s12+$0xB050]  }
0x199: {  	v31 =	vld [tilespmem:s12+$0xB060]  }
0x19a: {  	v32 =	vld [tilespmem:s12+$0xB070]  }
0x19b: {  	v33 =	vld [tilespmem:s12+$0xB400]  }
0x19c: {  	v34 =	vld [tilespmem:s12+$0xB410]  }
0x19d: {  	v35 =	vld [tilespmem:s12+$0xB420]  }
0x19e: {  	v36 =	vld [tilespmem:s12+$0xB430]  }
0x19f: {  	v37 =	vld [tilespmem:s12+$0xB440]  }
0x1a0: {  	v38 =	vld [tilespmem:s12+$0xB450]  }
0x1a1: {  	v39 =	vld [tilespmem:s12+$0xB460]  }
0x1a2: {  	v40 =	vld [tilespmem:s12+$0xB470]  }
0x1a3: {  	v41 =	vld [tilespmem:s12+$0xB800]  }
0x1a4: {  	v42 =	vld [tilespmem:s12+$0xB810]  }
0x1a5: {  	v43 =	vld [tilespmem:s12+$0xB820]  }
0x1a6: {  	v44 =	vld [tilespmem:s12+$0xB830]  }
0x1a7: {  	v45 =	vld [tilespmem:s12+$0xB840]  }
0x1a8: {  	v46 =	vld [tilespmem:s12+$0xB850]  }
0x1a9: {  	v47 =	vld [tilespmem:s12+$0xB860]  }
0x1aa: {  	v48 =	vld [tilespmem:s12+$0xB870]  }
0x1ab: {  	v49 =	vld [tilespmem:s12+$0xBC00]  }
0x1ac: {  	v50 =	vld [tilespmem:s12+$0xBC10]  }
0x1ad: {  	v51 =	vld [tilespmem:s12+$0xBC20]  }
0x1ae: {  	v52 =	vld [tilespmem:s12+$0xBC30]  }
0x1af: {  	v53 =	vld [tilespmem:s12+$0xBC40]  }
0x1b0: {  	v54 =	vld [tilespmem:s12+$0xBC50]  }
0x1b1: {  	v55 =	vld [tilespmem:s12+$0xBC60]  }
0x1b2: {  	v56 =	vld [tilespmem:s12+$0xBC70]  }
0x1b3: {  	v57 =	vld [tilespmem:s12+$0xC000]  }
0x1b4: {  	v58 =	vld [tilespmem:s12+$0xC010]  }
0x1b5: {  	v59 =	vld [tilespmem:s12+$0xC020]  }
0x1b6: {  	v60 =	vld [tilespmem:s12+$0xC030]  }
0x1b7: {  	v61 =	vld [tilespmem:s12+$0xC040]  }
0x1b8: {  	v62 =	vld [tilespmem:s12+$0xC050]  }
0x1b9: {  	v63 =	vld [tilespmem:s12+$0xC060]  }
0x1ba: {  	[tilespmem:s12+$0x2400] =	vst.add.f32.msk $0xffff, v2  }
0x1bb: {  	[tilespmem:s12+$0x2410] =	vst.add.f32.msk $0xffff, v3  }
0x1bc: {  	[tilespmem:s12+$0x2420] =	vst.add.f32.msk $0xffff, v4  }
0x1bd: {  	[tilespmem:s12+$0x2430] =	vst.add.f32.msk $0xffff, v5  }
0x1be: {  	[tilespmem:s12+$0x2440] =	vst.add.f32.msk $0xffff, v0  }
0x1bf: {  	[tilespmem:s12+$0x2450] =	vst.add.f32.msk $0xffff, v6  }
0x1c0: {  	[tilespmem:s12+$0x2460] =	vst.add.f32.msk $0xffff, v7  }
0x1c1: {  	[tilespmem:s12+$0x2470] =	vst.add.f32.msk $0xffff, v8  }
0x1c2: {  	[tilespmem:s12+$0x2800] =	vst.add.f32.msk $0xffff, v9  }
0x1c3: {  	[tilespmem:s12+$0x2810] =	vst.add.f32.msk $0xffff, v10  }
0x1c4: {  	[tilespmem:s12+$0x2820] =	vst.add.f32.msk $0xffff, v11  }
0x1c5: {  	[tilespmem:s12+$0x2830] =	vst.add.f32.msk $0xffff, v12  }
0x1c6: {  	[tilespmem:s12+$0x2840] =	vst.add.f32.msk $0xffff, v13  }
0x1c7: {  	[tilespmem:s12+$0x2850] =	vst.add.f32.msk $0xffff, v14  }
0x1c8: {  	[tilespmem:s12+$0x2860] =	vst.add.f32.msk $0xffff, v15  }
0x1c9: {  	[tilespmem:s12+$0x2870] =	vst.add.f32.msk $0xffff, v16  }
0x1ca: {  	[tilespmem:s12+$0x2C00] =	vst.add.f32.msk $0xffff, v17  }
0x1cb: {  	[tilespmem:s12+$0x2C10] =	vst.add.f32.msk $0xffff, v18  }
0x1cc: {  	[tilespmem:s12+$0x2C20] =	vst.add.f32.msk $0xffff, v19  }
0x1cd: {  	[tilespmem:s12+$0x2C30] =	vst.add.f32.msk $0xffff, v20  }
0x1ce: {  	[tilespmem:s12+$0x2C40] =	vst.add.f32.msk $0xffff, v21  }
0x1cf: {  	[tilespmem:s12+$0x2C50] =	vst.add.f32.msk $0xffff, v22  }
0x1d0: {  	[tilespmem:s12+$0x2C60] =	vst.add.f32.msk $0xffff, v23  }
0x1d1: {  	[tilespmem:s12+$0x2C70] =	vst.add.f32.msk $0xffff, v24  }
0x1d2: {  	[tilespmem:s12+$0x3000] =	vst.add.f32.msk $0xffff, v25  }
0x1d3: {  	[tilespmem:s12+$0x3010] =	vst.add.f32.msk $0xffff, v26  }
0x1d4: {  	[tilespmem:s12+$0x3020] =	vst.add.f32.msk $0xffff, v27  }
0x1d5: {  	[tilespmem:s12+$0x3030] =	vst.add.f32.msk $0xffff, v28  }
0x1d6: {  	[tilespmem:s12+$0x3040] =	vst.add.f32.msk $0xffff, v29  }
0x1d7: {  	[tilespmem:s12+$0x3050] =	vst.add.f32.msk $0xffff, v30  }
0x1d8: {  	[tilespmem:s12+$0x3060] =	vst.add.f32.msk $0xffff, v31  }
0x1d9: {  	[tilespmem:s12+$0x3070] =	vst.add.f32.msk $0xffff, v32  }
0x1da: {  	[tilespmem:s12+$0x3400] =	vst.add.f32.msk $0xffff, v33  }
0x1db: {  	[tilespmem:s12+$0x3410] =	vst.add.f32.msk $0xffff, v34  }
0x1dc: {  	[tilespmem:s12+$0x3420] =	vst.add.f32.msk $0xffff, v35  }
0x1dd: {  	[tilespmem:s12+$0x3430] =	vst.add.f32.msk $0xffff, v36  }
0x1de: {  	[tilespmem:s12+$0x3440] =	vst.add.f32.msk $0xffff, v37  }
0x1df: {  	[tilespmem:s12+$0x3450] =	vst.add.f32.msk $0xffff, v38  }
0x1e0: {  	[tilespmem:s12+$0x3460] =	vst.add.f32.msk $0xffff, v39  }
0x1e1: {  	[tilespmem:s12+$0x3470] =	vst.add.f32.msk $0xffff, v40  }
0x1e2: {  	[tilespmem:s12+$0x3800] =	vst.add.f32.msk $0xffff, v41  }
0x1e3: {  	[tilespmem:s12+$0x3810] =	vst.add.f32.msk $0xffff, v42  }
0x1e4: {  	[tilespmem:s12+$0x3820] =	vst.add.f32.msk $0xffff, v43  }
0x1e5: {  	[tilespmem:s12+$0x3830] =	vst.add.f32.msk $0xffff, v44  }
0x1e6: {  	[tilespmem:s12+$0x3840] =	vst.add.f32.msk $0xffff, v45  }
0x1e7: {  	[tilespmem:s12+$0x3850] =	vst.add.f32.msk $0xffff, v46  }
0x1e8: {  	[tilespmem:s12+$0x3860] =	vst.add.f32.msk $0xffff, v47  }
0x1e9: {  	[tilespmem:s12+$0x3870] =	vst.add.f32.msk $0xffff, v48  }
0x1ea: {  	[tilespmem:s12+$0x3C00] =	vst.add.f32.msk $0xffff, v49  }
0x1eb: {  	[tilespmem:s12+$0x3C10] =	vst.add.f32.msk $0xffff, v50  }
0x1ec: {  	[tilespmem:s12+$0x3C20] =	vst.add.f32.msk $0xffff, v51  }
0x1ed: {  	[tilespmem:s12+$0x3C30] =	vst.add.f32.msk $0xffff, v52  }
0x1ee: {  	[tilespmem:s12+$0x3C40] =	vst.add.f32.msk $0xffff, v53  }
0x1ef: {  	[tilespmem:s12+$0x3C50] =	vst.add.f32.msk $0xffff, v54  }
0x1f0: {  	[tilespmem:s12+$0x3C60] =	vst.add.f32.msk $0xffff, v55  }
0x1f1: {  	[tilespmem:s12+$0x3C70] =	vst.add.f32.msk $0xffff, v56  }
0x1f2: {  	[tilespmem:s12+$0x4000] =	vst.add.f32.msk $0xffff, v57  }
0x1f3: {  	[tilespmem:s12+$0x4010] =	vst.add.f32.msk $0xffff, v58  }
.Ltmp2:
0x1f4: {  	[tilespmem:s12+$0x4020] =	vst.add.f32.msk $0xffff, v59;
	(pc) =	sbr.rel @p0 .LBB2_7-.Ltmp2, $4  }
0x1f5: {  	[tilespmem:s12+$0x4030] =	vst.add.f32.msk $0xffff, v60  }
0x1f6: {  	[tilespmem:s12+$0x4040] =	vst.add.f32.msk $0xffff, v61  }
0x1f7: {  	[tilespmem:s12+$0x4050] =	vst.add.f32.msk $0xffff, v62  }
0x1f8: {  	[tilespmem:s12+$0x4060] =	vst.add.f32.msk $0xffff, v63;
	s12 =	sshra.s32 s7, $0x2;
	s7 =	sadd.s32 $0x200, s7  }
0x1f9: {  	v0 =	vld [tilespmem:s12+$0xC070]  }
0x1fa: {  	v2 =	vld [tilespmem:s12+$0xA400]  }
0x1fb: {  	v3 =	vld [tilespmem:s12+$0xA410]  }
0x1fc: {  	v4 =	vld [tilespmem:s12+$0xA420]  }
0x1fd: {  	v5 =	vld [tilespmem:s12+$0xA430]  }
0x1fe: {  	v6 =	vld [tilespmem:s12+$0xA450]  }
0x1ff: {  	v7 =	vld [tilespmem:s12+$0xA460]  }
0x200: {  	v8 =	vld [tilespmem:s12+$0xA470]  }
0x201: {  	v9 =	vld [tilespmem:s12+$0xA800]  }
0x202: {  	v10 =	vld [tilespmem:s12+$0xA810]  }
0x203: {  	v11 =	vld [tilespmem:s12+$0xA820]  }
0x204: {  	v12 =	vld [tilespmem:s12+$0xA830]  }
0x205: {  	v13 =	vld [tilespmem:s12+$0xA840]  }
0x206: {  	v14 =	vld [tilespmem:s12+$0xA850]  }
0x207: {  	v15 =	vld [tilespmem:s12+$0xA860]  }
0x208: {  	v16 =	vld [tilespmem:s12+$0xA870]  }
0x209: {  	v17 =	vld [tilespmem:s12+$0xAC00]  }
0x20a: {  	v18 =	vld [tilespmem:s12+$0xAC10]  }
0x20b: {  	v19 =	vld [tilespmem:s12+$0xAC20]  }
0x20c: {  	v20 =	vld [tilespmem:s12+$0xAC30]  }
0x20d: {  	v21 =	vld [tilespmem:s12+$0xAC40]  }
0x20e: {  	v22 =	vld [tilespmem:s12+$0xAC50]  }
0x20f: {  	v23 =	vld [tilespmem:s12+$0xAC60]  }
0x210: {  	v24 =	vld [tilespmem:s12+$0xAC70]  }
0x211: {  	v25 =	vld [tilespmem:s12+$0xB000]  }
0x212: {  	v26 =	vld [tilespmem:s12+$0xB010]  }
0x213: {  	v27 =	vld [tilespmem:s12+$0xB020]  }
0x214: {  	v28 =	vld [tilespmem:s12+$0xB030]  }
0x215: {  	v29 =	vld [tilespmem:s12+$0xB040]  }
0x216: {  	v30 =	vld [tilespmem:s12+$0xB050]  }
0x217: {  	v31 =	vld [tilespmem:s12+$0xB060]  }
0x218: {  	v32 =	vld [tilespmem:s12+$0xB070]  }
0x219: {  	v33 =	vld [tilespmem:s12+$0xB400]  }
0x21a: {  	v34 =	vld [tilespmem:s12+$0xB410]  }
0x21b: {  	v35 =	vld [tilespmem:s12+$0xB420]  }
0x21c: {  	v36 =	vld [tilespmem:s12+$0xB430]  }
0x21d: {  	v37 =	vld [tilespmem:s12+$0xB440]  }
0x21e: {  	v38 =	vld [tilespmem:s12+$0xB450]  }
0x21f: {  	v39 =	vld [tilespmem:s12+$0xB460]  }
0x220: {  	v40 =	vld [tilespmem:s12+$0xB470]  }
0x221: {  	v41 =	vld [tilespmem:s12+$0xB800]  }
0x222: {  	v42 =	vld [tilespmem:s12+$0xB810]  }
0x223: {  	v43 =	vld [tilespmem:s12+$0xB820]  }
0x224: {  	v44 =	vld [tilespmem:s12+$0xB830]  }
0x225: {  	v45 =	vld [tilespmem:s12+$0xB840]  }
0x226: {  	v46 =	vld [tilespmem:s12+$0xB850]  }
0x227: {  	v47 =	vld [tilespmem:s12+$0xB860]  }
0x228: {  	v48 =	vld [tilespmem:s12+$0xB870]  }
0x229: {  	v49 =	vld [tilespmem:s12+$0xBC00]  }
0x22a: {  	v50 =	vld [tilespmem:s12+$0xBC10]  }
0x22b: {  	v51 =	vld [tilespmem:s12+$0xBC20]  }
0x22c: {  	v52 =	vld [tilespmem:s12+$0xBC30]  }
0x22d: {  	v53 =	vld [tilespmem:s12+$0xBC40]  }
0x22e: {  	v54 =	vld [tilespmem:s12+$0xBC50]  }
0x22f: {  	v55 =	vld [tilespmem:s12+$0xBC60]  }
0x230: {  	v56 =	vld [tilespmem:s12+$0xBC70]  }
0x231: {  	v57 =	vld [tilespmem:s12+$0xC000]  }
0x232: {  	v58 =	vld [tilespmem:s12+$0xC010]  }
0x233: {  	v59 =	vld [tilespmem:s12+$0xC020]  }
0x234: {  	v60 =	vld [tilespmem:s12+$0xC030]  }
0x235: {  	v61 =	vld [tilespmem:s12+$0xC040]  }
0x236: {  	v62 =	vld [tilespmem:s12+$0xC050]  }
0x237: {  	v63 =	vld [tilespmem:s12+$0xC060]  }
0x238: {  	[tilespmem:s12+$0x4070] =	vst.add.f32.msk $0xffff, v0  }
0x239: {  	v0 =	vld [tilespmem:s12+$0xA440]  }
0x23a: {  	[tilespmem:s12+$0x2400] =	vst.add.f32.msk $0xffff, v2  }
0x23b: {  	[tilespmem:s12+$0x2410] =	vst.add.f32.msk $0xffff, v3  }
0x23c: {  	[tilespmem:s12+$0x2420] =	vst.add.f32.msk $0xffff, v4  }
0x23d: {  	[tilespmem:s12+$0x2430] =	vst.add.f32.msk $0xffff, v5  }
0x23e: {  	[tilespmem:s12+$0x2450] =	vst.add.f32.msk $0xffff, v6  }
0x23f: {  	[tilespmem:s12+$0x2460] =	vst.add.f32.msk $0xffff, v7  }
0x240: {  	[tilespmem:s12+$0x2470] =	vst.add.f32.msk $0xffff, v8  }
0x241: {  	[tilespmem:s12+$0x2800] =	vst.add.f32.msk $0xffff, v9  }
0x242: {  	[tilespmem:s12+$0x2810] =	vst.add.f32.msk $0xffff, v10  }
0x243: {  	[tilespmem:s12+$0x2820] =	vst.add.f32.msk $0xffff, v11  }
0x244: {  	[tilespmem:s12+$0x2830] =	vst.add.f32.msk $0xffff, v12  }
0x245: {  	[tilespmem:s12+$0x2840] =	vst.add.f32.msk $0xffff, v13  }
0x246: {  	[tilespmem:s12+$0x2850] =	vst.add.f32.msk $0xffff, v14  }
0x247: {  	[tilespmem:s12+$0x2860] =	vst.add.f32.msk $0xffff, v15  }
0x248: {  	[tilespmem:s12+$0x2870] =	vst.add.f32.msk $0xffff, v16  }
0x249: {  	[tilespmem:s12+$0x2C00] =	vst.add.f32.msk $0xffff, v17  }
0x24a: {  	[tilespmem:s12+$0x2C10] =	vst.add.f32.msk $0xffff, v18  }
0x24b: {  	[tilespmem:s12+$0x2C20] =	vst.add.f32.msk $0xffff, v19  }
0x24c: {  	[tilespmem:s12+$0x2C30] =	vst.add.f32.msk $0xffff, v20  }
0x24d: {  	[tilespmem:s12+$0x2C40] =	vst.add.f32.msk $0xffff, v21  }
0x24e: {  	[tilespmem:s12+$0x2C50] =	vst.add.f32.msk $0xffff, v22  }
0x24f: {  	[tilespmem:s12+$0x2C60] =	vst.add.f32.msk $0xffff, v23  }
0x250: {  	[tilespmem:s12+$0x2C70] =	vst.add.f32.msk $0xffff, v24  }
0x251: {  	[tilespmem:s12+$0x3000] =	vst.add.f32.msk $0xffff, v25  }
0x252: {  	[tilespmem:s12+$0x3010] =	vst.add.f32.msk $0xffff, v26  }
0x253: {  	[tilespmem:s12+$0x3020] =	vst.add.f32.msk $0xffff, v27  }
0x254: {  	[tilespmem:s12+$0x3030] =	vst.add.f32.msk $0xffff, v28  }
0x255: {  	[tilespmem:s12+$0x3040] =	vst.add.f32.msk $0xffff, v29  }
0x256: {  	[tilespmem:s12+$0x3050] =	vst.add.f32.msk $0xffff, v30  }
0x257: {  	[tilespmem:s12+$0x3060] =	vst.add.f32.msk $0xffff, v31  }
0x258: {  	[tilespmem:s12+$0x3070] =	vst.add.f32.msk $0xffff, v32  }
0x259: {  	[tilespmem:s12+$0x3400] =	vst.add.f32.msk $0xffff, v33  }
0x25a: {  	[tilespmem:s12+$0x3410] =	vst.add.f32.msk $0xffff, v34  }
0x25b: {  	[tilespmem:s12+$0x3420] =	vst.add.f32.msk $0xffff, v35  }
0x25c: {  	[tilespmem:s12+$0x3430] =	vst.add.f32.msk $0xffff, v36  }
0x25d: {  	[tilespmem:s12+$0x3440] =	vst.add.f32.msk $0xffff, v37  }
0x25e: {  	[tilespmem:s12+$0x3450] =	vst.add.f32.msk $0xffff, v38  }
0x25f: {  	[tilespmem:s12+$0x3460] =	vst.add.f32.msk $0xffff, v39  }
0x260: {  	[tilespmem:s12+$0x3470] =	vst.add.f32.msk $0xffff, v40  }
0x261: {  	[tilespmem:s12+$0x3800] =	vst.add.f32.msk $0xffff, v41  }
0x262: {  	[tilespmem:s12+$0x3810] =	vst.add.f32.msk $0xffff, v42  }
0x263: {  	[tilespmem:s12+$0x3820] =	vst.add.f32.msk $0xffff, v43  }
0x264: {  	[tilespmem:s12+$0x3830] =	vst.add.f32.msk $0xffff, v44  }
0x265: {  	[tilespmem:s12+$0x3840] =	vst.add.f32.msk $0xffff, v45  }
0x266: {  	[tilespmem:s12+$0x3850] =	vst.add.f32.msk $0xffff, v46  }
0x267: {  	[tilespmem:s12+$0x3860] =	vst.add.f32.msk $0xffff, v47  }
0x268: {  	[tilespmem:s12+$0x3870] =	vst.add.f32.msk $0xffff, v48  }
0x269: {  	[tilespmem:s12+$0x3C00] =	vst.add.f32.msk $0xffff, v49  }
0x26a: {  	[tilespmem:s12+$0x3C10] =	vst.add.f32.msk $0xffff, v50  }
0x26b: {  	[tilespmem:s12+$0x3C20] =	vst.add.f32.msk $0xffff, v51  }
0x26c: {  	[tilespmem:s12+$0x3C30] =	vst.add.f32.msk $0xffff, v52  }
0x26d: {  	[tilespmem:s12+$0x3C40] =	vst.add.f32.msk $0xffff, v53  }
0x26e: {  	[tilespmem:s12+$0x3C50] =	vst.add.f32.msk $0xffff, v54  }
0x26f: {  	[tilespmem:s12+$0x3C60] =	vst.add.f32.msk $0xffff, v55  }
0x270: {  	[tilespmem:s12+$0x3C70] =	vst.add.f32.msk $0xffff, v56  }
0x271: {  	[tilespmem:s12+$0x4000] =	vst.add.f32.msk $0xffff, v57  }
0x272: {  	[tilespmem:s12+$0x4010] =	vst.add.f32.msk $0xffff, v58  }
0x273: {  	[tilespmem:s12+$0x4020] =	vst.add.f32.msk $0xffff, v59  }
0x274: {  	s7 =	sshll.u32 s10, $0x5;
	[tilespmem:s12+$0x4030] =	vst.add.f32.msk $0xffff, v60  }
0x275: {  	s4 =	sadd.s32 s7, s5;
	[tilespmem:s12+$0x4040] =	vst.add.f32.msk $0xffff, v61  }
0x276: {  	s4 =	sshll.u32 s4, $0x7;
	[tilespmem:s12+$0x4050] =	vst.add.f32.msk $0xffff, v62  }
0x277: {  	s4 =	sadd.s32 s29, s4;
	[tilespmem:s12+$0x4060] =	vst.add.f32.msk $0xffff, v63  }
0x278: {  	p0 =	seq.s32 s10, $0x1F;
	s4 =	sadd.s32 $0x400, s4;
	[tilespmem:s12+$0x2440] =	vst.add.f32.msk $0xffff, v0  }
0x279: {  	[hbm4b:s4+s6] =	stream.linear.scatter [tilespmem:s26], [sflag:$0x6], $0x2000, $0x38;
	[tilespmem:$0x10400] =	vst v63  }
0x27a: {  	s4 =	simm.s32 @!p0 $0x5  }
0x27b: {  	_ =	swait.ge @!p0 [sflag:s4], $0x2000  }
0x27c: {  	[sflag:s4] =	ssyncset.done @!p0 $0x0  }
0x27d: {  	[sflag:s4] =	ssyncadd.s32 @!p0 $0xFFFFE000  }
0x27e: {  	v0 =	vld.msk @!p0 [tilespmem:s7+$0x20], $0xff;
	_ =	sdelay $0x4  }
0x27f: {  	v2 =	vshll.u32 @!p0 v0, $0x3  }
0x280: {  	v3 =	vlaneseq.u32 @!p0;
	v0 =	vand.u32 @!p0 $0x7, v0;
	v2 =	vand.u32 @!p0 $0xFFFFFFC0, v2  }
0x281: {  	v0 =	vor.u32 @!p0 v0, v2;
	v2 =	vand.u32 @!p0 $0x7, v3;
	v3 =	vshrl.u32 @!p0 v3, $0x3  }
0x282: {  	v0 =	vperm.xlane @!p0 v0, v2;
	v2 =	vmul.u32 @!p0 $0x8, v3;
	_ =	sdelay $0x1  }
0x283: {  	v0 =	vadd.s32 @!p0 v2, v0;
	_ =	sdelay $0x3  }
0x284: {  	vm1 =	vmmov @!p0 $0xffff;
	s12 =	simm.s32 @!p0 $0x8400;
	s4 =	simm.s32 @!p0 $0x0  }
0x285: {  	[tilespmem:s12], [sflag:$0x1] =	stream.indirect_vreg.gather @!p0 [hbm4b:s3+s4], $0x80, v0, vm1, $0xb8;
	[tilespmem:$0x10400] =	vst v63  }
0x286: {  	s12 =	simm.s32 @!p0 $0x8C00  }
0x287: {  	[tilespmem:s12], [sflag:$0x1] =	stream.indirect_vreg.gather @!p0 [hbm4b:s8+s4], $0x80, v0, vm1, $0xb8;
	[tilespmem:$0x10400] =	vst v63  }
0x288: {  	s12 =	simm.s32 @!p0 $0x9400  }
0x289: {  	[tilespmem:s12], [sflag:$0x1] =	stream.indirect_vreg.gather @!p0 [hbm4b:s9+s4], $0x80, v0, vm1, $0xb8;
	[tilespmem:$0x10400] =	vst v63  }
0x28a: {  	s12 =	sadd.s32 @!p0 $0x20, s7  }
0x28b: {  	s28 =	simm.s32 @!p0 $0x9C00;
	s12 =	sadd.s32 @!p0 s5, s12  }
0x28c: {  	[tilespmem:s28], [sflag:$0x1] =	stream.indirect_vreg.gather @!p0 [hbm4b:s11+s4], $0x80, v0, vm1, $0xb8;
	[tilespmem:$0x10400] =	vst v63  }
0x28d: {  	s12 =	sshll.u32 @!p0 s12, $0x7  }
0x28e: {  	s28 =	simm.s32 @!p0 $0x400;
	s12 =	sadd.s32 @!p0 s1, s12  }
0x28f: {  	[tilespmem:s28], [sflag:$0x1] =	stream.linear.gather @!p0 [hbm4b:s12+s4], $0x2000, $0x38;
	[tilespmem:$0x10400] =	vst v63  }
0x290: {  	_ =	swait.ge [sflag:s23], $0x2000  }
0x291: {  	[sflag:s23] =	ssyncset.done $0x0  }
0x292: {  	[sflag:s23] =	ssyncadd.s32 $0xFFFFE000  }
0x293: {  	_ =	swait.ge [sflag:s23], $0x2000  }
0x294: {  	[sflag:s23] =	ssyncset.done $0x0  }
0x295: {  	s12 =	simm.s32 $0x0;
	s4 =	simm.s32 $0x200;
	[sflag:s23] =	ssyncadd.s32 $0xFFFFE000  }
.LBB2_9:
0x296: {  	p1 =	sne.s32 s4, $0xE00;
	v0 =	vld [tilespmem:s12+$0xE070]  }
0x297: {  	v2 =	vld [tilespmem:s12+$0xC400]  }
0x298: {  	v3 =	vld [tilespmem:s12+$0xC410]  }
0x299: {  	v4 =	vld [tilespmem:s12+$0xC420]  }
0x29a: {  	v5 =	vld [tilespmem:s12+$0xC430]  }
0x29b: {  	[tilespmem:s12+$0x6070] =	vst.add.f32.msk $0xffff, v0  }
0x29c: {  	v0 =	vld [tilespmem:s12+$0xC440]  }
0x29d: {  	v6 =	vld [tilespmem:s12+$0xC450]  }
0x29e: {  	v7 =	vld [tilespmem:s12+$0xC460]  }
0x29f: {  	v8 =	vld [tilespmem:s12+$0xC470]  }
0x2a0: {  	v9 =	vld [tilespmem:s12+$0xC800]  }
0x2a1: {  	v10 =	vld [tilespmem:s12+$0xC810]  }
0x2a2: {  	v11 =	vld [tilespmem:s12+$0xC820]  }
0x2a3: {  	v12 =	vld [tilespmem:s12+$0xC830]  }
0x2a4: {  	v13 =	vld [tilespmem:s12+$0xC840]  }
0x2a5: {  	v14 =	vld [tilespmem:s12+$0xC850]  }
0x2a6: {  	v15 =	vld [tilespmem:s12+$0xC860]  }
0x2a7: {  	v16 =	vld [tilespmem:s12+$0xC870]  }
0x2a8: {  	v17 =	vld [tilespmem:s12+$0xCC00]  }
0x2a9: {  	v18 =	vld [tilespmem:s12+$0xCC10]  }
0x2aa: {  	v19 =	vld [tilespmem:s12+$0xCC20]  }
0x2ab: {  	v20 =	vld [tilespmem:s12+$0xCC30]  }
0x2ac: {  	v21 =	vld [tilespmem:s12+$0xCC40]  }
0x2ad: {  	v22 =	vld [tilespmem:s12+$0xCC50]  }
0x2ae: {  	v23 =	vld [tilespmem:s12+$0xCC60]  }
0x2af: {  	v24 =	vld [tilespmem:s12+$0xCC70]  }
0x2b0: {  	v25 =	vld [tilespmem:s12+$0xD000]  }
0x2b1: {  	v26 =	vld [tilespmem:s12+$0xD010]  }
0x2b2: {  	v27 =	vld [tilespmem:s12+$0xD020]  }
0x2b3: {  	v28 =	vld [tilespmem:s12+$0xD030]  }
0x2b4: {  	v29 =	vld [tilespmem:s12+$0xD040]  }
0x2b5: {  	v30 =	vld [tilespmem:s12+$0xD050]  }
0x2b6: {  	v31 =	vld [tilespmem:s12+$0xD060]  }
0x2b7: {  	v32 =	vld [tilespmem:s12+$0xD070]  }
0x2b8: {  	v33 =	vld [tilespmem:s12+$0xD400]  }
0x2b9: {  	v34 =	vld [tilespmem:s12+$0xD410]  }
0x2ba: {  	v35 =	vld [tilespmem:s12+$0xD420]  }
0x2bb: {  	v36 =	vld [tilespmem:s12+$0xD430]  }
0x2bc: {  	v37 =	vld [tilespmem:s12+$0xD440]  }
0x2bd: {  	v38 =	vld [tilespmem:s12+$0xD450]  }
0x2be: {  	v39 =	vld [tilespmem:s12+$0xD460]  }
0x2bf: {  	v40 =	vld [tilespmem:s12+$0xD470]  }
0x2c0: {  	v41 =	vld [tilespmem:s12+$0xD800]  }
0x2c1: {  	v42 =	vld [tilespmem:s12+$0xD810]  }
0x2c2: {  	v43 =	vld [tilespmem:s12+$0xD820]  }
0x2c3: {  	v44 =	vld [tilespmem:s12+$0xD830]  }
0x2c4: {  	v45 =	vld [tilespmem:s12+$0xD840]  }
0x2c5: {  	v46 =	vld [tilespmem:s12+$0xD850]  }
0x2c6: {  	v47 =	vld [tilespmem:s12+$0xD860]  }
0x2c7: {  	v48 =	vld [tilespmem:s12+$0xD870]  }
0x2c8: {  	v49 =	vld [tilespmem:s12+$0xDC00]  }
0x2c9: {  	v50 =	vld [tilespmem:s12+$0xDC10]  }
0x2ca: {  	v51 =	vld [tilespmem:s12+$0xDC20]  }
0x2cb: {  	v52 =	vld [tilespmem:s12+$0xDC30]  }
0x2cc: {  	v53 =	vld [tilespmem:s12+$0xDC40]  }
0x2cd: {  	v54 =	vld [tilespmem:s12+$0xDC50]  }
0x2ce: {  	v55 =	vld [tilespmem:s12+$0xDC60]  }
0x2cf: {  	v56 =	vld [tilespmem:s12+$0xDC70]  }
0x2d0: {  	v57 =	vld [tilespmem:s12+$0xE000]  }
0x2d1: {  	v58 =	vld [tilespmem:s12+$0xE010]  }
0x2d2: {  	v59 =	vld [tilespmem:s12+$0xE020]  }
0x2d3: {  	v60 =	vld [tilespmem:s12+$0xE030]  }
0x2d4: {  	v61 =	vld [tilespmem:s12+$0xE040]  }
0x2d5: {  	v62 =	vld [tilespmem:s12+$0xE050]  }
0x2d6: {  	v63 =	vld [tilespmem:s12+$0xE060]  }
0x2d7: {  	[tilespmem:s12+$0x4400] =	vst.add.f32.msk $0xffff, v2  }
0x2d8: {  	[tilespmem:s12+$0x4410] =	vst.add.f32.msk $0xffff, v3  }
0x2d9: {  	[tilespmem:s12+$0x4420] =	vst.add.f32.msk $0xffff, v4  }
0x2da: {  	[tilespmem:s12+$0x4430] =	vst.add.f32.msk $0xffff, v5  }
0x2db: {  	[tilespmem:s12+$0x4440] =	vst.add.f32.msk $0xffff, v0  }
0x2dc: {  	[tilespmem:s12+$0x4450] =	vst.add.f32.msk $0xffff, v6  }
0x2dd: {  	[tilespmem:s12+$0x4460] =	vst.add.f32.msk $0xffff, v7  }
0x2de: {  	[tilespmem:s12+$0x4470] =	vst.add.f32.msk $0xffff, v8  }
0x2df: {  	[tilespmem:s12+$0x4800] =	vst.add.f32.msk $0xffff, v9  }
0x2e0: {  	[tilespmem:s12+$0x4810] =	vst.add.f32.msk $0xffff, v10  }
0x2e1: {  	[tilespmem:s12+$0x4820] =	vst.add.f32.msk $0xffff, v11  }
0x2e2: {  	[tilespmem:s12+$0x4830] =	vst.add.f32.msk $0xffff, v12  }
0x2e3: {  	[tilespmem:s12+$0x4840] =	vst.add.f32.msk $0xffff, v13  }
0x2e4: {  	[tilespmem:s12+$0x4850] =	vst.add.f32.msk $0xffff, v14  }
0x2e5: {  	[tilespmem:s12+$0x4860] =	vst.add.f32.msk $0xffff, v15  }
0x2e6: {  	[tilespmem:s12+$0x4870] =	vst.add.f32.msk $0xffff, v16  }
0x2e7: {  	[tilespmem:s12+$0x4C00] =	vst.add.f32.msk $0xffff, v17  }
0x2e8: {  	[tilespmem:s12+$0x4C10] =	vst.add.f32.msk $0xffff, v18  }
0x2e9: {  	[tilespmem:s12+$0x4C20] =	vst.add.f32.msk $0xffff, v19  }
0x2ea: {  	[tilespmem:s12+$0x4C30] =	vst.add.f32.msk $0xffff, v20  }
0x2eb: {  	[tilespmem:s12+$0x4C40] =	vst.add.f32.msk $0xffff, v21  }
0x2ec: {  	[tilespmem:s12+$0x4C50] =	vst.add.f32.msk $0xffff, v22  }
0x2ed: {  	[tilespmem:s12+$0x4C60] =	vst.add.f32.msk $0xffff, v23  }
0x2ee: {  	[tilespmem:s12+$0x4C70] =	vst.add.f32.msk $0xffff, v24  }
0x2ef: {  	[tilespmem:s12+$0x5000] =	vst.add.f32.msk $0xffff, v25  }
0x2f0: {  	[tilespmem:s12+$0x5010] =	vst.add.f32.msk $0xffff, v26  }
0x2f1: {  	[tilespmem:s12+$0x5020] =	vst.add.f32.msk $0xffff, v27  }
0x2f2: {  	[tilespmem:s12+$0x5030] =	vst.add.f32.msk $0xffff, v28  }
0x2f3: {  	[tilespmem:s12+$0x5040] =	vst.add.f32.msk $0xffff, v29  }
0x2f4: {  	[tilespmem:s12+$0x5050] =	vst.add.f32.msk $0xffff, v30  }
0x2f5: {  	[tilespmem:s12+$0x5060] =	vst.add.f32.msk $0xffff, v31  }
0x2f6: {  	[tilespmem:s12+$0x5070] =	vst.add.f32.msk $0xffff, v32  }
0x2f7: {  	[tilespmem:s12+$0x5400] =	vst.add.f32.msk $0xffff, v33  }
0x2f8: {  	[tilespmem:s12+$0x5410] =	vst.add.f32.msk $0xffff, v34  }
0x2f9: {  	[tilespmem:s12+$0x5420] =	vst.add.f32.msk $0xffff, v35  }
0x2fa: {  	[tilespmem:s12+$0x5430] =	vst.add.f32.msk $0xffff, v36  }
0x2fb: {  	[tilespmem:s12+$0x5440] =	vst.add.f32.msk $0xffff, v37  }
0x2fc: {  	[tilespmem:s12+$0x5450] =	vst.add.f32.msk $0xffff, v38  }
0x2fd: {  	[tilespmem:s12+$0x5460] =	vst.add.f32.msk $0xffff, v39  }
0x2fe: {  	[tilespmem:s12+$0x5470] =	vst.add.f32.msk $0xffff, v40  }
0x2ff: {  	[tilespmem:s12+$0x5800] =	vst.add.f32.msk $0xffff, v41  }
0x300: {  	[tilespmem:s12+$0x5810] =	vst.add.f32.msk $0xffff, v42  }
0x301: {  	[tilespmem:s12+$0x5820] =	vst.add.f32.msk $0xffff, v43  }
0x302: {  	[tilespmem:s12+$0x5830] =	vst.add.f32.msk $0xffff, v44  }
0x303: {  	[tilespmem:s12+$0x5840] =	vst.add.f32.msk $0xffff, v45  }
0x304: {  	[tilespmem:s12+$0x5850] =	vst.add.f32.msk $0xffff, v46  }
0x305: {  	[tilespmem:s12+$0x5860] =	vst.add.f32.msk $0xffff, v47  }
0x306: {  	[tilespmem:s12+$0x5870] =	vst.add.f32.msk $0xffff, v48  }
0x307: {  	[tilespmem:s12+$0x5C00] =	vst.add.f32.msk $0xffff, v49  }
0x308: {  	[tilespmem:s12+$0x5C10] =	vst.add.f32.msk $0xffff, v50  }
0x309: {  	[tilespmem:s12+$0x5C20] =	vst.add.f32.msk $0xffff, v51  }
0x30a: {  	[tilespmem:s12+$0x5C30] =	vst.add.f32.msk $0xffff, v52  }
0x30b: {  	[tilespmem:s12+$0x5C40] =	vst.add.f32.msk $0xffff, v53  }
0x30c: {  	[tilespmem:s12+$0x5C50] =	vst.add.f32.msk $0xffff, v54  }
0x30d: {  	[tilespmem:s12+$0x5C60] =	vst.add.f32.msk $0xffff, v55  }
0x30e: {  	[tilespmem:s12+$0x5C70] =	vst.add.f32.msk $0xffff, v56  }
0x30f: {  	[tilespmem:s12+$0x6000] =	vst.add.f32.msk $0xffff, v57  }
0x310: {  	[tilespmem:s12+$0x6010] =	vst.add.f32.msk $0xffff, v58  }
.Ltmp3:
0x311: {  	[tilespmem:s12+$0x6020] =	vst.add.f32.msk $0xffff, v59;
	(pc) =	sbr.rel @p1 .LBB2_9-.Ltmp3, $4  }
0x312: {  	[tilespmem:s12+$0x6030] =	vst.add.f32.msk $0xffff, v60  }
0x313: {  	[tilespmem:s12+$0x6040] =	vst.add.f32.msk $0xffff, v61  }
0x314: {  	[tilespmem:s12+$0x6050] =	vst.add.f32.msk $0xffff, v62  }
0x315: {  	[tilespmem:s12+$0x6060] =	vst.add.f32.msk $0xffff, v63;
	s12 =	sshra.s32 s4, $0x2;
	s4 =	sadd.s32 $0x200, s4  }
0x316: {  	v0 =	vld [tilespmem:s12+$0xE070]  }
0x317: {  	v2 =	vld [tilespmem:s12+$0xC400]  }
0x318: {  	v3 =	vld [tilespmem:s12+$0xC410]  }
0x319: {  	v4 =	vld [tilespmem:s12+$0xC420]  }
0x31a: {  	v5 =	vld [tilespmem:s12+$0xC430]  }
0x31b: {  	v6 =	vld [tilespmem:s12+$0xC450]  }
0x31c: {  	v7 =	vld [tilespmem:s12+$0xC460]  }
0x31d: {  	v8 =	vld [tilespmem:s12+$0xC470]  }
0x31e: {  	v9 =	vld [tilespmem:s12+$0xC800]  }
0x31f: {  	v10 =	vld [tilespmem:s12+$0xC810]  }
0x320: {  	v11 =	vld [tilespmem:s12+$0xC820]  }
0x321: {  	v12 =	vld [tilespmem:s12+$0xC830]  }
0x322: {  	v13 =	vld [tilespmem:s12+$0xC840]  }
0x323: {  	v14 =	vld [tilespmem:s12+$0xC850]  }
0x324: {  	v15 =	vld [tilespmem:s12+$0xC860]  }
0x325: {  	v16 =	vld [tilespmem:s12+$0xC870]  }
0x326: {  	v17 =	vld [tilespmem:s12+$0xCC00]  }
0x327: {  	v18 =	vld [tilespmem:s12+$0xCC10]  }
0x328: {  	v19 =	vld [tilespmem:s12+$0xCC20]  }
0x329: {  	v20 =	vld [tilespmem:s12+$0xCC30]  }
0x32a: {  	v21 =	vld [tilespmem:s12+$0xCC40]  }
0x32b: {  	v22 =	vld [tilespmem:s12+$0xCC50]  }
0x32c: {  	v23 =	vld [tilespmem:s12+$0xCC60]  }
0x32d: {  	v24 =	vld [tilespmem:s12+$0xCC70]  }
0x32e: {  	v25 =	vld [tilespmem:s12+$0xD000]  }
0x32f: {  	v26 =	vld [tilespmem:s12+$0xD010]  }
0x330: {  	v27 =	vld [tilespmem:s12+$0xD020]  }
0x331: {  	v28 =	vld [tilespmem:s12+$0xD030]  }
0x332: {  	v29 =	vld [tilespmem:s12+$0xD040]  }
0x333: {  	v30 =	vld [tilespmem:s12+$0xD050]  }
0x334: {  	v31 =	vld [tilespmem:s12+$0xD060]  }
0x335: {  	v32 =	vld [tilespmem:s12+$0xD070]  }
0x336: {  	v33 =	vld [tilespmem:s12+$0xD400]  }
0x337: {  	v34 =	vld [tilespmem:s12+$0xD410]  }
0x338: {  	v35 =	vld [tilespmem:s12+$0xD420]  }
0x339: {  	v36 =	vld [tilespmem:s12+$0xD430]  }
0x33a: {  	v37 =	vld [tilespmem:s12+$0xD440]  }
0x33b: {  	v38 =	vld [tilespmem:s12+$0xD450]  }
0x33c: {  	v39 =	vld [tilespmem:s12+$0xD460]  }
0x33d: {  	v40 =	vld [tilespmem:s12+$0xD470]  }
0x33e: {  	v41 =	vld [tilespmem:s12+$0xD800]  }
0x33f: {  	v42 =	vld [tilespmem:s12+$0xD810]  }
0x340: {  	v43 =	vld [tilespmem:s12+$0xD820]  }
0x341: {  	v44 =	vld [tilespmem:s12+$0xD830]  }
0x342: {  	v45 =	vld [tilespmem:s12+$0xD840]  }
0x343: {  	v46 =	vld [tilespmem:s12+$0xD850]  }
0x344: {  	v47 =	vld [tilespmem:s12+$0xD860]  }
0x345: {  	v48 =	vld [tilespmem:s12+$0xD870]  }
0x346: {  	v49 =	vld [tilespmem:s12+$0xDC00]  }
0x347: {  	v50 =	vld [tilespmem:s12+$0xDC10]  }
0x348: {  	v51 =	vld [tilespmem:s12+$0xDC20]  }
0x349: {  	v52 =	vld [tilespmem:s12+$0xDC30]  }
0x34a: {  	v53 =	vld [tilespmem:s12+$0xDC40]  }
0x34b: {  	v54 =	vld [tilespmem:s12+$0xDC50]  }
0x34c: {  	v55 =	vld [tilespmem:s12+$0xDC60]  }
0x34d: {  	v56 =	vld [tilespmem:s12+$0xDC70]  }
0x34e: {  	v57 =	vld [tilespmem:s12+$0xE000]  }
0x34f: {  	v58 =	vld [tilespmem:s12+$0xE010]  }
0x350: {  	v59 =	vld [tilespmem:s12+$0xE020]  }
0x351: {  	v60 =	vld [tilespmem:s12+$0xE030]  }
0x352: {  	v61 =	vld [tilespmem:s12+$0xE040]  }
0x353: {  	v62 =	vld [tilespmem:s12+$0xE050]  }
0x354: {  	v63 =	vld [tilespmem:s12+$0xE060]  }
0x355: {  	[tilespmem:s12+$0x6070] =	vst.add.f32.msk $0xffff, v0  }
0x356: {  	v0 =	vld [tilespmem:s12+$0xC440]  }
0x357: {  	[tilespmem:s12+$0x4400] =	vst.add.f32.msk $0xffff, v2  }
0x358: {  	[tilespmem:s12+$0x4410] =	vst.add.f32.msk $0xffff, v3  }
0x359: {  	[tilespmem:s12+$0x4420] =	vst.add.f32.msk $0xffff, v4  }
0x35a: {  	[tilespmem:s12+$0x4430] =	vst.add.f32.msk $0xffff, v5  }
0x35b: {  	[tilespmem:s12+$0x4450] =	vst.add.f32.msk $0xffff, v6  }
0x35c: {  	[tilespmem:s12+$0x4460] =	vst.add.f32.msk $0xffff, v7  }
0x35d: {  	[tilespmem:s12+$0x4470] =	vst.add.f32.msk $0xffff, v8  }
0x35e: {  	[tilespmem:s12+$0x4800] =	vst.add.f32.msk $0xffff, v9  }
0x35f: {  	[tilespmem:s12+$0x4810] =	vst.add.f32.msk $0xffff, v10  }
0x360: {  	[tilespmem:s12+$0x4820] =	vst.add.f32.msk $0xffff, v11  }
0x361: {  	[tilespmem:s12+$0x4830] =	vst.add.f32.msk $0xffff, v12  }
0x362: {  	[tilespmem:s12+$0x4840] =	vst.add.f32.msk $0xffff, v13  }
0x363: {  	[tilespmem:s12+$0x4850] =	vst.add.f32.msk $0xffff, v14  }
0x364: {  	[tilespmem:s12+$0x4860] =	vst.add.f32.msk $0xffff, v15  }
0x365: {  	[tilespmem:s12+$0x4870] =	vst.add.f32.msk $0xffff, v16  }
0x366: {  	[tilespmem:s12+$0x4C00] =	vst.add.f32.msk $0xffff, v17  }
0x367: {  	[tilespmem:s12+$0x4C10] =	vst.add.f32.msk $0xffff, v18  }
0x368: {  	[tilespmem:s12+$0x4C20] =	vst.add.f32.msk $0xffff, v19  }
0x369: {  	[tilespmem:s12+$0x4C30] =	vst.add.f32.msk $0xffff, v20  }
0x36a: {  	[tilespmem:s12+$0x4C40] =	vst.add.f32.msk $0xffff, v21  }
0x36b: {  	[tilespmem:s12+$0x4C50] =	vst.add.f32.msk $0xffff, v22  }
0x36c: {  	[tilespmem:s12+$0x4C60] =	vst.add.f32.msk $0xffff, v23  }
0x36d: {  	[tilespmem:s12+$0x4C70] =	vst.add.f32.msk $0xffff, v24  }
0x36e: {  	[tilespmem:s12+$0x5000] =	vst.add.f32.msk $0xffff, v25  }
0x36f: {  	[tilespmem:s12+$0x5010] =	vst.add.f32.msk $0xffff, v26  }
0x370: {  	[tilespmem:s12+$0x5020] =	vst.add.f32.msk $0xffff, v27  }
0x371: {  	[tilespmem:s12+$0x5030] =	vst.add.f32.msk $0xffff, v28  }
0x372: {  	[tilespmem:s12+$0x5040] =	vst.add.f32.msk $0xffff, v29  }
0x373: {  	[tilespmem:s12+$0x5050] =	vst.add.f32.msk $0xffff, v30  }
0x374: {  	[tilespmem:s12+$0x5060] =	vst.add.f32.msk $0xffff, v31  }
0x375: {  	[tilespmem:s12+$0x5070] =	vst.add.f32.msk $0xffff, v32  }
0x376: {  	[tilespmem:s12+$0x5400] =	vst.add.f32.msk $0xffff, v33  }
0x377: {  	[tilespmem:s12+$0x5410] =	vst.add.f32.msk $0xffff, v34  }
0x378: {  	[tilespmem:s12+$0x5420] =	vst.add.f32.msk $0xffff, v35  }
0x379: {  	[tilespmem:s12+$0x5430] =	vst.add.f32.msk $0xffff, v36  }
0x37a: {  	[tilespmem:s12+$0x5440] =	vst.add.f32.msk $0xffff, v37  }
0x37b: {  	[tilespmem:s12+$0x5450] =	vst.add.f32.msk $0xffff, v38  }
0x37c: {  	[tilespmem:s12+$0x5460] =	vst.add.f32.msk $0xffff, v39  }
0x37d: {  	[tilespmem:s12+$0x5470] =	vst.add.f32.msk $0xffff, v40  }
0x37e: {  	[tilespmem:s12+$0x5800] =	vst.add.f32.msk $0xffff, v41  }
0x37f: {  	[tilespmem:s12+$0x5810] =	vst.add.f32.msk $0xffff, v42  }
0x380: {  	[tilespmem:s12+$0x5820] =	vst.add.f32.msk $0xffff, v43  }
0x381: {  	[tilespmem:s12+$0x5830] =	vst.add.f32.msk $0xffff, v44  }
0x382: {  	[tilespmem:s12+$0x5840] =	vst.add.f32.msk $0xffff, v45  }
0x383: {  	[tilespmem:s12+$0x5850] =	vst.add.f32.msk $0xffff, v46  }
0x384: {  	[tilespmem:s12+$0x5860] =	vst.add.f32.msk $0xffff, v47  }
0x385: {  	[tilespmem:s12+$0x5870] =	vst.add.f32.msk $0xffff, v48  }
0x386: {  	[tilespmem:s12+$0x5C00] =	vst.add.f32.msk $0xffff, v49  }
0x387: {  	[tilespmem:s12+$0x5C10] =	vst.add.f32.msk $0xffff, v50  }
0x388: {  	[tilespmem:s12+$0x5C20] =	vst.add.f32.msk $0xffff, v51  }
0x389: {  	[tilespmem:s12+$0x5C30] =	vst.add.f32.msk $0xffff, v52  }
0x38a: {  	[tilespmem:s12+$0x5C40] =	vst.add.f32.msk $0xffff, v53  }
0x38b: {  	[tilespmem:s12+$0x5C50] =	vst.add.f32.msk $0xffff, v54  }
0x38c: {  	[tilespmem:s12+$0x5C60] =	vst.add.f32.msk $0xffff, v55  }
0x38d: {  	[tilespmem:s12+$0x5C70] =	vst.add.f32.msk $0xffff, v56  }
0x38e: {  	[tilespmem:s12+$0x6000] =	vst.add.f32.msk $0xffff, v57  }
0x38f: {  	[tilespmem:s12+$0x6010] =	vst.add.f32.msk $0xffff, v58  }
0x390: {  	[tilespmem:s12+$0x6020] =	vst.add.f32.msk $0xffff, v59  }
0x391: {  	[tilespmem:s12+$0x6030] =	vst.add.f32.msk $0xffff, v60  }
0x392: {  	[tilespmem:s12+$0x6040] =	vst.add.f32.msk $0xffff, v61  }
0x393: {  	[tilespmem:s12+$0x6050] =	vst.add.f32.msk $0xffff, v62  }
0x394: {  	s4 =	sshll.u32 s25, $0xA;
	[tilespmem:s12+$0x6060] =	vst.add.f32.msk $0xffff, v63  }
0x395: {  	s4 =	sadd.s32 s4, s13;
	[tilespmem:s12+$0x4440] =	vst.add.f32.msk $0xffff, v0  }
0x396: {  	[hbm4b:s4+s6] =	stream.linear.scatter [tilespmem:s2], [sflag:$0x7], $0x2000, $0x38;
	[tilespmem:$0x10400] =	vst v63  }
0x397: {  	s4 =	simm.s32 @!p0 $0x6  }
0x398: {  	_ =	swait.ge @!p0 [sflag:s4], $0x2000  }
0x399: {  	[sflag:s4] =	ssyncset.done @!p0 $0x0  }
0x39a: {  	[sflag:s4] =	ssyncadd.s32 @!p0 $0xFFFFE000  }
0x39b: {  	v0 =	vld.msk @!p0 [tilespmem:s7+$0x28], $0xff;
	_ =	sdelay $0x4  }
0x39c: {  	v2 =	vshll.u32 @!p0 v0, $0x3  }
0x39d: {  	v3 =	vlaneseq.u32 @!p0;
	v0 =	vand.u32 @!p0 $0x7, v0;
	v2 =	vand.u32 @!p0 $0xFFFFFFC0, v2  }
0x39e: {  	v0 =	vor.u32 @!p0 v0, v2;
	v2 =	vand.u32 @!p0 $0x7, v3;
	v3 =	vshrl.u32 @!p0 v3, $0x3  }
0x39f: {  	v0 =	vperm.xlane @!p0 v0, v2;
	v2 =	vmul.u32 @!p0 $0x8, v3;
	_ =	sdelay $0x1  }
0x3a0: {  	v0 =	vadd.s32 @!p0 v2, v0;
	_ =	sdelay $0x3  }
0x3a1: {  	s12 =	simm.s32 @!p0 $0xA400;
	s4 =	simm.s32 @!p0 $0x0  }
0x3a2: {  	[tilespmem:s12], [sflag:$0x2] =	stream.indirect_vreg.gather @!p0 [hbm4b:s3+s4], $0x80, v0, vm1, $0xb8;
	[tilespmem:$0x10400] =	vst v63  }
0x3a3: {  	s7 =	sadd.s32 @!p0 $0x28, s7;
	s12 =	simm.s32 @!p0 $0xAC00  }
0x3a4: {  	[tilespmem:s12], [sflag:$0x2] =	stream.indirect_vreg.gather @!p0 [hbm4b:s8+s4], $0x80, v0, vm1, $0xb8;
	[tilespmem:$0x10400] =	vst v63  }
0x3a5: {  	s7 =	sadd.s32 @!p0 s5, s7;
	s12 =	simm.s32 @!p0 $0xB400  }
0x3a6: {  	[tilespmem:s12], [sflag:$0x2] =	stream.indirect_vreg.gather @!p0 [hbm4b:s9+s4], $0x80, v0, vm1, $0xb8;
	[tilespmem:$0x10400] =	vst v63  }
0x3a7: {  	s7 =	sshll.u32 @!p0 s7, $0x7;
	s12 =	simm.s32 @!p0 $0xBC00  }
0x3a8: {  	[tilespmem:s12], [sflag:$0x2] =	stream.indirect_vreg.gather @!p0 [hbm4b:s11+s4], $0x80, v0, vm1, $0xb8;
	[tilespmem:$0x10400] =	vst v63  }
0x3a9: {  	s7 =	sadd.s32 @!p0 s1, s7;
	s12 =	simm.s32 @!p0 $0x2400  }
0x3aa: {  	[tilespmem:s12], [sflag:$0x2] =	stream.linear.gather @!p0 [hbm4b:s7+s4], $0x2000, $0x38;
	[tilespmem:$0x10400] =	vst v63  }
0x3ab: {  	_ =	swait.ge [sflag:s24], $0x2000  }
0x3ac: {  	[sflag:s24] =	ssyncset.done $0x0  }
0x3ad: {  	[sflag:s24] =	ssyncadd.s32 $0xFFFFE000  }
0x3ae: {  	_ =	swait.ge [sflag:s24], $0x2000  }
0x3af: {  	[sflag:s24] =	ssyncset.done $0x0  }
0x3b0: {  	s7 =	simm.s32 $0x0;
	s4 =	simm.s32 $0x200;
	[sflag:s24] =	ssyncadd.s32 $0xFFFFE000  }
.LBB2_11:
0x3b1: {  	p0 =	sne.s32 s4, $0xE00;
	v0 =	vld [tilespmem:s7+$0x10070]  }
0x3b2: {  	v2 =	vld [tilespmem:s7+$0xE400]  }
0x3b3: {  	v3 =	vld [tilespmem:s7+$0xE410]  }
0x3b4: {  	v4 =	vld [tilespmem:s7+$0xE420]  }
0x3b5: {  	v5 =	vld [tilespmem:s7+$0xE430]  }
0x3b6: {  	[tilespmem:s7+$0x8070] =	vst.add.f32.msk $0xffff, v0  }
0x3b7: {  	v0 =	vld [tilespmem:s7+$0xE440]  }
0x3b8: {  	v6 =	vld [tilespmem:s7+$0xE450]  }
0x3b9: {  	v7 =	vld [tilespmem:s7+$0xE460]  }
0x3ba: {  	v8 =	vld [tilespmem:s7+$0xE470]  }
0x3bb: {  	v9 =	vld [tilespmem:s7+$0xE800]  }
0x3bc: {  	v10 =	vld [tilespmem:s7+$0xE810]  }
0x3bd: {  	v11 =	vld [tilespmem:s7+$0xE820]  }
0x3be: {  	v12 =	vld [tilespmem:s7+$0xE830]  }
0x3bf: {  	v13 =	vld [tilespmem:s7+$0xE840]  }
0x3c0: {  	v14 =	vld [tilespmem:s7+$0xE850]  }
0x3c1: {  	v15 =	vld [tilespmem:s7+$0xE860]  }
0x3c2: {  	v16 =	vld [tilespmem:s7+$0xE870]  }
0x3c3: {  	v17 =	vld [tilespmem:s7+$0xEC00]  }
0x3c4: {  	v18 =	vld [tilespmem:s7+$0xEC10]  }
0x3c5: {  	v19 =	vld [tilespmem:s7+$0xEC20]  }
0x3c6: {  	v20 =	vld [tilespmem:s7+$0xEC30]  }
0x3c7: {  	v21 =	vld [tilespmem:s7+$0xEC40]  }
0x3c8: {  	v22 =	vld [tilespmem:s7+$0xEC50]  }
0x3c9: {  	v23 =	vld [tilespmem:s7+$0xEC60]  }
0x3ca: {  	v24 =	vld [tilespmem:s7+$0xEC70]  }
0x3cb: {  	v25 =	vld [tilespmem:s7+$0xF000]  }
0x3cc: {  	v26 =	vld [tilespmem:s7+$0xF010]  }
0x3cd: {  	v27 =	vld [tilespmem:s7+$0xF020]  }
0x3ce: {  	v28 =	vld [tilespmem:s7+$0xF030]  }
0x3cf: {  	v29 =	vld [tilespmem:s7+$0xF040]  }
0x3d0: {  	v30 =	vld [tilespmem:s7+$0xF050]  }
0x3d1: {  	v31 =	vld [tilespmem:s7+$0xF060]  }
0x3d2: {  	v32 =	vld [tilespmem:s7+$0xF070]  }
0x3d3: {  	v33 =	vld [tilespmem:s7+$0xF400]  }
0x3d4: {  	v34 =	vld [tilespmem:s7+$0xF410]  }
0x3d5: {  	v35 =	vld [tilespmem:s7+$0xF420]  }
0x3d6: {  	v36 =	vld [tilespmem:s7+$0xF430]  }
0x3d7: {  	v37 =	vld [tilespmem:s7+$0xF440]  }
0x3d8: {  	v38 =	vld [tilespmem:s7+$0xF450]  }
0x3d9: {  	v39 =	vld [tilespmem:s7+$0xF460]  }
0x3da: {  	v40 =	vld [tilespmem:s7+$0xF470]  }
0x3db: {  	v41 =	vld [tilespmem:s7+$0xF800]  }
0x3dc: {  	v42 =	vld [tilespmem:s7+$0xF810]  }
0x3dd: {  	v43 =	vld [tilespmem:s7+$0xF820]  }
0x3de: {  	v44 =	vld [tilespmem:s7+$0xF830]  }
0x3df: {  	v45 =	vld [tilespmem:s7+$0xF840]  }
0x3e0: {  	v46 =	vld [tilespmem:s7+$0xF850]  }
0x3e1: {  	v47 =	vld [tilespmem:s7+$0xF860]  }
0x3e2: {  	v48 =	vld [tilespmem:s7+$0xF870]  }
0x3e3: {  	v49 =	vld [tilespmem:s7+$0xFC00]  }
0x3e4: {  	v50 =	vld [tilespmem:s7+$0xFC10]  }
0x3e5: {  	v51 =	vld [tilespmem:s7+$0xFC20]  }
0x3e6: {  	v52 =	vld [tilespmem:s7+$0xFC30]  }
0x3e7: {  	v53 =	vld [tilespmem:s7+$0xFC40]  }
0x3e8: {  	v54 =	vld [tilespmem:s7+$0xFC50]  }
0x3e9: {  	v55 =	vld [tilespmem:s7+$0xFC60]  }
0x3ea: {  	v56 =	vld [tilespmem:s7+$0xFC70]  }
0x3eb: {  	v57 =	vld [tilespmem:s7+$0x10000]  }
0x3ec: {  	v58 =	vld [tilespmem:s7+$0x10010]  }
0x3ed: {  	v59 =	vld [tilespmem:s7+$0x10020]  }
0x3ee: {  	v60 =	vld [tilespmem:s7+$0x10030]  }
0x3ef: {  	v61 =	vld [tilespmem:s7+$0x10040]  }
0x3f0: {  	v62 =	vld [tilespmem:s7+$0x10050]  }
0x3f1: {  	v63 =	vld [tilespmem:s7+$0x10060]  }
0x3f2: {  	[tilespmem:s7+$0x6400] =	vst.add.f32.msk $0xffff, v2  }
0x3f3: {  	[tilespmem:s7+$0x6410] =	vst.add.f32.msk $0xffff, v3  }
0x3f4: {  	[tilespmem:s7+$0x6420] =	vst.add.f32.msk $0xffff, v4  }
0x3f5: {  	[tilespmem:s7+$0x6430] =	vst.add.f32.msk $0xffff, v5  }
0x3f6: {  	[tilespmem:s7+$0x6440] =	vst.add.f32.msk $0xffff, v0  }
0x3f7: {  	[tilespmem:s7+$0x6450] =	vst.add.f32.msk $0xffff, v6  }
0x3f8: {  	[tilespmem:s7+$0x6460] =	vst.add.f32.msk $0xffff, v7  }
0x3f9: {  	[tilespmem:s7+$0x6470] =	vst.add.f32.msk $0xffff, v8  }
0x3fa: {  	[tilespmem:s7+$0x6800] =	vst.add.f32.msk $0xffff, v9  }
0x3fb: {  	[tilespmem:s7+$0x6810] =	vst.add.f32.msk $0xffff, v10  }
0x3fc: {  	[tilespmem:s7+$0x6820] =	vst.add.f32.msk $0xffff, v11  }
0x3fd: {  	[tilespmem:s7+$0x6830] =	vst.add.f32.msk $0xffff, v12  }
0x3fe: {  	[tilespmem:s7+$0x6840] =	vst.add.f32.msk $0xffff, v13  }
0x3ff: {  	[tilespmem:s7+$0x6850] =	vst.add.f32.msk $0xffff, v14  }
0x400: {  	[tilespmem:s7+$0x6860] =	vst.add.f32.msk $0xffff, v15  }
0x401: {  	[tilespmem:s7+$0x6870] =	vst.add.f32.msk $0xffff, v16  }
0x402: {  	[tilespmem:s7+$0x6C00] =	vst.add.f32.msk $0xffff, v17  }
0x403: {  	[tilespmem:s7+$0x6C10] =	vst.add.f32.msk $0xffff, v18  }
0x404: {  	[tilespmem:s7+$0x6C20] =	vst.add.f32.msk $0xffff, v19  }
0x405: {  	[tilespmem:s7+$0x6C30] =	vst.add.f32.msk $0xffff, v20  }
0x406: {  	[tilespmem:s7+$0x6C40] =	vst.add.f32.msk $0xffff, v21  }
0x407: {  	[tilespmem:s7+$0x6C50] =	vst.add.f32.msk $0xffff, v22  }
0x408: {  	[tilespmem:s7+$0x6C60] =	vst.add.f32.msk $0xffff, v23  }
0x409: {  	[tilespmem:s7+$0x6C70] =	vst.add.f32.msk $0xffff, v24  }
0x40a: {  	[tilespmem:s7+$0x7000] =	vst.add.f32.msk $0xffff, v25  }
0x40b: {  	[tilespmem:s7+$0x7010] =	vst.add.f32.msk $0xffff, v26  }
0x40c: {  	[tilespmem:s7+$0x7020] =	vst.add.f32.msk $0xffff, v27  }
0x40d: {  	[tilespmem:s7+$0x7030] =	vst.add.f32.msk $0xffff, v28  }
0x40e: {  	[tilespmem:s7+$0x7040] =	vst.add.f32.msk $0xffff, v29  }
0x40f: {  	[tilespmem:s7+$0x7050] =	vst.add.f32.msk $0xffff, v30  }
0x410: {  	[tilespmem:s7+$0x7060] =	vst.add.f32.msk $0xffff, v31  }
0x411: {  	[tilespmem:s7+$0x7070] =	vst.add.f32.msk $0xffff, v32  }
0x412: {  	[tilespmem:s7+$0x7400] =	vst.add.f32.msk $0xffff, v33  }
0x413: {  	[tilespmem:s7+$0x7410] =	vst.add.f32.msk $0xffff, v34  }
0x414: {  	[tilespmem:s7+$0x7420] =	vst.add.f32.msk $0xffff, v35  }
0x415: {  	[tilespmem:s7+$0x7430] =	vst.add.f32.msk $0xffff, v36  }
0x416: {  	[tilespmem:s7+$0x7440] =	vst.add.f32.msk $0xffff, v37  }
0x417: {  	[tilespmem:s7+$0x7450] =	vst.add.f32.msk $0xffff, v38  }
0x418: {  	[tilespmem:s7+$0x7460] =	vst.add.f32.msk $0xffff, v39  }
0x419: {  	[tilespmem:s7+$0x7470] =	vst.add.f32.msk $0xffff, v40  }
0x41a: {  	[tilespmem:s7+$0x7800] =	vst.add.f32.msk $0xffff, v41  }
0x41b: {  	[tilespmem:s7+$0x7810] =	vst.add.f32.msk $0xffff, v42  }
0x41c: {  	[tilespmem:s7+$0x7820] =	vst.add.f32.msk $0xffff, v43  }
0x41d: {  	[tilespmem:s7+$0x7830] =	vst.add.f32.msk $0xffff, v44  }
0x41e: {  	[tilespmem:s7+$0x7840] =	vst.add.f32.msk $0xffff, v45  }
0x41f: {  	[tilespmem:s7+$0x7850] =	vst.add.f32.msk $0xffff, v46  }
0x420: {  	[tilespmem:s7+$0x7860] =	vst.add.f32.msk $0xffff, v47  }
0x421: {  	[tilespmem:s7+$0x7870] =	vst.add.f32.msk $0xffff, v48  }
0x422: {  	[tilespmem:s7+$0x7C00] =	vst.add.f32.msk $0xffff, v49  }
0x423: {  	[tilespmem:s7+$0x7C10] =	vst.add.f32.msk $0xffff, v50  }
0x424: {  	[tilespmem:s7+$0x7C20] =	vst.add.f32.msk $0xffff, v51  }
0x425: {  	[tilespmem:s7+$0x7C30] =	vst.add.f32.msk $0xffff, v52  }
0x426: {  	[tilespmem:s7+$0x7C40] =	vst.add.f32.msk $0xffff, v53  }
0x427: {  	[tilespmem:s7+$0x7C50] =	vst.add.f32.msk $0xffff, v54  }
0x428: {  	[tilespmem:s7+$0x7C60] =	vst.add.f32.msk $0xffff, v55  }
0x429: {  	[tilespmem:s7+$0x7C70] =	vst.add.f32.msk $0xffff, v56  }
0x42a: {  	[tilespmem:s7+$0x8000] =	vst.add.f32.msk $0xffff, v57  }
0x42b: {  	[tilespmem:s7+$0x8010] =	vst.add.f32.msk $0xffff, v58  }
.Ltmp4:
0x42c: {  	[tilespmem:s7+$0x8020] =	vst.add.f32.msk $0xffff, v59;
	(pc) =	sbr.rel @p0 .LBB2_11-.Ltmp4, $4  }
0x42d: {  	[tilespmem:s7+$0x8030] =	vst.add.f32.msk $0xffff, v60  }
0x42e: {  	[tilespmem:s7+$0x8040] =	vst.add.f32.msk $0xffff, v61  }
0x42f: {  	[tilespmem:s7+$0x8050] =	vst.add.f32.msk $0xffff, v62  }
0x430: {  	[tilespmem:s7+$0x8060] =	vst.add.f32.msk $0xffff, v63;
	s7 =	sshra.s32 s4, $0x2;
	s4 =	sadd.s32 $0x200, s4  }
0x431: {  	v0 =	vld [tilespmem:s7+$0x10070]  }
0x432: {  	v2 =	vld [tilespmem:s7+$0xE400]  }
0x433: {  	v3 =	vld [tilespmem:s7+$0xE410]  }
0x434: {  	v4 =	vld [tilespmem:s7+$0xE420]  }
0x435: {  	v5 =	vld [tilespmem:s7+$0xE430]  }
0x436: {  	v6 =	vld [tilespmem:s7+$0xE450]  }
0x437: {  	v7 =	vld [tilespmem:s7+$0xE460]  }
0x438: {  	v8 =	vld [tilespmem:s7+$0xE470]  }
0x439: {  	v9 =	vld [tilespmem:s7+$0xE800]  }
0x43a: {  	v10 =	vld [tilespmem:s7+$0xE810]  }
0x43b: {  	v11 =	vld [tilespmem:s7+$0xE820]  }
0x43c: {  	v12 =	vld [tilespmem:s7+$0xE830]  }
0x43d: {  	v13 =	vld [tilespmem:s7+$0xE840]  }
0x43e: {  	v14 =	vld [tilespmem:s7+$0xE850]  }
0x43f: {  	v15 =	vld [tilespmem:s7+$0xE860]  }
0x440: {  	v16 =	vld [tilespmem:s7+$0xE870]  }
0x441: {  	v17 =	vld [tilespmem:s7+$0xEC00]  }
0x442: {  	v18 =	vld [tilespmem:s7+$0xEC10]  }
0x443: {  	v19 =	vld [tilespmem:s7+$0xEC20]  }
0x444: {  	v20 =	vld [tilespmem:s7+$0xEC30]  }
0x445: {  	v21 =	vld [tilespmem:s7+$0xEC40]  }
0x446: {  	v22 =	vld [tilespmem:s7+$0xEC50]  }
0x447: {  	v23 =	vld [tilespmem:s7+$0xEC60]  }
0x448: {  	v24 =	vld [tilespmem:s7+$0xEC70]  }
0x449: {  	v25 =	vld [tilespmem:s7+$0xF000]  }
0x44a: {  	v26 =	vld [tilespmem:s7+$0xF010]  }
0x44b: {  	v27 =	vld [tilespmem:s7+$0xF020]  }
0x44c: {  	v28 =	vld [tilespmem:s7+$0xF030]  }
0x44d: {  	v29 =	vld [tilespmem:s7+$0xF040]  }
0x44e: {  	v30 =	vld [tilespmem:s7+$0xF050]  }
0x44f: {  	v31 =	vld [tilespmem:s7+$0xF060]  }
0x450: {  	v32 =	vld [tilespmem:s7+$0xF070]  }
0x451: {  	v33 =	vld [tilespmem:s7+$0xF400]  }
0x452: {  	v34 =	vld [tilespmem:s7+$0xF410]  }
0x453: {  	v35 =	vld [tilespmem:s7+$0xF420]  }
0x454: {  	v36 =	vld [tilespmem:s7+$0xF430]  }
0x455: {  	v37 =	vld [tilespmem:s7+$0xF440]  }
0x456: {  	v38 =	vld [tilespmem:s7+$0xF450]  }
0x457: {  	v39 =	vld [tilespmem:s7+$0xF460]  }
0x458: {  	v40 =	vld [tilespmem:s7+$0xF470]  }
0x459: {  	v41 =	vld [tilespmem:s7+$0xF800]  }
0x45a: {  	v42 =	vld [tilespmem:s7+$0xF810]  }
0x45b: {  	v43 =	vld [tilespmem:s7+$0xF820]  }
0x45c: {  	v44 =	vld [tilespmem:s7+$0xF830]  }
0x45d: {  	v45 =	vld [tilespmem:s7+$0xF840]  }
0x45e: {  	v46 =	vld [tilespmem:s7+$0xF850]  }
0x45f: {  	v47 =	vld [tilespmem:s7+$0xF860]  }
0x460: {  	v48 =	vld [tilespmem:s7+$0xF870]  }
0x461: {  	v49 =	vld [tilespmem:s7+$0xFC00]  }
0x462: {  	v50 =	vld [tilespmem:s7+$0xFC10]  }
0x463: {  	v51 =	vld [tilespmem:s7+$0xFC20]  }
0x464: {  	v52 =	vld [tilespmem:s7+$0xFC30]  }
0x465: {  	v53 =	vld [tilespmem:s7+$0xFC40]  }
0x466: {  	v54 =	vld [tilespmem:s7+$0xFC50]  }
0x467: {  	v55 =	vld [tilespmem:s7+$0xFC60]  }
0x468: {  	v56 =	vld [tilespmem:s7+$0xFC70]  }
0x469: {  	v57 =	vld [tilespmem:s7+$0x10000]  }
0x46a: {  	v58 =	vld [tilespmem:s7+$0x10010]  }
0x46b: {  	v59 =	vld [tilespmem:s7+$0x10020]  }
0x46c: {  	v60 =	vld [tilespmem:s7+$0x10030]  }
0x46d: {  	v61 =	vld [tilespmem:s7+$0x10040]  }
0x46e: {  	v62 =	vld [tilespmem:s7+$0x10050]  }
0x46f: {  	v63 =	vld [tilespmem:s7+$0x10060]  }
0x470: {  	[tilespmem:s7+$0x8070] =	vst.add.f32.msk $0xffff, v0  }
0x471: {  	v0 =	vld [tilespmem:s7+$0xE440]  }
0x472: {  	[tilespmem:s7+$0x6400] =	vst.add.f32.msk $0xffff, v2  }
0x473: {  	[tilespmem:s7+$0x6410] =	vst.add.f32.msk $0xffff, v3  }
0x474: {  	[tilespmem:s7+$0x6420] =	vst.add.f32.msk $0xffff, v4  }
0x475: {  	[tilespmem:s7+$0x6430] =	vst.add.f32.msk $0xffff, v5  }
0x476: {  	[tilespmem:s7+$0x6450] =	vst.add.f32.msk $0xffff, v6  }
0x477: {  	[tilespmem:s7+$0x6460] =	vst.add.f32.msk $0xffff, v7  }
0x478: {  	[tilespmem:s7+$0x6470] =	vst.add.f32.msk $0xffff, v8  }
0x479: {  	[tilespmem:s7+$0x6800] =	vst.add.f32.msk $0xffff, v9  }
0x47a: {  	[tilespmem:s7+$0x6810] =	vst.add.f32.msk $0xffff, v10  }
0x47b: {  	[tilespmem:s7+$0x6820] =	vst.add.f32.msk $0xffff, v11  }
0x47c: {  	[tilespmem:s7+$0x6830] =	vst.add.f32.msk $0xffff, v12  }
0x47d: {  	[tilespmem:s7+$0x6840] =	vst.add.f32.msk $0xffff, v13  }
0x47e: {  	[tilespmem:s7+$0x6850] =	vst.add.f32.msk $0xffff, v14  }
0x47f: {  	[tilespmem:s7+$0x6860] =	vst.add.f32.msk $0xffff, v15  }
0x480: {  	[tilespmem:s7+$0x6870] =	vst.add.f32.msk $0xffff, v16  }
0x481: {  	[tilespmem:s7+$0x6C00] =	vst.add.f32.msk $0xffff, v17  }
0x482: {  	[tilespmem:s7+$0x6C10] =	vst.add.f32.msk $0xffff, v18  }
0x483: {  	[tilespmem:s7+$0x6C20] =	vst.add.f32.msk $0xffff, v19  }
0x484: {  	[tilespmem:s7+$0x6C30] =	vst.add.f32.msk $0xffff, v20  }
0x485: {  	[tilespmem:s7+$0x6C40] =	vst.add.f32.msk $0xffff, v21  }
0x486: {  	[tilespmem:s7+$0x6C50] =	vst.add.f32.msk $0xffff, v22  }
0x487: {  	[tilespmem:s7+$0x6C60] =	vst.add.f32.msk $0xffff, v23  }
0x488: {  	[tilespmem:s7+$0x6C70] =	vst.add.f32.msk $0xffff, v24  }
0x489: {  	[tilespmem:s7+$0x7000] =	vst.add.f32.msk $0xffff, v25  }
0x48a: {  	[tilespmem:s7+$0x7010] =	vst.add.f32.msk $0xffff, v26  }
0x48b: {  	[tilespmem:s7+$0x7020] =	vst.add.f32.msk $0xffff, v27  }
0x48c: {  	[tilespmem:s7+$0x7030] =	vst.add.f32.msk $0xffff, v28  }
0x48d: {  	[tilespmem:s7+$0x7040] =	vst.add.f32.msk $0xffff, v29  }
0x48e: {  	[tilespmem:s7+$0x7050] =	vst.add.f32.msk $0xffff, v30  }
0x48f: {  	[tilespmem:s7+$0x7060] =	vst.add.f32.msk $0xffff, v31  }
0x490: {  	[tilespmem:s7+$0x7070] =	vst.add.f32.msk $0xffff, v32  }
0x491: {  	[tilespmem:s7+$0x7400] =	vst.add.f32.msk $0xffff, v33  }
0x492: {  	[tilespmem:s7+$0x7410] =	vst.add.f32.msk $0xffff, v34  }
0x493: {  	[tilespmem:s7+$0x7420] =	vst.add.f32.msk $0xffff, v35  }
0x494: {  	[tilespmem:s7+$0x7430] =	vst.add.f32.msk $0xffff, v36  }
0x495: {  	[tilespmem:s7+$0x7440] =	vst.add.f32.msk $0xffff, v37  }
0x496: {  	[tilespmem:s7+$0x7450] =	vst.add.f32.msk $0xffff, v38  }
0x497: {  	[tilespmem:s7+$0x7460] =	vst.add.f32.msk $0xffff, v39  }
0x498: {  	[tilespmem:s7+$0x7470] =	vst.add.f32.msk $0xffff, v40  }
0x499: {  	[tilespmem:s7+$0x7800] =	vst.add.f32.msk $0xffff, v41  }
0x49a: {  	[tilespmem:s7+$0x7810] =	vst.add.f32.msk $0xffff, v42  }
0x49b: {  	[tilespmem:s7+$0x7820] =	vst.add.f32.msk $0xffff, v43  }
0x49c: {  	[tilespmem:s7+$0x7830] =	vst.add.f32.msk $0xffff, v44  }
0x49d: {  	[tilespmem:s7+$0x7840] =	vst.add.f32.msk $0xffff, v45  }
0x49e: {  	[tilespmem:s7+$0x7850] =	vst.add.f32.msk $0xffff, v46  }
0x49f: {  	[tilespmem:s7+$0x7860] =	vst.add.f32.msk $0xffff, v47  }
0x4a0: {  	[tilespmem:s7+$0x7870] =	vst.add.f32.msk $0xffff, v48  }
0x4a1: {  	[tilespmem:s7+$0x7C00] =	vst.add.f32.msk $0xffff, v49  }
0x4a2: {  	[tilespmem:s7+$0x7C10] =	vst.add.f32.msk $0xffff, v50  }
0x4a3: {  	[tilespmem:s7+$0x7C20] =	vst.add.f32.msk $0xffff, v51  }
0x4a4: {  	[tilespmem:s7+$0x7C30] =	vst.add.f32.msk $0xffff, v52  }
0x4a5: {  	[tilespmem:s7+$0x7C40] =	vst.add.f32.msk $0xffff, v53  }
0x4a6: {  	[tilespmem:s7+$0x7C50] =	vst.add.f32.msk $0xffff, v54  }
0x4a7: {  	[tilespmem:s7+$0x7C60] =	vst.add.f32.msk $0xffff, v55  }
0x4a8: {  	[tilespmem:s7+$0x7C70] =	vst.add.f32.msk $0xffff, v56  }
0x4a9: {  	[tilespmem:s7+$0x8000] =	vst.add.f32.msk $0xffff, v57  }
0x4aa: {  	[tilespmem:s7+$0x8010] =	vst.add.f32.msk $0xffff, v58  }
0x4ab: {  	s10 =	sadd.s32 $0x1, s10;
	[tilespmem:s7+$0x8020] =	vst.add.f32.msk $0xffff, v59  }
0x4ac: {  	p0 =	sne.s32 s10, $0x20;
	[tilespmem:s7+$0x8030] =	vst.add.f32.msk $0xffff, v60  }
.Ltmp5:
0x4ad: {  	[tilespmem:s7+$0x8040] =	vst.add.f32.msk $0xffff, v61;
	(pc) =	sbr.rel @p0 .LBB2_4-.Ltmp5, $4  }
0x4ae: {  	[tilespmem:s7+$0x8050] =	vst.add.f32.msk $0xffff, v62  }
0x4af: {  	s4 =	sshll.u32 s17, $0xA;
	[tilespmem:s7+$0x8060] =	vst.add.f32.msk $0xffff, v63  }
0x4b0: {  	s4 =	sadd.s32 s4, s13;
	[tilespmem:s7+$0x6440] =	vst.add.f32.msk $0xffff, v0  }
0x4b1: {  	[hbm4b:s4+s6] =	stream.linear.scatter [tilespmem:s21], [sflag:$0x8], $0x2000, $0x38;
	[tilespmem:$0x10400] =	vst v63  }
0x4b2: {  	s4 =	simm.s32 $0x7  }
0x4b3: {  	_ =	swait.ge [sflag:s4], $0x2000  }
0x4b4: {  	[sflag:s4] =	ssyncset.done $0x0  }
0x4b5: {  	s7 =	simm.s32 $0x8;
	[sflag:s4] =	ssyncadd.s32 $0xFFFFE000  }
0x4b6: {  	_ =	swait.ge [sflag:s7], $0x2000  }
0x4b7: {  	s10 =	rddreg [dreg:$0x9]  }
0x4b8: {  	s28 =	rddreg [dreg:$0x8];
	s10 =	sadd.s32 $0x1, s10  }
0x4b9: {  	p0 =	sne.s32 s10, s28  }
.Ltmp6:
0x4ba: {  	_ = 	snop;
	(pc) =	sbr.rel @p0 .LBB2_1-.Ltmp6, $3  }
0x4bb: {  	_ =	sdelay $0x1  }
0x4bc: {  	[sflag:s7] =	ssyncset.done $0x0  }
0x4bd: {  	[sflag:s7] =	ssyncadd.s32 $0xFFFFE000  }
0x4be: {  	_ =	sfence.sel $0x180000  }
0x4bf: {  	[bflag:$0x0] =	sbarrier.arrive $0xFFFF  }
0x4c0: {  	_ =	strace $0x90000047  }
0x4c1: {  	s0 =	stileid.u32;
	[bflag:$0x2] =	sbarrier.arrive $0xFFFF  }
0x4c2: {  	p0 =	sne.s32 s0, $0x0;
	s0 =	rddreg [dreg:$0x4]  }
0x4c3: {  	s0 =	sadd.s32 @!p0 $0x100000, s0  }
0x4c4: {  	[sflag:s0] =	ssyncadd.tile.s32 @!p0 $0x1;
	_ =	shalt  }
.Lfunc_end2:
_tile_overlayer_lowered:
.L_overlay_start_2:
0x4c5: {  	(tag) =	ssettag $0x2  }
0x4c6: {  	s0 =	rddreg [dreg:$0x0];
	s2 =	stileid.u32  }
0x4c7: {  	s1 =	rddreg [dreg:$0x1];
	p0 =	sne.s32 s2, $0x0  }
0x4c8: {  	s3 =	rddreg [dreg:$0x2];
	[bflag:$0x3] =	sbarrier.arrive $0xFFFF;
	s2 =	simm.s32 @!p0 $0x1C09  }
0x4c9: {  	[timem:s3], [sflag:s2] =	dma.local @!p0 [hbm:s0], s1  }
0x4ca: {  	s0 =	simm.s32 @!p0 $0x9  }
0x4cb: {  	_ =	swait.ge @!p0 [sflag:s0], s1  }
0x4cc: {  	s1 =	ssub.s32 @!p0 $0x0, s1;
	[sflag:s0] =	ssyncset.done @!p0 $0x0  }
0x4cd: {  	[sflag:s0] =	ssyncadd.s32 @!p0 s1  }
0x4ce: {  	[bflag:$0x3] =	sbarrier.arrive $0xFFFF  }
0x4cf: {  	_ =	shalt  }

</sc_bundles>
